<compile_context>
chip_gen: v7x
topology: tpu7x:2x2x1
jax: 0.10.2.dev20260603
libtpu: 0.0.44.dev20260713+nightly
codegen_flags: <defaults>
</compile_context>

<pallas_src>
import functools

import jax
import jax.numpy as jnp
from jax import lax
from jax.experimental import pallas as pl
from jax.experimental.pallas import tpu as pltpu
from jax.experimental.pallas import tpu_sc as plsc

NC = 2
NS = 16
NW = NC * NS
LANES = 16
G = 8
NBUF = 2
CORE0_FRAC = 0.57


def _full16(v):
    return jnp.full((LANES,), v, dtype=jnp.int32)


def _sc_gather_reduce(nidx, nodes, w, feat_table, ng0, ng1, d, k):
    gk = G * k
    bpad = NS * (ng0 + ng1) * G
    dsl = d // LANES
    ngmax = max(ng0, ng1)

    mesh = plsc.VectorSubcoreMesh(core_axis_name="c", subcore_axis_name="s")

    @functools.partial(
        pl.kernel,
        mesh=mesh,
        compiler_params=pltpu.CompilerParams(needs_layout_passes=False),
        out_type=[
            jax.ShapeDtypeStruct((bpad, d), jnp.float32),
            jax.ShapeDtypeStruct((bpad, d), jnp.float32),
        ],
        scratch_types=(
            [pltpu.VMEM((ngmax * gk,), jnp.int32),
             pltpu.VMEM((ngmax * G,), jnp.int32),
             pltpu.VMEM((ngmax * gk,), jnp.float32)]
            + [pltpu.VMEM((gk, d), jnp.float32) for _ in range(NBUF)]
            + [pltpu.VMEM((G, d), jnp.float32) for _ in range(NBUF)]
            + [pltpu.VMEM((G, d), jnp.float32) for _ in range(NBUF)]
            + [pltpu.SemaphoreType.DMA for _ in range(4 * NBUF)]
        ),
    )
    def sc_kernel(nidx_hbm, nodes_hbm, w_hbm, table_hbm, neigh_hbm, self_hbm,
                  nidx_sl, nodes_sl, w_sl, *bufs):
        cid = lax.axis_index("c")
        sid = lax.axis_index("s")
        ngc = jnp.where(cid == 0, ng0, ng1)
        row_base = (sid * (ng0 + ng1) + cid * ng0) * G
        rows_b = bufs[:NBUF]
        sst_b = bufs[NBUF:2 * NBUF]
        nout_b = bufs[2 * NBUF:3 * NBUF]
        gsem_b = bufs[3 * NBUF:4 * NBUF]
        sgsem_b = bufs[4 * NBUF:5 * NBUF]
        nsem_b = bufs[5 * NBUF:6 * NBUF]
        ssem_b = bufs[6 * NBUF:7 * NBUF]

        pltpu.sync_copy(nidx_hbm.at[pl.ds(row_base * k, ngmax * gk)], nidx_sl)
        pltpu.sync_copy(nodes_hbm.at[pl.ds(row_base, ngmax * G)], nodes_sl)
        pltpu.sync_copy(w_hbm.at[pl.ds(row_base * k, ngmax * gk)], w_sl)

        def big_gather(g, p):
            return pltpu.make_async_copy(
                table_hbm.at[nidx_sl.at[pl.ds(g * gk, gk)]],
                rows_b[p], gsem_b[p])

        def self_gather(g, p):
            return pltpu.make_async_copy(
                table_hbm.at[nodes_sl.at[pl.ds(g * G, G)]],
                sst_b[p], sgsem_b[p])

        def out_copies(g, p):
            row0 = row_base + g * G
            nc = pltpu.make_async_copy(
                nout_b[p], neigh_hbm.at[pl.ds(row0, G), :], nsem_b[p])
            sc = pltpu.make_async_copy(
                sst_b[p], self_hbm.at[pl.ds(row0, G), :], ssem_b[p])
            return nc, sc

        for p0 in range(NBUF):
            big_gather(p0, p0).start()
            self_gather(p0, p0).start()

        def step(g, p):
            rows, nout = rows_b[p], nout_b[p]

            @pl.when(g >= NBUF)
            def _():
                nc, sc = out_copies(g - NBUF, p)
                nc.wait()
                sc.wait()
                self_gather(g, p).start()

            big_gather(g, p).wait()

            def body_b(b, _):
                base = b * k
                wbase = g * gk + base
                wv = [plsc.load_gather(w_sl, [_full16(wbase + j)])
                      for j in range(k)]
                wsum = wv[0]
                for j in range(1, k):
                    wsum = wsum + wv[j]
                inv = 1.0 / wsum
                for ds in range(dsl):
                    sl = pl.ds(ds * LANES, LANES)
                    acc = wv[0] * rows[base, sl]
                    for j in range(1, k):
                        acc = acc + wv[j] * rows[base + j, sl]
                    nout[b, sl] = acc * inv
                return 0

            lax.fori_loop(0, G, body_b, 0)

            self_gather(g, p).wait()
            nc, sc = out_copies(g, p)
            nc.start()
            sc.start()

            @pl.when(g + NBUF < ngc)
            def _():
                big_gather(g + NBUF, p).start()

        def loop_body(i, _):
            for p in range(NBUF):
                step(NBUF * i + p, p)
            return 0

        lax.fori_loop(0, ngc // NBUF, loop_body, 0)

        for p in range(NBUF):
            nc, sc = out_copies(ngc - NBUF + p, p)
            nc.wait()
            sc.wait()

    return sc_kernel(nidx, nodes, w, feat_table)


def _tc_dense(self_raw, neigh_feats, W_init, b_init, W_final, b_final,
              bm, b_rows):
    bpad, d = self_raw.shape
    e = W_init.shape[1]

    def body(x_ref, n_ref, wi_ref, wf_ref, bi_ref, bf_ref, o_ref):
        wc = jnp.dot(wi_ref[...], wf_ref[0:e, :],
                     preferred_element_type=jnp.float32)
        bias = jnp.dot(bi_ref[...], wf_ref[0:e, :],
                       preferred_element_type=jnp.float32) + bf_ref[...]
        out = (jnp.dot(x_ref[...], wc, preferred_element_type=jnp.float32)
               + jnp.dot(n_ref[...], wf_ref[e:, :],
                         preferred_element_type=jnp.float32)
               + bias)
        o_ref[...] = out * jax.nn.sigmoid(out)

    return pl.pallas_call(
        body,
        grid=(bpad // bm,),
        in_specs=[
            pl.BlockSpec((bm, d), lambda i: (i, 0)),
            pl.BlockSpec((bm, d), lambda i: (i, 0)),
            pl.BlockSpec(W_init.shape, lambda i: (0, 0)),
            pl.BlockSpec(W_final.shape, lambda i: (0, 0)),
            pl.BlockSpec((1, e), lambda i: (0, 0)),
            pl.BlockSpec((1, e), lambda i: (0, 0)),
        ],
        out_specs=pl.BlockSpec((bm, e), lambda i: (i, 0)),
        out_shape=jax.ShapeDtypeStruct((b_rows, e), jnp.float32),
    )(self_raw, neigh_feats, W_init, W_final,
      b_init.reshape(1, e), b_final.reshape(1, e))


def kernel(nodes, neigh_idx, neigh_w, feat_table, W_init, b_init,
           W_final, b_final):
    b, k = neigh_idx.shape
    d = feat_table.shape[1]

    chunk = NW * G * NBUF
    bpad = ((b + chunk - 1) // chunk) * chunk
    ng = bpad // (NW * G)
    pad = bpad - b

    ngp = 2 * ng
    ng0 = max(NBUF, (int(ngp * CORE0_FRAC) // NBUF) * NBUF)
    ng1 = ngp - ng0
    ngmax = max(ng0, ng1)

    over = (ngmax - min(ng0, ng1)) * G
    nidx_f = jnp.pad(neigh_idx.reshape(-1), (0, (pad + over) * k))
    w_f = jnp.pad(neigh_w.reshape(-1), (0, (pad + over) * k),
                  constant_values=1.0)
    nodes_f = jnp.pad(nodes, (0, pad + over))

    neigh_feats, self_raw = _sc_gather_reduce(nidx_f, nodes_f, w_f,
                                              feat_table, ng0, ng1, d, k)
    return _tc_dense(self_raw, neigh_feats, W_init, b_init, W_final, b_final,
                     bm=1024 if bpad % 1024 == 0 else 512, b_rows=b)

# --- scband reference (transcript-rebuilt; emitter-appended) ---
"""Pipeline reference for scband-graph-encoder-with-weight-61899068670276 (READ-ONLY COPY).

The authoritative reference and input builder live on the scoring server;
editing this copy changes nothing except your own understanding.
"""

import jax, jax.numpy as jnp
import numpy as np


def swish(x):
    return x * jax.nn.sigmoid(x)


def setup_inputs(seed: int = 0) -> dict:
    key = jax.random.key(seed)
    ks = jax.random.split(key, 8)
    N_NODES = 100000
    B = 50000
    K = 10
    D = 128  # feature_dim
    E = 128  # embed_dim
    nodes = jax.random.randint(ks[0], (B,), 0, N_NODES, dtype=jnp.int32)
    neigh_idx = jax.random.randint(ks[1], (B, K), 0, N_NODES, dtype=jnp.int32)
    neigh_w = jax.random.uniform(ks[2], (B, K), dtype=jnp.float32, minval=0.01, maxval=1.0)
    feat_table = jax.random.normal(ks[3], (N_NODES, D), dtype=jnp.float32)
    W_init = jax.random.normal(ks[4], (D, E), dtype=jnp.float32) * (1.0 / np.sqrt(D))
    b_init = jnp.zeros((E,), dtype=jnp.float32)
    W_final = jax.random.normal(ks[5], (E + D, E), dtype=jnp.float32) * (1.0 / np.sqrt(E + D))
    b_final = jnp.zeros((E,), dtype=jnp.float32)
    return {
        "nodes": nodes,
        "neigh_idx": neigh_idx,
        "neigh_w": neigh_w,
        "feat_table": feat_table,
        "W_init": W_init,
        "b_init": b_init,
        "W_final": W_final,
        "b_final": b_final,
    }


def reference(nodes, neigh_idx, neigh_w, feat_table, W_init, b_init, W_final, b_final):
    # MeanAggregator_with_weights: per-node weight normalization (w /= sum(w))
    w = neigh_w / jnp.sum(neigh_w, axis=1, keepdims=True)
    # sparse mask.mm(embed_matrix) == weighted mean over gathered neighbor features
    gathered = jnp.take(feat_table, neigh_idx, axis=0)            # [B, K, D]
    neigh_feats = jnp.einsum("bk,bkd->bd", w, gathered)           # [B, D]
    # non-gcn branch: self features pass through init_transform
    self_raw = jnp.take(feat_table, nodes, axis=0)                # [B, D]
    self_feats = self_raw @ W_init + b_init                       # [B, E]
    combined = jnp.concatenate([self_feats, neigh_feats], axis=1) # [B, E+D]
    out = combined @ W_final + b_final                            # [B, E]
    return swish(out)

if __name__ == "__main__":
    import jax
    _d = setup_inputs()
    print(jax.jit(kernel)(*tuple(_d.values())))

</pallas_src>

<mosaic_0001>
#map = affine_map<(d0, d1) -> (0)>
#map1 = affine_map<(d0, d1) -> (0, 0)>
module attributes {stable_mosaic.version = 14 : i64} {
  func.func @sc_kernel(%arg0: i32, %arg1: i32, %arg2: memref<505920xi32, #tpu.memory_space<hbm>>, %arg3: memref<50592xi32, #tpu.memory_space<hbm>>, %arg4: memref<505920xf32, #tpu.memory_space<hbm>>, %arg5: memref<100000x128xf32, #tpu.memory_space<hbm>>, %arg6: memref<50176x128xf32, #tpu.memory_space<hbm>>, %arg7: memref<50176x128xf32, #tpu.memory_space<hbm>>, %arg8: memref<17760xi32, #tpu.memory_space<vmem>>, %arg9: memref<1776xi32, #tpu.memory_space<vmem>>, %arg10: memref<17760xf32, #tpu.memory_space<vmem>>, %arg11: memref<80x128xf32, #tpu.memory_space<vmem>>, %arg12: memref<80x128xf32, #tpu.memory_space<vmem>>, %arg13: memref<8x128xf32, #tpu.memory_space<vmem>>, %arg14: memref<8x128xf32, #tpu.memory_space<vmem>>, %arg15: memref<8x128xf32, #tpu.memory_space<vmem>>, %arg16: memref<8x128xf32, #tpu.memory_space<vmem>>, %arg17: memref<!tpu.dma_semaphore, #tpu.memory_space<semaphore_mem>>, %arg18: memref<!tpu.dma_semaphore, #tpu.memory_space<semaphore_mem>>, %arg19: memref<!tpu.dma_semaphore, #tpu.memory_space<semaphore_mem>>, %arg20: memref<!tpu.dma_semaphore, #tpu.memory_space<semaphore_mem>>, %arg21: memref<!tpu.dma_semaphore, #tpu.memory_space<semaphore_mem>>, %arg22: memref<!tpu.dma_semaphore, #tpu.memory_space<semaphore_mem>>, %arg23: memref<!tpu.dma_semaphore, #tpu.memory_space<semaphore_mem>>, %arg24: memref<!tpu.dma_semaphore, #tpu.memory_space<semaphore_mem>>) attributes {dimension_semantics = [#tpu.dimension_semantics<core_parallel>, #tpu.dimension_semantics<subcore_parallel>], iteration_bounds = array<i64: 2, 16>, scalar_prefetch = 0 : i64, scratch_operands = 17 : i64, tpu.core_type = #tpu.core_type<sc_vector_subcore>, window_params = [{transform_indices = #map}, {transform_indices = #map}, {transform_indices = #map}, {transform_indices = #map1}, {transform_indices = #map1}, {transform_indices = #map1}]} {
    %eq3A = arith.constant 0 : i32
    %eq3A_0 = arith.cmpi eq, %arg0, %eq3A : i32
    %jit3A = arith.constant 222 : i32
    %jit3A_1 = arith.constant 170 : i32
    %select_n3A = arith.select %eq3A_0, %jit3A, %jit3A_1 : i32
    %mul3A = arith.constant 392 : i32
    %mul3A_2 = arith.muli %arg1, %mul3A : i32
    %mul3A_3 = arith.constant 222 : i32
    %mul3A_4 = arith.muli %arg0, %mul3A_3 : i32
    %add3A = arith.addi %mul3A_2, %mul3A_4 : i32
    %mul3A_5 = arith.constant 8 : i32
    %mul3A_6 = arith.muli %add3A, %mul3A_5 : i32
    %mul3A_7 = arith.constant 10 : i32
    %mul3A_8 = arith.muli %mul3A_6, %mul3A_7 : i32
    "tpu.region"() ({
      %run_scoped3A = tpu.sem_alloc : memref<!tpu.dma_semaphore, #tpu.memory_space<semaphore_mem>>
      %dma_start3A_88 = tpu.memref_slice %arg2[%mul3A_8] : memref<505920xi32, #tpu.memory_space<hbm>> -> memref<17760xi32, #tpu.memory_space<hbm>>
      %dma_start3A_89 = tpu.memref_slice %arg2[%mul3A_8] : memref<505920xi32, #tpu.memory_space<hbm>> -> memref<17760xi32, #tpu.memory_space<hbm>>
      tpu.enqueue_dma source(%dma_start3A_89 : memref<17760xi32, #tpu.memory_space<hbm>>) target(%arg8 : memref<17760xi32, #tpu.memory_space<vmem>>) target_semaphore(%run_scoped3A : memref<!tpu.dma_semaphore, #tpu.memory_space<semaphore_mem>>)
      %dma_wait3A_90 = tpu.memref_slice %arg2[%mul3A_8] : memref<505920xi32, #tpu.memory_space<hbm>> -> memref<17760xi32, #tpu.memory_space<hbm>>
      %dma_wait3A_91 = tpu.memref_slice %arg2[%mul3A_8] : memref<505920xi32, #tpu.memory_space<hbm>> -> memref<17760xi32, #tpu.memory_space<hbm>>
      tpu.wait_dma2 semaphore(%run_scoped3A : memref<!tpu.dma_semaphore, #tpu.memory_space<semaphore_mem>>) src(%dma_wait3A_91 : memref<17760xi32, #tpu.memory_space<hbm>>) dst(%arg8 : memref<17760xi32, #tpu.memory_space<vmem>>)
      tpu.yield
    }) : () -> ()
    "tpu.region"() ({
      %run_scoped3A = tpu.sem_alloc : memref<!tpu.dma_semaphore, #tpu.memory_space<semaphore_mem>>
      %dma_start3A_88 = tpu.memref_slice %arg3[%mul3A_6] : memref<50592xi32, #tpu.memory_space<hbm>> -> memref<1776xi32, #tpu.memory_space<hbm>>
      %dma_start3A_89 = tpu.memref_slice %arg3[%mul3A_6] : memref<50592xi32, #tpu.memory_space<hbm>> -> memref<1776xi32, #tpu.memory_space<hbm>>
      tpu.enqueue_dma source(%dma_start3A_89 : memref<1776xi32, #tpu.memory_space<hbm>>) target(%arg9 : memref<1776xi32, #tpu.memory_space<vmem>>) target_semaphore(%run_scoped3A : memref<!tpu.dma_semaphore, #tpu.memory_space<semaphore_mem>>)
      %dma_wait3A_90 = tpu.memref_slice %arg3[%mul3A_6] : memref<50592xi32, #tpu.memory_space<hbm>> -> memref<1776xi32, #tpu.memory_space<hbm>>
      %dma_wait3A_91 = tpu.memref_slice %arg3[%mul3A_6] : memref<50592xi32, #tpu.memory_space<hbm>> -> memref<1776xi32, #tpu.memory_space<hbm>>
      tpu.wait_dma2 semaphore(%run_scoped3A : memref<!tpu.dma_semaphore, #tpu.memory_space<semaphore_mem>>) src(%dma_wait3A_91 : memref<1776xi32, #tpu.memory_space<hbm>>) dst(%arg9 : memref<1776xi32, #tpu.memory_space<vmem>>)
      tpu.yield
    }) : () -> ()
    %mul3A_9 = arith.constant 10 : i32
    %mul3A_10 = arith.muli %mul3A_6, %mul3A_9 : i32
    "tpu.region"() ({
      %run_scoped3A = tpu.sem_alloc : memref<!tpu.dma_semaphore, #tpu.memory_space<semaphore_mem>>
      %dma_start3A_88 = tpu.memref_slice %arg4[%mul3A_10] : memref<505920xf32, #tpu.memory_space<hbm>> -> memref<17760xf32, #tpu.memory_space<hbm>>
      %dma_start3A_89 = tpu.memref_slice %arg4[%mul3A_10] : memref<505920xf32, #tpu.memory_space<hbm>> -> memref<17760xf32, #tpu.memory_space<hbm>>
      tpu.enqueue_dma source(%dma_start3A_89 : memref<17760xf32, #tpu.memory_space<hbm>>) target(%arg10 : memref<17760xf32, #tpu.memory_space<vmem>>) target_semaphore(%run_scoped3A : memref<!tpu.dma_semaphore, #tpu.memory_space<semaphore_mem>>)
      %dma_wait3A_90 = tpu.memref_slice %arg4[%mul3A_10] : memref<505920xf32, #tpu.memory_space<hbm>> -> memref<17760xf32, #tpu.memory_space<hbm>>
      %dma_wait3A_91 = tpu.memref_slice %arg4[%mul3A_10] : memref<505920xf32, #tpu.memory_space<hbm>> -> memref<17760xf32, #tpu.memory_space<hbm>>
      tpu.wait_dma2 semaphore(%run_scoped3A : memref<!tpu.dma_semaphore, #tpu.memory_space<semaphore_mem>>) src(%dma_wait3A_91 : memref<17760xf32, #tpu.memory_space<hbm>>) dst(%arg10 : memref<17760xf32, #tpu.memory_space<vmem>>)
      tpu.yield
    }) : () -> ()
    %dma_start3A = arith.constant 0 : i32
    %dma_start3A_11 = tpu.memref_slice %arg8[%dma_start3A] : memref<17760xi32, #tpu.memory_space<vmem>> -> memref<80xi32, #tpu.memory_space<vmem>>
    %dma_start3A_12 = arith.constant 0 : i32
    %dma_start3A_13 = arith.constant 0 : i32
    %dma_start3A_14 = tpu.memref_slice %arg5[%dma_start3A_12, %dma_start3A_13] : memref<100000x128xf32, #tpu.memory_space<hbm>> -> memref<100000x128xf32, #tpu.memory_space<hbm>>
    tpu.enqueue_indirect_dma source(%dma_start3A_14 : memref<100000x128xf32, #tpu.memory_space<hbm>>) target(%arg11 : memref<80x128xf32, #tpu.memory_space<vmem>>) offsets(%dma_start3A_11 : memref<80xi32, #tpu.memory_space<vmem>>) semaphore(%arg17 : memref<!tpu.dma_semaphore, #tpu.memory_space<semaphore_mem>>)
    %dma_start3A_15 = arith.constant 0 : i32
    %dma_start3A_16 = tpu.memref_slice %arg9[%dma_start3A_15] : memref<1776xi32, #tpu.memory_space<vmem>> -> memref<8xi32, #tpu.memory_space<vmem>>
    %dma_start3A_17 = arith.constant 0 : i32
    %dma_start3A_18 = arith.constant 0 : i32
    %dma_start3A_19 = tpu.memref_slice %arg5[%dma_start3A_17, %dma_start3A_18] : memref<100000x128xf32, #tpu.memory_space<hbm>> -> memref<100000x128xf32, #tpu.memory_space<hbm>>
    tpu.enqueue_indirect_dma source(%dma_start3A_19 : memref<100000x128xf32, #tpu.memory_space<hbm>>) target(%arg13 : memref<8x128xf32, #tpu.memory_space<vmem>>) offsets(%dma_start3A_16 : memref<8xi32, #tpu.memory_space<vmem>>) semaphore(%arg19 : memref<!tpu.dma_semaphore, #tpu.memory_space<semaphore_mem>>)
    %dma_start3A_20 = arith.constant 80 : i32
    %dma_start3A_21 = tpu.memref_slice %arg8[%dma_start3A_20] : memref<17760xi32, #tpu.memory_space<vmem>> -> memref<80xi32, #tpu.memory_space<vmem>>
    %dma_start3A_22 = arith.constant 0 : i32
    %dma_start3A_23 = arith.constant 0 : i32
    %dma_start3A_24 = tpu.memref_slice %arg5[%dma_start3A_22, %dma_start3A_23] : memref<100000x128xf32, #tpu.memory_space<hbm>> -> memref<100000x128xf32, #tpu.memory_space<hbm>>
    tpu.enqueue_indirect_dma source(%dma_start3A_24 : memref<100000x128xf32, #tpu.memory_space<hbm>>) target(%arg12 : memref<80x128xf32, #tpu.memory_space<vmem>>) offsets(%dma_start3A_21 : memref<80xi32, #tpu.memory_space<vmem>>) semaphore(%arg18 : memref<!tpu.dma_semaphore, #tpu.memory_space<semaphore_mem>>)
    %dma_start3A_25 = arith.constant 8 : i32
    %dma_start3A_26 = tpu.memref_slice %arg9[%dma_start3A_25] : memref<1776xi32, #tpu.memory_space<vmem>> -> memref<8xi32, #tpu.memory_space<vmem>>
    %dma_start3A_27 = arith.constant 0 : i32
    %dma_start3A_28 = arith.constant 0 : i32
    %dma_start3A_29 = tpu.memref_slice %arg5[%dma_start3A_27, %dma_start3A_28] : memref<100000x128xf32, #tpu.memory_space<hbm>> -> memref<100000x128xf32, #tpu.memory_space<hbm>>
    tpu.enqueue_indirect_dma source(%dma_start3A_29 : memref<100000x128xf32, #tpu.memory_space<hbm>>) target(%arg14 : memref<8x128xf32, #tpu.memory_space<vmem>>) offsets(%dma_start3A_26 : memref<8xi32, #tpu.memory_space<vmem>>) semaphore(%arg20 : memref<!tpu.dma_semaphore, #tpu.memory_space<semaphore_mem>>)
    %jit3A_30 = arith.constant 2 : i32
    %div3A = arith.divsi %select_n3A, %jit3A_30 : i32
    %sign3A = arith.constant 0 : i32
    %sign3A_31 = arith.cmpi sgt, %select_n3A, %sign3A : i32
    %sign3A_32 = arith.extui %sign3A_31 : i1 to i32
    %sign3A_33 = arith.constant 0 : i32
    %sign3A_34 = arith.cmpi slt, %select_n3A, %sign3A_33 : i32
    %sign3A_35 = arith.extui %sign3A_34 : i1 to i32
    %sign3A_36 = arith.subi %sign3A_32, %sign3A_35 : i32
    %sign3A_37 = arith.constant 0 : i32
    %sign3A_38 = arith.cmpi sgt, %jit3A_30, %sign3A_37 : i32
    %sign3A_39 = arith.extui %sign3A_38 : i1 to i32
    %sign3A_40 = arith.constant 0 : i32
    %sign3A_41 = arith.cmpi slt, %jit3A_30, %sign3A_40 : i32
    %sign3A_42 = arith.extui %sign3A_41 : i1 to i32
    %sign3A_43 = arith.subi %sign3A_39, %sign3A_42 : i32
    %ne3A = arith.cmpi ne, %sign3A_36, %sign3A_43 : i32
    %rem3A = arith.remsi %select_n3A, %jit3A_30 : i32
    %ne3A_44 = arith.constant 0 : i32
    %ne3A_45 = arith.cmpi ne, %rem3A, %ne3A_44 : i32
    %and3A = arith.andi %ne3A, %ne3A_45 : i1
    %sub3A = arith.constant 1 : i32
    %sub3A_46 = arith.subi %div3A, %sub3A : i32
    %select_n3A_47 = arith.select %and3A, %sub3A_46, %div3A : i32
    %while3A = arith.constant 0 : i32
    %while3A_48 = arith.constant 0 : i32
    %while3A_49 = arith.subi %select_n3A_47, %while3A : i32
    %while3A_50 = arith.addi %while3A, %while3A_49 : i32
    %while3A_51 = arith.constant 1 : i32
    %while3A_52 = arith.divsi %while3A_49, %while3A_51 : i32
    %while3A_53 = arith.muli %while3A_52, %while3A_51 : i32
    %while3A_54 = arith.addi %while3A, %while3A_53 : i32
    %while3A_55 = arith.constant 1 : i32
    %while3A_56 = scf.for %while3A_88 = %while3A to %while3A_54 step %while3A_55 iter_args(%while3A_89 = %while3A_48) -> (i32)  : i32 {
      %mul3A_90 = arith.constant 2 : i32
      %mul3A_91 = arith.muli %mul3A_90, %while3A_88 : i32
      %add3A_92 = arith.constant 0 : i32
      %add3A_93 = arith.addi %mul3A_91, %add3A_92 : i32
      %ge3A = arith.constant 2 : i32
      %ge3A_94 = arith.cmpi sge, %add3A_93, %ge3A : i32
      %convert_element_type3A = arith.extui %ge3A_94 : i1 to i32
      %cond3A = arith.constant 0 : i32
      %cond3A_95 = arith.cmpi ne, %convert_element_type3A, %cond3A : i32
      scf.if %cond3A_95 {
        %sub3A_176 = arith.constant 2 : i32
        %sub3A_177 = arith.subi %add3A_93, %sub3A_176 : i32
        %mul3A_178 = arith.constant 8 : i32
        %mul3A_179 = arith.muli %sub3A_177, %mul3A_178 : i32
        %add3A_180 = arith.addi %mul3A_6, %mul3A_179 : i32
        %dma_wait3A_181 = arith.constant 0 : i32
        %dma_wait3A_182 = tpu.memref_slice %arg6[%add3A_180, %dma_wait3A_181] : memref<50176x128xf32, #tpu.memory_space<hbm>> -> memref<8x128xf32, #tpu.memory_space<hbm>>
        %dma_wait3A_183 = arith.constant 0 : i32
        %dma_wait3A_184 = tpu.memref_slice %arg6[%add3A_180, %dma_wait3A_183] : memref<50176x128xf32, #tpu.memory_space<hbm>> -> memref<8x128xf32, #tpu.memory_space<hbm>>
        tpu.wait_dma2 semaphore(%arg21 : memref<!tpu.dma_semaphore, #tpu.memory_space<semaphore_mem>>) src(%arg15 : memref<8x128xf32, #tpu.memory_space<vmem>>) dst(%dma_wait3A_184 : memref<8x128xf32, #tpu.memory_space<hbm>>)
        %dma_wait3A_185 = arith.constant 0 : i32
        %dma_wait3A_186 = tpu.memref_slice %arg7[%add3A_180, %dma_wait3A_185] : memref<50176x128xf32, #tpu.memory_space<hbm>> -> memref<8x128xf32, #tpu.memory_space<hbm>>
        %dma_wait3A_187 = arith.constant 0 : i32
        %dma_wait3A_188 = tpu.memref_slice %arg7[%add3A_180, %dma_wait3A_187] : memref<50176x128xf32, #tpu.memory_space<hbm>> -> memref<8x128xf32, #tpu.memory_space<hbm>>
        tpu.wait_dma2 semaphore(%arg23 : memref<!tpu.dma_semaphore, #tpu.memory_space<semaphore_mem>>) src(%arg13 : memref<8x128xf32, #tpu.memory_space<vmem>>) dst(%dma_wait3A_188 : memref<8x128xf32, #tpu.memory_space<hbm>>)
        %mul3A_189 = arith.constant 8 : i32
        %mul3A_190 = arith.muli %add3A_93, %mul3A_189 : i32
        %dma_start3A_191 = tpu.memref_slice %arg9[%mul3A_190] : memref<1776xi32, #tpu.memory_space<vmem>> -> memref<8xi32, #tpu.memory_space<vmem>>
        %dma_start3A_192 = arith.constant 0 : i32
        %dma_start3A_193 = arith.constant 0 : i32
        %dma_start3A_194 = tpu.memref_slice %arg5[%dma_start3A_192, %dma_start3A_193] : memref<100000x128xf32, #tpu.memory_space<hbm>> -> memref<100000x128xf32, #tpu.memory_space<hbm>>
        tpu.enqueue_indirect_dma source(%dma_start3A_194 : memref<100000x128xf32, #tpu.memory_space<hbm>>) target(%arg13 : memref<8x128xf32, #tpu.memory_space<vmem>>) offsets(%dma_start3A_191 : memref<8xi32, #tpu.memory_space<vmem>>) semaphore(%arg19 : memref<!tpu.dma_semaphore, #tpu.memory_space<semaphore_mem>>)
      } else {
      }
      %mul3A_96 = arith.constant 80 : i32
      %mul3A_97 = arith.muli %add3A_93, %mul3A_96 : i32
      %dma_wait3A_98 = tpu.memref_slice %arg8[%mul3A_97] : memref<17760xi32, #tpu.memory_space<vmem>> -> memref<80xi32, #tpu.memory_space<vmem>>
      %dma_wait3A_99 = arith.constant 0 : i32
      %dma_wait3A_100 = arith.constant 0 : i32
      %dma_wait3A_101 = tpu.memref_slice %arg5[%dma_wait3A_99, %dma_wait3A_100] : memref<100000x128xf32, #tpu.memory_space<hbm>> -> memref<100000x128xf32, #tpu.memory_space<hbm>>
      tpu.wait_indirect_dma semaphore(%arg17 : memref<!tpu.dma_semaphore, #tpu.memory_space<semaphore_mem>>) src(%dma_wait3A_101 : memref<100000x128xf32, #tpu.memory_space<hbm>>) dst(%arg11 : memref<80x128xf32, #tpu.memory_space<vmem>>)
      %scan3A = arith.constant 0 : i32
      %scan3A_102 = arith.constant 0 : i32
      %scan3A_103 = arith.constant 8 : i32
      %scan3A_104 = arith.addi %scan3A_102, %scan3A_103 : i32
      %scan3A_105 = arith.constant 1 : i32
      %scan3A_106 = scf.for %scan3A_176 = %scan3A_102 to %scan3A_104 step %scan3A_105 iter_args(%scan3A_177 = %scan3A) -> (i32)  : i32 {
        %mul3A_178 = arith.constant 10 : i32
        %mul3A_179 = arith.muli %scan3A_176, %mul3A_178 : i32
        %mul3A_180 = arith.constant 80 : i32
        %mul3A_181 = arith.muli %add3A_93, %mul3A_180 : i32
        %add3A_182 = arith.addi %mul3A_181, %mul3A_179 : i32
        %add3A_183 = arith.constant 0 : i32
        %add3A_184 = arith.addi %add3A_182, %add3A_183 : i32
        %broadcast_in_dim3A = vector.broadcast %add3A_184 : i32 to vector<16xi32>
        %gather3A = tpu.vector_load_idx %arg10[%broadcast_in_dim3A] : memref<17760xf32, #tpu.memory_space<vmem>>[vector<16xi32>], vector<16xf32>,
        %add3A_185 = arith.constant 1 : i32
        %add3A_186 = arith.addi %add3A_182, %add3A_185 : i32
        %broadcast_in_dim3A_187 = vector.broadcast %add3A_186 : i32 to vector<16xi32>
        %gather3A_188 = tpu.vector_load_idx %arg10[%broadcast_in_dim3A_187] : memref<17760xf32, #tpu.memory_space<vmem>>[vector<16xi32>], vector<16xf32>,
        %add3A_189 = arith.constant 2 : i32
        %add3A_190 = arith.addi %add3A_182, %add3A_189 : i32
        %broadcast_in_dim3A_191 = vector.broadcast %add3A_190 : i32 to vector<16xi32>
        %gather3A_192 = tpu.vector_load_idx %arg10[%broadcast_in_dim3A_191] : memref<17760xf32, #tpu.memory_space<vmem>>[vector<16xi32>], vector<16xf32>,
        %add3A_193 = arith.constant 3 : i32
        %add3A_194 = arith.addi %add3A_182, %add3A_193 : i32
        %broadcast_in_dim3A_195 = vector.broadcast %add3A_194 : i32 to vector<16xi32>
        %gather3A_196 = tpu.vector_load_idx %arg10[%broadcast_in_dim3A_195] : memref<17760xf32, #tpu.memory_space<vmem>>[vector<16xi32>], vector<16xf32>,
        %add3A_197 = arith.constant 4 : i32
        %add3A_198 = arith.addi %add3A_182, %add3A_197 : i32
        %broadcast_in_dim3A_199 = vector.broadcast %add3A_198 : i32 to vector<16xi32>
        %gather3A_200 = tpu.vector_load_idx %arg10[%broadcast_in_dim3A_199] : memref<17760xf32, #tpu.memory_space<vmem>>[vector<16xi32>], vector<16xf32>,
        %add3A_201 = arith.constant 5 : i32
        %add3A_202 = arith.addi %add3A_182, %add3A_201 : i32
        %broadcast_in_dim3A_203 = vector.broadcast %add3A_202 : i32 to vector<16xi32>
        %gather3A_204 = tpu.vector_load_idx %arg10[%broadcast_in_dim3A_203] : memref<17760xf32, #tpu.memory_space<vmem>>[vector<16xi32>], vector<16xf32>,
        %add3A_205 = arith.constant 6 : i32
        %add3A_206 = arith.addi %add3A_182, %add3A_205 : i32
        %broadcast_in_dim3A_207 = vector.broadcast %add3A_206 : i32 to vector<16xi32>
        %gather3A_208 = tpu.vector_load_idx %arg10[%broadcast_in_dim3A_207] : memref<17760xf32, #tpu.memory_space<vmem>>[vector<16xi32>], vector<16xf32>,
        %add3A_209 = arith.constant 7 : i32
        %add3A_210 = arith.addi %add3A_182, %add3A_209 : i32
        %broadcast_in_dim3A_211 = vector.broadcast %add3A_210 : i32 to vector<16xi32>
        %gather3A_212 = tpu.vector_load_idx %arg10[%broadcast_in_dim3A_211] : memref<17760xf32, #tpu.memory_space<vmem>>[vector<16xi32>], vector<16xf32>,
        %add3A_213 = arith.constant 8 : i32
        %add3A_214 = arith.addi %add3A_182, %add3A_213 : i32
        %broadcast_in_dim3A_215 = vector.broadcast %add3A_214 : i32 to vector<16xi32>
        %gather3A_216 = tpu.vector_load_idx %arg10[%broadcast_in_dim3A_215] : memref<17760xf32, #tpu.memory_space<vmem>>[vector<16xi32>], vector<16xf32>,
        %add3A_217 = arith.constant 9 : i32
        %add3A_218 = arith.addi %add3A_182, %add3A_217 : i32
        %broadcast_in_dim3A_219 = vector.broadcast %add3A_218 : i32 to vector<16xi32>
        %gather3A_220 = tpu.vector_load_idx %arg10[%broadcast_in_dim3A_219] : memref<17760xf32, #tpu.memory_space<vmem>>[vector<16xi32>], vector<16xf32>,
        %add3A_221 = arith.addf %gather3A, %gather3A_188 : vector<16xf32>
        %add3A_222 = arith.addf %add3A_221, %gather3A_192 : vector<16xf32>
        %add3A_223 = arith.addf %add3A_222, %gather3A_196 : vector<16xf32>
        %add3A_224 = arith.addf %add3A_223, %gather3A_200 : vector<16xf32>
        %add3A_225 = arith.addf %add3A_224, %gather3A_204 : vector<16xf32>
        %add3A_226 = arith.addf %add3A_225, %gather3A_208 : vector<16xf32>
        %add3A_227 = arith.addf %add3A_226, %gather3A_212 : vector<16xf32>
        %add3A_228 = arith.addf %add3A_227, %gather3A_216 : vector<16xf32>
        %add3A_229 = arith.addf %add3A_228, %gather3A_220 : vector<16xf32>
        %div3A_230 = arith.constant 1.000000e+00 : f32
        %div3A_231 = vector.broadcast %div3A_230 : f32 to vector<16xf32>
        %div3A_232 = arith.divf %div3A_231, %add3A_229 : vector<16xf32>
        %get3A = arith.index_cast %mul3A_179 : i32 to index
        %get3A_233 = arith.constant 0 : index
        %get3A_234 = tpu.vector_load %arg11[%get3A, %get3A_233] {strides = array<i32>} : memref<80x128xf32, #tpu.memory_space<vmem>>, vector<16xf32>,
        %mul3A_235 = arith.mulf %gather3A, %get3A_234 : vector<16xf32>
        %add3A_236 = arith.constant 1 : i32
        %add3A_237 = arith.addi %mul3A_179, %add3A_236 : i32
        %get3A_238 = arith.index_cast %add3A_237 : i32 to index
        %get3A_239 = arith.constant 0 : index
        %get3A_240 = tpu.vector_load %arg11[%get3A_238, %get3A_239] {strides = array<i32>} : memref<80x128xf32, #tpu.memory_space<vmem>>, vector<16xf32>,
        %mul3A_241 = arith.mulf %gather3A_188, %get3A_240 : vector<16xf32>
        %add3A_242 = arith.addf %mul3A_235, %mul3A_241 : vector<16xf32>
        %add3A_243 = arith.constant 2 : i32
        %add3A_244 = arith.addi %mul3A_179, %add3A_243 : i32
        %get3A_245 = arith.index_cast %add3A_244 : i32 to index
        %get3A_246 = arith.constant 0 : index
        %get3A_247 = tpu.vector_load %arg11[%get3A_245, %get3A_246] {strides = array<i32>} : memref<80x128xf32, #tpu.memory_space<vmem>>, vector<16xf32>,
        %mul3A_248 = arith.mulf %gather3A_192, %get3A_247 : vector<16xf32>
        %add3A_249 = arith.addf %add3A_242, %mul3A_248 : vector<16xf32>
        %add3A_250 = arith.constant 3 : i32
        %add3A_251 = arith.addi %mul3A_179, %add3A_250 : i32
        %get3A_252 = arith.index_cast %add3A_251 : i32 to index
        %get3A_253 = arith.constant 0 : index
        %get3A_254 = tpu.vector_load %arg11[%get3A_252, %get3A_253] {strides = array<i32>} : memref<80x128xf32, #tpu.memory_space<vmem>>, vector<16xf32>,
        %mul3A_255 = arith.mulf %gather3A_196, %get3A_254 : vector<16xf32>
        %add3A_256 = arith.addf %add3A_249, %mul3A_255 : vector<16xf32>
        %add3A_257 = arith.constant 4 : i32
        %add3A_258 = arith.addi %mul3A_179, %add3A_257 : i32
        %get3A_259 = arith.index_cast %add3A_258 : i32 to index
        %get3A_260 = arith.constant 0 : index
        %get3A_261 = tpu.vector_load %arg11[%get3A_259, %get3A_260] {strides = array<i32>} : memref<80x128xf32, #tpu.memory_space<vmem>>, vector<16xf32>,
        %mul3A_262 = arith.mulf %gather3A_200, %get3A_261 : vector<16xf32>
        %add3A_263 = arith.addf %add3A_256, %mul3A_262 : vector<16xf32>
        %add3A_264 = arith.constant 5 : i32
        %add3A_265 = arith.addi %mul3A_179, %add3A_264 : i32
        %get3A_266 = arith.index_cast %add3A_265 : i32 to index
        %get3A_267 = arith.constant 0 : index
        %get3A_268 = tpu.vector_load %arg11[%get3A_266, %get3A_267] {strides = array<i32>} : memref<80x128xf32, #tpu.memory_space<vmem>>, vector<16xf32>,
        %mul3A_269 = arith.mulf %gather3A_204, %get3A_268 : vector<16xf32>
        %add3A_270 = arith.addf %add3A_263, %mul3A_269 : vector<16xf32>
        %add3A_271 = arith.constant 6 : i32
        %add3A_272 = arith.addi %mul3A_179, %add3A_271 : i32
        %get3A_273 = arith.index_cast %add3A_272 : i32 to index
        %get3A_274 = arith.constant 0 : index
        %get3A_275 = tpu.vector_load %arg11[%get3A_273, %get3A_274] {strides = array<i32>} : memref<80x128xf32, #tpu.memory_space<vmem>>, vector<16xf32>,
        %mul3A_276 = arith.mulf %gather3A_208, %get3A_275 : vector<16xf32>
        %add3A_277 = arith.addf %add3A_270, %mul3A_276 : vector<16xf32>
        %add3A_278 = arith.constant 7 : i32
        %add3A_279 = arith.addi %mul3A_179, %add3A_278 : i32
        %get3A_280 = arith.index_cast %add3A_279 : i32 to index
        %get3A_281 = arith.constant 0 : index
        %get3A_282 = tpu.vector_load %arg11[%get3A_280, %get3A_281] {strides = array<i32>} : memref<80x128xf32, #tpu.memory_space<vmem>>, vector<16xf32>,
        %mul3A_283 = arith.mulf %gather3A_212, %get3A_282 : vector<16xf32>
        %add3A_284 = arith.addf %add3A_277, %mul3A_283 : vector<16xf32>
        %add3A_285 = arith.constant 8 : i32
        %add3A_286 = arith.addi %mul3A_179, %add3A_285 : i32
        %get3A_287 = arith.index_cast %add3A_286 : i32 to index
        %get3A_288 = arith.constant 0 : index
        %get3A_289 = tpu.vector_load %arg11[%get3A_287, %get3A_288] {strides = array<i32>} : memref<80x128xf32, #tpu.memory_space<vmem>>, vector<16xf32>,
        %mul3A_290 = arith.mulf %gather3A_216, %get3A_289 : vector<16xf32>
        %add3A_291 = arith.addf %add3A_284, %mul3A_290 : vector<16xf32>
        %add3A_292 = arith.constant 9 : i32
        %add3A_293 = arith.addi %mul3A_179, %add3A_292 : i32
        %get3A_294 = arith.index_cast %add3A_293 : i32 to index
        %get3A_295 = arith.constant 0 : index
        %get3A_296 = tpu.vector_load %arg11[%get3A_294, %get3A_295] {strides = array<i32>} : memref<80x128xf32, #tpu.memory_space<vmem>>, vector<16xf32>,
        %mul3A_297 = arith.mulf %gather3A_220, %get3A_296 : vector<16xf32>
        %add3A_298 = arith.addf %add3A_291, %mul3A_297 : vector<16xf32>
        %mul3A_299 = arith.mulf %add3A_298, %div3A_232 : vector<16xf32>
        %swap3A = arith.index_cast %scan3A_176 : i32 to index
        %swap3A_300 = arith.constant 0 : index
        %swap3A_301 = tpu.vector_load %arg15[%swap3A, %swap3A_300] {strides = array<i32>} : memref<8x128xf32, #tpu.memory_space<vmem>>, vector<16xf32>,
        tpu.vector_store %arg15[%swap3A, %swap3A_300], %mul3A_299 {strides = array<i32>} : memref<8x128xf32, #tpu.memory_space<vmem>>, vector<16xf32>,
        %get3A_302 = arith.index_cast %mul3A_179 : i32 to index
        %get3A_303 = arith.constant 16 : index
        %get3A_304 = tpu.vector_load %arg11[%get3A_302, %get3A_303] {strides = array<i32>} : memref<80x128xf32, #tpu.memory_space<vmem>>, vector<16xf32>,
        %mul3A_305 = arith.mulf %gather3A, %get3A_304 : vector<16xf32>
        %add3A_306 = arith.constant 1 : i32
        %add3A_307 = arith.addi %mul3A_179, %add3A_306 : i32
        %get3A_308 = arith.index_cast %add3A_307 : i32 to index
        %get3A_309 = arith.constant 16 : index
        %get3A_310 = tpu.vector_load %arg11[%get3A_308, %get3A_309] {strides = array<i32>} : memref<80x128xf32, #tpu.memory_space<vmem>>, vector<16xf32>,
        %mul3A_311 = arith.mulf %gather3A_188, %get3A_310 : vector<16xf32>
        %add3A_312 = arith.addf %mul3A_305, %mul3A_311 : vector<16xf32>
        %add3A_313 = arith.constant 2 : i32
        %add3A_314 = arith.addi %mul3A_179, %add3A_313 : i32
        %get3A_315 = arith.index_cast %add3A_314 : i32 to index
        %get3A_316 = arith.constant 16 : index
        %get3A_317 = tpu.vector_load %arg11[%get3A_315, %get3A_316] {strides = array<i32>} : memref<80x128xf32, #tpu.memory_space<vmem>>, vector<16xf32>,
        %mul3A_318 = arith.mulf %gather3A_192, %get3A_317 : vector<16xf32>
        %add3A_319 = arith.addf %add3A_312, %mul3A_318 : vector<16xf32>
        %add3A_320 = arith.constant 3 : i32
        %add3A_321 = arith.addi %mul3A_179, %add3A_320 : i32
        %get3A_322 = arith.index_cast %add3A_321 : i32 to index
        %get3A_323 = arith.constant 16 : index
        %get3A_324 = tpu.vector_load %arg11[%get3A_322, %get3A_323] {strides = array<i32>} : memref<80x128xf32, #tpu.memory_space<vmem>>, vector<16xf32>,
        %mul3A_325 = arith.mulf %gather3A_196, %get3A_324 : vector<16xf32>
        %add3A_326 = arith.addf %add3A_319, %mul3A_325 : vector<16xf32>
        %add3A_327 = arith.constant 4 : i32
        %add3A_328 = arith.addi %mul3A_179, %add3A_327 : i32
        %get3A_329 = arith.index_cast %add3A_328 : i32 to index
        %get3A_330 = arith.constant 16 : index
        %get3A_331 = tpu.vector_load %arg11[%get3A_329, %get3A_330] {strides = array<i32>} : memref<80x128xf32, #tpu.memory_space<vmem>>, vector<16xf32>,
        %mul3A_332 = arith.mulf %gather3A_200, %get3A_331 : vector<16xf32>
        %add3A_333 = arith.addf %add3A_326, %mul3A_332 : vector<16xf32>
        %add3A_334 = arith.constant 5 : i32
        %add3A_335 = arith.addi %mul3A_179, %add3A_334 : i32
        %get3A_336 = arith.index_cast %add3A_335 : i32 to index
        %get3A_337 = arith.constant 16 : index
        %get3A_338 = tpu.vector_load %arg11[%get3A_336, %get3A_337] {strides = array<i32>} : memref<80x128xf32, #tpu.memory_space<vmem>>, vector<16xf32>,
        %mul3A_339 = arith.mulf %gather3A_204, %get3A_338 : vector<16xf32>
        %add3A_340 = arith.addf %add3A_333, %mul3A_339 : vector<16xf32>
        %add3A_341 = arith.constant 6 : i32
        %add3A_342 = arith.addi %mul3A_179, %add3A_341 : i32
        %get3A_343 = arith.index_cast %add3A_342 : i32 to index
        %get3A_344 = arith.constant 16 : index
        %get3A_345 = tpu.vector_load %arg11[%get3A_343, %get3A_344] {strides = array<i32>} : memref<80x128xf32, #tpu.memory_space<vmem>>, vector<16xf32>,
        %mul3A_346 = arith.mulf %gather3A_208, %get3A_345 : vector<16xf32>
        %add3A_347 = arith.addf %add3A_340, %mul3A_346 : vector<16xf32>
        %add3A_348 = arith.constant 7 : i32
        %add3A_349 = arith.addi %mul3A_179, %add3A_348 : i32
        %get3A_350 = arith.index_cast %add3A_349 : i32 to index
        %get3A_351 = arith.constant 16 : index
        %get3A_352 = tpu.vector_load %arg11[%get3A_350, %get3A_351] {strides = array<i32>} : memref<80x128xf32, #tpu.memory_space<vmem>>, vector<16xf32>,
        %mul3A_353 = arith.mulf %gather3A_212, %get3A_352 : vector<16xf32>
        %add3A_354 = arith.addf %add3A_347, %mul3A_353 : vector<16xf32>
        %add3A_355 = arith.constant 8 : i32
        %add3A_356 = arith.addi %mul3A_179, %add3A_355 : i32
        %get3A_357 = arith.index_cast %add3A_356 : i32 to index
        %get3A_358 = arith.constant 16 : index
        %get3A_359 = tpu.vector_load %arg11[%get3A_357, %get3A_358] {strides = array<i32>} : memref<80x128xf32, #tpu.memory_space<vmem>>, vector<16xf32>,
        %mul3A_360 = arith.mulf %gather3A_216, %get3A_359 : vector<16xf32>
        %add3A_361 = arith.addf %add3A_354, %mul3A_360 : vector<16xf32>
        %add3A_362 = arith.constant 9 : i32
        %add3A_363 = arith.addi %mul3A_179, %add3A_362 : i32
        %get3A_364 = arith.index_cast %add3A_363 : i32 to index
        %get3A_365 = arith.constant 16 : index
        %get3A_366 = tpu.vector_load %arg11[%get3A_364, %get3A_365] {strides = array<i32>} : memref<80x128xf32, #tpu.memory_space<vmem>>, vector<16xf32>,
        %mul3A_367 = arith.mulf %gather3A_220, %get3A_366 : vector<16xf32>
        %add3A_368 = arith.addf %add3A_361, %mul3A_367 : vector<16xf32>
        %mul3A_369 = arith.mulf %add3A_368, %div3A_232 : vector<16xf32>
        %swap3A_370 = arith.index_cast %scan3A_176 : i32 to index
        %swap3A_371 = arith.constant 16 : index
        %swap3A_372 = tpu.vector_load %arg15[%swap3A_370, %swap3A_371] {strides = array<i32>} : memref<8x128xf32, #tpu.memory_space<vmem>>, vector<16xf32>,
        tpu.vector_store %arg15[%swap3A_370, %swap3A_371], %mul3A_369 {strides = array<i32>} : memref<8x128xf32, #tpu.memory_space<vmem>>, vector<16xf32>,
        %get3A_373 = arith.index_cast %mul3A_179 : i32 to index
        %get3A_374 = arith.constant 32 : index
        %get3A_375 = tpu.vector_load %arg11[%get3A_373, %get3A_374] {strides = array<i32>} : memref<80x128xf32, #tpu.memory_space<vmem>>, vector<16xf32>,
        %mul3A_376 = arith.mulf %gather3A, %get3A_375 : vector<16xf32>
        %add3A_377 = arith.constant 1 : i32
        %add3A_378 = arith.addi %mul3A_179, %add3A_377 : i32
        %get3A_379 = arith.index_cast %add3A_378 : i32 to index
        %get3A_380 = arith.constant 32 : index
        %get3A_381 = tpu.vector_load %arg11[%get3A_379, %get3A_380] {strides = array<i32>} : memref<80x128xf32, #tpu.memory_space<vmem>>, vector<16xf32>,
        %mul3A_382 = arith.mulf %gather3A_188, %get3A_381 : vector<16xf32>
        %add3A_383 = arith.addf %mul3A_376, %mul3A_382 : vector<16xf32>
        %add3A_384 = arith.constant 2 : i32
        %add3A_385 = arith.addi %mul3A_179, %add3A_384 : i32
        %get3A_386 = arith.index_cast %add3A_385 : i32 to index
        %get3A_387 = arith.constant 32 : index
        %get3A_388 = tpu.vector_load %arg11[%get3A_386, %get3A_387] {strides = array<i32>} : memref<80x128xf32, #tpu.memory_space<vmem>>, vector<16xf32>,
        %mul3A_389 = arith.mulf %gather3A_192, %get3A_388 : vector<16xf32>
        %add3A_390 = arith.addf %add3A_383, %mul3A_389 : vector<16xf32>
        %add3A_391 = arith.constant 3 : i32
        %add3A_392 = arith.addi %mul3A_179, %add3A_391 : i32
        %get3A_393 = arith.index_cast %add3A_392 : i32 to index
        %get3A_394 = arith.constant 32 : index
        %get3A_395 = tpu.vector_load %arg11[%get3A_393, %get3A_394] {strides = array<i32>} : memref<80x128xf32, #tpu.memory_space<vmem>>, vector<16xf32>,
        %mul3A_396 = arith.mulf %gather3A_196, %get3A_395 : vector<16xf32>
        %add3A_397 = arith.addf %add3A_390, %mul3A_396 : vector<16xf32>
        %add3A_398 = arith.constant 4 : i32
        %add3A_399 = arith.addi %mul3A_179, %add3A_398 : i32
        %get3A_400 = arith.index_cast %add3A_399 : i32 to index
        %get3A_401 = arith.constant 32 : index
        %get3A_402 = tpu.vector_load %arg11[%get3A_400, %get3A_401] {strides = array<i32>} : memref<80x128xf32, #tpu.memory_space<vmem>>, vector<16xf32>,
        %mul3A_403 = arith.mulf %gather3A_200, %get3A_402 : vector<16xf32>
        %add3A_404 = arith.addf %add3A_397, %mul3A_403 : vector<16xf32>
        %add3A_405 = arith.constant 5 : i32
        %add3A_406 = arith.addi %mul3A_179, %add3A_405 : i32
        %get3A_407 = arith.index_cast %add3A_406 : i32 to index
        %get3A_408 = arith.constant 32 : index
        %get3A_409 = tpu.vector_load %arg11[%get3A_407, %get3A_408] {strides = array<i32>} : memref<80x128xf32, #tpu.memory_space<vmem>>, vector<16xf32>,
        %mul3A_410 = arith.mulf %gather3A_204, %get3A_409 : vector<16xf32>
        %add3A_411 = arith.addf %add3A_404, %mul3A_410 : vector<16xf32>
        %add3A_412 = arith.constant 6 : i32
        %add3A_413 = arith.addi %mul3A_179, %add3A_412 : i32
        %get3A_414 = arith.index_cast %add3A_413 : i32 to index
        %get3A_415 = arith.constant 32 : index
        %get3A_416 = tpu.vector_load %arg11[%get3A_414, %get3A_415] {strides = array<i32>} : memref<80x128xf32, #tpu.memory_space<vmem>>, vector<16xf32>,
        %mul3A_417 = arith.mulf %gather3A_208, %get3A_416 : vector<16xf32>
        %add3A_418 = arith.addf %add3A_411, %mul3A_417 : vector<16xf32>
        %add3A_419 = arith.constant 7 : i32
        %add3A_420 = arith.addi %mul3A_179, %add3A_419 : i32
        %get3A_421 = arith.index_cast %add3A_420 : i32 to index
        %get3A_422 = arith.constant 32 : index
        %get3A_423 = tpu.vector_load %arg11[%get3A_421, %get3A_422] {strides = array<i32>} : memref<80x128xf32, #tpu.memory_space<vmem>>, vector<16xf32>,
        %mul3A_424 = arith.mulf %gather3A_212, %get3A_423 : vector<16xf32>
        %add3A_425 = arith.addf %add3A_418, %mul3A_424 : vector<16xf32>
        %add3A_426 = arith.constant 8 : i32
        %add3A_427 = arith.addi %mul3A_179, %add3A_426 : i32
        %get3A_428 = arith.index_cast %add3A_427 : i32 to index
        %get3A_429 = arith.constant 32 : index
        %get3A_430 = tpu.vector_load %arg11[%get3A_428, %get3A_429] {strides = array<i32>} : memref<80x128xf32, #tpu.memory_space<vmem>>, vector<16xf32>,
        %mul3A_431 = arith.mulf %gather3A_216, %get3A_430 : vector<16xf32>
        %add3A_432 = arith.addf %add3A_425, %mul3A_431 : vector<16xf32>
        %add3A_433 = arith.constant 9 : i32
        %add3A_434 = arith.addi %mul3A_179, %add3A_433 : i32
        %get3A_435 = arith.index_cast %add3A_434 : i32 to index
        %get3A_436 = arith.constant 32 : index
        %get3A_437 = tpu.vector_load %arg11[%get3A_435, %get3A_436] {strides = array<i32>} : memref<80x128xf32, #tpu.memory_space<vmem>>, vector<16xf32>,
        %mul3A_438 = arith.mulf %gather3A_220, %get3A_437 : vector<16xf32>
        %add3A_439 = arith.addf %add3A_432, %mul3A_438 : vector<16xf32>
        %mul3A_440 = arith.mulf %add3A_439, %div3A_232 : vector<16xf32>
        %swap3A_441 = arith.index_cast %scan3A_176 : i32 to index
        %swap3A_442 = arith.constant 32 : index
        %swap3A_443 = tpu.vector_load %arg15[%swap3A_441, %swap3A_442] {strides = array<i32>} : memref<8x128xf32, #tpu.memory_space<vmem>>, vector<16xf32>,
        tpu.vector_store %arg15[%swap3A_441, %swap3A_442], %mul3A_440 {strides = array<i32>} : memref<8x128xf32, #tpu.memory_space<vmem>>, vector<16xf32>,
        %get3A_444 = arith.index_cast %mul3A_179 : i32 to index
        %get3A_445 = arith.constant 48 : index
        %get3A_446 = tpu.vector_load %arg11[%get3A_444, %get3A_445] {strides = array<i32>} : memref<80x128xf32, #tpu.memory_space<vmem>>, vector<16xf32>,
        %mul3A_447 = arith.mulf %gather3A, %get3A_446 : vector<16xf32>
        %add3A_448 = arith.constant 1 : i32
        %add3A_449 = arith.addi %mul3A_179, %add3A_448 : i32
        %get3A_450 = arith.index_cast %add3A_449 : i32 to index
        %get3A_451 = arith.constant 48 : index
        %get3A_452 = tpu.vector_load %arg11[%get3A_450, %get3A_451] {strides = array<i32>} : memref<80x128xf32, #tpu.memory_space<vmem>>, vector<16xf32>,
        %mul3A_453 = arith.mulf %gather3A_188, %get3A_452 : vector<16xf32>
        %add3A_454 = arith.addf %mul3A_447, %mul3A_453 : vector<16xf32>
        %add3A_455 = arith.constant 2 : i32
        %add3A_456 = arith.addi %mul3A_179, %add3A_455 : i32
        %get3A_457 = arith.index_cast %add3A_456 : i32 to index
        %get3A_458 = arith.constant 48 : index
        %get3A_459 = tpu.vector_load %arg11[%get3A_457, %get3A_458] {strides = array<i32>} : memref<80x128xf32, #tpu.memory_space<vmem>>, vector<16xf32>,
        %mul3A_460 = arith.mulf %gather3A_192, %get3A_459 : vector<16xf32>
        %add3A_461 = arith.addf %add3A_454, %mul3A_460 : vector<16xf32>
        %add3A_462 = arith.constant 3 : i32
        %add3A_463 = arith.addi %mul3A_179, %add3A_462 : i32
        %get3A_464 = arith.index_cast %add3A_463 : i32 to index
        %get3A_465 = arith.constant 48 : index
        %get3A_466 = tpu.vector_load %arg11[%get3A_464, %get3A_465] {strides = array<i32>} : memref<80x128xf32, #tpu.memory_space<vmem>>, vector<16xf32>,
        %mul3A_467 = arith.mulf %gather3A_196, %get3A_466 : vector<16xf32>
        %add3A_468 = arith.addf %add3A_461, %mul3A_467 : vector<16xf32>
        %add3A_469 = arith.constant 4 : i32
        %add3A_470 = arith.addi %mul3A_179, %add3A_469 : i32
        %get3A_471 = arith.index_cast %add3A_470 : i32 to index
        %get3A_472 = arith.constant 48 : index
        %get3A_473 = tpu.vector_load %arg11[%get3A_471, %get3A_472] {strides = array<i32>} : memref<80x128xf32, #tpu.memory_space<vmem>>, vector<16xf32>,
        %mul3A_474 = arith.mulf %gather3A_200, %get3A_473 : vector<16xf32>
        %add3A_475 = arith.addf %add3A_468, %mul3A_474 : vector<16xf32>
        %add3A_476 = arith.constant 5 : i32
        %add3A_477 = arith.addi %mul3A_179, %add3A_476 : i32
        %get3A_478 = arith.index_cast %add3A_477 : i32 to index
        %get3A_479 = arith.constant 48 : index
        %get3A_480 = tpu.vector_load %arg11[%get3A_478, %get3A_479] {strides = array<i32>} : memref<80x128xf32, #tpu.memory_space<vmem>>, vector<16xf32>,
        %mul3A_481 = arith.mulf %gather3A_204, %get3A_480 : vector<16xf32>
        %add3A_482 = arith.addf %add3A_475, %mul3A_481 : vector<16xf32>
        %add3A_483 = arith.constant 6 : i32
        %add3A_484 = arith.addi %mul3A_179, %add3A_483 : i32
        %get3A_485 = arith.index_cast %add3A_484 : i32 to index
        %get3A_486 = arith.constant 48 : index
        %get3A_487 = tpu.vector_load %arg11[%get3A_485, %get3A_486] {strides = array<i32>} : memref<80x128xf32, #tpu.memory_space<vmem>>, vector<16xf32>,
        %mul3A_488 = arith.mulf %gather3A_208, %get3A_487 : vector<16xf32>
        %add3A_489 = arith.addf %add3A_482, %mul3A_488 : vector<16xf32>
        %add3A_490 = arith.constant 7 : i32
        %add3A_491 = arith.addi %mul3A_179, %add3A_490 : i32
        %get3A_492 = arith.index_cast %add3A_491 : i32 to index
        %get3A_493 = arith.constant 48 : index
        %get3A_494 = tpu.vector_load %arg11[%get3A_492, %get3A_493] {strides = array<i32>} : memref<80x128xf32, #tpu.memory_space<vmem>>, vector<16xf32>,
        %mul3A_495 = arith.mulf %gather3A_212, %get3A_494 : vector<16xf32>
        %add3A_496 = arith.addf %add3A_489, %mul3A_495 : vector<16xf32>
        %add3A_497 = arith.constant 8 : i32
        %add3A_498 = arith.addi %mul3A_179, %add3A_497 : i32
        %get3A_499 = arith.index_cast %add3A_498 : i32 to index
        %get3A_500 = arith.constant 48 : index
        %get3A_501 = tpu.vector_load %arg11[%get3A_499, %get3A_500] {strides = array<i32>} : memref<80x128xf32, #tpu.memory_space<vmem>>, vector<16xf32>,
        %mul3A_502 = arith.mulf %gather3A_216, %get3A_501 : vector<16xf32>
        %add3A_503 = arith.addf %add3A_496, %mul3A_502 : vector<16xf32>
        %add3A_504 = arith.constant 9 : i32
        %add3A_505 = arith.addi %mul3A_179, %add3A_504 : i32
        %get3A_506 = arith.index_cast %add3A_505 : i32 to index
        %get3A_507 = arith.constant 48 : index
        %get3A_508 = tpu.vector_load %arg11[%get3A_506, %get3A_507] {strides = array<i32>} : memref<80x128xf32, #tpu.memory_space<vmem>>, vector<16xf32>,
        %mul3A_509 = arith.mulf %gather3A_220, %get3A_508 : vector<16xf32>
        %add3A_510 = arith.addf %add3A_503, %mul3A_509 : vector<16xf32>
        %mul3A_511 = arith.mulf %add3A_510, %div3A_232 : vector<16xf32>
        %swap3A_512 = arith.index_cast %scan3A_176 : i32 to index
        %swap3A_513 = arith.constant 48 : index
        %swap3A_514 = tpu.vector_load %arg15[%swap3A_512, %swap3A_513] {strides = array<i32>} : memref<8x128xf32, #tpu.memory_space<vmem>>, vector<16xf32>,
        tpu.vector_store %arg15[%swap3A_512, %swap3A_513], %mul3A_511 {strides = array<i32>} : memref<8x128xf32, #tpu.memory_space<vmem>>, vector<16xf32>,
        %get3A_515 = arith.index_cast %mul3A_179 : i32 to index
        %get3A_516 = arith.constant 64 : index
        %get3A_517 = tpu.vector_load %arg11[%get3A_515, %get3A_516] {strides = array<i32>} : memref<80x128xf32, #tpu.memory_space<vmem>>, vector<16xf32>,
        %mul3A_518 = arith.mulf %gather3A, %get3A_517 : vector<16xf32>
        %add3A_519 = arith.constant 1 : i32
        %add3A_520 = arith.addi %mul3A_179, %add3A_519 : i32
        %get3A_521 = arith.index_cast %add3A_520 : i32 to index
        %get3A_522 = arith.constant 64 : index
        %get3A_523 = tpu.vector_load %arg11[%get3A_521, %get3A_522] {strides = array<i32>} : memref<80x128xf32, #tpu.memory_space<vmem>>, vector<16xf32>,
        %mul3A_524 = arith.mulf %gather3A_188, %get3A_523 : vector<16xf32>
        %add3A_525 = arith.addf %mul3A_518, %mul3A_524 : vector<16xf32>
        %add3A_526 = arith.constant 2 : i32
        %add3A_527 = arith.addi %mul3A_179, %add3A_526 : i32
        %get3A_528 = arith.index_cast %add3A_527 : i32 to index
        %get3A_529 = arith.constant 64 : index
        %get3A_530 = tpu.vector_load %arg11[%get3A_528, %get3A_529] {strides = array<i32>} : memref<80x128xf32, #tpu.memory_space<vmem>>, vector<16xf32>,
        %mul3A_531 = arith.mulf %gather3A_192, %get3A_530 : vector<16xf32>
        %add3A_532 = arith.addf %add3A_525, %mul3A_531 : vector<16xf32>
        %add3A_533 = arith.constant 3 : i32
        %add3A_534 = arith.addi %mul3A_179, %add3A_533 : i32
        %get3A_535 = arith.index_cast %add3A_534 : i32 to index
        %get3A_536 = arith.constant 64 : index
        %get3A_537 = tpu.vector_load %arg11[%get3A_535, %get3A_536] {strides = array<i32>} : memref<80x128xf32, #tpu.memory_space<vmem>>, vector<16xf32>,
        %mul3A_538 = arith.mulf %gather3A_196, %get3A_537 : vector<16xf32>
        %add3A_539 = arith.addf %add3A_532, %mul3A_538 : vector<16xf32>
        %add3A_540 = arith.constant 4 : i32
        %add3A_541 = arith.addi %mul3A_179, %add3A_540 : i32
        %get3A_542 = arith.index_cast %add3A_541 : i32 to index
        %get3A_543 = arith.constant 64 : index
        %get3A_544 = tpu.vector_load %arg11[%get3A_542, %get3A_543] {strides = array<i32>} : memref<80x128xf32, #tpu.memory_space<vmem>>, vector<16xf32>,
        %mul3A_545 = arith.mulf %gather3A_200, %get3A_544 : vector<16xf32>
        %add3A_546 = arith.addf %add3A_539, %mul3A_545 : vector<16xf32>
        %add3A_547 = arith.constant 5 : i32
        %add3A_548 = arith.addi %mul3A_179, %add3A_547 : i32
        %get3A_549 = arith.index_cast %add3A_548 : i32 to index
        %get3A_550 = arith.constant 64 : index
        %get3A_551 = tpu.vector_load %arg11[%get3A_549, %get3A_550] {strides = array<i32>} : memref<80x128xf32, #tpu.memory_space<vmem>>, vector<16xf32>,
        %mul3A_552 = arith.mulf %gather3A_204, %get3A_551 : vector<16xf32>
        %add3A_553 = arith.addf %add3A_546, %mul3A_552 : vector<16xf32>
        %add3A_554 = arith.constant 6 : i32
        %add3A_555 = arith.addi %mul3A_179, %add3A_554 : i32
        %get3A_556 = arith.index_cast %add3A_555 : i32 to index
        %get3A_557 = arith.constant 64 : index
        %get3A_558 = tpu.vector_load %arg11[%get3A_556, %get3A_557] {strides = array<i32>} : memref<80x128xf32, #tpu.memory_space<vmem>>, vector<16xf32>,
        %mul3A_559 = arith.mulf %gather3A_208, %get3A_558 : vector<16xf32>
        %add3A_560 = arith.addf %add3A_553, %mul3A_559 : vector<16xf32>
        %add3A_561 = arith.constant 7 : i32
        %add3A_562 = arith.addi %mul3A_179, %add3A_561 : i32
        %get3A_563 = arith.index_cast %add3A_562 : i32 to index
        %get3A_564 = arith.constant 64 : index
        %get3A_565 = tpu.vector_load %arg11[%get3A_563, %get3A_564] {strides = array<i32>} : memref<80x128xf32, #tpu.memory_space<vmem>>, vector<16xf32>,
        %mul3A_566 = arith.mulf %gather3A_212, %get3A_565 : vector<16xf32>
        %add3A_567 = arith.addf %add3A_560, %mul3A_566 : vector<16xf32>
        %add3A_568 = arith.constant 8 : i32
        %add3A_569 = arith.addi %mul3A_179, %add3A_568 : i32
        %get3A_570 = arith.index_cast %add3A_569 : i32 to index
        %get3A_571 = arith.constant 64 : index
        %get3A_572 = tpu.vector_load %arg11[%get3A_570, %get3A_571] {strides = array<i32>} : memref<80x128xf32, #tpu.memory_space<vmem>>, vector<16xf32>,
        %mul3A_573 = arith.mulf %gather3A_216, %get3A_572 : vector<16xf32>
        %add3A_574 = arith.addf %add3A_567, %mul3A_573 : vector<16xf32>
        %add3A_575 = arith.constant 9 : i32
        %add3A_576 = arith.addi %mul3A_179, %add3A_575 : i32
        %get3A_577 = arith.index_cast %add3A_576 : i32 to index
        %get3A_578 = arith.constant 64 : index
        %get3A_579 = tpu.vector_load %arg11[%get3A_577, %get3A_578] {strides = array<i32>} : memref<80x128xf32, #tpu.memory_space<vmem>>, vector<16xf32>,
        %mul3A_580 = arith.mulf %gather3A_220, %get3A_579 : vector<16xf32>
        %add3A_581 = arith.addf %add3A_574, %mul3A_580 : vector<16xf32>
        %mul3A_582 = arith.mulf %add3A_581, %div3A_232 : vector<16xf32>
        %swap3A_583 = arith.index_cast %scan3A_176 : i32 to index
        %swap3A_584 = arith.constant 64 : index
        %swap3A_585 = tpu.vector_load %arg15[%swap3A_583, %swap3A_584] {strides = array<i32>} : memref<8x128xf32, #tpu.memory_space<vmem>>, vector<16xf32>,
        tpu.vector_store %arg15[%swap3A_583, %swap3A_584], %mul3A_582 {strides = array<i32>} : memref<8x128xf32, #tpu.memory_space<vmem>>, vector<16xf32>,
        %get3A_586 = arith.index_cast %mul3A_179 : i32 to index
        %get3A_587 = arith.constant 80 : index
        %get3A_588 = tpu.vector_load %arg11[%get3A_586, %get3A_587] {strides = array<i32>} : memref<80x128xf32, #tpu.memory_space<vmem>>, vector<16xf32>,
        %mul3A_589 = arith.mulf %gather3A, %get3A_588 : vector<16xf32>
        %add3A_590 = arith.constant 1 : i32
        %add3A_591 = arith.addi %mul3A_179, %add3A_590 : i32
        %get3A_592 = arith.index_cast %add3A_591 : i32 to index
        %get3A_593 = arith.constant 80 : index
        %get3A_594 = tpu.vector_load %arg11[%get3A_592, %get3A_593] {strides = array<i32>} : memref<80x128xf32, #tpu.memory_space<vmem>>, vector<16xf32>,
        %mul3A_595 = arith.mulf %gather3A_188, %get3A_594 : vector<16xf32>
        %add3A_596 = arith.addf %mul3A_589, %mul3A_595 : vector<16xf32>
        %add3A_597 = arith.constant 2 : i32
        %add3A_598 = arith.addi %mul3A_179, %add3A_597 : i32
        %get3A_599 = arith.index_cast %add3A_598 : i32 to index
        %get3A_600 = arith.constant 80 : index
        %get3A_601 = tpu.vector_load %arg11[%get3A_599, %get3A_600] {strides = array<i32>} : memref<80x128xf32, #tpu.memory_space<vmem>>, vector<16xf32>,
        %mul3A_602 = arith.mulf %gather3A_192, %get3A_601 : vector<16xf32>
        %add3A_603 = arith.addf %add3A_596, %mul3A_602 : vector<16xf32>
        %add3A_604 = arith.constant 3 : i32
        %add3A_605 = arith.addi %mul3A_179, %add3A_604 : i32
        %get3A_606 = arith.index_cast %add3A_605 : i32 to index
        %get3A_607 = arith.constant 80 : index
        %get3A_608 = tpu.vector_load %arg11[%get3A_606, %get3A_607] {strides = array<i32>} : memref<80x128xf32, #tpu.memory_space<vmem>>, vector<16xf32>,
        %mul3A_609 = arith.mulf %gather3A_196, %get3A_608 : vector<16xf32>
        %add3A_610 = arith.addf %add3A_603, %mul3A_609 : vector<16xf32>
        %add3A_611 = arith.constant 4 : i32
        %add3A_612 = arith.addi %mul3A_179, %add3A_611 : i32
        %get3A_613 = arith.index_cast %add3A_612 : i32 to index
        %get3A_614 = arith.constant 80 : index
        %get3A_615 = tpu.vector_load %arg11[%get3A_613, %get3A_614] {strides = array<i32>} : memref<80x128xf32, #tpu.memory_space<vmem>>, vector<16xf32>,
        %mul3A_616 = arith.mulf %gather3A_200, %get3A_615 : vector<16xf32>
        %add3A_617 = arith.addf %add3A_610, %mul3A_616 : vector<16xf32>
        %add3A_618 = arith.constant 5 : i32
        %add3A_619 = arith.addi %mul3A_179, %add3A_618 : i32
        %get3A_620 = arith.index_cast %add3A_619 : i32 to index
        %get3A_621 = arith.constant 80 : index
        %get3A_622 = tpu.vector_load %arg11[%get3A_620, %get3A_621] {strides = array<i32>} : memref<80x128xf32, #tpu.memory_space<vmem>>, vector<16xf32>,
        %mul3A_623 = arith.mulf %gather3A_204, %get3A_622 : vector<16xf32>
        %add3A_624 = arith.addf %add3A_617, %mul3A_623 : vector<16xf32>
        %add3A_625 = arith.constant 6 : i32
        %add3A_626 = arith.addi %mul3A_179, %add3A_625 : i32
        %get3A_627 = arith.index_cast %add3A_626 : i32 to index
        %get3A_628 = arith.constant 80 : index
        %get3A_629 = tpu.vector_load %arg11[%get3A_627, %get3A_628] {strides = array<i32>} : memref<80x128xf32, #tpu.memory_space<vmem>>, vector<16xf32>,
        %mul3A_630 = arith.mulf %gather3A_208, %get3A_629 : vector<16xf32>
        %add3A_631 = arith.addf %add3A_624, %mul3A_630 : vector<16xf32>
        %add3A_632 = arith.constant 7 : i32
        %add3A_633 = arith.addi %mul3A_179, %add3A_632 : i32
        %get3A_634 = arith.index_cast %add3A_633 : i32 to index
        %get3A_635 = arith.constant 80 : index
        %get3A_636 = tpu.vector_load %arg11[%get3A_634, %get3A_635] {strides = array<i32>} : memref<80x128xf32, #tpu.memory_space<vmem>>, vector<16xf32>,
        %mul3A_637 = arith.mulf %gather3A_212, %get3A_636 : vector<16xf32>
        %add3A_638 = arith.addf %add3A_631, %mul3A_637 : vector<16xf32>
        %add3A_639 = arith.constant 8 : i32
        %add3A_640 = arith.addi %mul3A_179, %add3A_639 : i32
        %get3A_641 = arith.index_cast %add3A_640 : i32 to index
        %get3A_642 = arith.constant 80 : index
        %get3A_643 = tpu.vector_load %arg11[%get3A_641, %get3A_642] {strides = array<i32>} : memref<80x128xf32, #tpu.memory_space<vmem>>, vector<16xf32>,
        %mul3A_644 = arith.mulf %gather3A_216, %get3A_643 : vector<16xf32>
        %add3A_645 = arith.addf %add3A_638, %mul3A_644 : vector<16xf32>
        %add3A_646 = arith.constant 9 : i32
        %add3A_647 = arith.addi %mul3A_179, %add3A_646 : i32
        %get3A_648 = arith.index_cast %add3A_647 : i32 to index
        %get3A_649 = arith.constant 80 : index
        %get3A_650 = tpu.vector_load %arg11[%get3A_648, %get3A_649] {strides = array<i32>} : memref<80x128xf32, #tpu.memory_space<vmem>>, vector<16xf32>,
        %mul3A_651 = arith.mulf %gather3A_220, %get3A_650 : vector<16xf32>
        %add3A_652 = arith.addf %add3A_645, %mul3A_651 : vector<16xf32>
        %mul3A_653 = arith.mulf %add3A_652, %div3A_232 : vector<16xf32>
        %swap3A_654 = arith.index_cast %scan3A_176 : i32 to index
        %swap3A_655 = arith.constant 80 : index
        %swap3A_656 = tpu.vector_load %arg15[%swap3A_654, %swap3A_655] {strides = array<i32>} : memref<8x128xf32, #tpu.memory_space<vmem>>, vector<16xf32>,
        tpu.vector_store %arg15[%swap3A_654, %swap3A_655], %mul3A_653 {strides = array<i32>} : memref<8x128xf32, #tpu.memory_space<vmem>>, vector<16xf32>,
        %get3A_657 = arith.index_cast %mul3A_179 : i32 to index
        %get3A_658 = arith.constant 96 : index
        %get3A_659 = tpu.vector_load %arg11[%get3A_657, %get3A_658] {strides = array<i32>} : memref<80x128xf32, #tpu.memory_space<vmem>>, vector<16xf32>,
        %mul3A_660 = arith.mulf %gather3A, %get3A_659 : vector<16xf32>
        %add3A_661 = arith.constant 1 : i32
        %add3A_662 = arith.addi %mul3A_179, %add3A_661 : i32
        %get3A_663 = arith.index_cast %add3A_662 : i32 to index
        %get3A_664 = arith.constant 96 : index
        %get3A_665 = tpu.vector_load %arg11[%get3A_663, %get3A_664] {strides = array<i32>} : memref<80x128xf32, #tpu.memory_space<vmem>>, vector<16xf32>,
        %mul3A_666 = arith.mulf %gather3A_188, %get3A_665 : vector<16xf32>
        %add3A_667 = arith.addf %mul3A_660, %mul3A_666 : vector<16xf32>
        %add3A_668 = arith.constant 2 : i32
        %add3A_669 = arith.addi %mul3A_179, %add3A_668 : i32
        %get3A_670 = arith.index_cast %add3A_669 : i32 to index
        %get3A_671 = arith.constant 96 : index
        %get3A_672 = tpu.vector_load %arg11[%get3A_670, %get3A_671] {strides = array<i32>} : memref<80x128xf32, #tpu.memory_space<vmem>>, vector<16xf32>,
        %mul3A_673 = arith.mulf %gather3A_192, %get3A_672 : vector<16xf32>
        %add3A_674 = arith.addf %add3A_667, %mul3A_673 : vector<16xf32>
        %add3A_675 = arith.constant 3 : i32
        %add3A_676 = arith.addi %mul3A_179, %add3A_675 : i32
        %get3A_677 = arith.index_cast %add3A_676 : i32 to index
        %get3A_678 = arith.constant 96 : index
        %get3A_679 = tpu.vector_load %arg11[%get3A_677, %get3A_678] {strides = array<i32>} : memref<80x128xf32, #tpu.memory_space<vmem>>, vector<16xf32>,
        %mul3A_680 = arith.mulf %gather3A_196, %get3A_679 : vector<16xf32>
        %add3A_681 = arith.addf %add3A_674, %mul3A_680 : vector<16xf32>
        %add3A_682 = arith.constant 4 : i32
        %add3A_683 = arith.addi %mul3A_179, %add3A_682 : i32
        %get3A_684 = arith.index_cast %add3A_683 : i32 to index
        %get3A_685 = arith.constant 96 : index
        %get3A_686 = tpu.vector_load %arg11[%get3A_684, %get3A_685] {strides = array<i32>} : memref<80x128xf32, #tpu.memory_space<vmem>>, vector<16xf32>,
        %mul3A_687 = arith.mulf %gather3A_200, %get3A_686 : vector<16xf32>
        %add3A_688 = arith.addf %add3A_681, %mul3A_687 : vector<16xf32>
        %add3A_689 = arith.constant 5 : i32
        %add3A_690 = arith.addi %mul3A_179, %add3A_689 : i32
        %get3A_691 = arith.index_cast %add3A_690 : i32 to index
        %get3A_692 = arith.constant 96 : index
        %get3A_693 = tpu.vector_load %arg11[%get3A_691, %get3A_692] {strides = array<i32>} : memref<80x128xf32, #tpu.memory_space<vmem>>, vector<16xf32>,
        %mul3A_694 = arith.mulf %gather3A_204, %get3A_693 : vector<16xf32>
        %add3A_695 = arith.addf %add3A_688, %mul3A_694 : vector<16xf32>
        %add3A_696 = arith.constant 6 : i32
        %add3A_697 = arith.addi %mul3A_179, %add3A_696 : i32
        %get3A_698 = arith.index_cast %add3A_697 : i32 to index
        %get3A_699 = arith.constant 96 : index
        %get3A_700 = tpu.vector_load %arg11[%get3A_698, %get3A_699] {strides = array<i32>} : memref<80x128xf32, #tpu.memory_space<vmem>>, vector<16xf32>,
        %mul3A_701 = arith.mulf %gather3A_208, %get3A_700 : vector<16xf32>
        %add3A_702 = arith.addf %add3A_695, %mul3A_701 : vector<16xf32>
        %add3A_703 = arith.constant 7 : i32
        %add3A_704 = arith.addi %mul3A_179, %add3A_703 : i32
        %get3A_705 = arith.index_cast %add3A_704 : i32 to index
        %get3A_706 = arith.constant 96 : index
        %get3A_707 = tpu.vector_load %arg11[%get3A_705, %get3A_706] {strides = array<i32>} : memref<80x128xf32, #tpu.memory_space<vmem>>, vector<16xf32>,
        %mul3A_708 = arith.mulf %gather3A_212, %get3A_707 : vector<16xf32>
        %add3A_709 = arith.addf %add3A_702, %mul3A_708 : vector<16xf32>
        %add3A_710 = arith.constant 8 : i32
        %add3A_711 = arith.addi %mul3A_179, %add3A_710 : i32
        %get3A_712 = arith.index_cast %add3A_711 : i32 to index
        %get3A_713 = arith.constant 96 : index
        %get3A_714 = tpu.vector_load %arg11[%get3A_712, %get3A_713] {strides = array<i32>} : memref<80x128xf32, #tpu.memory_space<vmem>>, vector<16xf32>,
        %mul3A_715 = arith.mulf %gather3A_216, %get3A_714 : vector<16xf32>
        %add3A_716 = arith.addf %add3A_709, %mul3A_715 : vector<16xf32>
        %add3A_717 = arith.constant 9 : i32
        %add3A_718 = arith.addi %mul3A_179, %add3A_717 : i32
        %get3A_719 = arith.index_cast %add3A_718 : i32 to index
        %get3A_720 = arith.constant 96 : index
        %get3A_721 = tpu.vector_load %arg11[%get3A_719, %get3A_720] {strides = array<i32>} : memref<80x128xf32, #tpu.memory_space<vmem>>, vector<16xf32>,
        %mul3A_722 = arith.mulf %gather3A_220, %get3A_721 : vector<16xf32>
        %add3A_723 = arith.addf %add3A_716, %mul3A_722 : vector<16xf32>
        %mul3A_724 = arith.mulf %add3A_723, %div3A_232 : vector<16xf32>
        %swap3A_725 = arith.index_cast %scan3A_176 : i32 to index
        %swap3A_726 = arith.constant 96 : index
        %swap3A_727 = tpu.vector_load %arg15[%swap3A_725, %swap3A_726] {strides = array<i32>} : memref<8x128xf32, #tpu.memory_space<vmem>>, vector<16xf32>,
        tpu.vector_store %arg15[%swap3A_725, %swap3A_726], %mul3A_724 {strides = array<i32>} : memref<8x128xf32, #tpu.memory_space<vmem>>, vector<16xf32>,
        %get3A_728 = arith.index_cast %mul3A_179 : i32 to index
        %get3A_729 = arith.constant 112 : index
        %get3A_730 = tpu.vector_load %arg11[%get3A_728, %get3A_729] {strides = array<i32>} : memref<80x128xf32, #tpu.memory_space<vmem>>, vector<16xf32>,
        %mul3A_731 = arith.mulf %gather3A, %get3A_730 : vector<16xf32>
        %add3A_732 = arith.constant 1 : i32
        %add3A_733 = arith.addi %mul3A_179, %add3A_732 : i32
        %get3A_734 = arith.index_cast %add3A_733 : i32 to index
        %get3A_735 = arith.constant 112 : index
        %get3A_736 = tpu.vector_load %arg11[%get3A_734, %get3A_735] {strides = array<i32>} : memref<80x128xf32, #tpu.memory_space<vmem>>, vector<16xf32>,
        %mul3A_737 = arith.mulf %gather3A_188, %get3A_736 : vector<16xf32>
        %add3A_738 = arith.addf %mul3A_731, %mul3A_737 : vector<16xf32>
        %add3A_739 = arith.constant 2 : i32
        %add3A_740 = arith.addi %mul3A_179, %add3A_739 : i32
        %get3A_741 = arith.index_cast %add3A_740 : i32 to index
        %get3A_742 = arith.constant 112 : index
        %get3A_743 = tpu.vector_load %arg11[%get3A_741, %get3A_742] {strides = array<i32>} : memref<80x128xf32, #tpu.memory_space<vmem>>, vector<16xf32>,
        %mul3A_744 = arith.mulf %gather3A_192, %get3A_743 : vector<16xf32>
        %add3A_745 = arith.addf %add3A_738, %mul3A_744 : vector<16xf32>
        %add3A_746 = arith.constant 3 : i32
        %add3A_747 = arith.addi %mul3A_179, %add3A_746 : i32
        %get3A_748 = arith.index_cast %add3A_747 : i32 to index
        %get3A_749 = arith.constant 112 : index
        %get3A_750 = tpu.vector_load %arg11[%get3A_748, %get3A_749] {strides = array<i32>} : memref<80x128xf32, #tpu.memory_space<vmem>>, vector<16xf32>,
        %mul3A_751 = arith.mulf %gather3A_196, %get3A_750 : vector<16xf32>
        %add3A_752 = arith.addf %add3A_745, %mul3A_751 : vector<16xf32>
        %add3A_753 = arith.constant 4 : i32
        %add3A_754 = arith.addi %mul3A_179, %add3A_753 : i32
        %get3A_755 = arith.index_cast %add3A_754 : i32 to index
        %get3A_756 = arith.constant 112 : index
        %get3A_757 = tpu.vector_load %arg11[%get3A_755, %get3A_756] {strides = array<i32>} : memref<80x128xf32, #tpu.memory_space<vmem>>, vector<16xf32>,
        %mul3A_758 = arith.mulf %gather3A_200, %get3A_757 : vector<16xf32>
        %add3A_759 = arith.addf %add3A_752, %mul3A_758 : vector<16xf32>
        %add3A_760 = arith.constant 5 : i32
        %add3A_761 = arith.addi %mul3A_179, %add3A_760 : i32
        %get3A_762 = arith.index_cast %add3A_761 : i32 to index
        %get3A_763 = arith.constant 112 : index
        %get3A_764 = tpu.vector_load %arg11[%get3A_762, %get3A_763] {strides = array<i32>} : memref<80x128xf32, #tpu.memory_space<vmem>>, vector<16xf32>,
        %mul3A_765 = arith.mulf %gather3A_204, %get3A_764 : vector<16xf32>
        %add3A_766 = arith.addf %add3A_759, %mul3A_765 : vector<16xf32>
        %add3A_767 = arith.constant 6 : i32
        %add3A_768 = arith.addi %mul3A_179, %add3A_767 : i32
        %get3A_769 = arith.index_cast %add3A_768 : i32 to index
        %get3A_770 = arith.constant 112 : index
        %get3A_771 = tpu.vector_load %arg11[%get3A_769, %get3A_770] {strides = array<i32>} : memref<80x128xf32, #tpu.memory_space<vmem>>, vector<16xf32>,
        %mul3A_772 = arith.mulf %gather3A_208, %get3A_771 : vector<16xf32>
        %add3A_773 = arith.addf %add3A_766, %mul3A_772 : vector<16xf32>
        %add3A_774 = arith.constant 7 : i32
        %add3A_775 = arith.addi %mul3A_179, %add3A_774 : i32
        %get3A_776 = arith.index_cast %add3A_775 : i32 to index
        %get3A_777 = arith.constant 112 : index
        %get3A_778 = tpu.vector_load %arg11[%get3A_776, %get3A_777] {strides = array<i32>} : memref<80x128xf32, #tpu.memory_space<vmem>>, vector<16xf32>,
        %mul3A_779 = arith.mulf %gather3A_212, %get3A_778 : vector<16xf32>
        %add3A_780 = arith.addf %add3A_773, %mul3A_779 : vector<16xf32>
        %add3A_781 = arith.constant 8 : i32
        %add3A_782 = arith.addi %mul3A_179, %add3A_781 : i32
        %get3A_783 = arith.index_cast %add3A_782 : i32 to index
        %get3A_784 = arith.constant 112 : index
        %get3A_785 = tpu.vector_load %arg11[%get3A_783, %get3A_784] {strides = array<i32>} : memref<80x128xf32, #tpu.memory_space<vmem>>, vector<16xf32>,
        %mul3A_786 = arith.mulf %gather3A_216, %get3A_785 : vector<16xf32>
        %add3A_787 = arith.addf %add3A_780, %mul3A_786 : vector<16xf32>
        %add3A_788 = arith.constant 9 : i32
        %add3A_789 = arith.addi %mul3A_179, %add3A_788 : i32
        %get3A_790 = arith.index_cast %add3A_789 : i32 to index
        %get3A_791 = arith.constant 112 : index
        %get3A_792 = tpu.vector_load %arg11[%get3A_790, %get3A_791] {strides = array<i32>} : memref<80x128xf32, #tpu.memory_space<vmem>>, vector<16xf32>,
        %mul3A_793 = arith.mulf %gather3A_220, %get3A_792 : vector<16xf32>
        %add3A_794 = arith.addf %add3A_787, %mul3A_793 : vector<16xf32>
        %mul3A_795 = arith.mulf %add3A_794, %div3A_232 : vector<16xf32>
        %swap3A_796 = arith.index_cast %scan3A_176 : i32 to index
        %swap3A_797 = arith.constant 112 : index
        %swap3A_798 = tpu.vector_load %arg15[%swap3A_796, %swap3A_797] {strides = array<i32>} : memref<8x128xf32, #tpu.memory_space<vmem>>, vector<16xf32>,
        tpu.vector_store %arg15[%swap3A_796, %swap3A_797], %mul3A_795 {strides = array<i32>} : memref<8x128xf32, #tpu.memory_space<vmem>>, vector<16xf32>,
        %scan3A_799 = arith.constant 0 : i32
        scf.yield %scan3A_799 : i32
      }
      %scan3A_107 = arith.constant 8 : i32
      %mul3A_108 = arith.constant 8 : i32
      %mul3A_109 = arith.muli %add3A_93, %mul3A_108 : i32
      %dma_wait3A_110 = tpu.memref_slice %arg9[%mul3A_109] : memref<1776xi32, #tpu.memory_space<vmem>> -> memref<8xi32, #tpu.memory_space<vmem>>
      %dma_wait3A_111 = arith.constant 0 : i32
      %dma_wait3A_112 = arith.constant 0 : i32
      %dma_wait3A_113 = tpu.memref_slice %arg5[%dma_wait3A_111, %dma_wait3A_112] : memref<100000x128xf32, #tpu.memory_space<hbm>> -> memref<100000x128xf32, #tpu.memory_space<hbm>>
      tpu.wait_indirect_dma semaphore(%arg19 : memref<!tpu.dma_semaphore, #tpu.memory_space<semaphore_mem>>) src(%dma_wait3A_113 : memref<100000x128xf32, #tpu.memory_space<hbm>>) dst(%arg13 : memref<8x128xf32, #tpu.memory_space<vmem>>)
      %mul3A_114 = arith.constant 8 : i32
      %mul3A_115 = arith.muli %add3A_93, %mul3A_114 : i32
      %add3A_116 = arith.addi %mul3A_6, %mul3A_115 : i32
      %dma_start3A_117 = arith.constant 0 : i32
      %dma_start3A_118 = tpu.memref_slice %arg6[%add3A_116, %dma_start3A_117] : memref<50176x128xf32, #tpu.memory_space<hbm>> -> memref<8x128xf32, #tpu.memory_space<hbm>>
      %dma_start3A_119 = arith.constant 0 : i32
      %dma_start3A_120 = tpu.memref_slice %arg6[%add3A_116, %dma_start3A_119] : memref<50176x128xf32, #tpu.memory_space<hbm>> -> memref<8x128xf32, #tpu.memory_space<hbm>>
      tpu.enqueue_dma source(%arg15 : memref<8x128xf32, #tpu.memory_space<vmem>>) target(%dma_start3A_120 : memref<8x128xf32, #tpu.memory_space<hbm>>) target_semaphore(%arg21 : memref<!tpu.dma_semaphore, #tpu.memory_space<semaphore_mem>>)
      %dma_start3A_121 = arith.constant 0 : i32
      %dma_start3A_122 = tpu.memref_slice %arg7[%add3A_116, %dma_start3A_121] : memref<50176x128xf32, #tpu.memory_space<hbm>> -> memref<8x128xf32, #tpu.memory_space<hbm>>
      %dma_start3A_123 = arith.constant 0 : i32
      %dma_start3A_124 = tpu.memref_slice %arg7[%add3A_116, %dma_start3A_123] : memref<50176x128xf32, #tpu.memory_space<hbm>> -> memref<8x128xf32, #tpu.memory_space<hbm>>
      tpu.enqueue_dma source(%arg13 : memref<8x128xf32, #tpu.memory_space<vmem>>) target(%dma_start3A_124 : memref<8x128xf32, #tpu.memory_space<hbm>>) target_semaphore(%arg23 : memref<!tpu.dma_semaphore, #tpu.memory_space<semaphore_mem>>)
      %add3A_125 = arith.constant 2 : i32
      %add3A_126 = arith.addi %add3A_93, %add3A_125 : i32
      %lt3A = arith.cmpi slt, %add3A_126, %select_n3A : i32
      %convert_element_type3A_127 = arith.extui %lt3A : i1 to i32
      %cond3A_128 = arith.constant 0 : i32
      %cond3A_129 = arith.cmpi ne, %convert_element_type3A_127, %cond3A_128 : i32
      scf.if %cond3A_129 {
        %add3A_176 = arith.constant 2 : i32
        %add3A_177 = arith.addi %add3A_93, %add3A_176 : i32
        %mul3A_178 = arith.constant 80 : i32
        %mul3A_179 = arith.muli %add3A_177, %mul3A_178 : i32
        %dma_start3A_180 = tpu.memref_slice %arg8[%mul3A_179] : memref<17760xi32, #tpu.memory_space<vmem>> -> memref<80xi32, #tpu.memory_space<vmem>>
        %dma_start3A_181 = arith.constant 0 : i32
        %dma_start3A_182 = arith.constant 0 : i32
        %dma_start3A_183 = tpu.memref_slice %arg5[%dma_start3A_181, %dma_start3A_182] : memref<100000x128xf32, #tpu.memory_space<hbm>> -> memref<100000x128xf32, #tpu.memory_space<hbm>>
        tpu.enqueue_indirect_dma source(%dma_start3A_183 : memref<100000x128xf32, #tpu.memory_space<hbm>>) target(%arg11 : memref<80x128xf32, #tpu.memory_space<vmem>>) offsets(%dma_start3A_180 : memref<80xi32, #tpu.memory_space<vmem>>) semaphore(%arg17 : memref<!tpu.dma_semaphore, #tpu.memory_space<semaphore_mem>>)
      } else {
      }
      %mul3A_130 = arith.constant 2 : i32
      %mul3A_131 = arith.muli %mul3A_130, %while3A_88 : i32
      %add3A_132 = arith.constant 1 : i32
      %add3A_133 = arith.addi %mul3A_131, %add3A_132 : i32
      %ge3A_134 = arith.constant 2 : i32
      %ge3A_135 = arith.cmpi sge, %add3A_133, %ge3A_134 : i32
      %convert_element_type3A_136 = arith.extui %ge3A_135 : i1 to i32
      %cond3A_137 = arith.constant 0 : i32
      %cond3A_138 = arith.cmpi ne, %convert_element_type3A_136, %cond3A_137 : i32
      scf.if %cond3A_138 {
        %sub3A_176 = arith.constant 2 : i32
        %sub3A_177 = arith.subi %add3A_133, %sub3A_176 : i32
        %mul3A_178 = arith.constant 8 : i32
        %mul3A_179 = arith.muli %sub3A_177, %mul3A_178 : i32
        %add3A_180 = arith.addi %mul3A_6, %mul3A_179 : i32
        %dma_wait3A_181 = arith.constant 0 : i32
        %dma_wait3A_182 = tpu.memref_slice %arg6[%add3A_180, %dma_wait3A_181] : memref<50176x128xf32, #tpu.memory_space<hbm>> -> memref<8x128xf32, #tpu.memory_space<hbm>>
        %dma_wait3A_183 = arith.constant 0 : i32
        %dma_wait3A_184 = tpu.memref_slice %arg6[%add3A_180, %dma_wait3A_183] : memref<50176x128xf32, #tpu.memory_space<hbm>> -> memref<8x128xf32, #tpu.memory_space<hbm>>
        tpu.wait_dma2 semaphore(%arg22 : memref<!tpu.dma_semaphore, #tpu.memory_space<semaphore_mem>>) src(%arg16 : memref<8x128xf32, #tpu.memory_space<vmem>>) dst(%dma_wait3A_184 : memref<8x128xf32, #tpu.memory_space<hbm>>)
        %dma_wait3A_185 = arith.constant 0 : i32
        %dma_wait3A_186 = tpu.memref_slice %arg7[%add3A_180, %dma_wait3A_185] : memref<50176x128xf32, #tpu.memory_space<hbm>> -> memref<8x128xf32, #tpu.memory_space<hbm>>
        %dma_wait3A_187 = arith.constant 0 : i32
        %dma_wait3A_188 = tpu.memref_slice %arg7[%add3A_180, %dma_wait3A_187] : memref<50176x128xf32, #tpu.memory_space<hbm>> -> memref<8x128xf32, #tpu.memory_space<hbm>>
        tpu.wait_dma2 semaphore(%arg24 : memref<!tpu.dma_semaphore, #tpu.memory_space<semaphore_mem>>) src(%arg14 : memref<8x128xf32, #tpu.memory_space<vmem>>) dst(%dma_wait3A_188 : memref<8x128xf32, #tpu.memory_space<hbm>>)
        %mul3A_189 = arith.constant 8 : i32
        %mul3A_190 = arith.muli %add3A_133, %mul3A_189 : i32
        %dma_start3A_191 = tpu.memref_slice %arg9[%mul3A_190] : memref<1776xi32, #tpu.memory_space<vmem>> -> memref<8xi32, #tpu.memory_space<vmem>>
        %dma_start3A_192 = arith.constant 0 : i32
        %dma_start3A_193 = arith.constant 0 : i32
        %dma_start3A_194 = tpu.memref_slice %arg5[%dma_start3A_192, %dma_start3A_193] : memref<100000x128xf32, #tpu.memory_space<hbm>> -> memref<100000x128xf32, #tpu.memory_space<hbm>>
        tpu.enqueue_indirect_dma source(%dma_start3A_194 : memref<100000x128xf32, #tpu.memory_space<hbm>>) target(%arg14 : memref<8x128xf32, #tpu.memory_space<vmem>>) offsets(%dma_start3A_191 : memref<8xi32, #tpu.memory_space<vmem>>) semaphore(%arg20 : memref<!tpu.dma_semaphore, #tpu.memory_space<semaphore_mem>>)
      } else {
      }
      %mul3A_139 = arith.constant 80 : i32
      %mul3A_140 = arith.muli %add3A_133, %mul3A_139 : i32
      %dma_wait3A_141 = tpu.memref_slice %arg8[%mul3A_140] : memref<17760xi32, #tpu.memory_space<vmem>> -> memref<80xi32, #tpu.memory_space<vmem>>
      %dma_wait3A_142 = arith.constant 0 : i32
      %dma_wait3A_143 = arith.constant 0 : i32
      %dma_wait3A_144 = tpu.memref_slice %arg5[%dma_wait3A_142, %dma_wait3A_143] : memref<100000x128xf32, #tpu.memory_space<hbm>> -> memref<100000x128xf32, #tpu.memory_space<hbm>>
      tpu.wait_indirect_dma semaphore(%arg18 : memref<!tpu.dma_semaphore, #tpu.memory_space<semaphore_mem>>) src(%dma_wait3A_144 : memref<100000x128xf32, #tpu.memory_space<hbm>>) dst(%arg12 : memref<80x128xf32, #tpu.memory_space<vmem>>)
      %scan3A_145 = arith.constant 0 : i32
      %scan3A_146 = arith.constant 0 : i32
      %scan3A_147 = arith.constant 8 : i32
      %scan3A_148 = arith.addi %scan3A_146, %scan3A_147 : i32
      %scan3A_149 = arith.constant 1 : i32
      %scan3A_150 = scf.for %scan3A_176 = %scan3A_146 to %scan3A_148 step %scan3A_149 iter_args(%scan3A_177 = %scan3A_145) -> (i32)  : i32 {
        %mul3A_178 = arith.constant 10 : i32
        %mul3A_179 = arith.muli %scan3A_176, %mul3A_178 : i32
        %mul3A_180 = arith.constant 80 : i32
        %mul3A_181 = arith.muli %add3A_133, %mul3A_180 : i32
        %add3A_182 = arith.addi %mul3A_181, %mul3A_179 : i32
        %add3A_183 = arith.constant 0 : i32
        %add3A_184 = arith.addi %add3A_182, %add3A_183 : i32
        %broadcast_in_dim3A = vector.broadcast %add3A_184 : i32 to vector<16xi32>
        %gather3A = tpu.vector_load_idx %arg10[%broadcast_in_dim3A] : memref<17760xf32, #tpu.memory_space<vmem>>[vector<16xi32>], vector<16xf32>,
        %add3A_185 = arith.constant 1 : i32
        %add3A_186 = arith.addi %add3A_182, %add3A_185 : i32
        %broadcast_in_dim3A_187 = vector.broadcast %add3A_186 : i32 to vector<16xi32>
        %gather3A_188 = tpu.vector_load_idx %arg10[%broadcast_in_dim3A_187] : memref<17760xf32, #tpu.memory_space<vmem>>[vector<16xi32>], vector<16xf32>,
        %add3A_189 = arith.constant 2 : i32
        %add3A_190 = arith.addi %add3A_182, %add3A_189 : i32
        %broadcast_in_dim3A_191 = vector.broadcast %add3A_190 : i32 to vector<16xi32>
        %gather3A_192 = tpu.vector_load_idx %arg10[%broadcast_in_dim3A_191] : memref<17760xf32, #tpu.memory_space<vmem>>[vector<16xi32>], vector<16xf32>,
        %add3A_193 = arith.constant 3 : i32
        %add3A_194 = arith.addi %add3A_182, %add3A_193 : i32
        %broadcast_in_dim3A_195 = vector.broadcast %add3A_194 : i32 to vector<16xi32>
        %gather3A_196 = tpu.vector_load_idx %arg10[%broadcast_in_dim3A_195] : memref<17760xf32, #tpu.memory_space<vmem>>[vector<16xi32>], vector<16xf32>,
        %add3A_197 = arith.constant 4 : i32
        %add3A_198 = arith.addi %add3A_182, %add3A_197 : i32
        %broadcast_in_dim3A_199 = vector.broadcast %add3A_198 : i32 to vector<16xi32>
        %gather3A_200 = tpu.vector_load_idx %arg10[%broadcast_in_dim3A_199] : memref<17760xf32, #tpu.memory_space<vmem>>[vector<16xi32>], vector<16xf32>,
        %add3A_201 = arith.constant 5 : i32
        %add3A_202 = arith.addi %add3A_182, %add3A_201 : i32
        %broadcast_in_dim3A_203 = vector.broadcast %add3A_202 : i32 to vector<16xi32>
        %gather3A_204 = tpu.vector_load_idx %arg10[%broadcast_in_dim3A_203] : memref<17760xf32, #tpu.memory_space<vmem>>[vector<16xi32>], vector<16xf32>,
        %add3A_205 = arith.constant 6 : i32
        %add3A_206 = arith.addi %add3A_182, %add3A_205 : i32
        %broadcast_in_dim3A_207 = vector.broadcast %add3A_206 : i32 to vector<16xi32>
        %gather3A_208 = tpu.vector_load_idx %arg10[%broadcast_in_dim3A_207] : memref<17760xf32, #tpu.memory_space<vmem>>[vector<16xi32>], vector<16xf32>,
        %add3A_209 = arith.constant 7 : i32
        %add3A_210 = arith.addi %add3A_182, %add3A_209 : i32
        %broadcast_in_dim3A_211 = vector.broadcast %add3A_210 : i32 to vector<16xi32>
        %gather3A_212 = tpu.vector_load_idx %arg10[%broadcast_in_dim3A_211] : memref<17760xf32, #tpu.memory_space<vmem>>[vector<16xi32>], vector<16xf32>,
        %add3A_213 = arith.constant 8 : i32
        %add3A_214 = arith.addi %add3A_182, %add3A_213 : i32
        %broadcast_in_dim3A_215 = vector.broadcast %add3A_214 : i32 to vector<16xi32>
        %gather3A_216 = tpu.vector_load_idx %arg10[%broadcast_in_dim3A_215] : memref<17760xf32, #tpu.memory_space<vmem>>[vector<16xi32>], vector<16xf32>,
        %add3A_217 = arith.constant 9 : i32
        %add3A_218 = arith.addi %add3A_182, %add3A_217 : i32
        %broadcast_in_dim3A_219 = vector.broadcast %add3A_218 : i32 to vector<16xi32>
        %gather3A_220 = tpu.vector_load_idx %arg10[%broadcast_in_dim3A_219] : memref<17760xf32, #tpu.memory_space<vmem>>[vector<16xi32>], vector<16xf32>,
        %add3A_221 = arith.addf %gather3A, %gather3A_188 : vector<16xf32>
        %add3A_222 = arith.addf %add3A_221, %gather3A_192 : vector<16xf32>
        %add3A_223 = arith.addf %add3A_222, %gather3A_196 : vector<16xf32>
        %add3A_224 = arith.addf %add3A_223, %gather3A_200 : vector<16xf32>
        %add3A_225 = arith.addf %add3A_224, %gather3A_204 : vector<16xf32>
        %add3A_226 = arith.addf %add3A_225, %gather3A_208 : vector<16xf32>
        %add3A_227 = arith.addf %add3A_226, %gather3A_212 : vector<16xf32>
        %add3A_228 = arith.addf %add3A_227, %gather3A_216 : vector<16xf32>
        %add3A_229 = arith.addf %add3A_228, %gather3A_220 : vector<16xf32>
        %div3A_230 = arith.constant 1.000000e+00 : f32
        %div3A_231 = vector.broadcast %div3A_230 : f32 to vector<16xf32>
        %div3A_232 = arith.divf %div3A_231, %add3A_229 : vector<16xf32>
        %get3A = arith.index_cast %mul3A_179 : i32 to index
        %get3A_233 = arith.constant 0 : index
        %get3A_234 = tpu.vector_load %arg12[%get3A, %get3A_233] {strides = array<i32>} : memref<80x128xf32, #tpu.memory_space<vmem>>, vector<16xf32>,
        %mul3A_235 = arith.mulf %gather3A, %get3A_234 : vector<16xf32>
        %add3A_236 = arith.constant 1 : i32
        %add3A_237 = arith.addi %mul3A_179, %add3A_236 : i32
        %get3A_238 = arith.index_cast %add3A_237 : i32 to index
        %get3A_239 = arith.constant 0 : index
        %get3A_240 = tpu.vector_load %arg12[%get3A_238, %get3A_239] {strides = array<i32>} : memref<80x128xf32, #tpu.memory_space<vmem>>, vector<16xf32>,
        %mul3A_241 = arith.mulf %gather3A_188, %get3A_240 : vector<16xf32>
        %add3A_242 = arith.addf %mul3A_235, %mul3A_241 : vector<16xf32>
        %add3A_243 = arith.constant 2 : i32
        %add3A_244 = arith.addi %mul3A_179, %add3A_243 : i32
        %get3A_245 = arith.index_cast %add3A_244 : i32 to index
        %get3A_246 = arith.constant 0 : index
        %get3A_247 = tpu.vector_load %arg12[%get3A_245, %get3A_246] {strides = array<i32>} : memref<80x128xf32, #tpu.memory_space<vmem>>, vector<16xf32>,
        %mul3A_248 = arith.mulf %gather3A_192, %get3A_247 : vector<16xf32>
        %add3A_249 = arith.addf %add3A_242, %mul3A_248 : vector<16xf32>
        %add3A_250 = arith.constant 3 : i32
        %add3A_251 = arith.addi %mul3A_179, %add3A_250 : i32
        %get3A_252 = arith.index_cast %add3A_251 : i32 to index
        %get3A_253 = arith.constant 0 : index
        %get3A_254 = tpu.vector_load %arg12[%get3A_252, %get3A_253] {strides = array<i32>} : memref<80x128xf32, #tpu.memory_space<vmem>>, vector<16xf32>,
        %mul3A_255 = arith.mulf %gather3A_196, %get3A_254 : vector<16xf32>
        %add3A_256 = arith.addf %add3A_249, %mul3A_255 : vector<16xf32>
        %add3A_257 = arith.constant 4 : i32
        %add3A_258 = arith.addi %mul3A_179, %add3A_257 : i32
        %get3A_259 = arith.index_cast %add3A_258 : i32 to index
        %get3A_260 = arith.constant 0 : index
        %get3A_261 = tpu.vector_load %arg12[%get3A_259, %get3A_260] {strides = array<i32>} : memref<80x128xf32, #tpu.memory_space<vmem>>, vector<16xf32>,
        %mul3A_262 = arith.mulf %gather3A_200, %get3A_261 : vector<16xf32>
        %add3A_263 = arith.addf %add3A_256, %mul3A_262 : vector<16xf32>
        %add3A_264 = arith.constant 5 : i32
        %add3A_265 = arith.addi %mul3A_179, %add3A_264 : i32
        %get3A_266 = arith.index_cast %add3A_265 : i32 to index
        %get3A_267 = arith.constant 0 : index
        %get3A_268 = tpu.vector_load %arg12[%get3A_266, %get3A_267] {strides = array<i32>} : memref<80x128xf32, #tpu.memory_space<vmem>>, vector<16xf32>,
        %mul3A_269 = arith.mulf %gather3A_204, %get3A_268 : vector<16xf32>
        %add3A_270 = arith.addf %add3A_263, %mul3A_269 : vector<16xf32>
        %add3A_271 = arith.constant 6 : i32
        %add3A_272 = arith.addi %mul3A_179, %add3A_271 : i32
        %get3A_273 = arith.index_cast %add3A_272 : i32 to index
        %get3A_274 = arith.constant 0 : index
        %get3A_275 = tpu.vector_load %arg12[%get3A_273, %get3A_274] {strides = array<i32>} : memref<80x128xf32, #tpu.memory_space<vmem>>, vector<16xf32>,
        %mul3A_276 = arith.mulf %gather3A_208, %get3A_275 : vector<16xf32>
        %add3A_277 = arith.addf %add3A_270, %mul3A_276 : vector<16xf32>
        %add3A_278 = arith.constant 7 : i32
        %add3A_279 = arith.addi %mul3A_179, %add3A_278 : i32
        %get3A_280 = arith.index_cast %add3A_279 : i32 to index
        %get3A_281 = arith.constant 0 : index
        %get3A_282 = tpu.vector_load %arg12[%get3A_280, %get3A_281] {strides = array<i32>} : memref<80x128xf32, #tpu.memory_space<vmem>>, vector<16xf32>,
        %mul3A_283 = arith.mulf %gather3A_212, %get3A_282 : vector<16xf32>
        %add3A_284 = arith.addf %add3A_277, %mul3A_283 : vector<16xf32>
        %add3A_285 = arith.constant 8 : i32
        %add3A_286 = arith.addi %mul3A_179, %add3A_285 : i32
        %get3A_287 = arith.index_cast %add3A_286 : i32 to index
        %get3A_288 = arith.constant 0 : index
        %get3A_289 = tpu.vector_load %arg12[%get3A_287, %get3A_288] {strides = array<i32>} : memref<80x128xf32, #tpu.memory_space<vmem>>, vector<16xf32>,
        %mul3A_290 = arith.mulf %gather3A_216, %get3A_289 : vector<16xf32>
        %add3A_291 = arith.addf %add3A_284, %mul3A_290 : vector<16xf32>
        %add3A_292 = arith.constant 9 : i32
        %add3A_293 = arith.addi %mul3A_179, %add3A_292 : i32
        %get3A_294 = arith.index_cast %add3A_293 : i32 to index
        %get3A_295 = arith.constant 0 : index
        %get3A_296 = tpu.vector_load %arg12[%get3A_294, %get3A_295] {strides = array<i32>} : memref<80x128xf32, #tpu.memory_space<vmem>>, vector<16xf32>,
        %mul3A_297 = arith.mulf %gather3A_220, %get3A_296 : vector<16xf32>
        %add3A_298 = arith.addf %add3A_291, %mul3A_297 : vector<16xf32>
        %mul3A_299 = arith.mulf %add3A_298, %div3A_232 : vector<16xf32>
        %swap3A = arith.index_cast %scan3A_176 : i32 to index
        %swap3A_300 = arith.constant 0 : index
        %swap3A_301 = tpu.vector_load %arg16[%swap3A, %swap3A_300] {strides = array<i32>} : memref<8x128xf32, #tpu.memory_space<vmem>>, vector<16xf32>,
        tpu.vector_store %arg16[%swap3A, %swap3A_300], %mul3A_299 {strides = array<i32>} : memref<8x128xf32, #tpu.memory_space<vmem>>, vector<16xf32>,
        %get3A_302 = arith.index_cast %mul3A_179 : i32 to index
        %get3A_303 = arith.constant 16 : index
        %get3A_304 = tpu.vector_load %arg12[%get3A_302, %get3A_303] {strides = array<i32>} : memref<80x128xf32, #tpu.memory_space<vmem>>, vector<16xf32>,
        %mul3A_305 = arith.mulf %gather3A, %get3A_304 : vector<16xf32>
        %add3A_306 = arith.constant 1 : i32
        %add3A_307 = arith.addi %mul3A_179, %add3A_306 : i32
        %get3A_308 = arith.index_cast %add3A_307 : i32 to index
        %get3A_309 = arith.constant 16 : index
        %get3A_310 = tpu.vector_load %arg12[%get3A_308, %get3A_309] {strides = array<i32>} : memref<80x128xf32, #tpu.memory_space<vmem>>, vector<16xf32>,
        %mul3A_311 = arith.mulf %gather3A_188, %get3A_310 : vector<16xf32>
        %add3A_312 = arith.addf %mul3A_305, %mul3A_311 : vector<16xf32>
        %add3A_313 = arith.constant 2 : i32
        %add3A_314 = arith.addi %mul3A_179, %add3A_313 : i32
        %get3A_315 = arith.index_cast %add3A_314 : i32 to index
        %get3A_316 = arith.constant 16 : index
        %get3A_317 = tpu.vector_load %arg12[%get3A_315, %get3A_316] {strides = array<i32>} : memref<80x128xf32, #tpu.memory_space<vmem>>, vector<16xf32>,
        %mul3A_318 = arith.mulf %gather3A_192, %get3A_317 : vector<16xf32>
        %add3A_319 = arith.addf %add3A_312, %mul3A_318 : vector<16xf32>
        %add3A_320 = arith.constant 3 : i32
        %add3A_321 = arith.addi %mul3A_179, %add3A_320 : i32
        %get3A_322 = arith.index_cast %add3A_321 : i32 to index
        %get3A_323 = arith.constant 16 : index
        %get3A_324 = tpu.vector_load %arg12[%get3A_322, %get3A_323] {strides = array<i32>} : memref<80x128xf32, #tpu.memory_space<vmem>>, vector<16xf32>,
        %mul3A_325 = arith.mulf %gather3A_196, %get3A_324 : vector<16xf32>
        %add3A_326 = arith.addf %add3A_319, %mul3A_325 : vector<16xf32>
        %add3A_327 = arith.constant 4 : i32
        %add3A_328 = arith.addi %mul3A_179, %add3A_327 : i32
        %get3A_329 = arith.index_cast %add3A_328 : i32 to index
        %get3A_330 = arith.constant 16 : index
        %get3A_331 = tpu.vector_load %arg12[%get3A_329, %get3A_330] {strides = array<i32>} : memref<80x128xf32, #tpu.memory_space<vmem>>, vector<16xf32>,
        %mul3A_332 = arith.mulf %gather3A_200, %get3A_331 : vector<16xf32>
        %add3A_333 = arith.addf %add3A_326, %mul3A_332 : vector<16xf32>
        %add3A_334 = arith.constant 5 : i32
        %add3A_335 = arith.addi %mul3A_179, %add3A_334 : i32
        %get3A_336 = arith.index_cast %add3A_335 : i32 to index
        %get3A_337 = arith.constant 16 : index
        %get3A_338 = tpu.vector_load %arg12[%get3A_336, %get3A_337] {strides = array<i32>} : memref<80x128xf32, #tpu.memory_space<vmem>>, vector<16xf32>,
        %mul3A_339 = arith.mulf %gather3A_204, %get3A_338 : vector<16xf32>
        %add3A_340 = arith.addf %add3A_333, %mul3A_339 : vector<16xf32>
        %add3A_341 = arith.constant 6 : i32
        %add3A_342 = arith.addi %mul3A_179, %add3A_341 : i32
        %get3A_343 = arith.index_cast %add3A_342 : i32 to index
        %get3A_344 = arith.constant 16 : index
        %get3A_345 = tpu.vector_load %arg12[%get3A_343, %get3A_344] {strides = array<i32>} : memref<80x128xf32, #tpu.memory_space<vmem>>, vector<16xf32>,
        %mul3A_346 = arith.mulf %gather3A_208, %get3A_345 : vector<16xf32>
        %add3A_347 = arith.addf %add3A_340, %mul3A_346 : vector<16xf32>
        %add3A_348 = arith.constant 7 : i32
        %add3A_349 = arith.addi %mul3A_179, %add3A_348 : i32
        %get3A_350 = arith.index_cast %add3A_349 : i32 to index
        %get3A_351 = arith.constant 16 : index
        %get3A_352 = tpu.vector_load %arg12[%get3A_350, %get3A_351] {strides = array<i32>} : memref<80x128xf32, #tpu.memory_space<vmem>>, vector<16xf32>,
        %mul3A_353 = arith.mulf %gather3A_212, %get3A_352 : vector<16xf32>
        %add3A_354 = arith.addf %add3A_347, %mul3A_353 : vector<16xf32>
        %add3A_355 = arith.constant 8 : i32
        %add3A_356 = arith.addi %mul3A_179, %add3A_355 : i32
        %get3A_357 = arith.index_cast %add3A_356 : i32 to index
        %get3A_358 = arith.constant 16 : index
        %get3A_359 = tpu.vector_load %arg12[%get3A_357, %get3A_358] {strides = array<i32>} : memref<80x128xf32, #tpu.memory_space<vmem>>, vector<16xf32>,
        %mul3A_360 = arith.mulf %gather3A_216, %get3A_359 : vector<16xf32>
        %add3A_361 = arith.addf %add3A_354, %mul3A_360 : vector<16xf32>
        %add3A_362 = arith.constant 9 : i32
        %add3A_363 = arith.addi %mul3A_179, %add3A_362 : i32
        %get3A_364 = arith.index_cast %add3A_363 : i32 to index
        %get3A_365 = arith.constant 16 : index
        %get3A_366 = tpu.vector_load %arg12[%get3A_364, %get3A_365] {strides = array<i32>} : memref<80x128xf32, #tpu.memory_space<vmem>>, vector<16xf32>,
        %mul3A_367 = arith.mulf %gather3A_220, %get3A_366 : vector<16xf32>
        %add3A_368 = arith.addf %add3A_361, %mul3A_367 : vector<16xf32>
        %mul3A_369 = arith.mulf %add3A_368, %div3A_232 : vector<16xf32>
        %swap3A_370 = arith.index_cast %scan3A_176 : i32 to index
        %swap3A_371 = arith.constant 16 : index
        %swap3A_372 = tpu.vector_load %arg16[%swap3A_370, %swap3A_371] {strides = array<i32>} : memref<8x128xf32, #tpu.memory_space<vmem>>, vector<16xf32>,
        tpu.vector_store %arg16[%swap3A_370, %swap3A_371], %mul3A_369 {strides = array<i32>} : memref<8x128xf32, #tpu.memory_space<vmem>>, vector<16xf32>,
        %get3A_373 = arith.index_cast %mul3A_179 : i32 to index
        %get3A_374 = arith.constant 32 : index
        %get3A_375 = tpu.vector_load %arg12[%get3A_373, %get3A_374] {strides = array<i32>} : memref<80x128xf32, #tpu.memory_space<vmem>>, vector<16xf32>,
        %mul3A_376 = arith.mulf %gather3A, %get3A_375 : vector<16xf32>
        %add3A_377 = arith.constant 1 : i32
        %add3A_378 = arith.addi %mul3A_179, %add3A_377 : i32
        %get3A_379 = arith.index_cast %add3A_378 : i32 to index
        %get3A_380 = arith.constant 32 : index
        %get3A_381 = tpu.vector_load %arg12[%get3A_379, %get3A_380] {strides = array<i32>} : memref<80x128xf32, #tpu.memory_space<vmem>>, vector<16xf32>,
        %mul3A_382 = arith.mulf %gather3A_188, %get3A_381 : vector<16xf32>
        %add3A_383 = arith.addf %mul3A_376, %mul3A_382 : vector<16xf32>
        %add3A_384 = arith.constant 2 : i32
        %add3A_385 = arith.addi %mul3A_179, %add3A_384 : i32
        %get3A_386 = arith.index_cast %add3A_385 : i32 to index
        %get3A_387 = arith.constant 32 : index
        %get3A_388 = tpu.vector_load %arg12[%get3A_386, %get3A_387] {strides = array<i32>} : memref<80x128xf32, #tpu.memory_space<vmem>>, vector<16xf32>,
        %mul3A_389 = arith.mulf %gather3A_192, %get3A_388 : vector<16xf32>
        %add3A_390 = arith.addf %add3A_383, %mul3A_389 : vector<16xf32>
        %add3A_391 = arith.constant 3 : i32
        %add3A_392 = arith.addi %mul3A_179, %add3A_391 : i32
        %get3A_393 = arith.index_cast %add3A_392 : i32 to index
        %get3A_394 = arith.constant 32 : index
        %get3A_395 = tpu.vector_load %arg12[%get3A_393, %get3A_394] {strides = array<i32>} : memref<80x128xf32, #tpu.memory_space<vmem>>, vector<16xf32>,
        %mul3A_396 = arith.mulf %gather3A_196, %get3A_395 : vector<16xf32>
        %add3A_397 = arith.addf %add3A_390, %mul3A_396 : vector<16xf32>
        %add3A_398 = arith.constant 4 : i32
        %add3A_399 = arith.addi %mul3A_179, %add3A_398 : i32
        %get3A_400 = arith.index_cast %add3A_399 : i32 to index
        %get3A_401 = arith.constant 32 : index
        %get3A_402 = tpu.vector_load %arg12[%get3A_400, %get3A_401] {strides = array<i32>} : memref<80x128xf32, #tpu.memory_space<vmem>>, vector<16xf32>,
        %mul3A_403 = arith.mulf %gather3A_200, %get3A_402 : vector<16xf32>
        %add3A_404 = arith.addf %add3A_397, %mul3A_403 : vector<16xf32>
        %add3A_405 = arith.constant 5 : i32
        %add3A_406 = arith.addi %mul3A_179, %add3A_405 : i32
        %get3A_407 = arith.index_cast %add3A_406 : i32 to index
        %get3A_408 = arith.constant 32 : index
        %get3A_409 = tpu.vector_load %arg12[%get3A_407, %get3A_408] {strides = array<i32>} : memref<80x128xf32, #tpu.memory_space<vmem>>, vector<16xf32>,
        %mul3A_410 = arith.mulf %gather3A_204, %get3A_409 : vector<16xf32>
        %add3A_411 = arith.addf %add3A_404, %mul3A_410 : vector<16xf32>
        %add3A_412 = arith.constant 6 : i32
        %add3A_413 = arith.addi %mul3A_179, %add3A_412 : i32
        %get3A_414 = arith.index_cast %add3A_413 : i32 to index
        %get3A_415 = arith.constant 32 : index
        %get3A_416 = tpu.vector_load %arg12[%get3A_414, %get3A_415] {strides = array<i32>} : memref<80x128xf32, #tpu.memory_space<vmem>>, vector<16xf32>,
        %mul3A_417 = arith.mulf %gather3A_208, %get3A_416 : vector<16xf32>
        %add3A_418 = arith.addf %add3A_411, %mul3A_417 : vector<16xf32>
        %add3A_419 = arith.constant 7 : i32
        %add3A_420 = arith.addi %mul3A_179, %add3A_419 : i32
        %get3A_421 = arith.index_cast %add3A_420 : i32 to index
        %get3A_422 = arith.constant 32 : index
        %get3A_423 = tpu.vector_load %arg12[%get3A_421, %get3A_422] {strides = array<i32>} : memref<80x128xf32, #tpu.memory_space<vmem>>, vector<16xf32>,
        %mul3A_424 = arith.mulf %gather3A_212, %get3A_423 : vector<16xf32>
        %add3A_425 = arith.addf %add3A_418, %mul3A_424 : vector<16xf32>
        %add3A_426 = arith.constant 8 : i32
        %add3A_427 = arith.addi %mul3A_179, %add3A_426 : i32
        %get3A_428 = arith.index_cast %add3A_427 : i32 to index
        %get3A_429 = arith.constant 32 : index
        %get3A_430 = tpu.vector_load %arg12[%get3A_428, %get3A_429] {strides = array<i32>} : memref<80x128xf32, #tpu.memory_space<vmem>>, vector<16xf32>,
        %mul3A_431 = arith.mulf %gather3A_216, %get3A_430 : vector<16xf32>
        %add3A_432 = arith.addf %add3A_425, %mul3A_431 : vector<16xf32>
        %add3A_433 = arith.constant 9 : i32
        %add3A_434 = arith.addi %mul3A_179, %add3A_433 : i32
        %get3A_435 = arith.index_cast %add3A_434 : i32 to index
        %get3A_436 = arith.constant 32 : index
        %get3A_437 = tpu.vector_load %arg12[%get3A_435, %get3A_436] {strides = array<i32>} : memref<80x128xf32, #tpu.memory_space<vmem>>, vector<16xf32>,
        %mul3A_438 = arith.mulf %gather3A_220, %get3A_437 : vector<16xf32>
        %add3A_439 = arith.addf %add3A_432, %mul3A_438 : vector<16xf32>
        %mul3A_440 = arith.mulf %add3A_439, %div3A_232 : vector<16xf32>
        %swap3A_441 = arith.index_cast %scan3A_176 : i32 to index
        %swap3A_442 = arith.constant 32 : index
        %swap3A_443 = tpu.vector_load %arg16[%swap3A_441, %swap3A_442] {strides = array<i32>} : memref<8x128xf32, #tpu.memory_space<vmem>>, vector<16xf32>,
        tpu.vector_store %arg16[%swap3A_441, %swap3A_442], %mul3A_440 {strides = array<i32>} : memref<8x128xf32, #tpu.memory_space<vmem>>, vector<16xf32>,
        %get3A_444 = arith.index_cast %mul3A_179 : i32 to index
        %get3A_445 = arith.constant 48 : index
        %get3A_446 = tpu.vector_load %arg12[%get3A_444, %get3A_445] {strides = array<i32>} : memref<80x128xf32, #tpu.memory_space<vmem>>, vector<16xf32>,
        %mul3A_447 = arith.mulf %gather3A, %get3A_446 : vector<16xf32>
        %add3A_448 = arith.constant 1 : i32
        %add3A_449 = arith.addi %mul3A_179, %add3A_448 : i32
        %get3A_450 = arith.index_cast %add3A_449 : i32 to index
        %get3A_451 = arith.constant 48 : index
        %get3A_452 = tpu.vector_load %arg12[%get3A_450, %get3A_451] {strides = array<i32>} : memref<80x128xf32, #tpu.memory_space<vmem>>, vector<16xf32>,
        %mul3A_453 = arith.mulf %gather3A_188, %get3A_452 : vector<16xf32>
        %add3A_454 = arith.addf %mul3A_447, %mul3A_453 : vector<16xf32>
        %add3A_455 = arith.constant 2 : i32
        %add3A_456 = arith.addi %mul3A_179, %add3A_455 : i32
        %get3A_457 = arith.index_cast %add3A_456 : i32 to index
        %get3A_458 = arith.constant 48 : index
        %get3A_459 = tpu.vector_load %arg12[%get3A_457, %get3A_458] {strides = array<i32>} : memref<80x128xf32, #tpu.memory_space<vmem>>, vector<16xf32>,
        %mul3A_460 = arith.mulf %gather3A_192, %get3A_459 : vector<16xf32>
        %add3A_461 = arith.addf %add3A_454, %mul3A_460 : vector<16xf32>
        %add3A_462 = arith.constant 3 : i32
        %add3A_463 = arith.addi %mul3A_179, %add3A_462 : i32
        %get3A_464 = arith.index_cast %add3A_463 : i32 to index
        %get3A_465 = arith.constant 48 : index
        %get3A_466 = tpu.vector_load %arg12[%get3A_464, %get3A_465] {strides = array<i32>} : memref<80x128xf32, #tpu.memory_space<vmem>>, vector<16xf32>,
        %mul3A_467 = arith.mulf %gather3A_196, %get3A_466 : vector<16xf32>
        %add3A_468 = arith.addf %add3A_461, %mul3A_467 : vector<16xf32>
        %add3A_469 = arith.constant 4 : i32
        %add3A_470 = arith.addi %mul3A_179, %add3A_469 : i32
        %get3A_471 = arith.index_cast %add3A_470 : i32 to index
        %get3A_472 = arith.constant 48 : index
        %get3A_473 = tpu.vector_load %arg12[%get3A_471, %get3A_472] {strides = array<i32>} : memref<80x128xf32, #tpu.memory_space<vmem>>, vector<16xf32>,
        %mul3A_474 = arith.mulf %gather3A_200, %get3A_473 : vector<16xf32>
        %add3A_475 = arith.addf %add3A_468, %mul3A_474 : vector<16xf32>
        %add3A_476 = arith.constant 5 : i32
        %add3A_477 = arith.addi %mul3A_179, %add3A_476 : i32
        %get3A_478 = arith.index_cast %add3A_477 : i32 to index
        %get3A_479 = arith.constant 48 : index
        %get3A_480 = tpu.vector_load %arg12[%get3A_478, %get3A_479] {strides = array<i32>} : memref<80x128xf32, #tpu.memory_space<vmem>>, vector<16xf32>,
        %mul3A_481 = arith.mulf %gather3A_204, %get3A_480 : vector<16xf32>
        %add3A_482 = arith.addf %add3A_475, %mul3A_481 : vector<16xf32>
        %add3A_483 = arith.constant 6 : i32
        %add3A_484 = arith.addi %mul3A_179, %add3A_483 : i32
        %get3A_485 = arith.index_cast %add3A_484 : i32 to index
        %get3A_486 = arith.constant 48 : index
        %get3A_487 = tpu.vector_load %arg12[%get3A_485, %get3A_486] {strides = array<i32>} : memref<80x128xf32, #tpu.memory_space<vmem>>, vector<16xf32>,
        %mul3A_488 = arith.mulf %gather3A_208, %get3A_487 : vector<16xf32>
        %add3A_489 = arith.addf %add3A_482, %mul3A_488 : vector<16xf32>
        %add3A_490 = arith.constant 7 : i32
        %add3A_491 = arith.addi %mul3A_179, %add3A_490 : i32
        %get3A_492 = arith.index_cast %add3A_491 : i32 to index
        %get3A_493 = arith.constant 48 : index
        %get3A_494 = tpu.vector_load %arg12[%get3A_492, %get3A_493] {strides = array<i32>} : memref<80x128xf32, #tpu.memory_space<vmem>>, vector<16xf32>,
        %mul3A_495 = arith.mulf %gather3A_212, %get3A_494 : vector<16xf32>
        %add3A_496 = arith.addf %add3A_489, %mul3A_495 : vector<16xf32>
        %add3A_497 = arith.constant 8 : i32
        %add3A_498 = arith.addi %mul3A_179, %add3A_497 : i32
        %get3A_499 = arith.index_cast %add3A_498 : i32 to index
        %get3A_500 = arith.constant 48 : index
        %get3A_501 = tpu.vector_load %arg12[%get3A_499, %get3A_500] {strides = array<i32>} : memref<80x128xf32, #tpu.memory_space<vmem>>, vector<16xf32>,
        %mul3A_502 = arith.mulf %gather3A_216, %get3A_501 : vector<16xf32>
        %add3A_503 = arith.addf %add3A_496, %mul3A_502 : vector<16xf32>
        %add3A_504 = arith.constant 9 : i32
        %add3A_505 = arith.addi %mul3A_179, %add3A_504 : i32
        %get3A_506 = arith.index_cast %add3A_505 : i32 to index
        %get3A_507 = arith.constant 48 : index
        %get3A_508 = tpu.vector_load %arg12[%get3A_506, %get3A_507] {strides = array<i32>} : memref<80x128xf32, #tpu.memory_space<vmem>>, vector<16xf32>,
        %mul3A_509 = arith.mulf %gather3A_220, %get3A_508 : vector<16xf32>
        %add3A_510 = arith.addf %add3A_503, %mul3A_509 : vector<16xf32>
        %mul3A_511 = arith.mulf %add3A_510, %div3A_232 : vector<16xf32>
        %swap3A_512 = arith.index_cast %scan3A_176 : i32 to index
        %swap3A_513 = arith.constant 48 : index
        %swap3A_514 = tpu.vector_load %arg16[%swap3A_512, %swap3A_513] {strides = array<i32>} : memref<8x128xf32, #tpu.memory_space<vmem>>, vector<16xf32>,
        tpu.vector_store %arg16[%swap3A_512, %swap3A_513], %mul3A_511 {strides = array<i32>} : memref<8x128xf32, #tpu.memory_space<vmem>>, vector<16xf32>,
        %get3A_515 = arith.index_cast %mul3A_179 : i32 to index
        %get3A_516 = arith.constant 64 : index
        %get3A_517 = tpu.vector_load %arg12[%get3A_515, %get3A_516] {strides = array<i32>} : memref<80x128xf32, #tpu.memory_space<vmem>>, vector<16xf32>,
        %mul3A_518 = arith.mulf %gather3A, %get3A_517 : vector<16xf32>
        %add3A_519 = arith.constant 1 : i32
        %add3A_520 = arith.addi %mul3A_179, %add3A_519 : i32
        %get3A_521 = arith.index_cast %add3A_520 : i32 to index
        %get3A_522 = arith.constant 64 : index
        %get3A_523 = tpu.vector_load %arg12[%get3A_521, %get3A_522] {strides = array<i32>} : memref<80x128xf32, #tpu.memory_space<vmem>>, vector<16xf32>,
        %mul3A_524 = arith.mulf %gather3A_188, %get3A_523 : vector<16xf32>
        %add3A_525 = arith.addf %mul3A_518, %mul3A_524 : vector<16xf32>
        %add3A_526 = arith.constant 2 : i32
        %add3A_527 = arith.addi %mul3A_179, %add3A_526 : i32
        %get3A_528 = arith.index_cast %add3A_527 : i32 to index
        %get3A_529 = arith.constant 64 : index
        %get3A_530 = tpu.vector_load %arg12[%get3A_528, %get3A_529] {strides = array<i32>} : memref<80x128xf32, #tpu.memory_space<vmem>>, vector<16xf32>,
        %mul3A_531 = arith.mulf %gather3A_192, %get3A_530 : vector<16xf32>
        %add3A_532 = arith.addf %add3A_525, %mul3A_531 : vector<16xf32>
        %add3A_533 = arith.constant 3 : i32
        %add3A_534 = arith.addi %mul3A_179, %add3A_533 : i32
        %get3A_535 = arith.index_cast %add3A_534 : i32 to index
        %get3A_536 = arith.constant 64 : index
        %get3A_537 = tpu.vector_load %arg12[%get3A_535, %get3A_536] {strides = array<i32>} : memref<80x128xf32, #tpu.memory_space<vmem>>, vector<16xf32>,
        %mul3A_538 = arith.mulf %gather3A_196, %get3A_537 : vector<16xf32>
        %add3A_539 = arith.addf %add3A_532, %mul3A_538 : vector<16xf32>
        %add3A_540 = arith.constant 4 : i32
        %add3A_541 = arith.addi %mul3A_179, %add3A_540 : i32
        %get3A_542 = arith.index_cast %add3A_541 : i32 to index
        %get3A_543 = arith.constant 64 : index
        %get3A_544 = tpu.vector_load %arg12[%get3A_542, %get3A_543] {strides = array<i32>} : memref<80x128xf32, #tpu.memory_space<vmem>>, vector<16xf32>,
        %mul3A_545 = arith.mulf %gather3A_200, %get3A_544 : vector<16xf32>
        %add3A_546 = arith.addf %add3A_539, %mul3A_545 : vector<16xf32>
        %add3A_547 = arith.constant 5 : i32
        %add3A_548 = arith.addi %mul3A_179, %add3A_547 : i32
        %get3A_549 = arith.index_cast %add3A_548 : i32 to index
        %get3A_550 = arith.constant 64 : index
        %get3A_551 = tpu.vector_load %arg12[%get3A_549, %get3A_550] {strides = array<i32>} : memref<80x128xf32, #tpu.memory_space<vmem>>, vector<16xf32>,
        %mul3A_552 = arith.mulf %gather3A_204, %get3A_551 : vector<16xf32>
        %add3A_553 = arith.addf %add3A_546, %mul3A_552 : vector<16xf32>
        %add3A_554 = arith.constant 6 : i32
        %add3A_555 = arith.addi %mul3A_179, %add3A_554 : i32
        %get3A_556 = arith.index_cast %add3A_555 : i32 to index
        %get3A_557 = arith.constant 64 : index
        %get3A_558 = tpu.vector_load %arg12[%get3A_556, %get3A_557] {strides = array<i32>} : memref<80x128xf32, #tpu.memory_space<vmem>>, vector<16xf32>,
        %mul3A_559 = arith.mulf %gather3A_208, %get3A_558 : vector<16xf32>
        %add3A_560 = arith.addf %add3A_553, %mul3A_559 : vector<16xf32>
        %add3A_561 = arith.constant 7 : i32
        %add3A_562 = arith.addi %mul3A_179, %add3A_561 : i32
        %get3A_563 = arith.index_cast %add3A_562 : i32 to index
        %get3A_564 = arith.constant 64 : index
        %get3A_565 = tpu.vector_load %arg12[%get3A_563, %get3A_564] {strides = array<i32>} : memref<80x128xf32, #tpu.memory_space<vmem>>, vector<16xf32>,
        %mul3A_566 = arith.mulf %gather3A_212, %get3A_565 : vector<16xf32>
        %add3A_567 = arith.addf %add3A_560, %mul3A_566 : vector<16xf32>
        %add3A_568 = arith.constant 8 : i32
        %add3A_569 = arith.addi %mul3A_179, %add3A_568 : i32
        %get3A_570 = arith.index_cast %add3A_569 : i32 to index
        %get3A_571 = arith.constant 64 : index
        %get3A_572 = tpu.vector_load %arg12[%get3A_570, %get3A_571] {strides = array<i32>} : memref<80x128xf32, #tpu.memory_space<vmem>>, vector<16xf32>,
        %mul3A_573 = arith.mulf %gather3A_216, %get3A_572 : vector<16xf32>
        %add3A_574 = arith.addf %add3A_567, %mul3A_573 : vector<16xf32>
        %add3A_575 = arith.constant 9 : i32
        %add3A_576 = arith.addi %mul3A_179, %add3A_575 : i32
        %get3A_577 = arith.index_cast %add3A_576 : i32 to index
        %get3A_578 = arith.constant 64 : index
        %get3A_579 = tpu.vector_load %arg12[%get3A_577, %get3A_578] {strides = array<i32>} : memref<80x128xf32, #tpu.memory_space<vmem>>, vector<16xf32>,
        %mul3A_580 = arith.mulf %gather3A_220, %get3A_579 : vector<16xf32>
        %add3A_581 = arith.addf %add3A_574, %mul3A_580 : vector<16xf32>
        %mul3A_582 = arith.mulf %add3A_581, %div3A_232 : vector<16xf32>
        %swap3A_583 = arith.index_cast %scan3A_176 : i32 to index
        %swap3A_584 = arith.constant 64 : index
        %swap3A_585 = tpu.vector_load %arg16[%swap3A_583, %swap3A_584] {strides = array<i32>} : memref<8x128xf32, #tpu.memory_space<vmem>>, vector<16xf32>,
        tpu.vector_store %arg16[%swap3A_583, %swap3A_584], %mul3A_582 {strides = array<i32>} : memref<8x128xf32, #tpu.memory_space<vmem>>, vector<16xf32>,
        %get3A_586 = arith.index_cast %mul3A_179 : i32 to index
        %get3A_587 = arith.constant 80 : index
        %get3A_588 = tpu.vector_load %arg12[%get3A_586, %get3A_587] {strides = array<i32>} : memref<80x128xf32, #tpu.memory_space<vmem>>, vector<16xf32>,
        %mul3A_589 = arith.mulf %gather3A, %get3A_588 : vector<16xf32>
        %add3A_590 = arith.constant 1 : i32
        %add3A_591 = arith.addi %mul3A_179, %add3A_590 : i32
        %get3A_592 = arith.index_cast %add3A_591 : i32 to index
        %get3A_593 = arith.constant 80 : index
        %get3A_594 = tpu.vector_load %arg12[%get3A_592, %get3A_593] {strides = array<i32>} : memref<80x128xf32, #tpu.memory_space<vmem>>, vector<16xf32>,
        %mul3A_595 = arith.mulf %gather3A_188, %get3A_594 : vector<16xf32>
        %add3A_596 = arith.addf %mul3A_589, %mul3A_595 : vector<16xf32>
        %add3A_597 = arith.constant 2 : i32
        %add3A_598 = arith.addi %mul3A_179, %add3A_597 : i32
        %get3A_599 = arith.index_cast %add3A_598 : i32 to index
        %get3A_600 = arith.constant 80 : index
        %get3A_601 = tpu.vector_load %arg12[%get3A_599, %get3A_600] {strides = array<i32>} : memref<80x128xf32, #tpu.memory_space<vmem>>, vector<16xf32>,
        %mul3A_602 = arith.mulf %gather3A_192, %get3A_601 : vector<16xf32>
        %add3A_603 = arith.addf %add3A_596, %mul3A_602 : vector<16xf32>
        %add3A_604 = arith.constant 3 : i32
        %add3A_605 = arith.addi %mul3A_179, %add3A_604 : i32
        %get3A_606 = arith.index_cast %add3A_605 : i32 to index
        %get3A_607 = arith.constant 80 : index
        %get3A_608 = tpu.vector_load %arg12[%get3A_606, %get3A_607] {strides = array<i32>} : memref<80x128xf32, #tpu.memory_space<vmem>>, vector<16xf32>,
        %mul3A_609 = arith.mulf %gather3A_196, %get3A_608 : vector<16xf32>
        %add3A_610 = arith.addf %add3A_603, %mul3A_609 : vector<16xf32>
        %add3A_611 = arith.constant 4 : i32
        %add3A_612 = arith.addi %mul3A_179, %add3A_611 : i32
        %get3A_613 = arith.index_cast %add3A_612 : i32 to index
        %get3A_614 = arith.constant 80 : index
        %get3A_615 = tpu.vector_load %arg12[%get3A_613, %get3A_614] {strides = array<i32>} : memref<80x128xf32, #tpu.memory_space<vmem>>, vector<16xf32>,
        %mul3A_616 = arith.mulf %gather3A_200, %get3A_615 : vector<16xf32>
        %add3A_617 = arith.addf %add3A_610, %mul3A_616 : vector<16xf32>
        %add3A_618 = arith.constant 5 : i32
        %add3A_619 = arith.addi %mul3A_179, %add3A_618 : i32
        %get3A_620 = arith.index_cast %add3A_619 : i32 to index
        %get3A_621 = arith.constant 80 : index
        %get3A_622 = tpu.vector_load %arg12[%get3A_620, %get3A_621] {strides = array<i32>} : memref<80x128xf32, #tpu.memory_space<vmem>>, vector<16xf32>,
        %mul3A_623 = arith.mulf %gather3A_204, %get3A_622 : vector<16xf32>
        %add3A_624 = arith.addf %add3A_617, %mul3A_623 : vector<16xf32>
        %add3A_625 = arith.constant 6 : i32
        %add3A_626 = arith.addi %mul3A_179, %add3A_625 : i32
        %get3A_627 = arith.index_cast %add3A_626 : i32 to index
        %get3A_628 = arith.constant 80 : index
        %get3A_629 = tpu.vector_load %arg12[%get3A_627, %get3A_628] {strides = array<i32>} : memref<80x128xf32, #tpu.memory_space<vmem>>, vector<16xf32>,
        %mul3A_630 = arith.mulf %gather3A_208, %get3A_629 : vector<16xf32>
        %add3A_631 = arith.addf %add3A_624, %mul3A_630 : vector<16xf32>
        %add3A_632 = arith.constant 7 : i32
        %add3A_633 = arith.addi %mul3A_179, %add3A_632 : i32
        %get3A_634 = arith.index_cast %add3A_633 : i32 to index
        %get3A_635 = arith.constant 80 : index
        %get3A_636 = tpu.vector_load %arg12[%get3A_634, %get3A_635] {strides = array<i32>} : memref<80x128xf32, #tpu.memory_space<vmem>>, vector<16xf32>,
        %mul3A_637 = arith.mulf %gather3A_212, %get3A_636 : vector<16xf32>
        %add3A_638 = arith.addf %add3A_631, %mul3A_637 : vector<16xf32>
        %add3A_639 = arith.constant 8 : i32
        %add3A_640 = arith.addi %mul3A_179, %add3A_639 : i32
        %get3A_641 = arith.index_cast %add3A_640 : i32 to index
        %get3A_642 = arith.constant 80 : index
        %get3A_643 = tpu.vector_load %arg12[%get3A_641, %get3A_642] {strides = array<i32>} : memref<80x128xf32, #tpu.memory_space<vmem>>, vector<16xf32>,
        %mul3A_644 = arith.mulf %gather3A_216, %get3A_643 : vector<16xf32>
        %add3A_645 = arith.addf %add3A_638, %mul3A_644 : vector<16xf32>
        %add3A_646 = arith.constant 9 : i32
        %add3A_647 = arith.addi %mul3A_179, %add3A_646 : i32
        %get3A_648 = arith.index_cast %add3A_647 : i32 to index
        %get3A_649 = arith.constant 80 : index
        %get3A_650 = tpu.vector_load %arg12[%get3A_648, %get3A_649] {strides = array<i32>} : memref<80x128xf32, #tpu.memory_space<vmem>>, vector<16xf32>,
        %mul3A_651 = arith.mulf %gather3A_220, %get3A_650 : vector<16xf32>
        %add3A_652 = arith.addf %add3A_645, %mul3A_651 : vector<16xf32>
        %mul3A_653 = arith.mulf %add3A_652, %div3A_232 : vector<16xf32>
        %swap3A_654 = arith.index_cast %scan3A_176 : i32 to index
        %swap3A_655 = arith.constant 80 : index
        %swap3A_656 = tpu.vector_load %arg16[%swap3A_654, %swap3A_655] {strides = array<i32>} : memref<8x128xf32, #tpu.memory_space<vmem>>, vector<16xf32>,
        tpu.vector_store %arg16[%swap3A_654, %swap3A_655], %mul3A_653 {strides = array<i32>} : memref<8x128xf32, #tpu.memory_space<vmem>>, vector<16xf32>,
        %get3A_657 = arith.index_cast %mul3A_179 : i32 to index
        %get3A_658 = arith.constant 96 : index
        %get3A_659 = tpu.vector_load %arg12[%get3A_657, %get3A_658] {strides = array<i32>} : memref<80x128xf32, #tpu.memory_space<vmem>>, vector<16xf32>,
        %mul3A_660 = arith.mulf %gather3A, %get3A_659 : vector<16xf32>
        %add3A_661 = arith.constant 1 : i32
        %add3A_662 = arith.addi %mul3A_179, %add3A_661 : i32
        %get3A_663 = arith.index_cast %add3A_662 : i32 to index
        %get3A_664 = arith.constant 96 : index
        %get3A_665 = tpu.vector_load %arg12[%get3A_663, %get3A_664] {strides = array<i32>} : memref<80x128xf32, #tpu.memory_space<vmem>>, vector<16xf32>,
        %mul3A_666 = arith.mulf %gather3A_188, %get3A_665 : vector<16xf32>
        %add3A_667 = arith.addf %mul3A_660, %mul3A_666 : vector<16xf32>
        %add3A_668 = arith.constant 2 : i32
        %add3A_669 = arith.addi %mul3A_179, %add3A_668 : i32
        %get3A_670 = arith.index_cast %add3A_669 : i32 to index
        %get3A_671 = arith.constant 96 : index
        %get3A_672 = tpu.vector_load %arg12[%get3A_670, %get3A_671] {strides = array<i32>} : memref<80x128xf32, #tpu.memory_space<vmem>>, vector<16xf32>,
        %mul3A_673 = arith.mulf %gather3A_192, %get3A_672 : vector<16xf32>
        %add3A_674 = arith.addf %add3A_667, %mul3A_673 : vector<16xf32>
        %add3A_675 = arith.constant 3 : i32
        %add3A_676 = arith.addi %mul3A_179, %add3A_675 : i32
        %get3A_677 = arith.index_cast %add3A_676 : i32 to index
        %get3A_678 = arith.constant 96 : index
        %get3A_679 = tpu.vector_load %arg12[%get3A_677, %get3A_678] {strides = array<i32>} : memref<80x128xf32, #tpu.memory_space<vmem>>, vector<16xf32>,
        %mul3A_680 = arith.mulf %gather3A_196, %get3A_679 : vector<16xf32>
        %add3A_681 = arith.addf %add3A_674, %mul3A_680 : vector<16xf32>
        %add3A_682 = arith.constant 4 : i32
        %add3A_683 = arith.addi %mul3A_179, %add3A_682 : i32
        %get3A_684 = arith.index_cast %add3A_683 : i32 to index
        %get3A_685 = arith.constant 96 : index
        %get3A_686 = tpu.vector_load %arg12[%get3A_684, %get3A_685] {strides = array<i32>} : memref<80x128xf32, #tpu.memory_space<vmem>>, vector<16xf32>,
        %mul3A_687 = arith.mulf %gather3A_200, %get3A_686 : vector<16xf32>
        %add3A_688 = arith.addf %add3A_681, %mul3A_687 : vector<16xf32>
        %add3A_689 = arith.constant 5 : i32
        %add3A_690 = arith.addi %mul3A_179, %add3A_689 : i32
        %get3A_691 = arith.index_cast %add3A_690 : i32 to index
        %get3A_692 = arith.constant 96 : index
        %get3A_693 = tpu.vector_load %arg12[%get3A_691, %get3A_692] {strides = array<i32>} : memref<80x128xf32, #tpu.memory_space<vmem>>, vector<16xf32>,
        %mul3A_694 = arith.mulf %gather3A_204, %get3A_693 : vector<16xf32>
        %add3A_695 = arith.addf %add3A_688, %mul3A_694 : vector<16xf32>
        %add3A_696 = arith.constant 6 : i32
        %add3A_697 = arith.addi %mul3A_179, %add3A_696 : i32
        %get3A_698 = arith.index_cast %add3A_697 : i32 to index
        %get3A_699 = arith.constant 96 : index
        %get3A_700 = tpu.vector_load %arg12[%get3A_698, %get3A_699] {strides = array<i32>} : memref<80x128xf32, #tpu.memory_space<vmem>>, vector<16xf32>,
        %mul3A_701 = arith.mulf %gather3A_208, %get3A_700 : vector<16xf32>
        %add3A_702 = arith.addf %add3A_695, %mul3A_701 : vector<16xf32>
        %add3A_703 = arith.constant 7 : i32
        %add3A_704 = arith.addi %mul3A_179, %add3A_703 : i32
        %get3A_705 = arith.index_cast %add3A_704 : i32 to index
        %get3A_706 = arith.constant 96 : index
        %get3A_707 = tpu.vector_load %arg12[%get3A_705, %get3A_706] {strides = array<i32>} : memref<80x128xf32, #tpu.memory_space<vmem>>, vector<16xf32>,
        %mul3A_708 = arith.mulf %gather3A_212, %get3A_707 : vector<16xf32>
        %add3A_709 = arith.addf %add3A_702, %mul3A_708 : vector<16xf32>
        %add3A_710 = arith.constant 8 : i32
        %add3A_711 = arith.addi %mul3A_179, %add3A_710 : i32
        %get3A_712 = arith.index_cast %add3A_711 : i32 to index
        %get3A_713 = arith.constant 96 : index
        %get3A_714 = tpu.vector_load %arg12[%get3A_712, %get3A_713] {strides = array<i32>} : memref<80x128xf32, #tpu.memory_space<vmem>>, vector<16xf32>,
        %mul3A_715 = arith.mulf %gather3A_216, %get3A_714 : vector<16xf32>
        %add3A_716 = arith.addf %add3A_709, %mul3A_715 : vector<16xf32>
        %add3A_717 = arith.constant 9 : i32
        %add3A_718 = arith.addi %mul3A_179, %add3A_717 : i32
        %get3A_719 = arith.index_cast %add3A_718 : i32 to index
        %get3A_720 = arith.constant 96 : index
        %get3A_721 = tpu.vector_load %arg12[%get3A_719, %get3A_720] {strides = array<i32>} : memref<80x128xf32, #tpu.memory_space<vmem>>, vector<16xf32>,
        %mul3A_722 = arith.mulf %gather3A_220, %get3A_721 : vector<16xf32>
        %add3A_723 = arith.addf %add3A_716, %mul3A_722 : vector<16xf32>
        %mul3A_724 = arith.mulf %add3A_723, %div3A_232 : vector<16xf32>
        %swap3A_725 = arith.index_cast %scan3A_176 : i32 to index
        %swap3A_726 = arith.constant 96 : index
        %swap3A_727 = tpu.vector_load %arg16[%swap3A_725, %swap3A_726] {strides = array<i32>} : memref<8x128xf32, #tpu.memory_space<vmem>>, vector<16xf32>,
        tpu.vector_store %arg16[%swap3A_725, %swap3A_726], %mul3A_724 {strides = array<i32>} : memref<8x128xf32, #tpu.memory_space<vmem>>, vector<16xf32>,
        %get3A_728 = arith.index_cast %mul3A_179 : i32 to index
        %get3A_729 = arith.constant 112 : index
        %get3A_730 = tpu.vector_load %arg12[%get3A_728, %get3A_729] {strides = array<i32>} : memref<80x128xf32, #tpu.memory_space<vmem>>, vector<16xf32>,
        %mul3A_731 = arith.mulf %gather3A, %get3A_730 : vector<16xf32>
        %add3A_732 = arith.constant 1 : i32
        %add3A_733 = arith.addi %mul3A_179, %add3A_732 : i32
        %get3A_734 = arith.index_cast %add3A_733 : i32 to index
        %get3A_735 = arith.constant 112 : index
        %get3A_736 = tpu.vector_load %arg12[%get3A_734, %get3A_735] {strides = array<i32>} : memref<80x128xf32, #tpu.memory_space<vmem>>, vector<16xf32>,
        %mul3A_737 = arith.mulf %gather3A_188, %get3A_736 : vector<16xf32>
        %add3A_738 = arith.addf %mul3A_731, %mul3A_737 : vector<16xf32>
        %add3A_739 = arith.constant 2 : i32
        %add3A_740 = arith.addi %mul3A_179, %add3A_739 : i32
        %get3A_741 = arith.index_cast %add3A_740 : i32 to index
        %get3A_742 = arith.constant 112 : index
        %get3A_743 = tpu.vector_load %arg12[%get3A_741, %get3A_742] {strides = array<i32>} : memref<80x128xf32, #tpu.memory_space<vmem>>, vector<16xf32>,
        %mul3A_744 = arith.mulf %gather3A_192, %get3A_743 : vector<16xf32>
        %add3A_745 = arith.addf %add3A_738, %mul3A_744 : vector<16xf32>
        %add3A_746 = arith.constant 3 : i32
        %add3A_747 = arith.addi %mul3A_179, %add3A_746 : i32
        %get3A_748 = arith.index_cast %add3A_747 : i32 to index
        %get3A_749 = arith.constant 112 : index
        %get3A_750 = tpu.vector_load %arg12[%get3A_748, %get3A_749] {strides = array<i32>} : memref<80x128xf32, #tpu.memory_space<vmem>>, vector<16xf32>,
        %mul3A_751 = arith.mulf %gather3A_196, %get3A_750 : vector<16xf32>
        %add3A_752 = arith.addf %add3A_745, %mul3A_751 : vector<16xf32>
        %add3A_753 = arith.constant 4 : i32
        %add3A_754 = arith.addi %mul3A_179, %add3A_753 : i32
        %get3A_755 = arith.index_cast %add3A_754 : i32 to index
        %get3A_756 = arith.constant 112 : index
        %get3A_757 = tpu.vector_load %arg12[%get3A_755, %get3A_756] {strides = array<i32>} : memref<80x128xf32, #tpu.memory_space<vmem>>, vector<16xf32>,
        %mul3A_758 = arith.mulf %gather3A_200, %get3A_757 : vector<16xf32>
        %add3A_759 = arith.addf %add3A_752, %mul3A_758 : vector<16xf32>
        %add3A_760 = arith.constant 5 : i32
        %add3A_761 = arith.addi %mul3A_179, %add3A_760 : i32
        %get3A_762 = arith.index_cast %add3A_761 : i32 to index
        %get3A_763 = arith.constant 112 : index
        %get3A_764 = tpu.vector_load %arg12[%get3A_762, %get3A_763] {strides = array<i32>} : memref<80x128xf32, #tpu.memory_space<vmem>>, vector<16xf32>,
        %mul3A_765 = arith.mulf %gather3A_204, %get3A_764 : vector<16xf32>
        %add3A_766 = arith.addf %add3A_759, %mul3A_765 : vector<16xf32>
        %add3A_767 = arith.constant 6 : i32
        %add3A_768 = arith.addi %mul3A_179, %add3A_767 : i32
        %get3A_769 = arith.index_cast %add3A_768 : i32 to index
        %get3A_770 = arith.constant 112 : index
        %get3A_771 = tpu.vector_load %arg12[%get3A_769, %get3A_770] {strides = array<i32>} : memref<80x128xf32, #tpu.memory_space<vmem>>, vector<16xf32>,
        %mul3A_772 = arith.mulf %gather3A_208, %get3A_771 : vector<16xf32>
        %add3A_773 = arith.addf %add3A_766, %mul3A_772 : vector<16xf32>
        %add3A_774 = arith.constant 7 : i32
        %add3A_775 = arith.addi %mul3A_179, %add3A_774 : i32
        %get3A_776 = arith.index_cast %add3A_775 : i32 to index
        %get3A_777 = arith.constant 112 : index
        %get3A_778 = tpu.vector_load %arg12[%get3A_776, %get3A_777] {strides = array<i32>} : memref<80x128xf32, #tpu.memory_space<vmem>>, vector<16xf32>,
        %mul3A_779 = arith.mulf %gather3A_212, %get3A_778 : vector<16xf32>
        %add3A_780 = arith.addf %add3A_773, %mul3A_779 : vector<16xf32>
        %add3A_781 = arith.constant 8 : i32
        %add3A_782 = arith.addi %mul3A_179, %add3A_781 : i32
        %get3A_783 = arith.index_cast %add3A_782 : i32 to index
        %get3A_784 = arith.constant 112 : index
        %get3A_785 = tpu.vector_load %arg12[%get3A_783, %get3A_784] {strides = array<i32>} : memref<80x128xf32, #tpu.memory_space<vmem>>, vector<16xf32>,
        %mul3A_786 = arith.mulf %gather3A_216, %get3A_785 : vector<16xf32>
        %add3A_787 = arith.addf %add3A_780, %mul3A_786 : vector<16xf32>
        %add3A_788 = arith.constant 9 : i32
        %add3A_789 = arith.addi %mul3A_179, %add3A_788 : i32
        %get3A_790 = arith.index_cast %add3A_789 : i32 to index
        %get3A_791 = arith.constant 112 : index
        %get3A_792 = tpu.vector_load %arg12[%get3A_790, %get3A_791] {strides = array<i32>} : memref<80x128xf32, #tpu.memory_space<vmem>>, vector<16xf32>,
        %mul3A_793 = arith.mulf %gather3A_220, %get3A_792 : vector<16xf32>
        %add3A_794 = arith.addf %add3A_787, %mul3A_793 : vector<16xf32>
        %mul3A_795 = arith.mulf %add3A_794, %div3A_232 : vector<16xf32>
        %swap3A_796 = arith.index_cast %scan3A_176 : i32 to index
        %swap3A_797 = arith.constant 112 : index
        %swap3A_798 = tpu.vector_load %arg16[%swap3A_796, %swap3A_797] {strides = array<i32>} : memref<8x128xf32, #tpu.memory_space<vmem>>, vector<16xf32>,
        tpu.vector_store %arg16[%swap3A_796, %swap3A_797], %mul3A_795 {strides = array<i32>} : memref<8x128xf32, #tpu.memory_space<vmem>>, vector<16xf32>,
        %scan3A_799 = arith.constant 0 : i32
        scf.yield %scan3A_799 : i32
      }
      %scan3A_151 = arith.constant 8 : i32
      %mul3A_152 = arith.constant 8 : i32
      %mul3A_153 = arith.muli %add3A_133, %mul3A_152 : i32
      %dma_wait3A_154 = tpu.memref_slice %arg9[%mul3A_153] : memref<1776xi32, #tpu.memory_space<vmem>> -> memref<8xi32, #tpu.memory_space<vmem>>
      %dma_wait3A_155 = arith.constant 0 : i32
      %dma_wait3A_156 = arith.constant 0 : i32
      %dma_wait3A_157 = tpu.memref_slice %arg5[%dma_wait3A_155, %dma_wait3A_156] : memref<100000x128xf32, #tpu.memory_space<hbm>> -> memref<100000x128xf32, #tpu.memory_space<hbm>>
      tpu.wait_indirect_dma semaphore(%arg20 : memref<!tpu.dma_semaphore, #tpu.memory_space<semaphore_mem>>) src(%dma_wait3A_157 : memref<100000x128xf32, #tpu.memory_space<hbm>>) dst(%arg14 : memref<8x128xf32, #tpu.memory_space<vmem>>)
      %mul3A_158 = arith.constant 8 : i32
      %mul3A_159 = arith.muli %add3A_133, %mul3A_158 : i32
      %add3A_160 = arith.addi %mul3A_6, %mul3A_159 : i32
      %dma_start3A_161 = arith.constant 0 : i32
      %dma_start3A_162 = tpu.memref_slice %arg6[%add3A_160, %dma_start3A_161] : memref<50176x128xf32, #tpu.memory_space<hbm>> -> memref<8x128xf32, #tpu.memory_space<hbm>>
      %dma_start3A_163 = arith.constant 0 : i32
      %dma_start3A_164 = tpu.memref_slice %arg6[%add3A_160, %dma_start3A_163] : memref<50176x128xf32, #tpu.memory_space<hbm>> -> memref<8x128xf32, #tpu.memory_space<hbm>>
      tpu.enqueue_dma source(%arg16 : memref<8x128xf32, #tpu.memory_space<vmem>>) target(%dma_start3A_164 : memref<8x128xf32, #tpu.memory_space<hbm>>) target_semaphore(%arg22 : memref<!tpu.dma_semaphore, #tpu.memory_space<semaphore_mem>>)
      %dma_start3A_165 = arith.constant 0 : i32
      %dma_start3A_166 = tpu.memref_slice %arg7[%add3A_160, %dma_start3A_165] : memref<50176x128xf32, #tpu.memory_space<hbm>> -> memref<8x128xf32, #tpu.memory_space<hbm>>
      %dma_start3A_167 = arith.constant 0 : i32
      %dma_start3A_168 = tpu.memref_slice %arg7[%add3A_160, %dma_start3A_167] : memref<50176x128xf32, #tpu.memory_space<hbm>> -> memref<8x128xf32, #tpu.memory_space<hbm>>
      tpu.enqueue_dma source(%arg14 : memref<8x128xf32, #tpu.memory_space<vmem>>) target(%dma_start3A_168 : memref<8x128xf32, #tpu.memory_space<hbm>>) target_semaphore(%arg24 : memref<!tpu.dma_semaphore, #tpu.memory_space<semaphore_mem>>)
      %add3A_169 = arith.constant 2 : i32
      %add3A_170 = arith.addi %add3A_133, %add3A_169 : i32
      %lt3A_171 = arith.cmpi slt, %add3A_170, %select_n3A : i32
      %convert_element_type3A_172 = arith.extui %lt3A_171 : i1 to i32
      %cond3A_173 = arith.constant 0 : i32
      %cond3A_174 = arith.cmpi ne, %convert_element_type3A_172, %cond3A_173 : i32
      scf.if %cond3A_174 {
        %add3A_176 = arith.constant 2 : i32
        %add3A_177 = arith.addi %add3A_133, %add3A_176 : i32
        %mul3A_178 = arith.constant 80 : i32
        %mul3A_179 = arith.muli %add3A_177, %mul3A_178 : i32
        %dma_start3A_180 = tpu.memref_slice %arg8[%mul3A_179] : memref<17760xi32, #tpu.memory_space<vmem>> -> memref<80xi32, #tpu.memory_space<vmem>>
        %dma_start3A_181 = arith.constant 0 : i32
        %dma_start3A_182 = arith.constant 0 : i32
        %dma_start3A_183 = tpu.memref_slice %arg5[%dma_start3A_181, %dma_start3A_182] : memref<100000x128xf32, #tpu.memory_space<hbm>> -> memref<100000x128xf32, #tpu.memory_space<hbm>>
        tpu.enqueue_indirect_dma source(%dma_start3A_183 : memref<100000x128xf32, #tpu.memory_space<hbm>>) target(%arg12 : memref<80x128xf32, #tpu.memory_space<vmem>>) offsets(%dma_start3A_180 : memref<80xi32, #tpu.memory_space<vmem>>) semaphore(%arg18 : memref<!tpu.dma_semaphore, #tpu.memory_space<semaphore_mem>>)
      } else {
      }
      %while3A_175 = arith.constant 0 : i32
      scf.yield %while3A_175 : i32
    }
    %while3A_57 = arith.constant 1 : i32
    %while3A_58 = scf.for %while3A_88 = %while3A_54 to %while3A_50 step %while3A_57 iter_args(%while3A_89 = %while3A_56) -> (i32)  : i32 {
      %mul3A_90 = arith.constant 2 : i32
      %mul3A_91 = arith.muli %mul3A_90, %while3A_88 : i32
      %add3A_92 = arith.constant 0 : i32
      %add3A_93 = arith.addi %mul3A_91, %add3A_92 : i32
      %ge3A = arith.constant 2 : i32
      %ge3A_94 = arith.cmpi sge, %add3A_93, %ge3A : i32
      %convert_element_type3A = arith.extui %ge3A_94 : i1 to i32
      %cond3A = arith.constant 0 : i32
      %cond3A_95 = arith.cmpi ne, %convert_element_type3A, %cond3A : i32
      scf.if %cond3A_95 {
        %sub3A_176 = arith.constant 2 : i32
        %sub3A_177 = arith.subi %add3A_93, %sub3A_176 : i32
        %mul3A_178 = arith.constant 8 : i32
        %mul3A_179 = arith.muli %sub3A_177, %mul3A_178 : i32
        %add3A_180 = arith.addi %mul3A_6, %mul3A_179 : i32
        %dma_wait3A_181 = arith.constant 0 : i32
        %dma_wait3A_182 = tpu.memref_slice %arg6[%add3A_180, %dma_wait3A_181] : memref<50176x128xf32, #tpu.memory_space<hbm>> -> memref<8x128xf32, #tpu.memory_space<hbm>>
        %dma_wait3A_183 = arith.constant 0 : i32
        %dma_wait3A_184 = tpu.memref_slice %arg6[%add3A_180, %dma_wait3A_183] : memref<50176x128xf32, #tpu.memory_space<hbm>> -> memref<8x128xf32, #tpu.memory_space<hbm>>
        tpu.wait_dma2 semaphore(%arg21 : memref<!tpu.dma_semaphore, #tpu.memory_space<semaphore_mem>>) src(%arg15 : memref<8x128xf32, #tpu.memory_space<vmem>>) dst(%dma_wait3A_184 : memref<8x128xf32, #tpu.memory_space<hbm>>)
        %dma_wait3A_185 = arith.constant 0 : i32
        %dma_wait3A_186 = tpu.memref_slice %arg7[%add3A_180, %dma_wait3A_185] : memref<50176x128xf32, #tpu.memory_space<hbm>> -> memref<8x128xf32, #tpu.memory_space<hbm>>
        %dma_wait3A_187 = arith.constant 0 : i32
        %dma_wait3A_188 = tpu.memref_slice %arg7[%add3A_180, %dma_wait3A_187] : memref<50176x128xf32, #tpu.memory_space<hbm>> -> memref<8x128xf32, #tpu.memory_space<hbm>>
        tpu.wait_dma2 semaphore(%arg23 : memref<!tpu.dma_semaphore, #tpu.memory_space<semaphore_mem>>) src(%arg13 : memref<8x128xf32, #tpu.memory_space<vmem>>) dst(%dma_wait3A_188 : memref<8x128xf32, #tpu.memory_space<hbm>>)
        %mul3A_189 = arith.constant 8 : i32
        %mul3A_190 = arith.muli %add3A_93, %mul3A_189 : i32
        %dma_start3A_191 = tpu.memref_slice %arg9[%mul3A_190] : memref<1776xi32, #tpu.memory_space<vmem>> -> memref<8xi32, #tpu.memory_space<vmem>>
        %dma_start3A_192 = arith.constant 0 : i32
        %dma_start3A_193 = arith.constant 0 : i32
        %dma_start3A_194 = tpu.memref_slice %arg5[%dma_start3A_192, %dma_start3A_193] : memref<100000x128xf32, #tpu.memory_space<hbm>> -> memref<100000x128xf32, #tpu.memory_space<hbm>>
        tpu.enqueue_indirect_dma source(%dma_start3A_194 : memref<100000x128xf32, #tpu.memory_space<hbm>>) target(%arg13 : memref<8x128xf32, #tpu.memory_space<vmem>>) offsets(%dma_start3A_191 : memref<8xi32, #tpu.memory_space<vmem>>) semaphore(%arg19 : memref<!tpu.dma_semaphore, #tpu.memory_space<semaphore_mem>>)
      } else {
      }
      %mul3A_96 = arith.constant 80 : i32
      %mul3A_97 = arith.muli %add3A_93, %mul3A_96 : i32
      %dma_wait3A_98 = tpu.memref_slice %arg8[%mul3A_97] : memref<17760xi32, #tpu.memory_space<vmem>> -> memref<80xi32, #tpu.memory_space<vmem>>
      %dma_wait3A_99 = arith.constant 0 : i32
      %dma_wait3A_100 = arith.constant 0 : i32
      %dma_wait3A_101 = tpu.memref_slice %arg5[%dma_wait3A_99, %dma_wait3A_100] : memref<100000x128xf32, #tpu.memory_space<hbm>> -> memref<100000x128xf32, #tpu.memory_space<hbm>>
      tpu.wait_indirect_dma semaphore(%arg17 : memref<!tpu.dma_semaphore, #tpu.memory_space<semaphore_mem>>) src(%dma_wait3A_101 : memref<100000x128xf32, #tpu.memory_space<hbm>>) dst(%arg11 : memref<80x128xf32, #tpu.memory_space<vmem>>)
      %scan3A = arith.constant 0 : i32
      %scan3A_102 = arith.constant 0 : i32
      %scan3A_103 = arith.constant 8 : i32
      %scan3A_104 = arith.addi %scan3A_102, %scan3A_103 : i32
      %scan3A_105 = arith.constant 1 : i32
      %scan3A_106 = scf.for %scan3A_176 = %scan3A_102 to %scan3A_104 step %scan3A_105 iter_args(%scan3A_177 = %scan3A) -> (i32)  : i32 {
        %mul3A_178 = arith.constant 10 : i32
        %mul3A_179 = arith.muli %scan3A_176, %mul3A_178 : i32
        %mul3A_180 = arith.constant 80 : i32
        %mul3A_181 = arith.muli %add3A_93, %mul3A_180 : i32
        %add3A_182 = arith.addi %mul3A_181, %mul3A_179 : i32
        %add3A_183 = arith.constant 0 : i32
        %add3A_184 = arith.addi %add3A_182, %add3A_183 : i32
        %broadcast_in_dim3A = vector.broadcast %add3A_184 : i32 to vector<16xi32>
        %gather3A = tpu.vector_load_idx %arg10[%broadcast_in_dim3A] : memref<17760xf32, #tpu.memory_space<vmem>>[vector<16xi32>], vector<16xf32>,
        %add3A_185 = arith.constant 1 : i32
        %add3A_186 = arith.addi %add3A_182, %add3A_185 : i32
        %broadcast_in_dim3A_187 = vector.broadcast %add3A_186 : i32 to vector<16xi32>
        %gather3A_188 = tpu.vector_load_idx %arg10[%broadcast_in_dim3A_187] : memref<17760xf32, #tpu.memory_space<vmem>>[vector<16xi32>], vector<16xf32>,
        %add3A_189 = arith.constant 2 : i32
        %add3A_190 = arith.addi %add3A_182, %add3A_189 : i32
        %broadcast_in_dim3A_191 = vector.broadcast %add3A_190 : i32 to vector<16xi32>
        %gather3A_192 = tpu.vector_load_idx %arg10[%broadcast_in_dim3A_191] : memref<17760xf32, #tpu.memory_space<vmem>>[vector<16xi32>], vector<16xf32>,
        %add3A_193 = arith.constant 3 : i32
        %add3A_194 = arith.addi %add3A_182, %add3A_193 : i32
        %broadcast_in_dim3A_195 = vector.broadcast %add3A_194 : i32 to vector<16xi32>
        %gather3A_196 = tpu.vector_load_idx %arg10[%broadcast_in_dim3A_195] : memref<17760xf32, #tpu.memory_space<vmem>>[vector<16xi32>], vector<16xf32>,
        %add3A_197 = arith.constant 4 : i32
        %add3A_198 = arith.addi %add3A_182, %add3A_197 : i32
        %broadcast_in_dim3A_199 = vector.broadcast %add3A_198 : i32 to vector<16xi32>
        %gather3A_200 = tpu.vector_load_idx %arg10[%broadcast_in_dim3A_199] : memref<17760xf32, #tpu.memory_space<vmem>>[vector<16xi32>], vector<16xf32>,
        %add3A_201 = arith.constant 5 : i32
        %add3A_202 = arith.addi %add3A_182, %add3A_201 : i32
        %broadcast_in_dim3A_203 = vector.broadcast %add3A_202 : i32 to vector<16xi32>
        %gather3A_204 = tpu.vector_load_idx %arg10[%broadcast_in_dim3A_203] : memref<17760xf32, #tpu.memory_space<vmem>>[vector<16xi32>], vector<16xf32>,
        %add3A_205 = arith.constant 6 : i32
        %add3A_206 = arith.addi %add3A_182, %add3A_205 : i32
        %broadcast_in_dim3A_207 = vector.broadcast %add3A_206 : i32 to vector<16xi32>
        %gather3A_208 = tpu.vector_load_idx %arg10[%broadcast_in_dim3A_207] : memref<17760xf32, #tpu.memory_space<vmem>>[vector<16xi32>], vector<16xf32>,
        %add3A_209 = arith.constant 7 : i32
        %add3A_210 = arith.addi %add3A_182, %add3A_209 : i32
        %broadcast_in_dim3A_211 = vector.broadcast %add3A_210 : i32 to vector<16xi32>
        %gather3A_212 = tpu.vector_load_idx %arg10[%broadcast_in_dim3A_211] : memref<17760xf32, #tpu.memory_space<vmem>>[vector<16xi32>], vector<16xf32>,
        %add3A_213 = arith.constant 8 : i32
        %add3A_214 = arith.addi %add3A_182, %add3A_213 : i32
        %broadcast_in_dim3A_215 = vector.broadcast %add3A_214 : i32 to vector<16xi32>
        %gather3A_216 = tpu.vector_load_idx %arg10[%broadcast_in_dim3A_215] : memref<17760xf32, #tpu.memory_space<vmem>>[vector<16xi32>], vector<16xf32>,
        %add3A_217 = arith.constant 9 : i32
        %add3A_218 = arith.addi %add3A_182, %add3A_217 : i32
        %broadcast_in_dim3A_219 = vector.broadcast %add3A_218 : i32 to vector<16xi32>
        %gather3A_220 = tpu.vector_load_idx %arg10[%broadcast_in_dim3A_219] : memref<17760xf32, #tpu.memory_space<vmem>>[vector<16xi32>], vector<16xf32>,
        %add3A_221 = arith.addf %gather3A, %gather3A_188 : vector<16xf32>
        %add3A_222 = arith.addf %add3A_221, %gather3A_192 : vector<16xf32>
        %add3A_223 = arith.addf %add3A_222, %gather3A_196 : vector<16xf32>
        %add3A_224 = arith.addf %add3A_223, %gather3A_200 : vector<16xf32>
        %add3A_225 = arith.addf %add3A_224, %gather3A_204 : vector<16xf32>
        %add3A_226 = arith.addf %add3A_225, %gather3A_208 : vector<16xf32>
        %add3A_227 = arith.addf %add3A_226, %gather3A_212 : vector<16xf32>
        %add3A_228 = arith.addf %add3A_227, %gather3A_216 : vector<16xf32>
        %add3A_229 = arith.addf %add3A_228, %gather3A_220 : vector<16xf32>
        %div3A_230 = arith.constant 1.000000e+00 : f32
        %div3A_231 = vector.broadcast %div3A_230 : f32 to vector<16xf32>
        %div3A_232 = arith.divf %div3A_231, %add3A_229 : vector<16xf32>
        %get3A = arith.index_cast %mul3A_179 : i32 to index
        %get3A_233 = arith.constant 0 : index
        %get3A_234 = tpu.vector_load %arg11[%get3A, %get3A_233] {strides = array<i32>} : memref<80x128xf32, #tpu.memory_space<vmem>>, vector<16xf32>,
        %mul3A_235 = arith.mulf %gather3A, %get3A_234 : vector<16xf32>
        %add3A_236 = arith.constant 1 : i32
        %add3A_237 = arith.addi %mul3A_179, %add3A_236 : i32
        %get3A_238 = arith.index_cast %add3A_237 : i32 to index
        %get3A_239 = arith.constant 0 : index
        %get3A_240 = tpu.vector_load %arg11[%get3A_238, %get3A_239] {strides = array<i32>} : memref<80x128xf32, #tpu.memory_space<vmem>>, vector<16xf32>,
        %mul3A_241 = arith.mulf %gather3A_188, %get3A_240 : vector<16xf32>
        %add3A_242 = arith.addf %mul3A_235, %mul3A_241 : vector<16xf32>
        %add3A_243 = arith.constant 2 : i32
        %add3A_244 = arith.addi %mul3A_179, %add3A_243 : i32
        %get3A_245 = arith.index_cast %add3A_244 : i32 to index
        %get3A_246 = arith.constant 0 : index
        %get3A_247 = tpu.vector_load %arg11[%get3A_245, %get3A_246] {strides = array<i32>} : memref<80x128xf32, #tpu.memory_space<vmem>>, vector<16xf32>,
        %mul3A_248 = arith.mulf %gather3A_192, %get3A_247 : vector<16xf32>
        %add3A_249 = arith.addf %add3A_242, %mul3A_248 : vector<16xf32>
        %add3A_250 = arith.constant 3 : i32
        %add3A_251 = arith.addi %mul3A_179, %add3A_250 : i32
        %get3A_252 = arith.index_cast %add3A_251 : i32 to index
        %get3A_253 = arith.constant 0 : index
        %get3A_254 = tpu.vector_load %arg11[%get3A_252, %get3A_253] {strides = array<i32>} : memref<80x128xf32, #tpu.memory_space<vmem>>, vector<16xf32>,
        %mul3A_255 = arith.mulf %gather3A_196, %get3A_254 : vector<16xf32>
        %add3A_256 = arith.addf %add3A_249, %mul3A_255 : vector<16xf32>
        %add3A_257 = arith.constant 4 : i32
        %add3A_258 = arith.addi %mul3A_179, %add3A_257 : i32
        %get3A_259 = arith.index_cast %add3A_258 : i32 to index
        %get3A_260 = arith.constant 0 : index
        %get3A_261 = tpu.vector_load %arg11[%get3A_259, %get3A_260] {strides = array<i32>} : memref<80x128xf32, #tpu.memory_space<vmem>>, vector<16xf32>,
        %mul3A_262 = arith.mulf %gather3A_200, %get3A_261 : vector<16xf32>
        %add3A_263 = arith.addf %add3A_256, %mul3A_262 : vector<16xf32>
        %add3A_264 = arith.constant 5 : i32
        %add3A_265 = arith.addi %mul3A_179, %add3A_264 : i32
        %get3A_266 = arith.index_cast %add3A_265 : i32 to index
        %get3A_267 = arith.constant 0 : index
        %get3A_268 = tpu.vector_load %arg11[%get3A_266, %get3A_267] {strides = array<i32>} : memref<80x128xf32, #tpu.memory_space<vmem>>, vector<16xf32>,
        %mul3A_269 = arith.mulf %gather3A_204, %get3A_268 : vector<16xf32>
        %add3A_270 = arith.addf %add3A_263, %mul3A_269 : vector<16xf32>
        %add3A_271 = arith.constant 6 : i32
        %add3A_272 = arith.addi %mul3A_179, %add3A_271 : i32
        %get3A_273 = arith.index_cast %add3A_272 : i32 to index
        %get3A_274 = arith.constant 0 : index
        %get3A_275 = tpu.vector_load %arg11[%get3A_273, %get3A_274] {strides = array<i32>} : memref<80x128xf32, #tpu.memory_space<vmem>>, vector<16xf32>,
        %mul3A_276 = arith.mulf %gather3A_208, %get3A_275 : vector<16xf32>
        %add3A_277 = arith.addf %add3A_270, %mul3A_276 : vector<16xf32>
        %add3A_278 = arith.constant 7 : i32
        %add3A_279 = arith.addi %mul3A_179, %add3A_278 : i32
        %get3A_280 = arith.index_cast %add3A_279 : i32 to index
        %get3A_281 = arith.constant 0 : index
        %get3A_282 = tpu.vector_load %arg11[%get3A_280, %get3A_281] {strides = array<i32>} : memref<80x128xf32, #tpu.memory_space<vmem>>, vector<16xf32>,
        %mul3A_283 = arith.mulf %gather3A_212, %get3A_282 : vector<16xf32>
        %add3A_284 = arith.addf %add3A_277, %mul3A_283 : vector<16xf32>
        %add3A_285 = arith.constant 8 : i32
        %add3A_286 = arith.addi %mul3A_179, %add3A_285 : i32
        %get3A_287 = arith.index_cast %add3A_286 : i32 to index
        %get3A_288 = arith.constant 0 : index
        %get3A_289 = tpu.vector_load %arg11[%get3A_287, %get3A_288] {strides = array<i32>} : memref<80x128xf32, #tpu.memory_space<vmem>>, vector<16xf32>,
        %mul3A_290 = arith.mulf %gather3A_216, %get3A_289 : vector<16xf32>
        %add3A_291 = arith.addf %add3A_284, %mul3A_290 : vector<16xf32>
        %add3A_292 = arith.constant 9 : i32
        %add3A_293 = arith.addi %mul3A_179, %add3A_292 : i32
        %get3A_294 = arith.index_cast %add3A_293 : i32 to index
        %get3A_295 = arith.constant 0 : index
        %get3A_296 = tpu.vector_load %arg11[%get3A_294, %get3A_295] {strides = array<i32>} : memref<80x128xf32, #tpu.memory_space<vmem>>, vector<16xf32>,
        %mul3A_297 = arith.mulf %gather3A_220, %get3A_296 : vector<16xf32>
        %add3A_298 = arith.addf %add3A_291, %mul3A_297 : vector<16xf32>
        %mul3A_299 = arith.mulf %add3A_298, %div3A_232 : vector<16xf32>
        %swap3A = arith.index_cast %scan3A_176 : i32 to index
        %swap3A_300 = arith.constant 0 : index
        %swap3A_301 = tpu.vector_load %arg15[%swap3A, %swap3A_300] {strides = array<i32>} : memref<8x128xf32, #tpu.memory_space<vmem>>, vector<16xf32>,
        tpu.vector_store %arg15[%swap3A, %swap3A_300], %mul3A_299 {strides = array<i32>} : memref<8x128xf32, #tpu.memory_space<vmem>>, vector<16xf32>,
        %get3A_302 = arith.index_cast %mul3A_179 : i32 to index
        %get3A_303 = arith.constant 16 : index
        %get3A_304 = tpu.vector_load %arg11[%get3A_302, %get3A_303] {strides = array<i32>} : memref<80x128xf32, #tpu.memory_space<vmem>>, vector<16xf32>,
        %mul3A_305 = arith.mulf %gather3A, %get3A_304 : vector<16xf32>
        %add3A_306 = arith.constant 1 : i32
        %add3A_307 = arith.addi %mul3A_179, %add3A_306 : i32
        %get3A_308 = arith.index_cast %add3A_307 : i32 to index
        %get3A_309 = arith.constant 16 : index
        %get3A_310 = tpu.vector_load %arg11[%get3A_308, %get3A_309] {strides = array<i32>} : memref<80x128xf32, #tpu.memory_space<vmem>>, vector<16xf32>,
        %mul3A_311 = arith.mulf %gather3A_188, %get3A_310 : vector<16xf32>
        %add3A_312 = arith.addf %mul3A_305, %mul3A_311 : vector<16xf32>
        %add3A_313 = arith.constant 2 : i32
        %add3A_314 = arith.addi %mul3A_179, %add3A_313 : i32
        %get3A_315 = arith.index_cast %add3A_314 : i32 to index
        %get3A_316 = arith.constant 16 : index
        %get3A_317 = tpu.vector_load %arg11[%get3A_315, %get3A_316] {strides = array<i32>} : memref<80x128xf32, #tpu.memory_space<vmem>>, vector<16xf32>,
        %mul3A_318 = arith.mulf %gather3A_192, %get3A_317 : vector<16xf32>
        %add3A_319 = arith.addf %add3A_312, %mul3A_318 : vector<16xf32>
        %add3A_320 = arith.constant 3 : i32
        %add3A_321 = arith.addi %mul3A_179, %add3A_320 : i32
        %get3A_322 = arith.index_cast %add3A_321 : i32 to index
        %get3A_323 = arith.constant 16 : index
        %get3A_324 = tpu.vector_load %arg11[%get3A_322, %get3A_323] {strides = array<i32>} : memref<80x128xf32, #tpu.memory_space<vmem>>, vector<16xf32>,
        %mul3A_325 = arith.mulf %gather3A_196, %get3A_324 : vector<16xf32>
        %add3A_326 = arith.addf %add3A_319, %mul3A_325 : vector<16xf32>
        %add3A_327 = arith.constant 4 : i32
        %add3A_328 = arith.addi %mul3A_179, %add3A_327 : i32
        %get3A_329 = arith.index_cast %add3A_328 : i32 to index
        %get3A_330 = arith.constant 16 : index
        %get3A_331 = tpu.vector_load %arg11[%get3A_329, %get3A_330] {strides = array<i32>} : memref<80x128xf32, #tpu.memory_space<vmem>>, vector<16xf32>,
        %mul3A_332 = arith.mulf %gather3A_200, %get3A_331 : vector<16xf32>
        %add3A_333 = arith.addf %add3A_326, %mul3A_332 : vector<16xf32>
        %add3A_334 = arith.constant 5 : i32
        %add3A_335 = arith.addi %mul3A_179, %add3A_334 : i32
        %get3A_336 = arith.index_cast %add3A_335 : i32 to index
        %get3A_337 = arith.constant 16 : index
        %get3A_338 = tpu.vector_load %arg11[%get3A_336, %get3A_337] {strides = array<i32>} : memref<80x128xf32, #tpu.memory_space<vmem>>, vector<16xf32>,
        %mul3A_339 = arith.mulf %gather3A_204, %get3A_338 : vector<16xf32>
        %add3A_340 = arith.addf %add3A_333, %mul3A_339 : vector<16xf32>
        %add3A_341 = arith.constant 6 : i32
        %add3A_342 = arith.addi %mul3A_179, %add3A_341 : i32
        %get3A_343 = arith.index_cast %add3A_342 : i32 to index
        %get3A_344 = arith.constant 16 : index
        %get3A_345 = tpu.vector_load %arg11[%get3A_343, %get3A_344] {strides = array<i32>} : memref<80x128xf32, #tpu.memory_space<vmem>>, vector<16xf32>,
        %mul3A_346 = arith.mulf %gather3A_208, %get3A_345 : vector<16xf32>
        %add3A_347 = arith.addf %add3A_340, %mul3A_346 : vector<16xf32>
        %add3A_348 = arith.constant 7 : i32
        %add3A_349 = arith.addi %mul3A_179, %add3A_348 : i32
        %get3A_350 = arith.index_cast %add3A_349 : i32 to index
        %get3A_351 = arith.constant 16 : index
        %get3A_352 = tpu.vector_load %arg11[%get3A_350, %get3A_351] {strides = array<i32>} : memref<80x128xf32, #tpu.memory_space<vmem>>, vector<16xf32>,
        %mul3A_353 = arith.mulf %gather3A_212, %get3A_352 : vector<16xf32>
        %add3A_354 = arith.addf %add3A_347, %mul3A_353 : vector<16xf32>
        %add3A_355 = arith.constant 8 : i32
        %add3A_356 = arith.addi %mul3A_179, %add3A_355 : i32
        %get3A_357 = arith.index_cast %add3A_356 : i32 to index
        %get3A_358 = arith.constant 16 : index
        %get3A_359 = tpu.vector_load %arg11[%get3A_357, %get3A_358] {strides = array<i32>} : memref<80x128xf32, #tpu.memory_space<vmem>>, vector<16xf32>,
        %mul3A_360 = arith.mulf %gather3A_216, %get3A_359 : vector<16xf32>
        %add3A_361 = arith.addf %add3A_354, %mul3A_360 : vector<16xf32>
        %add3A_362 = arith.constant 9 : i32
        %add3A_363 = arith.addi %mul3A_179, %add3A_362 : i32
        %get3A_364 = arith.index_cast %add3A_363 : i32 to index
        %get3A_365 = arith.constant 16 : index
        %get3A_366 = tpu.vector_load %arg11[%get3A_364, %get3A_365] {strides = array<i32>} : memref<80x128xf32, #tpu.memory_space<vmem>>, vector<16xf32>,
        %mul3A_367 = arith.mulf %gather3A_220, %get3A_366 : vector<16xf32>
        %add3A_368 = arith.addf %add3A_361, %mul3A_367 : vector<16xf32>
        %mul3A_369 = arith.mulf %add3A_368, %div3A_232 : vector<16xf32>
        %swap3A_370 = arith.index_cast %scan3A_176 : i32 to index
        %swap3A_371 = arith.constant 16 : index
        %swap3A_372 = tpu.vector_load %arg15[%swap3A_370, %swap3A_371] {strides = array<i32>} : memref<8x128xf32, #tpu.memory_space<vmem>>, vector<16xf32>,
        tpu.vector_store %arg15[%swap3A_370, %swap3A_371], %mul3A_369 {strides = array<i32>} : memref<8x128xf32, #tpu.memory_space<vmem>>, vector<16xf32>,
        %get3A_373 = arith.index_cast %mul3A_179 : i32 to index
        %get3A_374 = arith.constant 32 : index
        %get3A_375 = tpu.vector_load %arg11[%get3A_373, %get3A_374] {strides = array<i32>} : memref<80x128xf32, #tpu.memory_space<vmem>>, vector<16xf32>,
        %mul3A_376 = arith.mulf %gather3A, %get3A_375 : vector<16xf32>
        %add3A_377 = arith.constant 1 : i32
        %add3A_378 = arith.addi %mul3A_179, %add3A_377 : i32
        %get3A_379 = arith.index_cast %add3A_378 : i32 to index
        %get3A_380 = arith.constant 32 : index
        %get3A_381 = tpu.vector_load %arg11[%get3A_379, %get3A_380] {strides = array<i32>} : memref<80x128xf32, #tpu.memory_space<vmem>>, vector<16xf32>,
        %mul3A_382 = arith.mulf %gather3A_188, %get3A_381 : vector<16xf32>
        %add3A_383 = arith.addf %mul3A_376, %mul3A_382 : vector<16xf32>
        %add3A_384 = arith.constant 2 : i32
        %add3A_385 = arith.addi %mul3A_179, %add3A_384 : i32
        %get3A_386 = arith.index_cast %add3A_385 : i32 to index
        %get3A_387 = arith.constant 32 : index
        %get3A_388 = tpu.vector_load %arg11[%get3A_386, %get3A_387] {strides = array<i32>} : memref<80x128xf32, #tpu.memory_space<vmem>>, vector<16xf32>,
        %mul3A_389 = arith.mulf %gather3A_192, %get3A_388 : vector<16xf32>
        %add3A_390 = arith.addf %add3A_383, %mul3A_389 : vector<16xf32>
        %add3A_391 = arith.constant 3 : i32
        %add3A_392 = arith.addi %mul3A_179, %add3A_391 : i32
        %get3A_393 = arith.index_cast %add3A_392 : i32 to index
        %get3A_394 = arith.constant 32 : index
        %get3A_395 = tpu.vector_load %arg11[%get3A_393, %get3A_394] {strides = array<i32>} : memref<80x128xf32, #tpu.memory_space<vmem>>, vector<16xf32>,
        %mul3A_396 = arith.mulf %gather3A_196, %get3A_395 : vector<16xf32>
        %add3A_397 = arith.addf %add3A_390, %mul3A_396 : vector<16xf32>
        %add3A_398 = arith.constant 4 : i32
        %add3A_399 = arith.addi %mul3A_179, %add3A_398 : i32
        %get3A_400 = arith.index_cast %add3A_399 : i32 to index
        %get3A_401 = arith.constant 32 : index
        %get3A_402 = tpu.vector_load %arg11[%get3A_400, %get3A_401] {strides = array<i32>} : memref<80x128xf32, #tpu.memory_space<vmem>>, vector<16xf32>,
        %mul3A_403 = arith.mulf %gather3A_200, %get3A_402 : vector<16xf32>
        %add3A_404 = arith.addf %add3A_397, %mul3A_403 : vector<16xf32>
        %add3A_405 = arith.constant 5 : i32
        %add3A_406 = arith.addi %mul3A_179, %add3A_405 : i32
        %get3A_407 = arith.index_cast %add3A_406 : i32 to index
        %get3A_408 = arith.constant 32 : index
        %get3A_409 = tpu.vector_load %arg11[%get3A_407, %get3A_408] {strides = array<i32>} : memref<80x128xf32, #tpu.memory_space<vmem>>, vector<16xf32>,
        %mul3A_410 = arith.mulf %gather3A_204, %get3A_409 : vector<16xf32>
        %add3A_411 = arith.addf %add3A_404, %mul3A_410 : vector<16xf32>
        %add3A_412 = arith.constant 6 : i32
        %add3A_413 = arith.addi %mul3A_179, %add3A_412 : i32
        %get3A_414 = arith.index_cast %add3A_413 : i32 to index
        %get3A_415 = arith.constant 32 : index
        %get3A_416 = tpu.vector_load %arg11[%get3A_414, %get3A_415] {strides = array<i32>} : memref<80x128xf32, #tpu.memory_space<vmem>>, vector<16xf32>,
        %mul3A_417 = arith.mulf %gather3A_208, %get3A_416 : vector<16xf32>
        %add3A_418 = arith.addf %add3A_411, %mul3A_417 : vector<16xf32>
        %add3A_419 = arith.constant 7 : i32
        %add3A_420 = arith.addi %mul3A_179, %add3A_419 : i32
        %get3A_421 = arith.index_cast %add3A_420 : i32 to index
        %get3A_422 = arith.constant 32 : index
        %get3A_423 = tpu.vector_load %arg11[%get3A_421, %get3A_422] {strides = array<i32>} : memref<80x128xf32, #tpu.memory_space<vmem>>, vector<16xf32>,
        %mul3A_424 = arith.mulf %gather3A_212, %get3A_423 : vector<16xf32>
        %add3A_425 = arith.addf %add3A_418, %mul3A_424 : vector<16xf32>
        %add3A_426 = arith.constant 8 : i32
        %add3A_427 = arith.addi %mul3A_179, %add3A_426 : i32
        %get3A_428 = arith.index_cast %add3A_427 : i32 to index
        %get3A_429 = arith.constant 32 : index
        %get3A_430 = tpu.vector_load %arg11[%get3A_428, %get3A_429] {strides = array<i32>} : memref<80x128xf32, #tpu.memory_space<vmem>>, vector<16xf32>,
        %mul3A_431 = arith.mulf %gather3A_216, %get3A_430 : vector<16xf32>
        %add3A_432 = arith.addf %add3A_425, %mul3A_431 : vector<16xf32>
        %add3A_433 = arith.constant 9 : i32
        %add3A_434 = arith.addi %mul3A_179, %add3A_433 : i32
        %get3A_435 = arith.index_cast %add3A_434 : i32 to index
        %get3A_436 = arith.constant 32 : index
        %get3A_437 = tpu.vector_load %arg11[%get3A_435, %get3A_436] {strides = array<i32>} : memref<80x128xf32, #tpu.memory_space<vmem>>, vector<16xf32>,
        %mul3A_438 = arith.mulf %gather3A_220, %get3A_437 : vector<16xf32>
        %add3A_439 = arith.addf %add3A_432, %mul3A_438 : vector<16xf32>
        %mul3A_440 = arith.mulf %add3A_439, %div3A_232 : vector<16xf32>
        %swap3A_441 = arith.index_cast %scan3A_176 : i32 to index
        %swap3A_442 = arith.constant 32 : index
        %swap3A_443 = tpu.vector_load %arg15[%swap3A_441, %swap3A_442] {strides = array<i32>} : memref<8x128xf32, #tpu.memory_space<vmem>>, vector<16xf32>,
        tpu.vector_store %arg15[%swap3A_441, %swap3A_442], %mul3A_440 {strides = array<i32>} : memref<8x128xf32, #tpu.memory_space<vmem>>, vector<16xf32>,
        %get3A_444 = arith.index_cast %mul3A_179 : i32 to index
        %get3A_445 = arith.constant 48 : index
        %get3A_446 = tpu.vector_load %arg11[%get3A_444, %get3A_445] {strides = array<i32>} : memref<80x128xf32, #tpu.memory_space<vmem>>, vector<16xf32>,
        %mul3A_447 = arith.mulf %gather3A, %get3A_446 : vector<16xf32>
        %add3A_448 = arith.constant 1 : i32
        %add3A_449 = arith.addi %mul3A_179, %add3A_448 : i32
        %get3A_450 = arith.index_cast %add3A_449 : i32 to index
        %get3A_451 = arith.constant 48 : index
        %get3A_452 = tpu.vector_load %arg11[%get3A_450, %get3A_451] {strides = array<i32>} : memref<80x128xf32, #tpu.memory_space<vmem>>, vector<16xf32>,
        %mul3A_453 = arith.mulf %gather3A_188, %get3A_452 : vector<16xf32>
        %add3A_454 = arith.addf %mul3A_447, %mul3A_453 : vector<16xf32>
        %add3A_455 = arith.constant 2 : i32
        %add3A_456 = arith.addi %mul3A_179, %add3A_455 : i32
        %get3A_457 = arith.index_cast %add3A_456 : i32 to index
        %get3A_458 = arith.constant 48 : index
        %get3A_459 = tpu.vector_load %arg11[%get3A_457, %get3A_458] {strides = array<i32>} : memref<80x128xf32, #tpu.memory_space<vmem>>, vector<16xf32>,
        %mul3A_460 = arith.mulf %gather3A_192, %get3A_459 : vector<16xf32>
        %add3A_461 = arith.addf %add3A_454, %mul3A_460 : vector<16xf32>
        %add3A_462 = arith.constant 3 : i32
        %add3A_463 = arith.addi %mul3A_179, %add3A_462 : i32
        %get3A_464 = arith.index_cast %add3A_463 : i32 to index
        %get3A_465 = arith.constant 48 : index
        %get3A_466 = tpu.vector_load %arg11[%get3A_464, %get3A_465] {strides = array<i32>} : memref<80x128xf32, #tpu.memory_space<vmem>>, vector<16xf32>,
        %mul3A_467 = arith.mulf %gather3A_196, %get3A_466 : vector<16xf32>
        %add3A_468 = arith.addf %add3A_461, %mul3A_467 : vector<16xf32>
        %add3A_469 = arith.constant 4 : i32
        %add3A_470 = arith.addi %mul3A_179, %add3A_469 : i32
        %get3A_471 = arith.index_cast %add3A_470 : i32 to index
        %get3A_472 = arith.constant 48 : index
        %get3A_473 = tpu.vector_load %arg11[%get3A_471, %get3A_472] {strides = array<i32>} : memref<80x128xf32, #tpu.memory_space<vmem>>, vector<16xf32>,
        %mul3A_474 = arith.mulf %gather3A_200, %get3A_473 : vector<16xf32>
        %add3A_475 = arith.addf %add3A_468, %mul3A_474 : vector<16xf32>
        %add3A_476 = arith.constant 5 : i32
        %add3A_477 = arith.addi %mul3A_179, %add3A_476 : i32
        %get3A_478 = arith.index_cast %add3A_477 : i32 to index
        %get3A_479 = arith.constant 48 : index
        %get3A_480 = tpu.vector_load %arg11[%get3A_478, %get3A_479] {strides = array<i32>} : memref<80x128xf32, #tpu.memory_space<vmem>>, vector<16xf32>,
        %mul3A_481 = arith.mulf %gather3A_204, %get3A_480 : vector<16xf32>
        %add3A_482 = arith.addf %add3A_475, %mul3A_481 : vector<16xf32>
        %add3A_483 = arith.constant 6 : i32
        %add3A_484 = arith.addi %mul3A_179, %add3A_483 : i32
        %get3A_485 = arith.index_cast %add3A_484 : i32 to index
        %get3A_486 = arith.constant 48 : index
        %get3A_487 = tpu.vector_load %arg11[%get3A_485, %get3A_486] {strides = array<i32>} : memref<80x128xf32, #tpu.memory_space<vmem>>, vector<16xf32>,
        %mul3A_488 = arith.mulf %gather3A_208, %get3A_487 : vector<16xf32>
        %add3A_489 = arith.addf %add3A_482, %mul3A_488 : vector<16xf32>
        %add3A_490 = arith.constant 7 : i32
        %add3A_491 = arith.addi %mul3A_179, %add3A_490 : i32
        %get3A_492 = arith.index_cast %add3A_491 : i32 to index
        %get3A_493 = arith.constant 48 : index
        %get3A_494 = tpu.vector_load %arg11[%get3A_492, %get3A_493] {strides = array<i32>} : memref<80x128xf32, #tpu.memory_space<vmem>>, vector<16xf32>,
        %mul3A_495 = arith.mulf %gather3A_212, %get3A_494 : vector<16xf32>
        %add3A_496 = arith.addf %add3A_489, %mul3A_495 : vector<16xf32>
        %add3A_497 = arith.constant 8 : i32
        %add3A_498 = arith.addi %mul3A_179, %add3A_497 : i32
        %get3A_499 = arith.index_cast %add3A_498 : i32 to index
        %get3A_500 = arith.constant 48 : index
        %get3A_501 = tpu.vector_load %arg11[%get3A_499, %get3A_500] {strides = array<i32>} : memref<80x128xf32, #tpu.memory_space<vmem>>, vector<16xf32>,
        %mul3A_502 = arith.mulf %gather3A_216, %get3A_501 : vector<16xf32>
        %add3A_503 = arith.addf %add3A_496, %mul3A_502 : vector<16xf32>
        %add3A_504 = arith.constant 9 : i32
        %add3A_505 = arith.addi %mul3A_179, %add3A_504 : i32
        %get3A_506 = arith.index_cast %add3A_505 : i32 to index
        %get3A_507 = arith.constant 48 : index
        %get3A_508 = tpu.vector_load %arg11[%get3A_506, %get3A_507] {strides = array<i32>} : memref<80x128xf32, #tpu.memory_space<vmem>>, vector<16xf32>,
        %mul3A_509 = arith.mulf %gather3A_220, %get3A_508 : vector<16xf32>
        %add3A_510 = arith.addf %add3A_503, %mul3A_509 : vector<16xf32>
        %mul3A_511 = arith.mulf %add3A_510, %div3A_232 : vector<16xf32>
        %swap3A_512 = arith.index_cast %scan3A_176 : i32 to index
        %swap3A_513 = arith.constant 48 : index
        %swap3A_514 = tpu.vector_load %arg15[%swap3A_512, %swap3A_513] {strides = array<i32>} : memref<8x128xf32, #tpu.memory_space<vmem>>, vector<16xf32>,
        tpu.vector_store %arg15[%swap3A_512, %swap3A_513], %mul3A_511 {strides = array<i32>} : memref<8x128xf32, #tpu.memory_space<vmem>>, vector<16xf32>,
        %get3A_515 = arith.index_cast %mul3A_179 : i32 to index
        %get3A_516 = arith.constant 64 : index
        %get3A_517 = tpu.vector_load %arg11[%get3A_515, %get3A_516] {strides = array<i32>} : memref<80x128xf32, #tpu.memory_space<vmem>>, vector<16xf32>,
        %mul3A_518 = arith.mulf %gather3A, %get3A_517 : vector<16xf32>
        %add3A_519 = arith.constant 1 : i32
        %add3A_520 = arith.addi %mul3A_179, %add3A_519 : i32
        %get3A_521 = arith.index_cast %add3A_520 : i32 to index
        %get3A_522 = arith.constant 64 : index
        %get3A_523 = tpu.vector_load %arg11[%get3A_521, %get3A_522] {strides = array<i32>} : memref<80x128xf32, #tpu.memory_space<vmem>>, vector<16xf32>,
        %mul3A_524 = arith.mulf %gather3A_188, %get3A_523 : vector<16xf32>
        %add3A_525 = arith.addf %mul3A_518, %mul3A_524 : vector<16xf32>
        %add3A_526 = arith.constant 2 : i32
        %add3A_527 = arith.addi %mul3A_179, %add3A_526 : i32
        %get3A_528 = arith.index_cast %add3A_527 : i32 to index
        %get3A_529 = arith.constant 64 : index
        %get3A_530 = tpu.vector_load %arg11[%get3A_528, %get3A_529] {strides = array<i32>} : memref<80x128xf32, #tpu.memory_space<vmem>>, vector<16xf32>,
        %mul3A_531 = arith.mulf %gather3A_192, %get3A_530 : vector<16xf32>
        %add3A_532 = arith.addf %add3A_525, %mul3A_531 : vector<16xf32>
        %add3A_533 = arith.constant 3 : i32
        %add3A_534 = arith.addi %mul3A_179, %add3A_533 : i32
        %get3A_535 = arith.index_cast %add3A_534 : i32 to index
        %get3A_536 = arith.constant 64 : index
        %get3A_537 = tpu.vector_load %arg11[%get3A_535, %get3A_536] {strides = array<i32>} : memref<80x128xf32, #tpu.memory_space<vmem>>, vector<16xf32>,
        %mul3A_538 = arith.mulf %gather3A_196, %get3A_537 : vector<16xf32>
        %add3A_539 = arith.addf %add3A_532, %mul3A_538 : vector<16xf32>
        %add3A_540 = arith.constant 4 : i32
        %add3A_541 = arith.addi %mul3A_179, %add3A_540 : i32
        %get3A_542 = arith.index_cast %add3A_541 : i32 to index
        %get3A_543 = arith.constant 64 : index
        %get3A_544 = tpu.vector_load %arg11[%get3A_542, %get3A_543] {strides = array<i32>} : memref<80x128xf32, #tpu.memory_space<vmem>>, vector<16xf32>,
        %mul3A_545 = arith.mulf %gather3A_200, %get3A_544 : vector<16xf32>
        %add3A_546 = arith.addf %add3A_539, %mul3A_545 : vector<16xf32>
        %add3A_547 = arith.constant 5 : i32
        %add3A_548 = arith.addi %mul3A_179, %add3A_547 : i32
        %get3A_549 = arith.index_cast %add3A_548 : i32 to index
        %get3A_550 = arith.constant 64 : index
        %get3A_551 = tpu.vector_load %arg11[%get3A_549, %get3A_550] {strides = array<i32>} : memref<80x128xf32, #tpu.memory_space<vmem>>, vector<16xf32>,
        %mul3A_552 = arith.mulf %gather3A_204, %get3A_551 : vector<16xf32>
        %add3A_553 = arith.addf %add3A_546, %mul3A_552 : vector<16xf32>
        %add3A_554 = arith.constant 6 : i32
        %add3A_555 = arith.addi %mul3A_179, %add3A_554 : i32
        %get3A_556 = arith.index_cast %add3A_555 : i32 to index
        %get3A_557 = arith.constant 64 : index
        %get3A_558 = tpu.vector_load %arg11[%get3A_556, %get3A_557] {strides = array<i32>} : memref<80x128xf32, #tpu.memory_space<vmem>>, vector<16xf32>,
        %mul3A_559 = arith.mulf %gather3A_208, %get3A_558 : vector<16xf32>
        %add3A_560 = arith.addf %add3A_553, %mul3A_559 : vector<16xf32>
        %add3A_561 = arith.constant 7 : i32
        %add3A_562 = arith.addi %mul3A_179, %add3A_561 : i32
        %get3A_563 = arith.index_cast %add3A_562 : i32 to index
        %get3A_564 = arith.constant 64 : index
        %get3A_565 = tpu.vector_load %arg11[%get3A_563, %get3A_564] {strides = array<i32>} : memref<80x128xf32, #tpu.memory_space<vmem>>, vector<16xf32>,
        %mul3A_566 = arith.mulf %gather3A_212, %get3A_565 : vector<16xf32>
        %add3A_567 = arith.addf %add3A_560, %mul3A_566 : vector<16xf32>
        %add3A_568 = arith.constant 8 : i32
        %add3A_569 = arith.addi %mul3A_179, %add3A_568 : i32
        %get3A_570 = arith.index_cast %add3A_569 : i32 to index
        %get3A_571 = arith.constant 64 : index
        %get3A_572 = tpu.vector_load %arg11[%get3A_570, %get3A_571] {strides = array<i32>} : memref<80x128xf32, #tpu.memory_space<vmem>>, vector<16xf32>,
        %mul3A_573 = arith.mulf %gather3A_216, %get3A_572 : vector<16xf32>
        %add3A_574 = arith.addf %add3A_567, %mul3A_573 : vector<16xf32>
        %add3A_575 = arith.constant 9 : i32
        %add3A_576 = arith.addi %mul3A_179, %add3A_575 : i32
        %get3A_577 = arith.index_cast %add3A_576 : i32 to index
        %get3A_578 = arith.constant 64 : index
        %get3A_579 = tpu.vector_load %arg11[%get3A_577, %get3A_578] {strides = array<i32>} : memref<80x128xf32, #tpu.memory_space<vmem>>, vector<16xf32>,
        %mul3A_580 = arith.mulf %gather3A_220, %get3A_579 : vector<16xf32>
        %add3A_581 = arith.addf %add3A_574, %mul3A_580 : vector<16xf32>
        %mul3A_582 = arith.mulf %add3A_581, %div3A_232 : vector<16xf32>
        %swap3A_583 = arith.index_cast %scan3A_176 : i32 to index
        %swap3A_584 = arith.constant 64 : index
        %swap3A_585 = tpu.vector_load %arg15[%swap3A_583, %swap3A_584] {strides = array<i32>} : memref<8x128xf32, #tpu.memory_space<vmem>>, vector<16xf32>,
        tpu.vector_store %arg15[%swap3A_583, %swap3A_584], %mul3A_582 {strides = array<i32>} : memref<8x128xf32, #tpu.memory_space<vmem>>, vector<16xf32>,
        %get3A_586 = arith.index_cast %mul3A_179 : i32 to index
        %get3A_587 = arith.constant 80 : index
        %get3A_588 = tpu.vector_load %arg11[%get3A_586, %get3A_587] {strides = array<i32>} : memref<80x128xf32, #tpu.memory_space<vmem>>, vector<16xf32>,
        %mul3A_589 = arith.mulf %gather3A, %get3A_588 : vector<16xf32>
        %add3A_590 = arith.constant 1 : i32
        %add3A_591 = arith.addi %mul3A_179, %add3A_590 : i32
        %get3A_592 = arith.index_cast %add3A_591 : i32 to index
        %get3A_593 = arith.constant 80 : index
        %get3A_594 = tpu.vector_load %arg11[%get3A_592, %get3A_593] {strides = array<i32>} : memref<80x128xf32, #tpu.memory_space<vmem>>, vector<16xf32>,
        %mul3A_595 = arith.mulf %gather3A_188, %get3A_594 : vector<16xf32>
        %add3A_596 = arith.addf %mul3A_589, %mul3A_595 : vector<16xf32>
        %add3A_597 = arith.constant 2 : i32
        %add3A_598 = arith.addi %mul3A_179, %add3A_597 : i32
        %get3A_599 = arith.index_cast %add3A_598 : i32 to index
        %get3A_600 = arith.constant 80 : index
        %get3A_601 = tpu.vector_load %arg11[%get3A_599, %get3A_600] {strides = array<i32>} : memref<80x128xf32, #tpu.memory_space<vmem>>, vector<16xf32>,
        %mul3A_602 = arith.mulf %gather3A_192, %get3A_601 : vector<16xf32>
        %add3A_603 = arith.addf %add3A_596, %mul3A_602 : vector<16xf32>
        %add3A_604 = arith.constant 3 : i32
        %add3A_605 = arith.addi %mul3A_179, %add3A_604 : i32
        %get3A_606 = arith.index_cast %add3A_605 : i32 to index
        %get3A_607 = arith.constant 80 : index
        %get3A_608 = tpu.vector_load %arg11[%get3A_606, %get3A_607] {strides = array<i32>} : memref<80x128xf32, #tpu.memory_space<vmem>>, vector<16xf32>,
        %mul3A_609 = arith.mulf %gather3A_196, %get3A_608 : vector<16xf32>
        %add3A_610 = arith.addf %add3A_603, %mul3A_609 : vector<16xf32>
        %add3A_611 = arith.constant 4 : i32
        %add3A_612 = arith.addi %mul3A_179, %add3A_611 : i32
        %get3A_613 = arith.index_cast %add3A_612 : i32 to index
        %get3A_614 = arith.constant 80 : index
        %get3A_615 = tpu.vector_load %arg11[%get3A_613, %get3A_614] {strides = array<i32>} : memref<80x128xf32, #tpu.memory_space<vmem>>, vector<16xf32>,
        %mul3A_616 = arith.mulf %gather3A_200, %get3A_615 : vector<16xf32>
        %add3A_617 = arith.addf %add3A_610, %mul3A_616 : vector<16xf32>
        %add3A_618 = arith.constant 5 : i32
        %add3A_619 = arith.addi %mul3A_179, %add3A_618 : i32
        %get3A_620 = arith.index_cast %add3A_619 : i32 to index
        %get3A_621 = arith.constant 80 : index
        %get3A_622 = tpu.vector_load %arg11[%get3A_620, %get3A_621] {strides = array<i32>} : memref<80x128xf32, #tpu.memory_space<vmem>>, vector<16xf32>,
        %mul3A_623 = arith.mulf %gather3A_204, %get3A_622 : vector<16xf32>
        %add3A_624 = arith.addf %add3A_617, %mul3A_623 : vector<16xf32>
        %add3A_625 = arith.constant 6 : i32
        %add3A_626 = arith.addi %mul3A_179, %add3A_625 : i32
        %get3A_627 = arith.index_cast %add3A_626 : i32 to index
        %get3A_628 = arith.constant 80 : index
        %get3A_629 = tpu.vector_load %arg11[%get3A_627, %get3A_628] {strides = array<i32>} : memref<80x128xf32, #tpu.memory_space<vmem>>, vector<16xf32>,
        %mul3A_630 = arith.mulf %gather3A_208, %get3A_629 : vector<16xf32>
        %add3A_631 = arith.addf %add3A_624, %mul3A_630 : vector<16xf32>
        %add3A_632 = arith.constant 7 : i32
        %add3A_633 = arith.addi %mul3A_179, %add3A_632 : i32
        %get3A_634 = arith.index_cast %add3A_633 : i32 to index
        %get3A_635 = arith.constant 80 : index
        %get3A_636 = tpu.vector_load %arg11[%get3A_634, %get3A_635] {strides = array<i32>} : memref<80x128xf32, #tpu.memory_space<vmem>>, vector<16xf32>,
        %mul3A_637 = arith.mulf %gather3A_212, %get3A_636 : vector<16xf32>
        %add3A_638 = arith.addf %add3A_631, %mul3A_637 : vector<16xf32>
        %add3A_639 = arith.constant 8 : i32
        %add3A_640 = arith.addi %mul3A_179, %add3A_639 : i32
        %get3A_641 = arith.index_cast %add3A_640 : i32 to index
        %get3A_642 = arith.constant 80 : index
        %get3A_643 = tpu.vector_load %arg11[%get3A_641, %get3A_642] {strides = array<i32>} : memref<80x128xf32, #tpu.memory_space<vmem>>, vector<16xf32>,
        %mul3A_644 = arith.mulf %gather3A_216, %get3A_643 : vector<16xf32>
        %add3A_645 = arith.addf %add3A_638, %mul3A_644 : vector<16xf32>
        %add3A_646 = arith.constant 9 : i32
        %add3A_647 = arith.addi %mul3A_179, %add3A_646 : i32
        %get3A_648 = arith.index_cast %add3A_647 : i32 to index
        %get3A_649 = arith.constant 80 : index
        %get3A_650 = tpu.vector_load %arg11[%get3A_648, %get3A_649] {strides = array<i32>} : memref<80x128xf32, #tpu.memory_space<vmem>>, vector<16xf32>,
        %mul3A_651 = arith.mulf %gather3A_220, %get3A_650 : vector<16xf32>
        %add3A_652 = arith.addf %add3A_645, %mul3A_651 : vector<16xf32>
        %mul3A_653 = arith.mulf %add3A_652, %div3A_232 : vector<16xf32>
        %swap3A_654 = arith.index_cast %scan3A_176 : i32 to index
        %swap3A_655 = arith.constant 80 : index
        %swap3A_656 = tpu.vector_load %arg15[%swap3A_654, %swap3A_655] {strides = array<i32>} : memref<8x128xf32, #tpu.memory_space<vmem>>, vector<16xf32>,
        tpu.vector_store %arg15[%swap3A_654, %swap3A_655], %mul3A_653 {strides = array<i32>} : memref<8x128xf32, #tpu.memory_space<vmem>>, vector<16xf32>,
        %get3A_657 = arith.index_cast %mul3A_179 : i32 to index
        %get3A_658 = arith.constant 96 : index
        %get3A_659 = tpu.vector_load %arg11[%get3A_657, %get3A_658] {strides = array<i32>} : memref<80x128xf32, #tpu.memory_space<vmem>>, vector<16xf32>,
        %mul3A_660 = arith.mulf %gather3A, %get3A_659 : vector<16xf32>
        %add3A_661 = arith.constant 1 : i32
        %add3A_662 = arith.addi %mul3A_179, %add3A_661 : i32
        %get3A_663 = arith.index_cast %add3A_662 : i32 to index
        %get3A_664 = arith.constant 96 : index
        %get3A_665 = tpu.vector_load %arg11[%get3A_663, %get3A_664] {strides = array<i32>} : memref<80x128xf32, #tpu.memory_space<vmem>>, vector<16xf32>,
        %mul3A_666 = arith.mulf %gather3A_188, %get3A_665 : vector<16xf32>
        %add3A_667 = arith.addf %mul3A_660, %mul3A_666 : vector<16xf32>
        %add3A_668 = arith.constant 2 : i32
        %add3A_669 = arith.addi %mul3A_179, %add3A_668 : i32
        %get3A_670 = arith.index_cast %add3A_669 : i32 to index
        %get3A_671 = arith.constant 96 : index
        %get3A_672 = tpu.vector_load %arg11[%get3A_670, %get3A_671] {strides = array<i32>} : memref<80x128xf32, #tpu.memory_space<vmem>>, vector<16xf32>,
        %mul3A_673 = arith.mulf %gather3A_192, %get3A_672 : vector<16xf32>
        %add3A_674 = arith.addf %add3A_667, %mul3A_673 : vector<16xf32>
        %add3A_675 = arith.constant 3 : i32
        %add3A_676 = arith.addi %mul3A_179, %add3A_675 : i32
        %get3A_677 = arith.index_cast %add3A_676 : i32 to index
        %get3A_678 = arith.constant 96 : index
        %get3A_679 = tpu.vector_load %arg11[%get3A_677, %get3A_678] {strides = array<i32>} : memref<80x128xf32, #tpu.memory_space<vmem>>, vector<16xf32>,
        %mul3A_680 = arith.mulf %gather3A_196, %get3A_679 : vector<16xf32>
        %add3A_681 = arith.addf %add3A_674, %mul3A_680 : vector<16xf32>
        %add3A_682 = arith.constant 4 : i32
        %add3A_683 = arith.addi %mul3A_179, %add3A_682 : i32
        %get3A_684 = arith.index_cast %add3A_683 : i32 to index
        %get3A_685 = arith.constant 96 : index
        %get3A_686 = tpu.vector_load %arg11[%get3A_684, %get3A_685] {strides = array<i32>} : memref<80x128xf32, #tpu.memory_space<vmem>>, vector<16xf32>,
        %mul3A_687 = arith.mulf %gather3A_200, %get3A_686 : vector<16xf32>
        %add3A_688 = arith.addf %add3A_681, %mul3A_687 : vector<16xf32>
        %add3A_689 = arith.constant 5 : i32
        %add3A_690 = arith.addi %mul3A_179, %add3A_689 : i32
        %get3A_691 = arith.index_cast %add3A_690 : i32 to index
        %get3A_692 = arith.constant 96 : index
        %get3A_693 = tpu.vector_load %arg11[%get3A_691, %get3A_692] {strides = array<i32>} : memref<80x128xf32, #tpu.memory_space<vmem>>, vector<16xf32>,
        %mul3A_694 = arith.mulf %gather3A_204, %get3A_693 : vector<16xf32>
        %add3A_695 = arith.addf %add3A_688, %mul3A_694 : vector<16xf32>
        %add3A_696 = arith.constant 6 : i32
        %add3A_697 = arith.addi %mul3A_179, %add3A_696 : i32
        %get3A_698 = arith.index_cast %add3A_697 : i32 to index
        %get3A_699 = arith.constant 96 : index
        %get3A_700 = tpu.vector_load %arg11[%get3A_698, %get3A_699] {strides = array<i32>} : memref<80x128xf32, #tpu.memory_space<vmem>>, vector<16xf32>,
        %mul3A_701 = arith.mulf %gather3A_208, %get3A_700 : vector<16xf32>
        %add3A_702 = arith.addf %add3A_695, %mul3A_701 : vector<16xf32>
        %add3A_703 = arith.constant 7 : i32
        %add3A_704 = arith.addi %mul3A_179, %add3A_703 : i32
        %get3A_705 = arith.index_cast %add3A_704 : i32 to index
        %get3A_706 = arith.constant 96 : index
        %get3A_707 = tpu.vector_load %arg11[%get3A_705, %get3A_706] {strides = array<i32>} : memref<80x128xf32, #tpu.memory_space<vmem>>, vector<16xf32>,
        %mul3A_708 = arith.mulf %gather3A_212, %get3A_707 : vector<16xf32>
        %add3A_709 = arith.addf %add3A_702, %mul3A_708 : vector<16xf32>
        %add3A_710 = arith.constant 8 : i32
        %add3A_711 = arith.addi %mul3A_179, %add3A_710 : i32
        %get3A_712 = arith.index_cast %add3A_711 : i32 to index
        %get3A_713 = arith.constant 96 : index
        %get3A_714 = tpu.vector_load %arg11[%get3A_712, %get3A_713] {strides = array<i32>} : memref<80x128xf32, #tpu.memory_space<vmem>>, vector<16xf32>,
        %mul3A_715 = arith.mulf %gather3A_216, %get3A_714 : vector<16xf32>
        %add3A_716 = arith.addf %add3A_709, %mul3A_715 : vector<16xf32>
        %add3A_717 = arith.constant 9 : i32
        %add3A_718 = arith.addi %mul3A_179, %add3A_717 : i32
        %get3A_719 = arith.index_cast %add3A_718 : i32 to index
        %get3A_720 = arith.constant 96 : index
        %get3A_721 = tpu.vector_load %arg11[%get3A_719, %get3A_720] {strides = array<i32>} : memref<80x128xf32, #tpu.memory_space<vmem>>, vector<16xf32>,
        %mul3A_722 = arith.mulf %gather3A_220, %get3A_721 : vector<16xf32>
        %add3A_723 = arith.addf %add3A_716, %mul3A_722 : vector<16xf32>
        %mul3A_724 = arith.mulf %add3A_723, %div3A_232 : vector<16xf32>
        %swap3A_725 = arith.index_cast %scan3A_176 : i32 to index
        %swap3A_726 = arith.constant 96 : index
        %swap3A_727 = tpu.vector_load %arg15[%swap3A_725, %swap3A_726] {strides = array<i32>} : memref<8x128xf32, #tpu.memory_space<vmem>>, vector<16xf32>,
        tpu.vector_store %arg15[%swap3A_725, %swap3A_726], %mul3A_724 {strides = array<i32>} : memref<8x128xf32, #tpu.memory_space<vmem>>, vector<16xf32>,
        %get3A_728 = arith.index_cast %mul3A_179 : i32 to index
        %get3A_729 = arith.constant 112 : index
        %get3A_730 = tpu.vector_load %arg11[%get3A_728, %get3A_729] {strides = array<i32>} : memref<80x128xf32, #tpu.memory_space<vmem>>, vector<16xf32>,
        %mul3A_731 = arith.mulf %gather3A, %get3A_730 : vector<16xf32>
        %add3A_732 = arith.constant 1 : i32
        %add3A_733 = arith.addi %mul3A_179, %add3A_732 : i32
        %get3A_734 = arith.index_cast %add3A_733 : i32 to index
        %get3A_735 = arith.constant 112 : index
        %get3A_736 = tpu.vector_load %arg11[%get3A_734, %get3A_735] {strides = array<i32>} : memref<80x128xf32, #tpu.memory_space<vmem>>, vector<16xf32>,
        %mul3A_737 = arith.mulf %gather3A_188, %get3A_736 : vector<16xf32>
        %add3A_738 = arith.addf %mul3A_731, %mul3A_737 : vector<16xf32>
        %add3A_739 = arith.constant 2 : i32
        %add3A_740 = arith.addi %mul3A_179, %add3A_739 : i32
        %get3A_741 = arith.index_cast %add3A_740 : i32 to index
        %get3A_742 = arith.constant 112 : index
        %get3A_743 = tpu.vector_load %arg11[%get3A_741, %get3A_742] {strides = array<i32>} : memref<80x128xf32, #tpu.memory_space<vmem>>, vector<16xf32>,
        %mul3A_744 = arith.mulf %gather3A_192, %get3A_743 : vector<16xf32>
        %add3A_745 = arith.addf %add3A_738, %mul3A_744 : vector<16xf32>
        %add3A_746 = arith.constant 3 : i32
        %add3A_747 = arith.addi %mul3A_179, %add3A_746 : i32
        %get3A_748 = arith.index_cast %add3A_747 : i32 to index
        %get3A_749 = arith.constant 112 : index
        %get3A_750 = tpu.vector_load %arg11[%get3A_748, %get3A_749] {strides = array<i32>} : memref<80x128xf32, #tpu.memory_space<vmem>>, vector<16xf32>,
        %mul3A_751 = arith.mulf %gather3A_196, %get3A_750 : vector<16xf32>
        %add3A_752 = arith.addf %add3A_745, %mul3A_751 : vector<16xf32>
        %add3A_753 = arith.constant 4 : i32
        %add3A_754 = arith.addi %mul3A_179, %add3A_753 : i32
        %get3A_755 = arith.index_cast %add3A_754 : i32 to index
        %get3A_756 = arith.constant 112 : index
        %get3A_757 = tpu.vector_load %arg11[%get3A_755, %get3A_756] {strides = array<i32>} : memref<80x128xf32, #tpu.memory_space<vmem>>, vector<16xf32>,
        %mul3A_758 = arith.mulf %gather3A_200, %get3A_757 : vector<16xf32>
        %add3A_759 = arith.addf %add3A_752, %mul3A_758 : vector<16xf32>
        %add3A_760 = arith.constant 5 : i32
        %add3A_761 = arith.addi %mul3A_179, %add3A_760 : i32
        %get3A_762 = arith.index_cast %add3A_761 : i32 to index
        %get3A_763 = arith.constant 112 : index
        %get3A_764 = tpu.vector_load %arg11[%get3A_762, %get3A_763] {strides = array<i32>} : memref<80x128xf32, #tpu.memory_space<vmem>>, vector<16xf32>,
        %mul3A_765 = arith.mulf %gather3A_204, %get3A_764 : vector<16xf32>
        %add3A_766 = arith.addf %add3A_759, %mul3A_765 : vector<16xf32>
        %add3A_767 = arith.constant 6 : i32
        %add3A_768 = arith.addi %mul3A_179, %add3A_767 : i32
        %get3A_769 = arith.index_cast %add3A_768 : i32 to index
        %get3A_770 = arith.constant 112 : index
        %get3A_771 = tpu.vector_load %arg11[%get3A_769, %get3A_770] {strides = array<i32>} : memref<80x128xf32, #tpu.memory_space<vmem>>, vector<16xf32>,
        %mul3A_772 = arith.mulf %gather3A_208, %get3A_771 : vector<16xf32>
        %add3A_773 = arith.addf %add3A_766, %mul3A_772 : vector<16xf32>
        %add3A_774 = arith.constant 7 : i32
        %add3A_775 = arith.addi %mul3A_179, %add3A_774 : i32
        %get3A_776 = arith.index_cast %add3A_775 : i32 to index
        %get3A_777 = arith.constant 112 : index
        %get3A_778 = tpu.vector_load %arg11[%get3A_776, %get3A_777] {strides = array<i32>} : memref<80x128xf32, #tpu.memory_space<vmem>>, vector<16xf32>,
        %mul3A_779 = arith.mulf %gather3A_212, %get3A_778 : vector<16xf32>
        %add3A_780 = arith.addf %add3A_773, %mul3A_779 : vector<16xf32>
        %add3A_781 = arith.constant 8 : i32
        %add3A_782 = arith.addi %mul3A_179, %add3A_781 : i32
        %get3A_783 = arith.index_cast %add3A_782 : i32 to index
        %get3A_784 = arith.constant 112 : index
        %get3A_785 = tpu.vector_load %arg11[%get3A_783, %get3A_784] {strides = array<i32>} : memref<80x128xf32, #tpu.memory_space<vmem>>, vector<16xf32>,
        %mul3A_786 = arith.mulf %gather3A_216, %get3A_785 : vector<16xf32>
        %add3A_787 = arith.addf %add3A_780, %mul3A_786 : vector<16xf32>
        %add3A_788 = arith.constant 9 : i32
        %add3A_789 = arith.addi %mul3A_179, %add3A_788 : i32
        %get3A_790 = arith.index_cast %add3A_789 : i32 to index
        %get3A_791 = arith.constant 112 : index
        %get3A_792 = tpu.vector_load %arg11[%get3A_790, %get3A_791] {strides = array<i32>} : memref<80x128xf32, #tpu.memory_space<vmem>>, vector<16xf32>,
        %mul3A_793 = arith.mulf %gather3A_220, %get3A_792 : vector<16xf32>
        %add3A_794 = arith.addf %add3A_787, %mul3A_793 : vector<16xf32>
        %mul3A_795 = arith.mulf %add3A_794, %div3A_232 : vector<16xf32>
        %swap3A_796 = arith.index_cast %scan3A_176 : i32 to index
        %swap3A_797 = arith.constant 112 : index
        %swap3A_798 = tpu.vector_load %arg15[%swap3A_796, %swap3A_797] {strides = array<i32>} : memref<8x128xf32, #tpu.memory_space<vmem>>, vector<16xf32>,
        tpu.vector_store %arg15[%swap3A_796, %swap3A_797], %mul3A_795 {strides = array<i32>} : memref<8x128xf32, #tpu.memory_space<vmem>>, vector<16xf32>,
        %scan3A_799 = arith.constant 0 : i32
        scf.yield %scan3A_799 : i32
      }
      %scan3A_107 = arith.constant 8 : i32
      %mul3A_108 = arith.constant 8 : i32
      %mul3A_109 = arith.muli %add3A_93, %mul3A_108 : i32
      %dma_wait3A_110 = tpu.memref_slice %arg9[%mul3A_109] : memref<1776xi32, #tpu.memory_space<vmem>> -> memref<8xi32, #tpu.memory_space<vmem>>
      %dma_wait3A_111 = arith.constant 0 : i32
      %dma_wait3A_112 = arith.constant 0 : i32
      %dma_wait3A_113 = tpu.memref_slice %arg5[%dma_wait3A_111, %dma_wait3A_112] : memref<100000x128xf32, #tpu.memory_space<hbm>> -> memref<100000x128xf32, #tpu.memory_space<hbm>>
      tpu.wait_indirect_dma semaphore(%arg19 : memref<!tpu.dma_semaphore, #tpu.memory_space<semaphore_mem>>) src(%dma_wait3A_113 : memref<100000x128xf32, #tpu.memory_space<hbm>>) dst(%arg13 : memref<8x128xf32, #tpu.memory_space<vmem>>)
      %mul3A_114 = arith.constant 8 : i32
      %mul3A_115 = arith.muli %add3A_93, %mul3A_114 : i32
      %add3A_116 = arith.addi %mul3A_6, %mul3A_115 : i32
      %dma_start3A_117 = arith.constant 0 : i32
      %dma_start3A_118 = tpu.memref_slice %arg6[%add3A_116, %dma_start3A_117] : memref<50176x128xf32, #tpu.memory_space<hbm>> -> memref<8x128xf32, #tpu.memory_space<hbm>>
      %dma_start3A_119 = arith.constant 0 : i32
      %dma_start3A_120 = tpu.memref_slice %arg6[%add3A_116, %dma_start3A_119] : memref<50176x128xf32, #tpu.memory_space<hbm>> -> memref<8x128xf32, #tpu.memory_space<hbm>>
      tpu.enqueue_dma source(%arg15 : memref<8x128xf32, #tpu.memory_space<vmem>>) target(%dma_start3A_120 : memref<8x128xf32, #tpu.memory_space<hbm>>) target_semaphore(%arg21 : memref<!tpu.dma_semaphore, #tpu.memory_space<semaphore_mem>>)
      %dma_start3A_121 = arith.constant 0 : i32
      %dma_start3A_122 = tpu.memref_slice %arg7[%add3A_116, %dma_start3A_121] : memref<50176x128xf32, #tpu.memory_space<hbm>> -> memref<8x128xf32, #tpu.memory_space<hbm>>
      %dma_start3A_123 = arith.constant 0 : i32
      %dma_start3A_124 = tpu.memref_slice %arg7[%add3A_116, %dma_start3A_123] : memref<50176x128xf32, #tpu.memory_space<hbm>> -> memref<8x128xf32, #tpu.memory_space<hbm>>
      tpu.enqueue_dma source(%arg13 : memref<8x128xf32, #tpu.memory_space<vmem>>) target(%dma_start3A_124 : memref<8x128xf32, #tpu.memory_space<hbm>>) target_semaphore(%arg23 : memref<!tpu.dma_semaphore, #tpu.memory_space<semaphore_mem>>)
      %add3A_125 = arith.constant 2 : i32
      %add3A_126 = arith.addi %add3A_93, %add3A_125 : i32
      %lt3A = arith.cmpi slt, %add3A_126, %select_n3A : i32
      %convert_element_type3A_127 = arith.extui %lt3A : i1 to i32
      %cond3A_128 = arith.constant 0 : i32
      %cond3A_129 = arith.cmpi ne, %convert_element_type3A_127, %cond3A_128 : i32
      scf.if %cond3A_129 {
        %add3A_176 = arith.constant 2 : i32
        %add3A_177 = arith.addi %add3A_93, %add3A_176 : i32
        %mul3A_178 = arith.constant 80 : i32
        %mul3A_179 = arith.muli %add3A_177, %mul3A_178 : i32
        %dma_start3A_180 = tpu.memref_slice %arg8[%mul3A_179] : memref<17760xi32, #tpu.memory_space<vmem>> -> memref<80xi32, #tpu.memory_space<vmem>>
        %dma_start3A_181 = arith.constant 0 : i32
        %dma_start3A_182 = arith.constant 0 : i32
        %dma_start3A_183 = tpu.memref_slice %arg5[%dma_start3A_181, %dma_start3A_182] : memref<100000x128xf32, #tpu.memory_space<hbm>> -> memref<100000x128xf32, #tpu.memory_space<hbm>>
        tpu.enqueue_indirect_dma source(%dma_start3A_183 : memref<100000x128xf32, #tpu.memory_space<hbm>>) target(%arg11 : memref<80x128xf32, #tpu.memory_space<vmem>>) offsets(%dma_start3A_180 : memref<80xi32, #tpu.memory_space<vmem>>) semaphore(%arg17 : memref<!tpu.dma_semaphore, #tpu.memory_space<semaphore_mem>>)
      } else {
      }
      %mul3A_130 = arith.constant 2 : i32
      %mul3A_131 = arith.muli %mul3A_130, %while3A_88 : i32
      %add3A_132 = arith.constant 1 : i32
      %add3A_133 = arith.addi %mul3A_131, %add3A_132 : i32
      %ge3A_134 = arith.constant 2 : i32
      %ge3A_135 = arith.cmpi sge, %add3A_133, %ge3A_134 : i32
      %convert_element_type3A_136 = arith.extui %ge3A_135 : i1 to i32
      %cond3A_137 = arith.constant 0 : i32
      %cond3A_138 = arith.cmpi ne, %convert_element_type3A_136, %cond3A_137 : i32
      scf.if %cond3A_138 {
        %sub3A_176 = arith.constant 2 : i32
        %sub3A_177 = arith.subi %add3A_133, %sub3A_176 : i32
        %mul3A_178 = arith.constant 8 : i32
        %mul3A_179 = arith.muli %sub3A_177, %mul3A_178 : i32
        %add3A_180 = arith.addi %mul3A_6, %mul3A_179 : i32
        %dma_wait3A_181 = arith.constant 0 : i32
        %dma_wait3A_182 = tpu.memref_slice %arg6[%add3A_180, %dma_wait3A_181] : memref<50176x128xf32, #tpu.memory_space<hbm>> -> memref<8x128xf32, #tpu.memory_space<hbm>>
        %dma_wait3A_183 = arith.constant 0 : i32
        %dma_wait3A_184 = tpu.memref_slice %arg6[%add3A_180, %dma_wait3A_183] : memref<50176x128xf32, #tpu.memory_space<hbm>> -> memref<8x128xf32, #tpu.memory_space<hbm>>
        tpu.wait_dma2 semaphore(%arg22 : memref<!tpu.dma_semaphore, #tpu.memory_space<semaphore_mem>>) src(%arg16 : memref<8x128xf32, #tpu.memory_space<vmem>>) dst(%dma_wait3A_184 : memref<8x128xf32, #tpu.memory_space<hbm>>)
        %dma_wait3A_185 = arith.constant 0 : i32
        %dma_wait3A_186 = tpu.memref_slice %arg7[%add3A_180, %dma_wait3A_185] : memref<50176x128xf32, #tpu.memory_space<hbm>> -> memref<8x128xf32, #tpu.memory_space<hbm>>
        %dma_wait3A_187 = arith.constant 0 : i32
        %dma_wait3A_188 = tpu.memref_slice %arg7[%add3A_180, %dma_wait3A_187] : memref<50176x128xf32, #tpu.memory_space<hbm>> -> memref<8x128xf32, #tpu.memory_space<hbm>>
        tpu.wait_dma2 semaphore(%arg24 : memref<!tpu.dma_semaphore, #tpu.memory_space<semaphore_mem>>) src(%arg14 : memref<8x128xf32, #tpu.memory_space<vmem>>) dst(%dma_wait3A_188 : memref<8x128xf32, #tpu.memory_space<hbm>>)
        %mul3A_189 = arith.constant 8 : i32
        %mul3A_190 = arith.muli %add3A_133, %mul3A_189 : i32
        %dma_start3A_191 = tpu.memref_slice %arg9[%mul3A_190] : memref<1776xi32, #tpu.memory_space<vmem>> -> memref<8xi32, #tpu.memory_space<vmem>>
        %dma_start3A_192 = arith.constant 0 : i32
        %dma_start3A_193 = arith.constant 0 : i32
        %dma_start3A_194 = tpu.memref_slice %arg5[%dma_start3A_192, %dma_start3A_193] : memref<100000x128xf32, #tpu.memory_space<hbm>> -> memref<100000x128xf32, #tpu.memory_space<hbm>>
        tpu.enqueue_indirect_dma source(%dma_start3A_194 : memref<100000x128xf32, #tpu.memory_space<hbm>>) target(%arg14 : memref<8x128xf32, #tpu.memory_space<vmem>>) offsets(%dma_start3A_191 : memref<8xi32, #tpu.memory_space<vmem>>) semaphore(%arg20 : memref<!tpu.dma_semaphore, #tpu.memory_space<semaphore_mem>>)
      } else {
      }
      %mul3A_139 = arith.constant 80 : i32
      %mul3A_140 = arith.muli %add3A_133, %mul3A_139 : i32
      %dma_wait3A_141 = tpu.memref_slice %arg8[%mul3A_140] : memref<17760xi32, #tpu.memory_space<vmem>> -> memref<80xi32, #tpu.memory_space<vmem>>
      %dma_wait3A_142 = arith.constant 0 : i32
      %dma_wait3A_143 = arith.constant 0 : i32
      %dma_wait3A_144 = tpu.memref_slice %arg5[%dma_wait3A_142, %dma_wait3A_143] : memref<100000x128xf32, #tpu.memory_space<hbm>> -> memref<100000x128xf32, #tpu.memory_space<hbm>>
      tpu.wait_indirect_dma semaphore(%arg18 : memref<!tpu.dma_semaphore, #tpu.memory_space<semaphore_mem>>) src(%dma_wait3A_144 : memref<100000x128xf32, #tpu.memory_space<hbm>>) dst(%arg12 : memref<80x128xf32, #tpu.memory_space<vmem>>)
      %scan3A_145 = arith.constant 0 : i32
      %scan3A_146 = arith.constant 0 : i32
      %scan3A_147 = arith.constant 8 : i32
      %scan3A_148 = arith.addi %scan3A_146, %scan3A_147 : i32
      %scan3A_149 = arith.constant 1 : i32
      %scan3A_150 = scf.for %scan3A_176 = %scan3A_146 to %scan3A_148 step %scan3A_149 iter_args(%scan3A_177 = %scan3A_145) -> (i32)  : i32 {
        %mul3A_178 = arith.constant 10 : i32
        %mul3A_179 = arith.muli %scan3A_176, %mul3A_178 : i32
        %mul3A_180 = arith.constant 80 : i32
        %mul3A_181 = arith.muli %add3A_133, %mul3A_180 : i32
        %add3A_182 = arith.addi %mul3A_181, %mul3A_179 : i32
        %add3A_183 = arith.constant 0 : i32
        %add3A_184 = arith.addi %add3A_182, %add3A_183 : i32
        %broadcast_in_dim3A = vector.broadcast %add3A_184 : i32 to vector<16xi32>
        %gather3A = tpu.vector_load_idx %arg10[%broadcast_in_dim3A] : memref<17760xf32, #tpu.memory_space<vmem>>[vector<16xi32>], vector<16xf32>,
        %add3A_185 = arith.constant 1 : i32
        %add3A_186 = arith.addi %add3A_182, %add3A_185 : i32
        %broadcast_in_dim3A_187 = vector.broadcast %add3A_186 : i32 to vector<16xi32>
        %gather3A_188 = tpu.vector_load_idx %arg10[%broadcast_in_dim3A_187] : memref<17760xf32, #tpu.memory_space<vmem>>[vector<16xi32>], vector<16xf32>,
        %add3A_189 = arith.constant 2 : i32
        %add3A_190 = arith.addi %add3A_182, %add3A_189 : i32
        %broadcast_in_dim3A_191 = vector.broadcast %add3A_190 : i32 to vector<16xi32>
        %gather3A_192 = tpu.vector_load_idx %arg10[%broadcast_in_dim3A_191] : memref<17760xf32, #tpu.memory_space<vmem>>[vector<16xi32>], vector<16xf32>,
        %add3A_193 = arith.constant 3 : i32
        %add3A_194 = arith.addi %add3A_182, %add3A_193 : i32
        %broadcast_in_dim3A_195 = vector.broadcast %add3A_194 : i32 to vector<16xi32>
        %gather3A_196 = tpu.vector_load_idx %arg10[%broadcast_in_dim3A_195] : memref<17760xf32, #tpu.memory_space<vmem>>[vector<16xi32>], vector<16xf32>,
        %add3A_197 = arith.constant 4 : i32
        %add3A_198 = arith.addi %add3A_182, %add3A_197 : i32
        %broadcast_in_dim3A_199 = vector.broadcast %add3A_198 : i32 to vector<16xi32>
        %gather3A_200 = tpu.vector_load_idx %arg10[%broadcast_in_dim3A_199] : memref<17760xf32, #tpu.memory_space<vmem>>[vector<16xi32>], vector<16xf32>,
        %add3A_201 = arith.constant 5 : i32
        %add3A_202 = arith.addi %add3A_182, %add3A_201 : i32
        %broadcast_in_dim3A_203 = vector.broadcast %add3A_202 : i32 to vector<16xi32>
        %gather3A_204 = tpu.vector_load_idx %arg10[%broadcast_in_dim3A_203] : memref<17760xf32, #tpu.memory_space<vmem>>[vector<16xi32>], vector<16xf32>,
        %add3A_205 = arith.constant 6 : i32
        %add3A_206 = arith.addi %add3A_182, %add3A_205 : i32
        %broadcast_in_dim3A_207 = vector.broadcast %add3A_206 : i32 to vector<16xi32>
        %gather3A_208 = tpu.vector_load_idx %arg10[%broadcast_in_dim3A_207] : memref<17760xf32, #tpu.memory_space<vmem>>[vector<16xi32>], vector<16xf32>,
        %add3A_209 = arith.constant 7 : i32
        %add3A_210 = arith.addi %add3A_182, %add3A_209 : i32
        %broadcast_in_dim3A_211 = vector.broadcast %add3A_210 : i32 to vector<16xi32>
        %gather3A_212 = tpu.vector_load_idx %arg10[%broadcast_in_dim3A_211] : memref<17760xf32, #tpu.memory_space<vmem>>[vector<16xi32>], vector<16xf32>,
        %add3A_213 = arith.constant 8 : i32
        %add3A_214 = arith.addi %add3A_182, %add3A_213 : i32
        %broadcast_in_dim3A_215 = vector.broadcast %add3A_214 : i32 to vector<16xi32>
        %gather3A_216 = tpu.vector_load_idx %arg10[%broadcast_in_dim3A_215] : memref<17760xf32, #tpu.memory_space<vmem>>[vector<16xi32>], vector<16xf32>,
        %add3A_217 = arith.constant 9 : i32
        %add3A_218 = arith.addi %add3A_182, %add3A_217 : i32
        %broadcast_in_dim3A_219 = vector.broadcast %add3A_218 : i32 to vector<16xi32>
        %gather3A_220 = tpu.vector_load_idx %arg10[%broadcast_in_dim3A_219] : memref<17760xf32, #tpu.memory_space<vmem>>[vector<16xi32>], vector<16xf32>,
        %add3A_221 = arith.addf %gather3A, %gather3A_188 : vector<16xf32>
        %add3A_222 = arith.addf %add3A_221, %gather3A_192 : vector<16xf32>
        %add3A_223 = arith.addf %add3A_222, %gather3A_196 : vector<16xf32>
        %add3A_224 = arith.addf %add3A_223, %gather3A_200 : vector<16xf32>
        %add3A_225 = arith.addf %add3A_224, %gather3A_204 : vector<16xf32>
        %add3A_226 = arith.addf %add3A_225, %gather3A_208 : vector<16xf32>
        %add3A_227 = arith.addf %add3A_226, %gather3A_212 : vector<16xf32>
        %add3A_228 = arith.addf %add3A_227, %gather3A_216 : vector<16xf32>
        %add3A_229 = arith.addf %add3A_228, %gather3A_220 : vector<16xf32>
        %div3A_230 = arith.constant 1.000000e+00 : f32
        %div3A_231 = vector.broadcast %div3A_230 : f32 to vector<16xf32>
        %div3A_232 = arith.divf %div3A_231, %add3A_229 : vector<16xf32>
        %get3A = arith.index_cast %mul3A_179 : i32 to index
        %get3A_233 = arith.constant 0 : index
        %get3A_234 = tpu.vector_load %arg12[%get3A, %get3A_233] {strides = array<i32>} : memref<80x128xf32, #tpu.memory_space<vmem>>, vector<16xf32>,
        %mul3A_235 = arith.mulf %gather3A, %get3A_234 : vector<16xf32>
        %add3A_236 = arith.constant 1 : i32
        %add3A_237 = arith.addi %mul3A_179, %add3A_236 : i32
        %get3A_238 = arith.index_cast %add3A_237 : i32 to index
        %get3A_239 = arith.constant 0 : index
        %get3A_240 = tpu.vector_load %arg12[%get3A_238, %get3A_239] {strides = array<i32>} : memref<80x128xf32, #tpu.memory_space<vmem>>, vector<16xf32>,
        %mul3A_241 = arith.mulf %gather3A_188, %get3A_240 : vector<16xf32>
        %add3A_242 = arith.addf %mul3A_235, %mul3A_241 : vector<16xf32>
        %add3A_243 = arith.constant 2 : i32
        %add3A_244 = arith.addi %mul3A_179, %add3A_243 : i32
        %get3A_245 = arith.index_cast %add3A_244 : i32 to index
        %get3A_246 = arith.constant 0 : index
        %get3A_247 = tpu.vector_load %arg12[%get3A_245, %get3A_246] {strides = array<i32>} : memref<80x128xf32, #tpu.memory_space<vmem>>, vector<16xf32>,
        %mul3A_248 = arith.mulf %gather3A_192, %get3A_247 : vector<16xf32>
        %add3A_249 = arith.addf %add3A_242, %mul3A_248 : vector<16xf32>
        %add3A_250 = arith.constant 3 : i32
        %add3A_251 = arith.addi %mul3A_179, %add3A_250 : i32
        %get3A_252 = arith.index_cast %add3A_251 : i32 to index
        %get3A_253 = arith.constant 0 : index
        %get3A_254 = tpu.vector_load %arg12[%get3A_252, %get3A_253] {strides = array<i32>} : memref<80x128xf32, #tpu.memory_space<vmem>>, vector<16xf32>,
        %mul3A_255 = arith.mulf %gather3A_196, %get3A_254 : vector<16xf32>
        %add3A_256 = arith.addf %add3A_249, %mul3A_255 : vector<16xf32>
        %add3A_257 = arith.constant 4 : i32
        %add3A_258 = arith.addi %mul3A_179, %add3A_257 : i32
        %get3A_259 = arith.index_cast %add3A_258 : i32 to index
        %get3A_260 = arith.constant 0 : index
        %get3A_261 = tpu.vector_load %arg12[%get3A_259, %get3A_260] {strides = array<i32>} : memref<80x128xf32, #tpu.memory_space<vmem>>, vector<16xf32>,
        %mul3A_262 = arith.mulf %gather3A_200, %get3A_261 : vector<16xf32>
        %add3A_263 = arith.addf %add3A_256, %mul3A_262 : vector<16xf32>
        %add3A_264 = arith.constant 5 : i32
        %add3A_265 = arith.addi %mul3A_179, %add3A_264 : i32
        %get3A_266 = arith.index_cast %add3A_265 : i32 to index
        %get3A_267 = arith.constant 0 : index
        %get3A_268 = tpu.vector_load %arg12[%get3A_266, %get3A_267] {strides = array<i32>} : memref<80x128xf32, #tpu.memory_space<vmem>>, vector<16xf32>,
        %mul3A_269 = arith.mulf %gather3A_204, %get3A_268 : vector<16xf32>
        %add3A_270 = arith.addf %add3A_263, %mul3A_269 : vector<16xf32>
        %add3A_271 = arith.constant 6 : i32
        %add3A_272 = arith.addi %mul3A_179, %add3A_271 : i32
        %get3A_273 = arith.index_cast %add3A_272 : i32 to index
        %get3A_274 = arith.constant 0 : index
        %get3A_275 = tpu.vector_load %arg12[%get3A_273, %get3A_274] {strides = array<i32>} : memref<80x128xf32, #tpu.memory_space<vmem>>, vector<16xf32>,
        %mul3A_276 = arith.mulf %gather3A_208, %get3A_275 : vector<16xf32>
        %add3A_277 = arith.addf %add3A_270, %mul3A_276 : vector<16xf32>
        %add3A_278 = arith.constant 7 : i32
        %add3A_279 = arith.addi %mul3A_179, %add3A_278 : i32
        %get3A_280 = arith.index_cast %add3A_279 : i32 to index
        %get3A_281 = arith.constant 0 : index
        %get3A_282 = tpu.vector_load %arg12[%get3A_280, %get3A_281] {strides = array<i32>} : memref<80x128xf32, #tpu.memory_space<vmem>>, vector<16xf32>,
        %mul3A_283 = arith.mulf %gather3A_212, %get3A_282 : vector<16xf32>
        %add3A_284 = arith.addf %add3A_277, %mul3A_283 : vector<16xf32>
        %add3A_285 = arith.constant 8 : i32
        %add3A_286 = arith.addi %mul3A_179, %add3A_285 : i32
        %get3A_287 = arith.index_cast %add3A_286 : i32 to index
        %get3A_288 = arith.constant 0 : index
        %get3A_289 = tpu.vector_load %arg12[%get3A_287, %get3A_288] {strides = array<i32>} : memref<80x128xf32, #tpu.memory_space<vmem>>, vector<16xf32>,
        %mul3A_290 = arith.mulf %gather3A_216, %get3A_289 : vector<16xf32>
        %add3A_291 = arith.addf %add3A_284, %mul3A_290 : vector<16xf32>
        %add3A_292 = arith.constant 9 : i32
        %add3A_293 = arith.addi %mul3A_179, %add3A_292 : i32
        %get3A_294 = arith.index_cast %add3A_293 : i32 to index
        %get3A_295 = arith.constant 0 : index
        %get3A_296 = tpu.vector_load %arg12[%get3A_294, %get3A_295] {strides = array<i32>} : memref<80x128xf32, #tpu.memory_space<vmem>>, vector<16xf32>,
        %mul3A_297 = arith.mulf %gather3A_220, %get3A_296 : vector<16xf32>
        %add3A_298 = arith.addf %add3A_291, %mul3A_297 : vector<16xf32>
        %mul3A_299 = arith.mulf %add3A_298, %div3A_232 : vector<16xf32>
        %swap3A = arith.index_cast %scan3A_176 : i32 to index
        %swap3A_300 = arith.constant 0 : index
        %swap3A_301 = tpu.vector_load %arg16[%swap3A, %swap3A_300] {strides = array<i32>} : memref<8x128xf32, #tpu.memory_space<vmem>>, vector<16xf32>,
        tpu.vector_store %arg16[%swap3A, %swap3A_300], %mul3A_299 {strides = array<i32>} : memref<8x128xf32, #tpu.memory_space<vmem>>, vector<16xf32>,
        %get3A_302 = arith.index_cast %mul3A_179 : i32 to index
        %get3A_303 = arith.constant 16 : index
        %get3A_304 = tpu.vector_load %arg12[%get3A_302, %get3A_303] {strides = array<i32>} : memref<80x128xf32, #tpu.memory_space<vmem>>, vector<16xf32>,
        %mul3A_305 = arith.mulf %gather3A, %get3A_304 : vector<16xf32>
        %add3A_306 = arith.constant 1 : i32
        %add3A_307 = arith.addi %mul3A_179, %add3A_306 : i32
        %get3A_308 = arith.index_cast %add3A_307 : i32 to index
        %get3A_309 = arith.constant 16 : index
        %get3A_310 = tpu.vector_load %arg12[%get3A_308, %get3A_309] {strides = array<i32>} : memref<80x128xf32, #tpu.memory_space<vmem>>, vector<16xf32>,
        %mul3A_311 = arith.mulf %gather3A_188, %get3A_310 : vector<16xf32>
        %add3A_312 = arith.addf %mul3A_305, %mul3A_311 : vector<16xf32>
        %add3A_313 = arith.constant 2 : i32
        %add3A_314 = arith.addi %mul3A_179, %add3A_313 : i32
        %get3A_315 = arith.index_cast %add3A_314 : i32 to index
        %get3A_316 = arith.constant 16 : index
        %get3A_317 = tpu.vector_load %arg12[%get3A_315, %get3A_316] {strides = array<i32>} : memref<80x128xf32, #tpu.memory_space<vmem>>, vector<16xf32>,
        %mul3A_318 = arith.mulf %gather3A_192, %get3A_317 : vector<16xf32>
        %add3A_319 = arith.addf %add3A_312, %mul3A_318 : vector<16xf32>
        %add3A_320 = arith.constant 3 : i32
        %add3A_321 = arith.addi %mul3A_179, %add3A_320 : i32
        %get3A_322 = arith.index_cast %add3A_321 : i32 to index
        %get3A_323 = arith.constant 16 : index
        %get3A_324 = tpu.vector_load %arg12[%get3A_322, %get3A_323] {strides = array<i32>} : memref<80x128xf32, #tpu.memory_space<vmem>>, vector<16xf32>,
        %mul3A_325 = arith.mulf %gather3A_196, %get3A_324 : vector<16xf32>
        %add3A_326 = arith.addf %add3A_319, %mul3A_325 : vector<16xf32>
        %add3A_327 = arith.constant 4 : i32
        %add3A_328 = arith.addi %mul3A_179, %add3A_327 : i32
        %get3A_329 = arith.index_cast %add3A_328 : i32 to index
        %get3A_330 = arith.constant 16 : index
        %get3A_331 = tpu.vector_load %arg12[%get3A_329, %get3A_330] {strides = array<i32>} : memref<80x128xf32, #tpu.memory_space<vmem>>, vector<16xf32>,
        %mul3A_332 = arith.mulf %gather3A_200, %get3A_331 : vector<16xf32>
        %add3A_333 = arith.addf %add3A_326, %mul3A_332 : vector<16xf32>
        %add3A_334 = arith.constant 5 : i32
        %add3A_335 = arith.addi %mul3A_179, %add3A_334 : i32
        %get3A_336 = arith.index_cast %add3A_335 : i32 to index
        %get3A_337 = arith.constant 16 : index
        %get3A_338 = tpu.vector_load %arg12[%get3A_336, %get3A_337] {strides = array<i32>} : memref<80x128xf32, #tpu.memory_space<vmem>>, vector<16xf32>,
        %mul3A_339 = arith.mulf %gather3A_204, %get3A_338 : vector<16xf32>
        %add3A_340 = arith.addf %add3A_333, %mul3A_339 : vector<16xf32>
        %add3A_341 = arith.constant 6 : i32
        %add3A_342 = arith.addi %mul3A_179, %add3A_341 : i32
        %get3A_343 = arith.index_cast %add3A_342 : i32 to index
        %get3A_344 = arith.constant 16 : index
        %get3A_345 = tpu.vector_load %arg12[%get3A_343, %get3A_344] {strides = array<i32>} : memref<80x128xf32, #tpu.memory_space<vmem>>, vector<16xf32>,
        %mul3A_346 = arith.mulf %gather3A_208, %get3A_345 : vector<16xf32>
        %add3A_347 = arith.addf %add3A_340, %mul3A_346 : vector<16xf32>
        %add3A_348 = arith.constant 7 : i32
        %add3A_349 = arith.addi %mul3A_179, %add3A_348 : i32
        %get3A_350 = arith.index_cast %add3A_349 : i32 to index
        %get3A_351 = arith.constant 16 : index
        %get3A_352 = tpu.vector_load %arg12[%get3A_350, %get3A_351] {strides = array<i32>} : memref<80x128xf32, #tpu.memory_space<vmem>>, vector<16xf32>,
        %mul3A_353 = arith.mulf %gather3A_212, %get3A_352 : vector<16xf32>
        %add3A_354 = arith.addf %add3A_347, %mul3A_353 : vector<16xf32>
        %add3A_355 = arith.constant 8 : i32
        %add3A_356 = arith.addi %mul3A_179, %add3A_355 : i32
        %get3A_357 = arith.index_cast %add3A_356 : i32 to index
        %get3A_358 = arith.constant 16 : index
        %get3A_359 = tpu.vector_load %arg12[%get3A_357, %get3A_358] {strides = array<i32>} : memref<80x128xf32, #tpu.memory_space<vmem>>, vector<16xf32>,
        %mul3A_360 = arith.mulf %gather3A_216, %get3A_359 : vector<16xf32>
        %add3A_361 = arith.addf %add3A_354, %mul3A_360 : vector<16xf32>
        %add3A_362 = arith.constant 9 : i32
        %add3A_363 = arith.addi %mul3A_179, %add3A_362 : i32
        %get3A_364 = arith.index_cast %add3A_363 : i32 to index
        %get3A_365 = arith.constant 16 : index
        %get3A_366 = tpu.vector_load %arg12[%get3A_364, %get3A_365] {strides = array<i32>} : memref<80x128xf32, #tpu.memory_space<vmem>>, vector<16xf32>,
        %mul3A_367 = arith.mulf %gather3A_220, %get3A_366 : vector<16xf32>
        %add3A_368 = arith.addf %add3A_361, %mul3A_367 : vector<16xf32>
        %mul3A_369 = arith.mulf %add3A_368, %div3A_232 : vector<16xf32>
        %swap3A_370 = arith.index_cast %scan3A_176 : i32 to index
        %swap3A_371 = arith.constant 16 : index
        %swap3A_372 = tpu.vector_load %arg16[%swap3A_370, %swap3A_371] {strides = array<i32>} : memref<8x128xf32, #tpu.memory_space<vmem>>, vector<16xf32>,
        tpu.vector_store %arg16[%swap3A_370, %swap3A_371], %mul3A_369 {strides = array<i32>} : memref<8x128xf32, #tpu.memory_space<vmem>>, vector<16xf32>,
        %get3A_373 = arith.index_cast %mul3A_179 : i32 to index
        %get3A_374 = arith.constant 32 : index
        %get3A_375 = tpu.vector_load %arg12[%get3A_373, %get3A_374] {strides = array<i32>} : memref<80x128xf32, #tpu.memory_space<vmem>>, vector<16xf32>,
        %mul3A_376 = arith.mulf %gather3A, %get3A_375 : vector<16xf32>
        %add3A_377 = arith.constant 1 : i32
        %add3A_378 = arith.addi %mul3A_179, %add3A_377 : i32
        %get3A_379 = arith.index_cast %add3A_378 : i32 to index
        %get3A_380 = arith.constant 32 : index
        %get3A_381 = tpu.vector_load %arg12[%get3A_379, %get3A_380] {strides = array<i32>} : memref<80x128xf32, #tpu.memory_space<vmem>>, vector<16xf32>,
        %mul3A_382 = arith.mulf %gather3A_188, %get3A_381 : vector<16xf32>
        %add3A_383 = arith.addf %mul3A_376, %mul3A_382 : vector<16xf32>
        %add3A_384 = arith.constant 2 : i32
        %add3A_385 = arith.addi %mul3A_179, %add3A_384 : i32
        %get3A_386 = arith.index_cast %add3A_385 : i32 to index
        %get3A_387 = arith.constant 32 : index
        %get3A_388 = tpu.vector_load %arg12[%get3A_386, %get3A_387] {strides = array<i32>} : memref<80x128xf32, #tpu.memory_space<vmem>>, vector<16xf32>,
        %mul3A_389 = arith.mulf %gather3A_192, %get3A_388 : vector<16xf32>
        %add3A_390 = arith.addf %add3A_383, %mul3A_389 : vector<16xf32>
        %add3A_391 = arith.constant 3 : i32
        %add3A_392 = arith.addi %mul3A_179, %add3A_391 : i32
        %get3A_393 = arith.index_cast %add3A_392 : i32 to index
        %get3A_394 = arith.constant 32 : index
        %get3A_395 = tpu.vector_load %arg12[%get3A_393, %get3A_394] {strides = array<i32>} : memref<80x128xf32, #tpu.memory_space<vmem>>, vector<16xf32>,
        %mul3A_396 = arith.mulf %gather3A_196, %get3A_395 : vector<16xf32>
        %add3A_397 = arith.addf %add3A_390, %mul3A_396 : vector<16xf32>
        %add3A_398 = arith.constant 4 : i32
        %add3A_399 = arith.addi %mul3A_179, %add3A_398 : i32
        %get3A_400 = arith.index_cast %add3A_399 : i32 to index
        %get3A_401 = arith.constant 32 : index
        %get3A_402 = tpu.vector_load %arg12[%get3A_400, %get3A_401] {strides = array<i32>} : memref<80x128xf32, #tpu.memory_space<vmem>>, vector<16xf32>,
        %mul3A_403 = arith.mulf %gather3A_200, %get3A_402 : vector<16xf32>
        %add3A_404 = arith.addf %add3A_397, %mul3A_403 : vector<16xf32>
        %add3A_405 = arith.constant 5 : i32
        %add3A_406 = arith.addi %mul3A_179, %add3A_405 : i32
        %get3A_407 = arith.index_cast %add3A_406 : i32 to index
        %get3A_408 = arith.constant 32 : index
        %get3A_409 = tpu.vector_load %arg12[%get3A_407, %get3A_408] {strides = array<i32>} : memref<80x128xf32, #tpu.memory_space<vmem>>, vector<16xf32>,
        %mul3A_410 = arith.mulf %gather3A_204, %get3A_409 : vector<16xf32>
        %add3A_411 = arith.addf %add3A_404, %mul3A_410 : vector<16xf32>
        %add3A_412 = arith.constant 6 : i32
        %add3A_413 = arith.addi %mul3A_179, %add3A_412 : i32
        %get3A_414 = arith.index_cast %add3A_413 : i32 to index
        %get3A_415 = arith.constant 32 : index
        %get3A_416 = tpu.vector_load %arg12[%get3A_414, %get3A_415] {strides = array<i32>} : memref<80x128xf32, #tpu.memory_space<vmem>>, vector<16xf32>,
        %mul3A_417 = arith.mulf %gather3A_208, %get3A_416 : vector<16xf32>
        %add3A_418 = arith.addf %add3A_411, %mul3A_417 : vector<16xf32>
        %add3A_419 = arith.constant 7 : i32
        %add3A_420 = arith.addi %mul3A_179, %add3A_419 : i32
        %get3A_421 = arith.index_cast %add3A_420 : i32 to index
        %get3A_422 = arith.constant 32 : index
        %get3A_423 = tpu.vector_load %arg12[%get3A_421, %get3A_422] {strides = array<i32>} : memref<80x128xf32, #tpu.memory_space<vmem>>, vector<16xf32>,
        %mul3A_424 = arith.mulf %gather3A_212, %get3A_423 : vector<16xf32>
        %add3A_425 = arith.addf %add3A_418, %mul3A_424 : vector<16xf32>
        %add3A_426 = arith.constant 8 : i32
        %add3A_427 = arith.addi %mul3A_179, %add3A_426 : i32
        %get3A_428 = arith.index_cast %add3A_427 : i32 to index
        %get3A_429 = arith.constant 32 : index
        %get3A_430 = tpu.vector_load %arg12[%get3A_428, %get3A_429] {strides = array<i32>} : memref<80x128xf32, #tpu.memory_space<vmem>>, vector<16xf32>,
        %mul3A_431 = arith.mulf %gather3A_216, %get3A_430 : vector<16xf32>
        %add3A_432 = arith.addf %add3A_425, %mul3A_431 : vector<16xf32>
        %add3A_433 = arith.constant 9 : i32
        %add3A_434 = arith.addi %mul3A_179, %add3A_433 : i32
        %get3A_435 = arith.index_cast %add3A_434 : i32 to index
        %get3A_436 = arith.constant 32 : index
        %get3A_437 = tpu.vector_load %arg12[%get3A_435, %get3A_436] {strides = array<i32>} : memref<80x128xf32, #tpu.memory_space<vmem>>, vector<16xf32>,
        %mul3A_438 = arith.mulf %gather3A_220, %get3A_437 : vector<16xf32>
        %add3A_439 = arith.addf %add3A_432, %mul3A_438 : vector<16xf32>
        %mul3A_440 = arith.mulf %add3A_439, %div3A_232 : vector<16xf32>
        %swap3A_441 = arith.index_cast %scan3A_176 : i32 to index
        %swap3A_442 = arith.constant 32 : index
        %swap3A_443 = tpu.vector_load %arg16[%swap3A_441, %swap3A_442] {strides = array<i32>} : memref<8x128xf32, #tpu.memory_space<vmem>>, vector<16xf32>,
        tpu.vector_store %arg16[%swap3A_441, %swap3A_442], %mul3A_440 {strides = array<i32>} : memref<8x128xf32, #tpu.memory_space<vmem>>, vector<16xf32>,
        %get3A_444 = arith.index_cast %mul3A_179 : i32 to index
        %get3A_445 = arith.constant 48 : index
        %get3A_446 = tpu.vector_load %arg12[%get3A_444, %get3A_445] {strides = array<i32>} : memref<80x128xf32, #tpu.memory_space<vmem>>, vector<16xf32>,
        %mul3A_447 = arith.mulf %gather3A, %get3A_446 : vector<16xf32>
        %add3A_448 = arith.constant 1 : i32
        %add3A_449 = arith.addi %mul3A_179, %add3A_448 : i32
        %get3A_450 = arith.index_cast %add3A_449 : i32 to index
        %get3A_451 = arith.constant 48 : index
        %get3A_452 = tpu.vector_load %arg12[%get3A_450, %get3A_451] {strides = array<i32>} : memref<80x128xf32, #tpu.memory_space<vmem>>, vector<16xf32>,
        %mul3A_453 = arith.mulf %gather3A_188, %get3A_452 : vector<16xf32>
        %add3A_454 = arith.addf %mul3A_447, %mul3A_453 : vector<16xf32>
        %add3A_455 = arith.constant 2 : i32
        %add3A_456 = arith.addi %mul3A_179, %add3A_455 : i32
        %get3A_457 = arith.index_cast %add3A_456 : i32 to index
        %get3A_458 = arith.constant 48 : index
        %get3A_459 = tpu.vector_load %arg12[%get3A_457, %get3A_458] {strides = array<i32>} : memref<80x128xf32, #tpu.memory_space<vmem>>, vector<16xf32>,
        %mul3A_460 = arith.mulf %gather3A_192, %get3A_459 : vector<16xf32>
        %add3A_461 = arith.addf %add3A_454, %mul3A_460 : vector<16xf32>
        %add3A_462 = arith.constant 3 : i32
        %add3A_463 = arith.addi %mul3A_179, %add3A_462 : i32
        %get3A_464 = arith.index_cast %add3A_463 : i32 to index
        %get3A_465 = arith.constant 48 : index
        %get3A_466 = tpu.vector_load %arg12[%get3A_464, %get3A_465] {strides = array<i32>} : memref<80x128xf32, #tpu.memory_space<vmem>>, vector<16xf32>,
        %mul3A_467 = arith.mulf %gather3A_196, %get3A_466 : vector<16xf32>
        %add3A_468 = arith.addf %add3A_461, %mul3A_467 : vector<16xf32>
        %add3A_469 = arith.constant 4 : i32
        %add3A_470 = arith.addi %mul3A_179, %add3A_469 : i32
        %get3A_471 = arith.index_cast %add3A_470 : i32 to index
        %get3A_472 = arith.constant 48 : index
        %get3A_473 = tpu.vector_load %arg12[%get3A_471, %get3A_472] {strides = array<i32>} : memref<80x128xf32, #tpu.memory_space<vmem>>, vector<16xf32>,
        %mul3A_474 = arith.mulf %gather3A_200, %get3A_473 : vector<16xf32>
        %add3A_475 = arith.addf %add3A_468, %mul3A_474 : vector<16xf32>
        %add3A_476 = arith.constant 5 : i32
        %add3A_477 = arith.addi %mul3A_179, %add3A_476 : i32
        %get3A_478 = arith.index_cast %add3A_477 : i32 to index
        %get3A_479 = arith.constant 48 : index
        %get3A_480 = tpu.vector_load %arg12[%get3A_478, %get3A_479] {strides = array<i32>} : memref<80x128xf32, #tpu.memory_space<vmem>>, vector<16xf32>,
        %mul3A_481 = arith.mulf %gather3A_204, %get3A_480 : vector<16xf32>
        %add3A_482 = arith.addf %add3A_475, %mul3A_481 : vector<16xf32>
        %add3A_483 = arith.constant 6 : i32
        %add3A_484 = arith.addi %mul3A_179, %add3A_483 : i32
        %get3A_485 = arith.index_cast %add3A_484 : i32 to index
        %get3A_486 = arith.constant 48 : index
        %get3A_487 = tpu.vector_load %arg12[%get3A_485, %get3A_486] {strides = array<i32>} : memref<80x128xf32, #tpu.memory_space<vmem>>, vector<16xf32>,
        %mul3A_488 = arith.mulf %gather3A_208, %get3A_487 : vector<16xf32>
        %add3A_489 = arith.addf %add3A_482, %mul3A_488 : vector<16xf32>
        %add3A_490 = arith.constant 7 : i32
        %add3A_491 = arith.addi %mul3A_179, %add3A_490 : i32
        %get3A_492 = arith.index_cast %add3A_491 : i32 to index
        %get3A_493 = arith.constant 48 : index
        %get3A_494 = tpu.vector_load %arg12[%get3A_492, %get3A_493] {strides = array<i32>} : memref<80x128xf32, #tpu.memory_space<vmem>>, vector<16xf32>,
        %mul3A_495 = arith.mulf %gather3A_212, %get3A_494 : vector<16xf32>
        %add3A_496 = arith.addf %add3A_489, %mul3A_495 : vector<16xf32>
        %add3A_497 = arith.constant 8 : i32
        %add3A_498 = arith.addi %mul3A_179, %add3A_497 : i32
        %get3A_499 = arith.index_cast %add3A_498 : i32 to index
        %get3A_500 = arith.constant 48 : index
        %get3A_501 = tpu.vector_load %arg12[%get3A_499, %get3A_500] {strides = array<i32>} : memref<80x128xf32, #tpu.memory_space<vmem>>, vector<16xf32>,
        %mul3A_502 = arith.mulf %gather3A_216, %get3A_501 : vector<16xf32>
        %add3A_503 = arith.addf %add3A_496, %mul3A_502 : vector<16xf32>
        %add3A_504 = arith.constant 9 : i32
        %add3A_505 = arith.addi %mul3A_179, %add3A_504 : i32
        %get3A_506 = arith.index_cast %add3A_505 : i32 to index
        %get3A_507 = arith.constant 48 : index
        %get3A_508 = tpu.vector_load %arg12[%get3A_506, %get3A_507] {strides = array<i32>} : memref<80x128xf32, #tpu.memory_space<vmem>>, vector<16xf32>,
        %mul3A_509 = arith.mulf %gather3A_220, %get3A_508 : vector<16xf32>
        %add3A_510 = arith.addf %add3A_503, %mul3A_509 : vector<16xf32>
        %mul3A_511 = arith.mulf %add3A_510, %div3A_232 : vector<16xf32>
        %swap3A_512 = arith.index_cast %scan3A_176 : i32 to index
        %swap3A_513 = arith.constant 48 : index
        %swap3A_514 = tpu.vector_load %arg16[%swap3A_512, %swap3A_513] {strides = array<i32>} : memref<8x128xf32, #tpu.memory_space<vmem>>, vector<16xf32>,
        tpu.vector_store %arg16[%swap3A_512, %swap3A_513], %mul3A_511 {strides = array<i32>} : memref<8x128xf32, #tpu.memory_space<vmem>>, vector<16xf32>,
        %get3A_515 = arith.index_cast %mul3A_179 : i32 to index
        %get3A_516 = arith.constant 64 : index
        %get3A_517 = tpu.vector_load %arg12[%get3A_515, %get3A_516] {strides = array<i32>} : memref<80x128xf32, #tpu.memory_space<vmem>>, vector<16xf32>,
        %mul3A_518 = arith.mulf %gather3A, %get3A_517 : vector<16xf32>
        %add3A_519 = arith.constant 1 : i32
        %add3A_520 = arith.addi %mul3A_179, %add3A_519 : i32
        %get3A_521 = arith.index_cast %add3A_520 : i32 to index
        %get3A_522 = arith.constant 64 : index
        %get3A_523 = tpu.vector_load %arg12[%get3A_521, %get3A_522] {strides = array<i32>} : memref<80x128xf32, #tpu.memory_space<vmem>>, vector<16xf32>,
        %mul3A_524 = arith.mulf %gather3A_188, %get3A_523 : vector<16xf32>
        %add3A_525 = arith.addf %mul3A_518, %mul3A_524 : vector<16xf32>
        %add3A_526 = arith.constant 2 : i32
        %add3A_527 = arith.addi %mul3A_179, %add3A_526 : i32
        %get3A_528 = arith.index_cast %add3A_527 : i32 to index
        %get3A_529 = arith.constant 64 : index
        %get3A_530 = tpu.vector_load %arg12[%get3A_528, %get3A_529] {strides = array<i32>} : memref<80x128xf32, #tpu.memory_space<vmem>>, vector<16xf32>,
        %mul3A_531 = arith.mulf %gather3A_192, %get3A_530 : vector<16xf32>
        %add3A_532 = arith.addf %add3A_525, %mul3A_531 : vector<16xf32>
        %add3A_533 = arith.constant 3 : i32
        %add3A_534 = arith.addi %mul3A_179, %add3A_533 : i32
        %get3A_535 = arith.index_cast %add3A_534 : i32 to index
        %get3A_536 = arith.constant 64 : index
        %get3A_537 = tpu.vector_load %arg12[%get3A_535, %get3A_536] {strides = array<i32>} : memref<80x128xf32, #tpu.memory_space<vmem>>, vector<16xf32>,
        %mul3A_538 = arith.mulf %gather3A_196, %get3A_537 : vector<16xf32>
        %add3A_539 = arith.addf %add3A_532, %mul3A_538 : vector<16xf32>
        %add3A_540 = arith.constant 4 : i32
        %add3A_541 = arith.addi %mul3A_179, %add3A_540 : i32
        %get3A_542 = arith.index_cast %add3A_541 : i32 to index
        %get3A_543 = arith.constant 64 : index
        %get3A_544 = tpu.vector_load %arg12[%get3A_542, %get3A_543] {strides = array<i32>} : memref<80x128xf32, #tpu.memory_space<vmem>>, vector<16xf32>,
        %mul3A_545 = arith.mulf %gather3A_200, %get3A_544 : vector<16xf32>
        %add3A_546 = arith.addf %add3A_539, %mul3A_545 : vector<16xf32>
        %add3A_547 = arith.constant 5 : i32
        %add3A_548 = arith.addi %mul3A_179, %add3A_547 : i32
        %get3A_549 = arith.index_cast %add3A_548 : i32 to index
        %get3A_550 = arith.constant 64 : index
        %get3A_551 = tpu.vector_load %arg12[%get3A_549, %get3A_550] {strides = array<i32>} : memref<80x128xf32, #tpu.memory_space<vmem>>, vector<16xf32>,
        %mul3A_552 = arith.mulf %gather3A_204, %get3A_551 : vector<16xf32>
        %add3A_553 = arith.addf %add3A_546, %mul3A_552 : vector<16xf32>
        %add3A_554 = arith.constant 6 : i32
        %add3A_555 = arith.addi %mul3A_179, %add3A_554 : i32
        %get3A_556 = arith.index_cast %add3A_555 : i32 to index
        %get3A_557 = arith.constant 64 : index
        %get3A_558 = tpu.vector_load %arg12[%get3A_556, %get3A_557] {strides = array<i32>} : memref<80x128xf32, #tpu.memory_space<vmem>>, vector<16xf32>,
        %mul3A_559 = arith.mulf %gather3A_208, %get3A_558 : vector<16xf32>
        %add3A_560 = arith.addf %add3A_553, %mul3A_559 : vector<16xf32>
        %add3A_561 = arith.constant 7 : i32
        %add3A_562 = arith.addi %mul3A_179, %add3A_561 : i32
        %get3A_563 = arith.index_cast %add3A_562 : i32 to index
        %get3A_564 = arith.constant 64 : index
        %get3A_565 = tpu.vector_load %arg12[%get3A_563, %get3A_564] {strides = array<i32>} : memref<80x128xf32, #tpu.memory_space<vmem>>, vector<16xf32>,
        %mul3A_566 = arith.mulf %gather3A_212, %get3A_565 : vector<16xf32>
        %add3A_567 = arith.addf %add3A_560, %mul3A_566 : vector<16xf32>
        %add3A_568 = arith.constant 8 : i32
        %add3A_569 = arith.addi %mul3A_179, %add3A_568 : i32
        %get3A_570 = arith.index_cast %add3A_569 : i32 to index
        %get3A_571 = arith.constant 64 : index
        %get3A_572 = tpu.vector_load %arg12[%get3A_570, %get3A_571] {strides = array<i32>} : memref<80x128xf32, #tpu.memory_space<vmem>>, vector<16xf32>,
        %mul3A_573 = arith.mulf %gather3A_216, %get3A_572 : vector<16xf32>
        %add3A_574 = arith.addf %add3A_567, %mul3A_573 : vector<16xf32>
        %add3A_575 = arith.constant 9 : i32
        %add3A_576 = arith.addi %mul3A_179, %add3A_575 : i32
        %get3A_577 = arith.index_cast %add3A_576 : i32 to index
        %get3A_578 = arith.constant 64 : index
        %get3A_579 = tpu.vector_load %arg12[%get3A_577, %get3A_578] {strides = array<i32>} : memref<80x128xf32, #tpu.memory_space<vmem>>, vector<16xf32>,
        %mul3A_580 = arith.mulf %gather3A_220, %get3A_579 : vector<16xf32>
        %add3A_581 = arith.addf %add3A_574, %mul3A_580 : vector<16xf32>
        %mul3A_582 = arith.mulf %add3A_581, %div3A_232 : vector<16xf32>
        %swap3A_583 = arith.index_cast %scan3A_176 : i32 to index
        %swap3A_584 = arith.constant 64 : index
        %swap3A_585 = tpu.vector_load %arg16[%swap3A_583, %swap3A_584] {strides = array<i32>} : memref<8x128xf32, #tpu.memory_space<vmem>>, vector<16xf32>,
        tpu.vector_store %arg16[%swap3A_583, %swap3A_584], %mul3A_582 {strides = array<i32>} : memref<8x128xf32, #tpu.memory_space<vmem>>, vector<16xf32>,
        %get3A_586 = arith.index_cast %mul3A_179 : i32 to index
        %get3A_587 = arith.constant 80 : index
        %get3A_588 = tpu.vector_load %arg12[%get3A_586, %get3A_587] {strides = array<i32>} : memref<80x128xf32, #tpu.memory_space<vmem>>, vector<16xf32>,
        %mul3A_589 = arith.mulf %gather3A, %get3A_588 : vector<16xf32>
        %add3A_590 = arith.constant 1 : i32
        %add3A_591 = arith.addi %mul3A_179, %add3A_590 : i32
        %get3A_592 = arith.index_cast %add3A_591 : i32 to index
        %get3A_593 = arith.constant 80 : index
        %get3A_594 = tpu.vector_load %arg12[%get3A_592, %get3A_593] {strides = array<i32>} : memref<80x128xf32, #tpu.memory_space<vmem>>, vector<16xf32>,
        %mul3A_595 = arith.mulf %gather3A_188, %get3A_594 : vector<16xf32>
        %add3A_596 = arith.addf %mul3A_589, %mul3A_595 : vector<16xf32>
        %add3A_597 = arith.constant 2 : i32
        %add3A_598 = arith.addi %mul3A_179, %add3A_597 : i32
        %get3A_599 = arith.index_cast %add3A_598 : i32 to index
        %get3A_600 = arith.constant 80 : index
        %get3A_601 = tpu.vector_load %arg12[%get3A_599, %get3A_600] {strides = array<i32>} : memref<80x128xf32, #tpu.memory_space<vmem>>, vector<16xf32>,
        %mul3A_602 = arith.mulf %gather3A_192, %get3A_601 : vector<16xf32>
        %add3A_603 = arith.addf %add3A_596, %mul3A_602 : vector<16xf32>
        %add3A_604 = arith.constant 3 : i32
        %add3A_605 = arith.addi %mul3A_179, %add3A_604 : i32
        %get3A_606 = arith.index_cast %add3A_605 : i32 to index
        %get3A_607 = arith.constant 80 : index
        %get3A_608 = tpu.vector_load %arg12[%get3A_606, %get3A_607] {strides = array<i32>} : memref<80x128xf32, #tpu.memory_space<vmem>>, vector<16xf32>,
        %mul3A_609 = arith.mulf %gather3A_196, %get3A_608 : vector<16xf32>
        %add3A_610 = arith.addf %add3A_603, %mul3A_609 : vector<16xf32>
        %add3A_611 = arith.constant 4 : i32
        %add3A_612 = arith.addi %mul3A_179, %add3A_611 : i32
        %get3A_613 = arith.index_cast %add3A_612 : i32 to index
        %get3A_614 = arith.constant 80 : index
        %get3A_615 = tpu.vector_load %arg12[%get3A_613, %get3A_614] {strides = array<i32>} : memref<80x128xf32, #tpu.memory_space<vmem>>, vector<16xf32>,
        %mul3A_616 = arith.mulf %gather3A_200, %get3A_615 : vector<16xf32>
        %add3A_617 = arith.addf %add3A_610, %mul3A_616 : vector<16xf32>
        %add3A_618 = arith.constant 5 : i32
        %add3A_619 = arith.addi %mul3A_179, %add3A_618 : i32
        %get3A_620 = arith.index_cast %add3A_619 : i32 to index
        %get3A_621 = arith.constant 80 : index
        %get3A_622 = tpu.vector_load %arg12[%get3A_620, %get3A_621] {strides = array<i32>} : memref<80x128xf32, #tpu.memory_space<vmem>>, vector<16xf32>,
        %mul3A_623 = arith.mulf %gather3A_204, %get3A_622 : vector<16xf32>
        %add3A_624 = arith.addf %add3A_617, %mul3A_623 : vector<16xf32>
        %add3A_625 = arith.constant 6 : i32
        %add3A_626 = arith.addi %mul3A_179, %add3A_625 : i32
        %get3A_627 = arith.index_cast %add3A_626 : i32 to index
        %get3A_628 = arith.constant 80 : index
        %get3A_629 = tpu.vector_load %arg12[%get3A_627, %get3A_628] {strides = array<i32>} : memref<80x128xf32, #tpu.memory_space<vmem>>, vector<16xf32>,
        %mul3A_630 = arith.mulf %gather3A_208, %get3A_629 : vector<16xf32>
        %add3A_631 = arith.addf %add3A_624, %mul3A_630 : vector<16xf32>
        %add3A_632 = arith.constant 7 : i32
        %add3A_633 = arith.addi %mul3A_179, %add3A_632 : i32
        %get3A_634 = arith.index_cast %add3A_633 : i32 to index
        %get3A_635 = arith.constant 80 : index
        %get3A_636 = tpu.vector_load %arg12[%get3A_634, %get3A_635] {strides = array<i32>} : memref<80x128xf32, #tpu.memory_space<vmem>>, vector<16xf32>,
        %mul3A_637 = arith.mulf %gather3A_212, %get3A_636 : vector<16xf32>
        %add3A_638 = arith.addf %add3A_631, %mul3A_637 : vector<16xf32>
        %add3A_639 = arith.constant 8 : i32
        %add3A_640 = arith.addi %mul3A_179, %add3A_639 : i32
        %get3A_641 = arith.index_cast %add3A_640 : i32 to index
        %get3A_642 = arith.constant 80 : index
        %get3A_643 = tpu.vector_load %arg12[%get3A_641, %get3A_642] {strides = array<i32>} : memref<80x128xf32, #tpu.memory_space<vmem>>, vector<16xf32>,
        %mul3A_644 = arith.mulf %gather3A_216, %get3A_643 : vector<16xf32>
        %add3A_645 = arith.addf %add3A_638, %mul3A_644 : vector<16xf32>
        %add3A_646 = arith.constant 9 : i32
        %add3A_647 = arith.addi %mul3A_179, %add3A_646 : i32
        %get3A_648 = arith.index_cast %add3A_647 : i32 to index
        %get3A_649 = arith.constant 80 : index
        %get3A_650 = tpu.vector_load %arg12[%get3A_648, %get3A_649] {strides = array<i32>} : memref<80x128xf32, #tpu.memory_space<vmem>>, vector<16xf32>,
        %mul3A_651 = arith.mulf %gather3A_220, %get3A_650 : vector<16xf32>
        %add3A_652 = arith.addf %add3A_645, %mul3A_651 : vector<16xf32>
        %mul3A_653 = arith.mulf %add3A_652, %div3A_232 : vector<16xf32>
        %swap3A_654 = arith.index_cast %scan3A_176 : i32 to index
        %swap3A_655 = arith.constant 80 : index
        %swap3A_656 = tpu.vector_load %arg16[%swap3A_654, %swap3A_655] {strides = array<i32>} : memref<8x128xf32, #tpu.memory_space<vmem>>, vector<16xf32>,
        tpu.vector_store %arg16[%swap3A_654, %swap3A_655], %mul3A_653 {strides = array<i32>} : memref<8x128xf32, #tpu.memory_space<vmem>>, vector<16xf32>,
        %get3A_657 = arith.index_cast %mul3A_179 : i32 to index
        %get3A_658 = arith.constant 96 : index
        %get3A_659 = tpu.vector_load %arg12[%get3A_657, %get3A_658] {strides = array<i32>} : memref<80x128xf32, #tpu.memory_space<vmem>>, vector<16xf32>,
        %mul3A_660 = arith.mulf %gather3A, %get3A_659 : vector<16xf32>
        %add3A_661 = arith.constant 1 : i32
        %add3A_662 = arith.addi %mul3A_179, %add3A_661 : i32
        %get3A_663 = arith.index_cast %add3A_662 : i32 to index
        %get3A_664 = arith.constant 96 : index
        %get3A_665 = tpu.vector_load %arg12[%get3A_663, %get3A_664] {strides = array<i32>} : memref<80x128xf32, #tpu.memory_space<vmem>>, vector<16xf32>,
        %mul3A_666 = arith.mulf %gather3A_188, %get3A_665 : vector<16xf32>
        %add3A_667 = arith.addf %mul3A_660, %mul3A_666 : vector<16xf32>
        %add3A_668 = arith.constant 2 : i32
        %add3A_669 = arith.addi %mul3A_179, %add3A_668 : i32
        %get3A_670 = arith.index_cast %add3A_669 : i32 to index
        %get3A_671 = arith.constant 96 : index
        %get3A_672 = tpu.vector_load %arg12[%get3A_670, %get3A_671] {strides = array<i32>} : memref<80x128xf32, #tpu.memory_space<vmem>>, vector<16xf32>,
        %mul3A_673 = arith.mulf %gather3A_192, %get3A_672 : vector<16xf32>
        %add3A_674 = arith.addf %add3A_667, %mul3A_673 : vector<16xf32>
        %add3A_675 = arith.constant 3 : i32
        %add3A_676 = arith.addi %mul3A_179, %add3A_675 : i32
        %get3A_677 = arith.index_cast %add3A_676 : i32 to index
        %get3A_678 = arith.constant 96 : index
        %get3A_679 = tpu.vector_load %arg12[%get3A_677, %get3A_678] {strides = array<i32>} : memref<80x128xf32, #tpu.memory_space<vmem>>, vector<16xf32>,
        %mul3A_680 = arith.mulf %gather3A_196, %get3A_679 : vector<16xf32>
        %add3A_681 = arith.addf %add3A_674, %mul3A_680 : vector<16xf32>
        %add3A_682 = arith.constant 4 : i32
        %add3A_683 = arith.addi %mul3A_179, %add3A_682 : i32
        %get3A_684 = arith.index_cast %add3A_683 : i32 to index
        %get3A_685 = arith.constant 96 : index
        %get3A_686 = tpu.vector_load %arg12[%get3A_684, %get3A_685] {strides = array<i32>} : memref<80x128xf32, #tpu.memory_space<vmem>>, vector<16xf32>,
        %mul3A_687 = arith.mulf %gather3A_200, %get3A_686 : vector<16xf32>
        %add3A_688 = arith.addf %add3A_681, %mul3A_687 : vector<16xf32>
        %add3A_689 = arith.constant 5 : i32
        %add3A_690 = arith.addi %mul3A_179, %add3A_689 : i32
        %get3A_691 = arith.index_cast %add3A_690 : i32 to index
        %get3A_692 = arith.constant 96 : index
        %get3A_693 = tpu.vector_load %arg12[%get3A_691, %get3A_692] {strides = array<i32>} : memref<80x128xf32, #tpu.memory_space<vmem>>, vector<16xf32>,
        %mul3A_694 = arith.mulf %gather3A_204, %get3A_693 : vector<16xf32>
        %add3A_695 = arith.addf %add3A_688, %mul3A_694 : vector<16xf32>
        %add3A_696 = arith.constant 6 : i32
        %add3A_697 = arith.addi %mul3A_179, %add3A_696 : i32
        %get3A_698 = arith.index_cast %add3A_697 : i32 to index
        %get3A_699 = arith.constant 96 : index
        %get3A_700 = tpu.vector_load %arg12[%get3A_698, %get3A_699] {strides = array<i32>} : memref<80x128xf32, #tpu.memory_space<vmem>>, vector<16xf32>,
        %mul3A_701 = arith.mulf %gather3A_208, %get3A_700 : vector<16xf32>
        %add3A_702 = arith.addf %add3A_695, %mul3A_701 : vector<16xf32>
        %add3A_703 = arith.constant 7 : i32
        %add3A_704 = arith.addi %mul3A_179, %add3A_703 : i32
        %get3A_705 = arith.index_cast %add3A_704 : i32 to index
        %get3A_706 = arith.constant 96 : index
        %get3A_707 = tpu.vector_load %arg12[%get3A_705, %get3A_706] {strides = array<i32>} : memref<80x128xf32, #tpu.memory_space<vmem>>, vector<16xf32>,
        %mul3A_708 = arith.mulf %gather3A_212, %get3A_707 : vector<16xf32>
        %add3A_709 = arith.addf %add3A_702, %mul3A_708 : vector<16xf32>
        %add3A_710 = arith.constant 8 : i32
        %add3A_711 = arith.addi %mul3A_179, %add3A_710 : i32
        %get3A_712 = arith.index_cast %add3A_711 : i32 to index
        %get3A_713 = arith.constant 96 : index
        %get3A_714 = tpu.vector_load %arg12[%get3A_712, %get3A_713] {strides = array<i32>} : memref<80x128xf32, #tpu.memory_space<vmem>>, vector<16xf32>,
        %mul3A_715 = arith.mulf %gather3A_216, %get3A_714 : vector<16xf32>
        %add3A_716 = arith.addf %add3A_709, %mul3A_715 : vector<16xf32>
        %add3A_717 = arith.constant 9 : i32
        %add3A_718 = arith.addi %mul3A_179, %add3A_717 : i32
        %get3A_719 = arith.index_cast %add3A_718 : i32 to index
        %get3A_720 = arith.constant 96 : index
        %get3A_721 = tpu.vector_load %arg12[%get3A_719, %get3A_720] {strides = array<i32>} : memref<80x128xf32, #tpu.memory_space<vmem>>, vector<16xf32>,
        %mul3A_722 = arith.mulf %gather3A_220, %get3A_721 : vector<16xf32>
        %add3A_723 = arith.addf %add3A_716, %mul3A_722 : vector<16xf32>
        %mul3A_724 = arith.mulf %add3A_723, %div3A_232 : vector<16xf32>
        %swap3A_725 = arith.index_cast %scan3A_176 : i32 to index
        %swap3A_726 = arith.constant 96 : index
        %swap3A_727 = tpu.vector_load %arg16[%swap3A_725, %swap3A_726] {strides = array<i32>} : memref<8x128xf32, #tpu.memory_space<vmem>>, vector<16xf32>,
        tpu.vector_store %arg16[%swap3A_725, %swap3A_726], %mul3A_724 {strides = array<i32>} : memref<8x128xf32, #tpu.memory_space<vmem>>, vector<16xf32>,
        %get3A_728 = arith.index_cast %mul3A_179 : i32 to index
        %get3A_729 = arith.constant 112 : index
        %get3A_730 = tpu.vector_load %arg12[%get3A_728, %get3A_729] {strides = array<i32>} : memref<80x128xf32, #tpu.memory_space<vmem>>, vector<16xf32>,
        %mul3A_731 = arith.mulf %gather3A, %get3A_730 : vector<16xf32>
        %add3A_732 = arith.constant 1 : i32
        %add3A_733 = arith.addi %mul3A_179, %add3A_732 : i32
        %get3A_734 = arith.index_cast %add3A_733 : i32 to index
        %get3A_735 = arith.constant 112 : index
        %get3A_736 = tpu.vector_load %arg12[%get3A_734, %get3A_735] {strides = array<i32>} : memref<80x128xf32, #tpu.memory_space<vmem>>, vector<16xf32>,
        %mul3A_737 = arith.mulf %gather3A_188, %get3A_736 : vector<16xf32>
        %add3A_738 = arith.addf %mul3A_731, %mul3A_737 : vector<16xf32>
        %add3A_739 = arith.constant 2 : i32
        %add3A_740 = arith.addi %mul3A_179, %add3A_739 : i32
        %get3A_741 = arith.index_cast %add3A_740 : i32 to index
        %get3A_742 = arith.constant 112 : index
        %get3A_743 = tpu.vector_load %arg12[%get3A_741, %get3A_742] {strides = array<i32>} : memref<80x128xf32, #tpu.memory_space<vmem>>, vector<16xf32>,
        %mul3A_744 = arith.mulf %gather3A_192, %get3A_743 : vector<16xf32>
        %add3A_745 = arith.addf %add3A_738, %mul3A_744 : vector<16xf32>
        %add3A_746 = arith.constant 3 : i32
        %add3A_747 = arith.addi %mul3A_179, %add3A_746 : i32
        %get3A_748 = arith.index_cast %add3A_747 : i32 to index
        %get3A_749 = arith.constant 112 : index
        %get3A_750 = tpu.vector_load %arg12[%get3A_748, %get3A_749] {strides = array<i32>} : memref<80x128xf32, #tpu.memory_space<vmem>>, vector<16xf32>,
        %mul3A_751 = arith.mulf %gather3A_196, %get3A_750 : vector<16xf32>
        %add3A_752 = arith.addf %add3A_745, %mul3A_751 : vector<16xf32>
        %add3A_753 = arith.constant 4 : i32
        %add3A_754 = arith.addi %mul3A_179, %add3A_753 : i32
        %get3A_755 = arith.index_cast %add3A_754 : i32 to index
        %get3A_756 = arith.constant 112 : index
        %get3A_757 = tpu.vector_load %arg12[%get3A_755, %get3A_756] {strides = array<i32>} : memref<80x128xf32, #tpu.memory_space<vmem>>, vector<16xf32>,
        %mul3A_758 = arith.mulf %gather3A_200, %get3A_757 : vector<16xf32>
        %add3A_759 = arith.addf %add3A_752, %mul3A_758 : vector<16xf32>
        %add3A_760 = arith.constant 5 : i32
        %add3A_761 = arith.addi %mul3A_179, %add3A_760 : i32
        %get3A_762 = arith.index_cast %add3A_761 : i32 to index
        %get3A_763 = arith.constant 112 : index
        %get3A_764 = tpu.vector_load %arg12[%get3A_762, %get3A_763] {strides = array<i32>} : memref<80x128xf32, #tpu.memory_space<vmem>>, vector<16xf32>,
        %mul3A_765 = arith.mulf %gather3A_204, %get3A_764 : vector<16xf32>
        %add3A_766 = arith.addf %add3A_759, %mul3A_765 : vector<16xf32>
        %add3A_767 = arith.constant 6 : i32
        %add3A_768 = arith.addi %mul3A_179, %add3A_767 : i32
        %get3A_769 = arith.index_cast %add3A_768 : i32 to index
        %get3A_770 = arith.constant 112 : index
        %get3A_771 = tpu.vector_load %arg12[%get3A_769, %get3A_770] {strides = array<i32>} : memref<80x128xf32, #tpu.memory_space<vmem>>, vector<16xf32>,
        %mul3A_772 = arith.mulf %gather3A_208, %get3A_771 : vector<16xf32>
        %add3A_773 = arith.addf %add3A_766, %mul3A_772 : vector<16xf32>
        %add3A_774 = arith.constant 7 : i32
        %add3A_775 = arith.addi %mul3A_179, %add3A_774 : i32
        %get3A_776 = arith.index_cast %add3A_775 : i32 to index
        %get3A_777 = arith.constant 112 : index
        %get3A_778 = tpu.vector_load %arg12[%get3A_776, %get3A_777] {strides = array<i32>} : memref<80x128xf32, #tpu.memory_space<vmem>>, vector<16xf32>,
        %mul3A_779 = arith.mulf %gather3A_212, %get3A_778 : vector<16xf32>
        %add3A_780 = arith.addf %add3A_773, %mul3A_779 : vector<16xf32>
        %add3A_781 = arith.constant 8 : i32
        %add3A_782 = arith.addi %mul3A_179, %add3A_781 : i32
        %get3A_783 = arith.index_cast %add3A_782 : i32 to index
        %get3A_784 = arith.constant 112 : index
        %get3A_785 = tpu.vector_load %arg12[%get3A_783, %get3A_784] {strides = array<i32>} : memref<80x128xf32, #tpu.memory_space<vmem>>, vector<16xf32>,
        %mul3A_786 = arith.mulf %gather3A_216, %get3A_785 : vector<16xf32>
        %add3A_787 = arith.addf %add3A_780, %mul3A_786 : vector<16xf32>
        %add3A_788 = arith.constant 9 : i32
        %add3A_789 = arith.addi %mul3A_179, %add3A_788 : i32
        %get3A_790 = arith.index_cast %add3A_789 : i32 to index
        %get3A_791 = arith.constant 112 : index
        %get3A_792 = tpu.vector_load %arg12[%get3A_790, %get3A_791] {strides = array<i32>} : memref<80x128xf32, #tpu.memory_space<vmem>>, vector<16xf32>,
        %mul3A_793 = arith.mulf %gather3A_220, %get3A_792 : vector<16xf32>
        %add3A_794 = arith.addf %add3A_787, %mul3A_793 : vector<16xf32>
        %mul3A_795 = arith.mulf %add3A_794, %div3A_232 : vector<16xf32>
        %swap3A_796 = arith.index_cast %scan3A_176 : i32 to index
        %swap3A_797 = arith.constant 112 : index
        %swap3A_798 = tpu.vector_load %arg16[%swap3A_796, %swap3A_797] {strides = array<i32>} : memref<8x128xf32, #tpu.memory_space<vmem>>, vector<16xf32>,
        tpu.vector_store %arg16[%swap3A_796, %swap3A_797], %mul3A_795 {strides = array<i32>} : memref<8x128xf32, #tpu.memory_space<vmem>>, vector<16xf32>,
        %scan3A_799 = arith.constant 0 : i32
        scf.yield %scan3A_799 : i32
      }
      %scan3A_151 = arith.constant 8 : i32
      %mul3A_152 = arith.constant 8 : i32
      %mul3A_153 = arith.muli %add3A_133, %mul3A_152 : i32
      %dma_wait3A_154 = tpu.memref_slice %arg9[%mul3A_153] : memref<1776xi32, #tpu.memory_space<vmem>> -> memref<8xi32, #tpu.memory_space<vmem>>
      %dma_wait3A_155 = arith.constant 0 : i32
      %dma_wait3A_156 = arith.constant 0 : i32
      %dma_wait3A_157 = tpu.memref_slice %arg5[%dma_wait3A_155, %dma_wait3A_156] : memref<100000x128xf32, #tpu.memory_space<hbm>> -> memref<100000x128xf32, #tpu.memory_space<hbm>>
      tpu.wait_indirect_dma semaphore(%arg20 : memref<!tpu.dma_semaphore, #tpu.memory_space<semaphore_mem>>) src(%dma_wait3A_157 : memref<100000x128xf32, #tpu.memory_space<hbm>>) dst(%arg14 : memref<8x128xf32, #tpu.memory_space<vmem>>)
      %mul3A_158 = arith.constant 8 : i32
      %mul3A_159 = arith.muli %add3A_133, %mul3A_158 : i32
      %add3A_160 = arith.addi %mul3A_6, %mul3A_159 : i32
      %dma_start3A_161 = arith.constant 0 : i32
      %dma_start3A_162 = tpu.memref_slice %arg6[%add3A_160, %dma_start3A_161] : memref<50176x128xf32, #tpu.memory_space<hbm>> -> memref<8x128xf32, #tpu.memory_space<hbm>>
      %dma_start3A_163 = arith.constant 0 : i32
      %dma_start3A_164 = tpu.memref_slice %arg6[%add3A_160, %dma_start3A_163] : memref<50176x128xf32, #tpu.memory_space<hbm>> -> memref<8x128xf32, #tpu.memory_space<hbm>>
      tpu.enqueue_dma source(%arg16 : memref<8x128xf32, #tpu.memory_space<vmem>>) target(%dma_start3A_164 : memref<8x128xf32, #tpu.memory_space<hbm>>) target_semaphore(%arg22 : memref<!tpu.dma_semaphore, #tpu.memory_space<semaphore_mem>>)
      %dma_start3A_165 = arith.constant 0 : i32
      %dma_start3A_166 = tpu.memref_slice %arg7[%add3A_160, %dma_start3A_165] : memref<50176x128xf32, #tpu.memory_space<hbm>> -> memref<8x128xf32, #tpu.memory_space<hbm>>
      %dma_start3A_167 = arith.constant 0 : i32
      %dma_start3A_168 = tpu.memref_slice %arg7[%add3A_160, %dma_start3A_167] : memref<50176x128xf32, #tpu.memory_space<hbm>> -> memref<8x128xf32, #tpu.memory_space<hbm>>
      tpu.enqueue_dma source(%arg14 : memref<8x128xf32, #tpu.memory_space<vmem>>) target(%dma_start3A_168 : memref<8x128xf32, #tpu.memory_space<hbm>>) target_semaphore(%arg24 : memref<!tpu.dma_semaphore, #tpu.memory_space<semaphore_mem>>)
      %add3A_169 = arith.constant 2 : i32
      %add3A_170 = arith.addi %add3A_133, %add3A_169 : i32
      %lt3A_171 = arith.cmpi slt, %add3A_170, %select_n3A : i32
      %convert_element_type3A_172 = arith.extui %lt3A_171 : i1 to i32
      %cond3A_173 = arith.constant 0 : i32
      %cond3A_174 = arith.cmpi ne, %convert_element_type3A_172, %cond3A_173 : i32
      scf.if %cond3A_174 {
        %add3A_176 = arith.constant 2 : i32
        %add3A_177 = arith.addi %add3A_133, %add3A_176 : i32
        %mul3A_178 = arith.constant 80 : i32
        %mul3A_179 = arith.muli %add3A_177, %mul3A_178 : i32
        %dma_start3A_180 = tpu.memref_slice %arg8[%mul3A_179] : memref<17760xi32, #tpu.memory_space<vmem>> -> memref<80xi32, #tpu.memory_space<vmem>>
        %dma_start3A_181 = arith.constant 0 : i32
        %dma_start3A_182 = arith.constant 0 : i32
        %dma_start3A_183 = tpu.memref_slice %arg5[%dma_start3A_181, %dma_start3A_182] : memref<100000x128xf32, #tpu.memory_space<hbm>> -> memref<100000x128xf32, #tpu.memory_space<hbm>>
        tpu.enqueue_indirect_dma source(%dma_start3A_183 : memref<100000x128xf32, #tpu.memory_space<hbm>>) target(%arg12 : memref<80x128xf32, #tpu.memory_space<vmem>>) offsets(%dma_start3A_180 : memref<80xi32, #tpu.memory_space<vmem>>) semaphore(%arg18 : memref<!tpu.dma_semaphore, #tpu.memory_space<semaphore_mem>>)
      } else {
      }
      %while3A_175 = arith.constant 0 : i32
      scf.yield %while3A_175 : i32
    }
    %sub3A_59 = arith.constant 2 : i32
    %sub3A_60 = arith.subi %select_n3A, %sub3A_59 : i32
    %add3A_61 = arith.constant 0 : i32
    %add3A_62 = arith.addi %sub3A_60, %add3A_61 : i32
    %mul3A_63 = arith.constant 8 : i32
    %mul3A_64 = arith.muli %add3A_62, %mul3A_63 : i32
    %add3A_65 = arith.addi %mul3A_6, %mul3A_64 : i32
    %dma_wait3A = arith.constant 0 : i32
    %dma_wait3A_66 = tpu.memref_slice %arg6[%add3A_65, %dma_wait3A] : memref<50176x128xf32, #tpu.memory_space<hbm>> -> memref<8x128xf32, #tpu.memory_space<hbm>>
    %dma_wait3A_67 = arith.constant 0 : i32
    %dma_wait3A_68 = tpu.memref_slice %arg6[%add3A_65, %dma_wait3A_67] : memref<50176x128xf32, #tpu.memory_space<hbm>> -> memref<8x128xf32, #tpu.memory_space<hbm>>
    tpu.wait_dma2 semaphore(%arg21 : memref<!tpu.dma_semaphore, #tpu.memory_space<semaphore_mem>>) src(%arg15 : memref<8x128xf32, #tpu.memory_space<vmem>>) dst(%dma_wait3A_68 : memref<8x128xf32, #tpu.memory_space<hbm>>)
    %dma_wait3A_69 = arith.constant 0 : i32
    %dma_wait3A_70 = tpu.memref_slice %arg7[%add3A_65, %dma_wait3A_69] : memref<50176x128xf32, #tpu.memory_space<hbm>> -> memref<8x128xf32, #tpu.memory_space<hbm>>
    %dma_wait3A_71 = arith.constant 0 : i32
    %dma_wait3A_72 = tpu.memref_slice %arg7[%add3A_65, %dma_wait3A_71] : memref<50176x128xf32, #tpu.memory_space<hbm>> -> memref<8x128xf32, #tpu.memory_space<hbm>>
    tpu.wait_dma2 semaphore(%arg23 : memref<!tpu.dma_semaphore, #tpu.memory_space<semaphore_mem>>) src(%arg13 : memref<8x128xf32, #tpu.memory_space<vmem>>) dst(%dma_wait3A_72 : memref<8x128xf32, #tpu.memory_space<hbm>>)
    %sub3A_73 = arith.constant 2 : i32
    %sub3A_74 = arith.subi %select_n3A, %sub3A_73 : i32
    %add3A_75 = arith.constant 1 : i32
    %add3A_76 = arith.addi %sub3A_74, %add3A_75 : i32
    %mul3A_77 = arith.constant 8 : i32
    %mul3A_78 = arith.muli %add3A_76, %mul3A_77 : i32
    %add3A_79 = arith.addi %mul3A_6, %mul3A_78 : i32
    %dma_wait3A_80 = arith.constant 0 : i32
    %dma_wait3A_81 = tpu.memref_slice %arg6[%add3A_79, %dma_wait3A_80] : memref<50176x128xf32, #tpu.memory_space<hbm>> -> memref<8x128xf32, #tpu.memory_space<hbm>>
    %dma_wait3A_82 = arith.constant 0 : i32
    %dma_wait3A_83 = tpu.memref_slice %arg6[%add3A_79, %dma_wait3A_82] : memref<50176x128xf32, #tpu.memory_space<hbm>> -> memref<8x128xf32, #tpu.memory_space<hbm>>
    tpu.wait_dma2 semaphore(%arg22 : memref<!tpu.dma_semaphore, #tpu.memory_space<semaphore_mem>>) src(%arg16 : memref<8x128xf32, #tpu.memory_space<vmem>>) dst(%dma_wait3A_83 : memref<8x128xf32, #tpu.memory_space<hbm>>)
    %dma_wait3A_84 = arith.constant 0 : i32
    %dma_wait3A_85 = tpu.memref_slice %arg7[%add3A_79, %dma_wait3A_84] : memref<50176x128xf32, #tpu.memory_space<hbm>> -> memref<8x128xf32, #tpu.memory_space<hbm>>
    %dma_wait3A_86 = arith.constant 0 : i32
    %dma_wait3A_87 = tpu.memref_slice %arg7[%add3A_79, %dma_wait3A_86] : memref<50176x128xf32, #tpu.memory_space<hbm>> -> memref<8x128xf32, #tpu.memory_space<hbm>>
    tpu.wait_dma2 semaphore(%arg24 : memref<!tpu.dma_semaphore, #tpu.memory_space<semaphore_mem>>) src(%arg14 : memref<8x128xf32, #tpu.memory_space<vmem>>) dst(%dma_wait3A_87 : memref<8x128xf32, #tpu.memory_space<hbm>>)
    return
  }
}

module attributes {stable_mosaic.version = 14 : i64} {
  func.func @body(%arg0: i32, %arg1: memref<1024x128xf32, #tpu.memory_space<vmem>>, %arg2: memref<1024x128xf32, #tpu.memory_space<vmem>>, %arg3: memref<128x128xf32, #tpu.memory_space<vmem>>, %arg4: memref<256x128xf32, #tpu.memory_space<vmem>>, %arg5: memref<1x128xf32, #tpu.memory_space<vmem>>, %arg6: memref<1x128xf32, #tpu.memory_space<vmem>>, %arg7: memref<1024x128xf32, #tpu.memory_space<vmem>>) attributes {dimension_semantics = [#tpu.dimension_semantics<arbitrary>], iteration_bounds = array<i64: 49>, scalar_prefetch = 0 : i64, scratch_operands = 0 : i64, tpu.core_type = #tpu.core_type<tc>, window_params = [{transform_indices = @transform_0, window_bounds = array<i64: 1024, 128>}, {transform_indices = @transform_1, window_bounds = array<i64: 1024, 128>}, {pipeline_mode = #tpu.pipeline_mode<synchronous>, transform_indices = @transform_2, window_bounds = array<i64: 128, 128>}, {pipeline_mode = #tpu.pipeline_mode<synchronous>, transform_indices = @transform_3, window_bounds = array<i64: 256, 128>}, {pipeline_mode = #tpu.pipeline_mode<synchronous>, transform_indices = @transform_4, window_bounds = array<i64: 1, 128>}, {pipeline_mode = #tpu.pipeline_mode<synchronous>, transform_indices = @transform_5, window_bounds = array<i64: 1, 128>}, {transform_indices = @transform_6, window_bounds = array<i64: 1024, 128>}]} {
    %get3A = arith.constant 0 : index
    %get3A_0 = arith.constant 0 : index
    %get3A_1 = vector.load %arg3[%get3A, %get3A_0] : memref<128x128xf32, #tpu.memory_space<vmem>>, vector<128x128xf32>
    %get3A_2 = arith.constant 0 : index
    %get3A_3 = arith.constant 0 : index
    %get3A_4 = vector.load %arg4[%get3A_2, %get3A_3] : memref<256x128xf32, #tpu.memory_space<vmem>>, vector<128x128xf32>
    %dot_general3A = arith.constant dense<0.000000e+00> : vector<128x128xf32>
    %dot_general3A_5 = tpu.matmul %get3A_1, %get3A_4, %dot_general3A {dimension_numbers = #tpu.dot_dimension_numbers<[1], [0], [0], [1], [0, 0, 1, 1], [], []>, transpose_lhs_hint = false} : vector<128x128xf32>, vector<128x128xf32>, vector<128x128xf32> -> vector<128x128xf32>
    %get3A_6 = arith.constant 0 : index
    %get3A_7 = arith.constant 0 : index
    %get3A_8 = vector.load %arg5[%get3A_6, %get3A_7] : memref<1x128xf32, #tpu.memory_space<vmem>>, vector<1x128xf32>
    %get3A_9 = arith.constant 0 : index
    %get3A_10 = arith.constant 0 : index
    %get3A_11 = vector.load %arg4[%get3A_9, %get3A_10] : memref<256x128xf32, #tpu.memory_space<vmem>>, vector<128x128xf32>
    %dot_general3A_12 = arith.constant dense<0.000000e+00> : vector<1x128xf32>
    %dot_general3A_13 = tpu.matmul %get3A_8, %get3A_11, %dot_general3A_12 {dimension_numbers = #tpu.dot_dimension_numbers<[1], [0], [0], [1], [0, 0, 1, 1], [], []>, transpose_lhs_hint = false} : vector<1x128xf32>, vector<128x128xf32>, vector<1x128xf32> -> vector<1x128xf32>
    %get3A_14 = arith.constant 0 : index
    %get3A_15 = arith.constant 0 : index
    %get3A_16 = vector.load %arg6[%get3A_14, %get3A_15] : memref<1x128xf32, #tpu.memory_space<vmem>>, vector<1x128xf32>
    %add3A = arith.addf %dot_general3A_13, %get3A_16 : vector<1x128xf32>
    %get3A_17 = arith.constant 0 : index
    %get3A_18 = arith.constant 0 : index
    %get3A_19 = vector.load %arg1[%get3A_17, %get3A_18] : memref<1024x128xf32, #tpu.memory_space<vmem>>, vector<1024x128xf32>
    %dot_general3A_20 = arith.constant dense<0.000000e+00> : vector<1024x128xf32>
    %dot_general3A_21 = tpu.matmul %get3A_19, %dot_general3A_5, %dot_general3A_20 {dimension_numbers = #tpu.dot_dimension_numbers<[1], [0], [0], [1], [0, 0, 1, 1], [], []>, transpose_lhs_hint = false} : vector<1024x128xf32>, vector<128x128xf32>, vector<1024x128xf32> -> vector<1024x128xf32>
    %get3A_22 = arith.constant 0 : index
    %get3A_23 = arith.constant 0 : index
    %get3A_24 = vector.load %arg2[%get3A_22, %get3A_23] : memref<1024x128xf32, #tpu.memory_space<vmem>>, vector<1024x128xf32>
    %get3A_25 = arith.constant 128 : index
    %get3A_26 = arith.constant 0 : index
    %get3A_27 = vector.load %arg4[%get3A_25, %get3A_26] : memref<256x128xf32, #tpu.memory_space<vmem>>, vector<128x128xf32>
    %dot_general3A_28 = arith.constant dense<0.000000e+00> : vector<1024x128xf32>
    %dot_general3A_29 = tpu.matmul %get3A_24, %get3A_27, %dot_general3A_28 {dimension_numbers = #tpu.dot_dimension_numbers<[1], [0], [0], [1], [0, 0, 1, 1], [], []>, transpose_lhs_hint = false} : vector<1024x128xf32>, vector<128x128xf32>, vector<1024x128xf32> -> vector<1024x128xf32>
    %add3A_30 = arith.addf %dot_general3A_21, %dot_general3A_29 : vector<1024x128xf32>
    %add3A_31 = vector.broadcast %add3A : vector<1x128xf32> to vector<1024x128xf32>
    %add3A_32 = arith.addf %add3A_30, %add3A_31 : vector<1024x128xf32>
    %logistic3A = arith.negf %add3A_32 : vector<1024x128xf32>
    %logistic3A_33 = math.exp %logistic3A : vector<1024x128xf32>
    %logistic3A_34 = arith.constant 1.000000e+00 : f32
    %logistic3A_35 = vector.broadcast %logistic3A_34 : f32 to vector<1024x128xf32>
    %logistic3A_36 = arith.addf %logistic3A_35, %logistic3A_33 : vector<1024x128xf32>
    %logistic3A_37 = arith.divf %logistic3A_35, %logistic3A_36 : vector<1024x128xf32>
    %mul3A = arith.mulf %add3A_32, %logistic3A_37 : vector<1024x128xf32>
    %swap3A = arith.constant 0 : index
    %swap3A_38 = arith.constant 0 : index
    %swap3A_39 = vector.load %arg7[%swap3A, %swap3A_38] : memref<1024x128xf32, #tpu.memory_space<vmem>>, vector<1024x128xf32>
    tpu.vector_store %arg7[%swap3A, %swap3A_38], %mul3A {strides = array<i32>} : memref<1024x128xf32, #tpu.memory_space<vmem>>, vector<1024x128xf32>,
    return
  }
  func.func @transform_0(%arg0: i32) -> (i32, i32) {
    %c0_i32 = arith.constant 0 : i32
    %c0_i32_0 = arith.constant 0 : i32
    return %arg0, %c0_i32 : i32, i32
  }
  func.func @transform_1(%arg0: i32) -> (i32, i32) {
    %c0_i32 = arith.constant 0 : i32
    %c0_i32_0 = arith.constant 0 : i32
    return %arg0, %c0_i32 : i32, i32
  }
  func.func @transform_2(%arg0: i32) -> (i32, i32) {
    %c0_i32 = arith.constant 0 : i32
    %c0_i32_0 = arith.constant 0 : i32
    %c0_i32_1 = arith.constant 0 : i32
    return %c0_i32, %c0_i32_0 : i32, i32
  }
  func.func @transform_3(%arg0: i32) -> (i32, i32) {
    %c0_i32 = arith.constant 0 : i32
    %c0_i32_0 = arith.constant 0 : i32
    %c0_i32_1 = arith.constant 0 : i32
    return %c0_i32, %c0_i32_0 : i32, i32
  }
  func.func @transform_4(%arg0: i32) -> (i32, i32) {
    %c0_i32 = arith.constant 0 : i32
    %c0_i32_0 = arith.constant 0 : i32
    %c0_i32_1 = arith.constant 0 : i32
    return %c0_i32, %c0_i32_0 : i32, i32
  }
  func.func @transform_5(%arg0: i32) -> (i32, i32) {
    %c0_i32 = arith.constant 0 : i32
    %c0_i32_0 = arith.constant 0 : i32
    %c0_i32_1 = arith.constant 0 : i32
    return %c0_i32, %c0_i32_0 : i32, i32
  }
  func.func @transform_6(%arg0: i32) -> (i32, i32) {
    %c0_i32 = arith.constant 0 : i32
    %c0_i32_0 = arith.constant 0 : i32
    return %arg0, %c0_i32 : i32, i32
  }
}

</mosaic_0001>

<sc_bundles>
// kernel: kernel.4.cloned.1.call-start
scs
__scs_entry_jumppad:
0x0: {  	(pc) =	sbr.rel $0x88, $3  }
0x1: {  	(tag) =	ssettag $0x0;
	lr =	simm.s32 $0x1  }
0x2: {  	[smem:$0x3F99] =	sst lr;
	_ =	strace $0xD0000000  }
0x3: {  	_ = 	snop  }
0x4: {  	_ = 	snop  }
0x5: {  	_ = 	snop  }
0x6: {  	_ = 	snop  }
0x7: {  	_ = 	snop  }
__scs_overlays_trampoline_lowered:
0x8: {  	[smem:$0x3FA8] =	sst s0  }
0x9: {  	[smem:$0x3FA9] =	sst s1  }
0xa: {  	[smem:$0x3FAA] =	sst s2  }
0xb: {  	[smem:$0x3FAB] =	sst s3  }
0xc: {  	[smem:$0x3FAC] =	sst s4  }
0xd: {  	[smem:$0x3FAD] =	sst s5  }
0xe: {  	[smem:$0x3FAE] =	sst s6  }
0xf: {  	[smem:$0x3FAF] =	sst s7  }
0x10: {  	[smem:$0x3FB0] =	sst s8  }
0x11: {  	[smem:$0x3FB1] =	sst s9;
	s0 =	simm.s32 @!p0 $0x0  }
0x12: {  	s1 =	sld [smem:$0x3F97];
	s0 =	simm.s32 @p0 $0x1  }
0x13: {  	[smem:$0x3FB2] =	sst s0;
	s0 =	simm.s32 @!p1 $0x0  }
0x14: {  	s2 =	sld [smem:$0x3F96];
	s0 =	simm.s32 @p1 $0x1  }
0x15: {  	[smem:$0x3FB3] =	sst s0;
	s0 =	simm.s32 @!p2 $0x0  }
0x16: {  	s3 =	sld [smem:$0x3FDB];
	s0 =	simm.s32 @p2 $0x1  }
0x17: {  	s4 =	simm.s32 $0x1BF5;
	[smem:$0x3FB5] =	sst s0  }
0x18: {  	s0 =	sld [smem:$0x3F98];
	_ =	swait.ge [sflag:s4], $0x0  }
0x19: {  	s7 =	sld [smem:$0x3F99]  }
0x1a: {  	s8 =	sadd.s32 $0xFFFFE003, lr  }
0x1b: {  	s9 =	sadd.s32 $0xFFFFFEF7, lr;
	s5 =	simm.s32 $0xFFFFFFFF;
	p2 =	slt.u32 s8, $0xFFFFF086  }
0x1c: {  	p1 =	slt.u32 s9, $0xF7A;
	s5 =	simm.s32 @!p2 $0x0  }
0x1d: {  	s5 =	simm.s32 @p1 $0x1;
	p0 =	seq.s32 s7, s2  }
0x1e: {  	s7 =	smul.u32 @!p0 $0xF7A, s2;
	p2 =	seq.s32 @!p0 s5, $0x0  }
0x1f: {  	s9 =	smul.u32 $0xF7A, s1;
	s8 =	simm.s32 @!p0 $0x1BF5;
	p2 =	por !p2, p0  }
0x20: {  	[sflag:s8] =	ssyncset.s32 @!p0 $0xFFFFF086;
	s6 =	sadd.s32 @!p0 s3, s7;
	s7 =	simm.s32 @!p0 $0x108  }
0x21: {  	s3 =	sadd.s32 s3, s9;
	s6 =	sadd.s32 @!p0 $0x88, s6;
	s7 =	simm.s32 @p2 $0x1082  }
0x22: {  	[simem:s7], [sflag:s8] =	dma.local @!p0 [hbm:s6], $0xF7A  }
0x23: {  	s9 =	sor.u32 $0xD0000000, s2;
	s6 =	simm.s32 $0x108;
	_ =	swait.ge @!p0 [sflag:s8], $0x0  }
0x24: {  	s3 =	sadd.s32 $0x88, s3;
	s6 =	simm.s32 @!p1 $0x1082;
	[sflag:s4] =	ssyncset.s32 $0xFFFFF086  }
0x25: {  	[simem:s6], [sflag:s4] =	dma.local [hbm:s3], $0xF7A  }
0x26: {  	[smem:$0x3F99] =	sst s1;
	(tag) =	ssettag s2;
	_ =	strace s9  }
0x27: {  	s1 =	sld [smem:$0x3FA9]  }
0x28: {  	s2 =	sld [smem:$0x3FAA]  }
0x29: {  	s4 =	sld [smem:$0x3FAC]  }
0x2a: {  	p0 =	seq.s32 s5, $0x0;
	s5 =	sld [smem:$0x3FAD]  }
0x2b: {  	s6 =	sld [smem:$0x3FAE]  }
0x2c: {  	s7 =	sld [smem:$0x3FAF]  }
0x2d: {  	s3 =	simm.s32 $0x108;
	s8 =	sld [smem:$0x3FB0]  }
0x2e: {  	s3 =	simm.s32 @!p0 $0x1082;
	s9 =	sld [smem:$0x3FB1]  }
0x2f: {  	lr =	sadd.s32 s0, s3;
	s0 =	sld [smem:$0x3FA8]  }
0x30: {  	s3 =	sld [smem:$0x3FAB]  }
0x31: {  	[smem:$0x3FB4] =	sst s10  }
0x32: {  	s10 =	sld [smem:$0x3FB2];
	_ =	sdelay $0x3  }
0x33: {  	p0 =	seq.s32 s10, $0x1;
	s10 =	sld [smem:$0x3FB4];
	_ =	sdelay $0x3  }
0x34: {  	[smem:$0x3FB4] =	sst s10  }
0x35: {  	s10 =	sld [smem:$0x3FB3];
	_ =	sdelay $0x3  }
0x36: {  	p1 =	seq.s32 s10, $0x1;
	s10 =	sld [smem:$0x3FB4];
	_ =	sdelay $0x3  }
0x37: {  	[smem:$0x3FB4] =	sst s10  }
0x38: {  	s10 =	sld [smem:$0x3FB5]  }
0x39: {  	_ = 	snop;
	(pc) =	sbr.ind lr, $3  }
0x3a: {  	_ = 	snop  }
0x3b: {  	_ = 	snop  }
0x3c: {  	p2 =	seq.s32 s10, $0x1;
	s10 =	sld [smem:$0x3FB4]  }
0x3d: {  	_ =	shalt  }
0x3e: {  	_ =	shalt  }
0x3f: {  	_ =	shalt  }
0x40: {  	_ =	shalt  }
0x41: {  	_ =	shalt  }
0x42: {  	_ =	shalt  }
0x43: {  	_ =	shalt  }
0x44: {  	_ =	shalt  }
0x45: {  	_ =	shalt  }
0x46: {  	_ =	shalt  }
0x47: {  	_ =	shalt  }
0x48: {  	_ =	shalt  }
0x49: {  	_ =	shalt  }
0x4a: {  	_ =	shalt  }
0x4b: {  	_ =	shalt  }
0x4c: {  	_ =	shalt  }
0x4d: {  	_ =	shalt  }
0x4e: {  	_ =	shalt  }
0x4f: {  	_ =	shalt  }
0x50: {  	_ =	shalt  }
0x51: {  	_ =	shalt  }
0x52: {  	_ =	shalt  }
0x53: {  	_ =	shalt  }
0x54: {  	_ =	shalt  }
0x55: {  	_ =	shalt  }
0x56: {  	_ =	shalt  }
0x57: {  	_ =	shalt  }
0x58: {  	_ =	shalt  }
0x59: {  	_ =	shalt  }
0x5a: {  	_ =	shalt  }
0x5b: {  	_ =	shalt  }
0x5c: {  	_ =	shalt  }
0x5d: {  	_ =	shalt  }
0x5e: {  	_ =	shalt  }
0x5f: {  	_ =	shalt  }
0x60: {  	_ =	shalt  }
0x61: {  	_ =	shalt  }
0x62: {  	_ =	shalt  }
0x63: {  	_ =	shalt  }
0x64: {  	_ =	shalt  }
0x65: {  	_ =	shalt  }
0x66: {  	_ =	shalt  }
0x67: {  	_ =	shalt  }
0x68: {  	_ =	shalt  }
0x69: {  	_ =	shalt  }
0x6a: {  	_ =	shalt  }
0x6b: {  	_ =	shalt  }
0x6c: {  	_ =	shalt  }
0x6d: {  	_ =	shalt  }
0x6e: {  	_ =	shalt  }
0x6f: {  	_ =	shalt  }
0x70: {  	_ =	shalt  }
0x71: {  	_ =	shalt  }
0x72: {  	_ =	shalt  }
0x73: {  	_ =	shalt  }
0x74: {  	_ =	shalt  }
0x75: {  	_ =	shalt  }
0x76: {  	_ =	shalt  }
0x77: {  	_ =	shalt  }
0x78: {  	_ =	shalt  }
0x79: {  	_ =	shalt  }
0x7a: {  	_ =	shalt  }
0x7b: {  	_ =	shalt  }
0x7c: {  	_ =	shalt  }
0x7d: {  	_ =	shalt  }
0x7e: {  	_ =	shalt  }
0x7f: {  	_ =	shalt  }
0x80: {  	_ =	shalt  }
0x81: {  	_ =	shalt  }
0x82: {  	_ =	shalt  }
0x83: {  	_ =	shalt  }
0x84: {  	_ =	shalt  }
0x85: {  	_ =	shalt  }
0x86: {  	_ =	shalt  }
0x87: {  	_ =	shalt  }
.Lfunc_end0:
.L_simem_size_0:
called_computation_lowered:
.L_overlay_start_0:
0x88: {  	s2 =	sld [smem:$0x3FD9]  }
0x89: {  	s3 =	sld [smem:$0x3FFE];
	_ =	sdelay $0x1  }
0x8a: {  	s1 =	srdreg.scid  }
0x8b: {  	s0 =	sand.u32 $0x1, s1  }
0x8c: {  	s17 =	sshll.u32 s0, $0xA;
	s2 =	sadd.s32 s3, s2  }
0x8d: {  	s2 =	sadd.s32 s2, s17  }
0x8e: {  	[smem:$0x3FC0] =	sst s2  }
0x8f: {  	_ = 	snop  }
0x90: {  	s2 =	sld [smem:$0x3FC6]  }
0x91: {  	s18 =	sld [smem:$0x3FD0];
	(tm) =	ssettm $0x1  }
0x92: {  	s4 =	sld [smem:$0x3FFB];
	_ =	sdelay $0x3  }
0x93: {  	_ =	strace s4  }
0x94: {  	s4 =	sld [smem:$0x3FFC];
	_ =	sdelay $0x3  }
0x95: {  	_ =	strace s4  }
0x96: {  	s4 =	sld [smem:$0x3FFD];
	_ =	sdelay $0x3  }
0x97: {  	_ =	strace s4  }
0x98: {  	_ =	strace $0x8FFFFFFF  }
0x99: {  	s19 =	sld [smem:$0x3FDB];
	_ =	sdelay $0x1  }
0x9a: {  	s5 =	simm.s32 $_scs_section_size  }
0x9b: {  	s6 =	simm.s32 $_size__tile_overlayer_lowered;
	s7 =	simm.s32 $_tile_overlayer_lowered  }
0x9c: {  	s22 =	simm.s32 $0x1BFF;
	s21 =	sshll.u32 s7, $0x1;
	s4 =	sadd.s32 s5, s19  }
0x9d: {  	s8 =	simm.s32 $0x0;
	s20 =	sshll.u32 s6, $0x1;
	s6 =	sadd.s32 s21, s4  }
0x9e: {  	[timem:s8], [sflag:s22] =	dma.local [hbm:s6], s20  }
0x9f: {  	_ =	swait.ge [sflag:s22], s20  }
0xa0: {  	s5 =	ssub.s32 $0x0, s20;
	[sflag:s22] =	ssyncset.done $0x0  }
0xa1: {  	[sflag:s22] =	ssyncadd.s32 s5;
	_ =	sdelay $0x1  }
0xa2: {  	s23 =	simm.s32 $0x1B8B  }
0xa3: {  	_ =	swait.ge [sflag:s23], $0x1  }
0xa4: {  	[sflag:s23] =	ssyncset.done $0x0  }
0xa5: {  	s25 =	simm.s32 $0x1B8E;
	s24 =	sld [smem:$0x3FFE];
	[sflag:s23] =	ssyncadd.s32 $0xFFFFFFFF  }
0xa6: {  	s26 =	simm.s32 $execute0_lowered;
	[smem:$0x3FD2] =	sst s25  }
0xa7: {  	s6 =	sshll.u32 s26, $0x1;
	_ =	strace $0x80000046;
	[dreg:$0x1] =	wrdreg $0xFFFFFFFF  }
0xa8: {  	s28 =	simm.s32 $_size_execute0_lowered;
	s4 =	sadd.s32 s4, s6;
	[dreg:$0x0] =	wrdreg $0x0  }
0xa9: {  	s6 =	sshll.u32 s28, $0x1;
	[dreg:$0x2] =	wrdreg s4  }
0xaa: {  	[dreg:$0x3] =	wrdreg s6  }
0xab: {  	[dreg:$0x4] =	wrdreg $0xC0  }
0xac: {  	_ =	task [dreg:s8], $0x5FFFF  }
0xad: {  	[dreg:$0x1] =	wrdreg $0xFFFFFFFF  }
0xae: {  	[dreg:$0x0] =	wrdreg $0x60  }
0xaf: {  	[dreg:$0x2] =	wrdreg s18  }
0xb0: {  	[dreg:$0x3] =	wrdreg s24  }
0xb1: {  	[dreg:$0x4] =	wrdreg s2  }
0xb2: {  	[dreg:$0x5] =	wrdreg $0x9  }
0xb3: {  	_ =	task.clear_ibuf [dreg:s8], $0x6FFFF;
	_ =	strace $0x90000046  }
0xb4: {  	s29 =	simm.s32 $0x9;
	_ =	strace $0x80000048  }
0xb5: {  	_ =	swait.ge [sflag:s29], $0x1  }
0xb6: {  	[sflag:s29] =	ssyncadd.s32 $0xFFFFFFFF  }
0xb7: {  	_ =	strace $0x90000048  }
0xb8: {  	_ =	sfence  }
0xb9: {  	s30 =	sld [smem:$0x0];
	_ =	sdelay $0x2  }
0xba: {  	s31 =	sshll.u32 s1, $0xD;
	s1 =	sshrl.u32 s1, $0x2  }
0xbb: {  	s3 =	sand.u32 $0x4000, s31;
	s1 =	sadd.s32 s1, s30  }
0xbc: {  	s0 =	sor.u32 s3, s0;
	s1 =	sshll.u32 s1, $0x11  }
0xbd: {  	s0 =	sor.u32 s1, s0  }
0xbe: {  	s0 =	sadd.s32 $0x8F2B, s0  }
0xbf: {  	[sflag:s0] =	ssyncadd.remote.s32 $0x1  }
0xc0: {  	_ =	sfence.sel $0xFFFF  }
0xc1: {  	[dreg:$0x0] =	wrdreg $0xFFFFFFFF;
	(pc) =	sbr.abs _section_cstart, $3  }
0xc2: {  	[dreg:$0x1] =	wrdreg $0xFFFFFFFF  }
0xc3: {  	_ =	task.clear_ibuf [dreg:s8], $0x2FFFF;
	_ =	strace $0x9FFFFFFF  }
0xc4: {  	(tm) =	ssettm $0x7FFFFFFF  }
0xc5: {  	_ =	shalt  }
tec
execute0_lowered:
.L_overlay_start_1:
0x0: {  	(tag) =	ssettag $0x1  }
0x1: {  	s0 =	srdreg.scid  }
0x2: {  	s2 =	stileid.u32;
	s1 =	rddreg [dreg:$0x0]  }
0x3: {  	s6 =	rddreg [dreg:$0x1];
	s3 =	simm.s32 $0x0;
	s16 =	simm.s32 $0x4C80  }
0x4: {  	s20 =	simm.s32 $0xE200;
	s23 =	simm.s32 $0xE600;
	s24 =	simm.s32 $0x1  }
0x5: {  	s28 =	simm.s32 $0x2;
	s0 =	sand.u32 $0x1, s0;
	s4 =	smul.u32 $0x188, s2  }
0x6: {  	s29 =	simm.s32 $0x4;
	[smem:$0x7FF] =	sst s3;
	s5 =	smul.u32 $0xDE, s0  }
0x7: {  	s2 =	rddreg [dreg:$0x2];
	_ =	strace $0x80000047;
	s7 =	ssub.s32 $0x2, s0  }
0x8: {  	p0 =	seq.s32 s0, $0x0;
	s11 =	sshrl.u32 s7, $0x1;
	s4 =	sadd.s32 s5, s4  }
0x9: {  	s5 =	sadd.s32 $0x12600, s6;
	s13 =	ssub.s32 s7, s11;
	s7 =	simm.s32 $0xDE  }
0xa: {  	s8 =	smul.u32 $0xA, s4;
	s9 =	sadd.s32 s4, s6;
	s7 =	simm.s32 @!p0 $0xAA  }
0xb: {  	s12 =	sshll.u32 s4, $0xA;
	s31 =	smax.u32 s13, $0x1;
	s26 =	sadd.s32 $0x1400, s9  }
0xc: {  	s11 =	sshrl.u32 s7, $0x1;
	[dreg:$0x7] =	wrdreg s31;
	s9 =	simm.s32 $0x8  }
0xd: {  	s10 =	sadd.s32 s8, s6;
	s25 =	sadd.s32 s1, s8;
	[dreg:$0x5] =	wrdreg s26  }
0xe: {  	s6 =	sadd.s32 $0xD6600, s6;
	[dreg:$0x4] =	wrdreg s25;
	s30 =	sadd.s32 $0x2E00, s10  }
0xf: {  	s1 =	simm.s32 $0x0;
	s25 =	simm.s32 $0x3;
	[dreg:$0x6] =	wrdreg s30  }
.LBB2_1:
0x10: {  	[dreg:$0x8] =	wrdreg s1  }
0x11: {  	s0 =	rddreg [dreg:$0x4];
	s18 =	simm.s32 $0x9  }
0x12: {  	[tilespmem:s3], [sflag:$0x9] =	stream.linear.gather [hbm4b:s0+s3], $0x4560, $0x38;
	[tilespmem:$0xF200] =	vst v63  }
0x13: {  	_ =	swait.ge [sflag:s18], $0x4560  }
0x14: {  	[sflag:s18] =	ssyncset.done $0x0  }
0x15: {  	s8 =	simm.s32 $0x4580;
	s19 =	rddreg [dreg:$0x5];
	[sflag:s18] =	ssyncadd.s32 $0xFFFFBAA0  }
0x16: {  	[tilespmem:s8], [sflag:$0x9] =	stream.linear.gather [hbm4b:s19+s3], $0x6F0, $0x38;
	[tilespmem:$0xF200] =	vst v63  }
0x17: {  	_ =	swait.ge [sflag:s18], $0x6F0  }
0x18: {  	[sflag:s18] =	ssyncset.done $0x0  }
0x19: {  	s21 =	rddreg [dreg:$0x6];
	[sflag:s18] =	ssyncadd.s32 $0xFFFFF910  }
0x1a: {  	[tilespmem:s16], [sflag:$0x9] =	stream.linear.gather [hbm4b:s21+s3], $0x4560, $0x38;
	[tilespmem:$0xF200] =	vst v63  }
0x1b: {  	_ =	swait.ge [sflag:s18], $0x4560  }
0x1c: {  	[sflag:s18] =	ssyncset.done $0x0  }
0x1d: {  	s22 =	simm.s32 $0x50;
	s26 =	simm.s32 $0x9200;
	[sflag:s18] =	ssyncadd.s32 $0xFFFFBAA0  }
0x1e: {  	[tilespmem:s26], [sflag:$0x1] =	stream.indirect.gather [hbm4b:s2+s22], $0x80, s3, s22, $0xb8;
	[tilespmem:$0xF200] =	vst v63  }
0x1f: {  	_ = 	snop  }
0x20: {  	[tilespmem:s20], [sflag:$0x3] =	stream.indirect.gather [hbm4b:s2+s9], $0x80, s8, s9, $0xb8;
	[tilespmem:$0xF200] =	vst v63  }
0x21: {  	s30 =	simm.s32 $0xBA00  }
0x22: {  	[tilespmem:s30], [sflag:$0x2] =	stream.indirect.gather [hbm4b:s2+s22], $0x80, s22, s22, $0xb8;
	[tilespmem:$0xF200] =	vst v63  }
0x23: {  	s31 =	simm.s32 $0x4588;
	s21 =	simm.s32 $0x0;
	s22 =	simm.s32 $0x0  }
0x24: {  	[tilespmem:s23], [sflag:$0x4] =	stream.indirect.gather [hbm4b:s2+s9], $0x80, s31, s9, $0xb8;
	[tilespmem:$0xF200] =	vst v63  }
.LBB2_2:
0x25: {  	p0 =	seq.s32 s22, $0x0  }
0x26: {  	s0 =	simm.s32 @!p0 $0x5  }
0x27: {  	_ =	swait.ge @!p0 [sflag:s0], $0x400  }
0x28: {  	s1 =	sadd.s32 $0x0, s21;
	s8 =	sshll.u32 @!p0 s22, $0x6;
	[sflag:s0] =	ssyncset.done @!p0 $0x0  }
0x29: {  	v0 =	vmov s1;
	s14 =	sadd.s32 $0x2, s1;
	[sflag:s0] =	ssyncadd.s32 @!p0 $0xFFFFFC00;
	s0 =	simm.s32 @!p0 $0x7  }
0x2a: {  	s9 =	simm.s32 @!p0 $0x8;
	s10 =	simm.s32 @!p0 $0xE200;
	v0 =	vand.u32 $0xFFFFFFFE, v0;
	_ =	swait.ge @!p0 [sflag:s0], $0x400  }
0x2b: {  	s13 =	sadd.s32 $0x1, s1;
	s8 =	sshra.s32 @!p0 s8, $0x2;
	v1 =	vmov s14;
	v0 =	vbroadcast v0, $0x0;
	[sflag:s0] =	ssyncset.done @!p0 $0x0  }
0x2c: {  	s15 =	sadd.s32 $0x4, s1;
	v1 =	vand.u32 $0xFFFFFFFE, v1;
	[sflag:s0] =	ssyncadd.s32 @!p0 $0xFFFFFC00;
	s0 =	sadd.s32 @!p0 $0x4580, s8  }
0x2d: {  	v2 =	vmov s13;
	v1 =	vbroadcast v1, $0x0;
	[tilespmem:s10], [sflag:$0x3] =	stream.indirect.gather @!p0 [hbm4b:s2+s9], $0x80, s0, s9, $0xb8;
	[tilespmem:$0xF200] =	vst v63  }
0x2e: {  	v3 =	vmov s15;
	_ =	swait.ge [sflag:s24], $0x2800  }
0x2f: {  	s17 =	sadd.s32 $0x3, s1;
	v3 =	vand.u32 $0xFFFFFFFE, v3;
	[sflag:s24] =	ssyncset.done $0x0  }
0x30: {  	v7 =	vmov s17;
	v3 =	vbroadcast v3, $0x0;
	[sflag:s24] =	ssyncadd.s32 $0xFFFFD800  }
0x31: {  	v4 =	vld.idx.msk [tilespmem:v0+s16+$0x0], $0xffff  }
0x32: {  	s18 =	sadd.s32 $0x5, s1;
	v5 =	vld.idx.msk [tilespmem:v2+s16+$0x0], $0xffff  }
0x33: {  	s19 =	sadd.s32 $0x6, s1;
	v6 =	vld.idx.msk [tilespmem:v1+s16+$0x0], $0xffff;
	v1 =	vmov s18  }
0x34: {  	v0 =	vmov s19  }
0x35: {  	v7 =	vld.idx.msk [tilespmem:v7+s16+$0x0], $0xffff;
	v0 =	vand.u32 $0xFFFFFFFE, v0  }
0x36: {  	s30 =	sadd.s32 $0x8, s1;
	s17 =	simm.s32 $0x9480;
	v8 =	vld.idx.msk [tilespmem:v3+s16+$0x0], $0xffff;
	v0 =	vbroadcast v0, $0x0  }
0x37: {  	v3 =	vmov s30;
	v11 =	vld [tilespmem:s17+$0xFFFFFE00];
	v2 =	vadd.f32 v5, v4  }
0x38: {  	s26 =	sadd.s32 $0x7, s1;
	v3 =	vand.u32 $0xFFFFFFFE, v3;
	v9 =	vld.idx.msk [tilespmem:v1+s16+$0x0], $0xffff  }
0x39: {  	v12 =	vmov s26;
	v1 =	vadd.f32 v6, v2;
	v2 =	vbroadcast v3, $0x0;
	v3 =	vld [tilespmem:s17+$0xFFFFFD80];
	_ =	sdelay $0x1  }
0x3a: {  	v13 =	vld [tilespmem:s17+$0xFFFFFE80];
	v1 =	vadd.f32 v7, v1  }
0x3b: {  	s31 =	sadd.s32 $0x9, s1;
	v10 =	vld.idx.msk [tilespmem:v0+s16+$0x0], $0xffff  }
0x3c: {  	v14 =	vmov s31;
	v58 =	vld [tilespmem:s17+$0xFFFFFF00];
	v1 =	vadd.f32 v8, v1  }
0x3d: {  	v11 =	vmul.f32 v11, v5;
	v0 =	vld.idx.msk [tilespmem:v12+s16+$0x0], $0xffff;
	v3 =	vmul.f32 v3, v4  }
0x3e: {  	v15 =	vld [tilespmem:s17+$0xFFFFFF80];
	v16 =	vadd.f32 v9, v1  }
0x3f: {  	v13 =	vmul.f32 v13, v6;
	v1 =	vld.idx.msk [tilespmem:v2+s16+$0x0], $0xffff;
	v3 =	vadd.f32 v11, v3  }
0x40: {  	v17 =	vld [tilespmem:s17+$0x0];
	v16 =	vadd.f32 v10, v16  }
0x41: {  	v12 =	vmul.f32 v58, v7;
	v2 =	vld.idx.msk [tilespmem:v14+s16+$0x0], $0xffff;
	v3 =	vadd.f32 v13, v3  }
0x42: {  	v59 =	vld [tilespmem:s17+$0x80];
	v11 =	vadd.f32 v0, v16  }
0x43: {  	v60 =	vmul.f32 v15, v8;
	v3 =	vadd.f32 v12, v3  }
0x44: {  	v61 =	vld [tilespmem:s17+$0x100];
	v11 =	vadd.f32 v1, v11  }
0x45: {  	v62 =	vmul.f32 v17, v9;
	v3 =	vadd.f32 v60, v3  }
0x46: {  	v63 =	vld [tilespmem:s17+$0x180];
	v11 =	vadd.f32 v2, v11  }
0x47: {  	v13 =	vmul.f32 v59, v10;
	v3 =	vadd.f32 v62, v3  }
0x48: {  	(erf) = vrcp.f32 v11  }
0x49: {  	v12 =	vmul.f32 v61, v0;
	v11 =	vld [tilespmem:s17+$0x200];
	v3 =	vadd.f32 v13, v3;
	_ =	sdelay $0x1  }
0x4a: {  	v16 =	vmul.f32 v63, v1;
	v3 =	vadd.f32 v12, v3;
	_ =	sdelay $0x1  }
0x4b: {  	v3 =	vadd.f32 v16, v3  }
0x4c: {  	v11 =	vmul.f32 v11, v2;
	_ =	sdelay $0x1  }
0x4d: {  	v11 =	vadd.f32 v11, v3  }
0x4e: {  	v3 =	vpop (erf)  }
0x4f: {  	v11 =	vmul.f32 v11, v3  }
0x50: {  	s8 =	simm.s32 $0xEA40  }
0x51: {  	[tilespmem:s8+$0xFFFFFFC0] =	vst v11  }
0x52: {  	v11 =	vld [tilespmem:s17+$0xFFFFFD90]  }
0x53: {  	v17 =	vld [tilespmem:s17+$0xFFFFFE10];
	_ =	sdelay $0x1  }
0x54: {  	v18 =	vld [tilespmem:s17+$0xFFFFFE90];
	_ =	sdelay $0x1  }
0x55: {  	v19 =	vld [tilespmem:s17+$0xFFFFFF10]  }
0x56: {  	v11 =	vmul.f32 v11, v4;
	v12 =	vmul.f32 v17, v5  }
0x57: {  	v20 =	vld [tilespmem:s17+$0xFFFFFF90]  }
0x58: {  	v21 =	vmul.f32 v18, v6;
	v11 =	vadd.f32 v12, v11  }
0x59: {  	v22 =	vld [tilespmem:s17+$0x10]  }
0x5a: {  	v23 =	vmul.f32 v19, v7;
	v11 =	vadd.f32 v21, v11  }
0x5b: {  	v24 =	vld [tilespmem:s17+$0x90]  }
0x5c: {  	v25 =	vmul.f32 v20, v8;
	v11 =	vadd.f32 v23, v11  }
0x5d: {  	v26 =	vld [tilespmem:s17+$0x110]  }
0x5e: {  	v27 =	vmul.f32 v22, v9;
	v11 =	vadd.f32 v25, v11  }
0x5f: {  	v28 =	vld [tilespmem:s17+$0x190]  }
0x60: {  	v29 =	vmul.f32 v24, v10;
	v11 =	vadd.f32 v27, v11  }
0x61: {  	v30 =	vld [tilespmem:s17+$0x210]  }
0x62: {  	v31 =	vmul.f32 v26, v0;
	v11 =	vadd.f32 v29, v11;
	_ =	sdelay $0x1  }
0x63: {  	v32 =	vmul.f32 v28, v1;
	v11 =	vadd.f32 v31, v11;
	_ =	sdelay $0x1  }
0x64: {  	v33 =	vmul.f32 v30, v2;
	v11 =	vadd.f32 v32, v11;
	_ =	sdelay $0x1  }
0x65: {  	v11 =	vadd.f32 v33, v11;
	_ =	sdelay $0x1  }
0x66: {  	v11 =	vmul.f32 v11, v3;
	_ =	sdelay $0x1  }
0x67: {  	[tilespmem:s8+$0xFFFFFFD0] =	vst v11  }
0x68: {  	v11 =	vld [tilespmem:s17+$0xFFFFFDA0]  }
0x69: {  	v34 =	vld [tilespmem:s17+$0xFFFFFE20];
	_ =	sdelay $0x1  }
0x6a: {  	v35 =	vld [tilespmem:s17+$0xFFFFFEA0];
	_ =	sdelay $0x1  }
0x6b: {  	v36 =	vld [tilespmem:s17+$0xFFFFFF20]  }
0x6c: {  	v11 =	vmul.f32 v11, v4;
	v12 =	vmul.f32 v34, v5  }
0x6d: {  	v37 =	vld [tilespmem:s17+$0xFFFFFFA0]  }
0x6e: {  	v38 =	vmul.f32 v35, v6;
	v11 =	vadd.f32 v12, v11  }
0x6f: {  	v39 =	vld [tilespmem:s17+$0x20]  }
0x70: {  	v40 =	vmul.f32 v36, v7;
	v11 =	vadd.f32 v38, v11  }
0x71: {  	v41 =	vld [tilespmem:s17+$0xA0]  }
0x72: {  	v42 =	vmul.f32 v37, v8;
	v11 =	vadd.f32 v40, v11  }
0x73: {  	v43 =	vld [tilespmem:s17+$0x120]  }
0x74: {  	v44 =	vmul.f32 v39, v9;
	v11 =	vadd.f32 v42, v11  }
0x75: {  	v45 =	vld [tilespmem:s17+$0x1A0]  }
0x76: {  	v46 =	vmul.f32 v41, v10;
	v11 =	vadd.f32 v44, v11  }
0x77: {  	v47 =	vld [tilespmem:s17+$0x220]  }
0x78: {  	v48 =	vmul.f32 v43, v0;
	v11 =	vadd.f32 v46, v11;
	_ =	sdelay $0x1  }
0x79: {  	v49 =	vmul.f32 v45, v1;
	v11 =	vadd.f32 v48, v11;
	_ =	sdelay $0x1  }
0x7a: {  	v50 =	vmul.f32 v47, v2;
	v11 =	vadd.f32 v49, v11;
	_ =	sdelay $0x1  }
0x7b: {  	v11 =	vadd.f32 v50, v11;
	_ =	sdelay $0x1  }
0x7c: {  	v11 =	vmul.f32 v11, v3;
	_ =	sdelay $0x1  }
0x7d: {  	[tilespmem:s8+$0xFFFFFFE0] =	vst v11  }
0x7e: {  	v11 =	vld [tilespmem:s17+$0xFFFFFDB0]  }
0x7f: {  	v51 =	vld [tilespmem:s17+$0xFFFFFE30];
	_ =	sdelay $0x1  }
0x80: {  	v52 =	vld [tilespmem:s17+$0xFFFFFEB0];
	_ =	sdelay $0x1  }
0x81: {  	v53 =	vld [tilespmem:s17+$0xFFFFFF30]  }
0x82: {  	v11 =	vmul.f32 v11, v4;
	v12 =	vmul.f32 v51, v5  }
0x83: {  	v54 =	vld [tilespmem:s17+$0xFFFFFFB0]  }
0x84: {  	v55 =	vmul.f32 v52, v6;
	v11 =	vadd.f32 v12, v11  }
0x85: {  	v56 =	vld [tilespmem:s17+$0x30]  }
0x86: {  	v57 =	vmul.f32 v53, v7;
	v11 =	vadd.f32 v55, v11  }
0x87: {  	v58 =	vld [tilespmem:s17+$0xB0]  }
0x88: {  	v59 =	vmul.f32 v54, v8;
	v11 =	vadd.f32 v57, v11  }
0x89: {  	v60 =	vld [tilespmem:s17+$0x130]  }
0x8a: {  	v61 =	vmul.f32 v56, v9;
	v11 =	vadd.f32 v59, v11  }
0x8b: {  	v62 =	vld [tilespmem:s17+$0x1B0]  }
0x8c: {  	v63 =	vmul.f32 v58, v10;
	v11 =	vadd.f32 v61, v11  }
0x8d: {  	v16 =	vld [tilespmem:s17+$0x230]  }
0x8e: {  	v17 =	vmul.f32 v60, v0;
	v11 =	vadd.f32 v63, v11;
	_ =	sdelay $0x1  }
0x8f: {  	v18 =	vmul.f32 v62, v1;
	v11 =	vadd.f32 v17, v11;
	_ =	sdelay $0x1  }
0x90: {  	v19 =	vmul.f32 v16, v2;
	v11 =	vadd.f32 v18, v11;
	_ =	sdelay $0x1  }
0x91: {  	v11 =	vadd.f32 v19, v11;
	_ =	sdelay $0x1  }
0x92: {  	v11 =	vmul.f32 v11, v3;
	_ =	sdelay $0x1  }
0x93: {  	[tilespmem:s8+$0xFFFFFFF0] =	vst v11  }
0x94: {  	v11 =	vld [tilespmem:s17+$0xFFFFFDC0]  }
0x95: {  	v20 =	vld [tilespmem:s17+$0xFFFFFE40];
	_ =	sdelay $0x1  }
0x96: {  	v21 =	vld [tilespmem:s17+$0xFFFFFEC0];
	_ =	sdelay $0x1  }
0x97: {  	v22 =	vld [tilespmem:s17+$0xFFFFFF40]  }
0x98: {  	v11 =	vmul.f32 v11, v4;
	v12 =	vmul.f32 v20, v5  }
0x99: {  	v23 =	vld [tilespmem:s17+$0xFFFFFFC0]  }
0x9a: {  	v24 =	vmul.f32 v21, v6;
	v11 =	vadd.f32 v12, v11  }
0x9b: {  	v25 =	vld [tilespmem:s17+$0x40]  }
0x9c: {  	v26 =	vmul.f32 v22, v7;
	v11 =	vadd.f32 v24, v11  }
0x9d: {  	v27 =	vld [tilespmem:s17+$0xC0]  }
0x9e: {  	v28 =	vmul.f32 v23, v8;
	v11 =	vadd.f32 v26, v11  }
0x9f: {  	v29 =	vld [tilespmem:s17+$0x140]  }
0xa0: {  	v30 =	vmul.f32 v25, v9;
	v11 =	vadd.f32 v28, v11  }
0xa1: {  	v31 =	vld [tilespmem:s17+$0x1C0]  }
0xa2: {  	v32 =	vmul.f32 v27, v10;
	v11 =	vadd.f32 v30, v11  }
0xa3: {  	v33 =	vld [tilespmem:s17+$0x240]  }
0xa4: {  	v34 =	vmul.f32 v29, v0;
	v11 =	vadd.f32 v32, v11;
	_ =	sdelay $0x1  }
0xa5: {  	v35 =	vmul.f32 v31, v1;
	v11 =	vadd.f32 v34, v11;
	_ =	sdelay $0x1  }
0xa6: {  	v36 =	vmul.f32 v33, v2;
	v11 =	vadd.f32 v35, v11;
	_ =	sdelay $0x1  }
0xa7: {  	v11 =	vadd.f32 v36, v11;
	_ =	sdelay $0x1  }
0xa8: {  	v11 =	vmul.f32 v11, v3;
	_ =	sdelay $0x1  }
0xa9: {  	[tilespmem:s8+$0x0] =	vst v11  }
0xaa: {  	v11 =	vld [tilespmem:s17+$0xFFFFFDD0]  }
0xab: {  	v37 =	vld [tilespmem:s17+$0xFFFFFE50];
	_ =	sdelay $0x1  }
0xac: {  	v38 =	vld [tilespmem:s17+$0xFFFFFED0];
	_ =	sdelay $0x1  }
0xad: {  	v39 =	vld [tilespmem:s17+$0xFFFFFF50]  }
0xae: {  	v11 =	vmul.f32 v11, v4;
	v12 =	vmul.f32 v37, v5  }
0xaf: {  	v40 =	vld [tilespmem:s17+$0xFFFFFFD0]  }
0xb0: {  	v13 =	vmul.f32 v38, v6;
	v11 =	vadd.f32 v12, v11  }
0xb1: {  	v41 =	vld [tilespmem:s17+$0x50]  }
0xb2: {  	v14 =	vmul.f32 v39, v7;
	v11 =	vadd.f32 v13, v11  }
0xb3: {  	v42 =	vld [tilespmem:s17+$0xD0]  }
0xb4: {  	v15 =	vmul.f32 v40, v8;
	v11 =	vadd.f32 v14, v11  }
0xb5: {  	v43 =	vld [tilespmem:s17+$0x150]  }
0xb6: {  	v12 =	vmul.f32 v41, v9;
	v11 =	vadd.f32 v15, v11  }
0xb7: {  	v44 =	vld [tilespmem:s17+$0x1D0]  }
0xb8: {  	v13 =	vmul.f32 v42, v10;
	v11 =	vadd.f32 v12, v11  }
0xb9: {  	v45 =	vld [tilespmem:s17+$0x250]  }
0xba: {  	v46 =	vmul.f32 v43, v0;
	v11 =	vadd.f32 v13, v11;
	_ =	sdelay $0x1  }
0xbb: {  	v47 =	vmul.f32 v44, v1;
	v11 =	vadd.f32 v46, v11;
	_ =	sdelay $0x1  }
0xbc: {  	v12 =	vmul.f32 v45, v2;
	v11 =	vadd.f32 v47, v11;
	_ =	sdelay $0x1  }
0xbd: {  	v11 =	vadd.f32 v12, v11;
	_ =	sdelay $0x1  }
0xbe: {  	v11 =	vmul.f32 v11, v3;
	_ =	sdelay $0x1  }
0xbf: {  	[tilespmem:s8+$0x10] =	vst v11  }
0xc0: {  	v11 =	vld [tilespmem:s17+$0xFFFFFDE0]  }
0xc1: {  	v48 =	vld [tilespmem:s17+$0xFFFFFE60];
	_ =	sdelay $0x1  }
0xc2: {  	v49 =	vld [tilespmem:s17+$0xFFFFFEE0];
	_ =	sdelay $0x1  }
0xc3: {  	v50 =	vld [tilespmem:s17+$0xFFFFFF60]  }
0xc4: {  	v11 =	vmul.f32 v11, v4;
	v12 =	vmul.f32 v48, v5  }
0xc5: {  	v51 =	vld [tilespmem:s17+$0xFFFFFFE0]  }
0xc6: {  	v13 =	vmul.f32 v49, v6;
	v11 =	vadd.f32 v12, v11  }
0xc7: {  	v52 =	vld [tilespmem:s17+$0x60]  }
0xc8: {  	v14 =	vmul.f32 v50, v7;
	v11 =	vadd.f32 v13, v11  }
0xc9: {  	v53 =	vld [tilespmem:s17+$0xE0]  }
0xca: {  	v15 =	vmul.f32 v51, v8;
	v11 =	vadd.f32 v14, v11  }
0xcb: {  	v54 =	vld [tilespmem:s17+$0x160]  }
0xcc: {  	v12 =	vmul.f32 v52, v9;
	v11 =	vadd.f32 v15, v11  }
0xcd: {  	v55 =	vld [tilespmem:s17+$0x1E0]  }
0xce: {  	v13 =	vmul.f32 v53, v10;
	v11 =	vadd.f32 v12, v11  }
0xcf: {  	v56 =	vld [tilespmem:s17+$0x260]  }
0xd0: {  	v57 =	vmul.f32 v54, v0;
	v11 =	vadd.f32 v13, v11;
	_ =	sdelay $0x1  }
0xd1: {  	v58 =	vmul.f32 v55, v1;
	v11 =	vadd.f32 v57, v11;
	_ =	sdelay $0x1  }
0xd2: {  	v12 =	vmul.f32 v56, v2;
	v11 =	vadd.f32 v58, v11;
	_ =	sdelay $0x1  }
0xd3: {  	v11 =	vadd.f32 v12, v11;
	_ =	sdelay $0x1  }
0xd4: {  	v11 =	vmul.f32 v11, v3;
	_ =	sdelay $0x1  }
0xd5: {  	[tilespmem:s8+$0x20] =	vst v11  }
0xd6: {  	v11 =	vld [tilespmem:s17+$0xFFFFFDF0]  }
0xd7: {  	v59 =	vld [tilespmem:s17+$0xFFFFFE70];
	_ =	sdelay $0x1  }
0xd8: {  	v60 =	vld [tilespmem:s17+$0xFFFFFEF0];
	_ =	sdelay $0x1  }
0xd9: {  	v61 =	vld [tilespmem:s17+$0xFFFFFF70]  }
0xda: {  	v4 =	vmul.f32 v11, v4;
	v5 =	vmul.f32 v59, v5  }
0xdb: {  	v11 =	vld [tilespmem:s17+$0xFFFFFFF0]  }
0xdc: {  	v62 =	vld [tilespmem:s17+$0x70];
	v6 =	vmul.f32 v60, v6;
	v4 =	vadd.f32 v5, v4  }
0xdd: {  	v5 =	vld [tilespmem:s17+$0xF0]  }
0xde: {  	v63 =	vmul.f32 v61, v7;
	v4 =	vadd.f32 v6, v4;
	_ =	sdelay $0x1  }
0xdf: {  	v7 =	vld [tilespmem:s17+$0x170];
	v11 =	vmul.f32 v11, v8;
	v13 =	vadd.f32 v63, v4  }
0xe0: {  	v6 =	vld [tilespmem:s17+$0x1F0]  }
0xe1: {  	s15 =	sshll.u32 s22, $0x1;
	s10 =	simm.s32 $0xA;
	s9 =	simm.s32 $0xEA40;
	v8 =	vmul.f32 v62, v9;
	v4 =	vld [tilespmem:s17+$0x270];
	v5 =	vmul.f32 v5, v10;
	v9 =	vadd.f32 v11, v13  }
.LBB2_3:
0xe2: {  	_ = 	snop  }
0xe3: {  	p1 =	sne.s32 s10, $0x46;
	s8 =	sadd.s32 $0x80, s8;
	s17 =	sadd.s32 $0x500, s17;
	v8 =	vadd.f32 v8, v9  }
0xe4: {  	s0 =	smov.u32 s10;
	s10 =	sadd.s32 $0xA, s10  }
0xe5: {  	v0 =	vmul.f32 v7, v0;
	v5 =	vadd.f32 v5, v8  }
0xe6: {  	s0 =	sadd.s32 s0, s21  }
0xe7: {  	v1 =	vmul.f32 v6, v1;
	v7 =	vmov s0;
	s1 =	sadd.s32 $0x1, s0;
	s13 =	sadd.s32 $0x2, s0;
	s19 =	sadd.s32 $0x4, s0;
	v0 =	vadd.f32 v0, v5  }
0xe8: {  	v2 =	vmul.f32 v4, v2;
	s31 =	sadd.s32 $0x5, s0;
	s14 =	sadd.s32 $0x6, s0;
	v6 =	vmov s13;
	s13 =	sadd.s32 $0x3, s0;
	v5 =	vand.u32 $0xFFFFFFFE, v7  }
0xe9: {  	s18 =	sadd.s32 $0x7, s0;
	s26 =	sadd.s32 $0x8, s0;
	s0 =	sadd.s32 $0x9, s0;
	v4 =	vbroadcast v5, $0x0;
	v5 =	vand.u32 $0xFFFFFFFE, v6;
	v0 =	vadd.f32 v1, v0  }
0xea: {  	v6 =	vmov s14;
	v1 =	vbroadcast v5, $0x0;
	v5 =	vmov s19  }
0xeb: {  	v9 =	vand.u32 $0xFFFFFFFE, v6;
	v5 =	vand.u32 $0xFFFFFFFE, v5;
	v0 =	vadd.f32 v2, v0  }
0xec: {  	v6 =	vmov s26;
	v2 =	vmov s1;
	v5 =	vbroadcast v5, $0x0  }
0xed: {  	v11 =	vand.u32 $0xFFFFFFFE, v6;
	v0 =	vmul.f32 v0, v3  }
0xee: {  	v3 =	vmov s13  }
0xef: {  	[tilespmem:s9+$0x30] =	vst v0;
	s9 =	smov.u32 s8  }
0xf0: {  	v7 =	vld.idx.msk [tilespmem:v4+s16+$0x0], $0xffff  }
0xf1: {  	v6 =	vld.idx.msk [tilespmem:v2+s16+$0x0], $0xffff  }
0xf2: {  	v0 =	vld [tilespmem:s17+$0xFFFFFE80]  }
0xf3: {  	v8 =	vld.idx.msk [tilespmem:v1+s16+$0x0], $0xffff  }
0xf4: {  	v1 =	vmov s31;
	v4 =	vld.idx.msk [tilespmem:v3+s16+$0x0], $0xffff  }
0xf5: {  	v2 =	vbroadcast v9, $0x0;
	v5 =	vld.idx.msk [tilespmem:v5+s16+$0x0], $0xffff  }
0xf6: {  	v3 =	vld [tilespmem:s17+$0xFFFFFF80];
	_ =	sdelay $0x1  }
0xf7: {  	v12 =	vld [tilespmem:s17+$0xFFFFFE00]  }
0xf8: {  	v13 =	vmul.f32 v0, v8;
	v9 =	vld.idx.msk [tilespmem:v1+s16+$0x0], $0xffff  }
0xf9: {  	v0 =	vadd.f32 v6, v7;
	v1 =	vld [tilespmem:s17+$0x0]  }
0xfa: {  	v10 =	vld.idx.msk [tilespmem:v2+s16+$0x0], $0xffff;
	v2 =	vmov s18;
	v3 =	vmul.f32 v3, v5  }
0xfb: {  	v11 =	vbroadcast v11, $0x0;
	v0 =	vadd.f32 v8, v0;
	v14 =	vld [tilespmem:s17+$0x80]  }
0xfc: {  	v15 =	vld [tilespmem:s17+$0xFFFFFD80];
	v12 =	vmul.f32 v12, v6  }
0xfd: {  	v16 =	vadd.f32 v4, v0  }
0xfe: {  	v17 =	vmov s0;
	v18 =	vmul.f32 v1, v9  }
0xff: {  	v0 =	vld.idx.msk [tilespmem:v2+s16+$0x0], $0xffff;
	v2 =	vadd.f32 v5, v16  }
0x100: {  	v16 =	vld [tilespmem:s17+$0xFFFFFF00];
	v14 =	vmul.f32 v14, v10  }
0x101: {  	v1 =	vld.idx.msk [tilespmem:v11+s16+$0x0], $0xffff;
	v11 =	vadd.f32 v9, v2;
	v15 =	vmul.f32 v15, v7;
	_ =	sdelay $0x1  }
0x102: {  	v2 =	vld.idx.msk [tilespmem:v17+s16+$0x0], $0xffff;
	v11 =	vadd.f32 v10, v11;
	v12 =	vadd.f32 v12, v15;
	_ =	sdelay $0x1  }
0x103: {  	v11 =	vadd.f32 v0, v11;
	v12 =	vadd.f32 v13, v12;
	v13 =	vmul.f32 v16, v4;
	_ =	sdelay $0x1  }
0x104: {  	v11 =	vadd.f32 v1, v11;
	v12 =	vadd.f32 v13, v12  }
0x105: {  	v13 =	vld [tilespmem:s17+$0x100]  }
0x106: {  	v11 =	vadd.f32 v2, v11;
	v3 =	vadd.f32 v3, v12  }
0x107: {  	v12 =	vld [tilespmem:s17+$0x180]  }
0x108: {  	v3 =	vadd.f32 v18, v3;
	(erf) = vrcp.f32 v11  }
0x109: {  	v11 =	vld [tilespmem:s17+$0x200]  }
0x10a: {  	v3 =	vadd.f32 v14, v3;
	v13 =	vmul.f32 v13, v0;
	_ =	sdelay $0x1  }
0x10b: {  	v3 =	vadd.f32 v13, v3;
	v12 =	vmul.f32 v12, v1;
	_ =	sdelay $0x1  }
0x10c: {  	v12 =	vadd.f32 v12, v3;
	v11 =	vmul.f32 v11, v2;
	_ =	sdelay $0x1  }
0x10d: {  	v11 =	vadd.f32 v11, v12  }
0x10e: {  	v3 =	vpop (erf)  }
0x10f: {  	v11 =	vmul.f32 v11, v3;
	_ =	sdelay $0x1  }
0x110: {  	[tilespmem:s8+$0xFFFFFFC0] =	vst v11  }
0x111: {  	v11 =	vld [tilespmem:s17+$0xFFFFFD90]  }
0x112: {  	v12 =	vld [tilespmem:s17+$0xFFFFFE10];
	_ =	sdelay $0x1  }
0x113: {  	v13 =	vld [tilespmem:s17+$0xFFFFFE90];
	_ =	sdelay $0x1  }
0x114: {  	v11 =	vmul.f32 v11, v7;
	v14 =	vld [tilespmem:s17+$0xFFFFFF10]  }
0x115: {  	v12 =	vmul.f32 v12, v6  }
0x116: {  	v15 =	vld [tilespmem:s17+$0xFFFFFF90]  }
0x117: {  	v11 =	vadd.f32 v12, v11;
	v12 =	vmul.f32 v13, v8  }
0x118: {  	v13 =	vld [tilespmem:s17+$0x10]  }
0x119: {  	v11 =	vadd.f32 v12, v11;
	v12 =	vmul.f32 v14, v4  }
0x11a: {  	v14 =	vld [tilespmem:s17+$0x90]  }
0x11b: {  	v11 =	vadd.f32 v12, v11;
	v12 =	vmul.f32 v15, v5  }
0x11c: {  	v15 =	vld [tilespmem:s17+$0x110]  }
0x11d: {  	v11 =	vadd.f32 v12, v11;
	v12 =	vmul.f32 v13, v9  }
0x11e: {  	v13 =	vld [tilespmem:s17+$0x190]  }
0x11f: {  	v11 =	vadd.f32 v12, v11;
	v12 =	vmul.f32 v14, v10  }
0x120: {  	v14 =	vld [tilespmem:s17+$0x210]  }
0x121: {  	v11 =	vadd.f32 v12, v11;
	v12 =	vmul.f32 v15, v0;
	_ =	sdelay $0x1  }
0x122: {  	v11 =	vadd.f32 v12, v11;
	v12 =	vmul.f32 v13, v1;
	_ =	sdelay $0x1  }
0x123: {  	v11 =	vadd.f32 v12, v11;
	v12 =	vmul.f32 v14, v2;
	_ =	sdelay $0x1  }
0x124: {  	v11 =	vadd.f32 v12, v11;
	_ =	sdelay $0x1  }
0x125: {  	v11 =	vmul.f32 v11, v3;
	_ =	sdelay $0x1  }
0x126: {  	[tilespmem:s8+$0xFFFFFFD0] =	vst v11  }
0x127: {  	v11 =	vld [tilespmem:s17+$0xFFFFFDA0]  }
0x128: {  	v12 =	vld [tilespmem:s17+$0xFFFFFE20];
	_ =	sdelay $0x1  }
0x129: {  	v13 =	vld [tilespmem:s17+$0xFFFFFEA0];
	_ =	sdelay $0x1  }
0x12a: {  	v11 =	vmul.f32 v11, v7;
	v14 =	vld [tilespmem:s17+$0xFFFFFF20]  }
0x12b: {  	v12 =	vmul.f32 v12, v6  }
0x12c: {  	v15 =	vld [tilespmem:s17+$0xFFFFFFA0]  }
0x12d: {  	v11 =	vadd.f32 v12, v11;
	v12 =	vmul.f32 v13, v8  }
0x12e: {  	v13 =	vld [tilespmem:s17+$0x20]  }
0x12f: {  	v11 =	vadd.f32 v12, v11;
	v12 =	vmul.f32 v14, v4  }
0x130: {  	v14 =	vld [tilespmem:s17+$0xA0]  }
0x131: {  	v11 =	vadd.f32 v12, v11;
	v12 =	vmul.f32 v15, v5  }
0x132: {  	v15 =	vld [tilespmem:s17+$0x120]  }
0x133: {  	v11 =	vadd.f32 v12, v11;
	v12 =	vmul.f32 v13, v9  }
0x134: {  	v13 =	vld [tilespmem:s17+$0x1A0]  }
0x135: {  	v11 =	vadd.f32 v12, v11;
	v12 =	vmul.f32 v14, v10  }
0x136: {  	v14 =	vld [tilespmem:s17+$0x220]  }
0x137: {  	v11 =	vadd.f32 v12, v11;
	v12 =	vmul.f32 v15, v0;
	_ =	sdelay $0x1  }
0x138: {  	v11 =	vadd.f32 v12, v11;
	v12 =	vmul.f32 v13, v1;
	_ =	sdelay $0x1  }
0x139: {  	v11 =	vadd.f32 v12, v11;
	v12 =	vmul.f32 v14, v2;
	_ =	sdelay $0x1  }
0x13a: {  	v11 =	vadd.f32 v12, v11;
	_ =	sdelay $0x1  }
0x13b: {  	v11 =	vmul.f32 v11, v3;
	_ =	sdelay $0x1  }
0x13c: {  	[tilespmem:s8+$0xFFFFFFE0] =	vst v11  }
0x13d: {  	v11 =	vld [tilespmem:s17+$0xFFFFFDB0]  }
0x13e: {  	v12 =	vld [tilespmem:s17+$0xFFFFFE30];
	_ =	sdelay $0x1  }
0x13f: {  	v13 =	vld [tilespmem:s17+$0xFFFFFEB0];
	_ =	sdelay $0x1  }
0x140: {  	v11 =	vmul.f32 v11, v7;
	v14 =	vld [tilespmem:s17+$0xFFFFFF30]  }
0x141: {  	v12 =	vmul.f32 v12, v6  }
0x142: {  	v15 =	vld [tilespmem:s17+$0xFFFFFFB0]  }
0x143: {  	v11 =	vadd.f32 v12, v11;
	v12 =	vmul.f32 v13, v8  }
0x144: {  	v13 =	vld [tilespmem:s17+$0x30]  }
0x145: {  	v11 =	vadd.f32 v12, v11;
	v12 =	vmul.f32 v14, v4  }
0x146: {  	v14 =	vld [tilespmem:s17+$0xB0]  }
0x147: {  	v11 =	vadd.f32 v12, v11;
	v12 =	vmul.f32 v15, v5  }
0x148: {  	v15 =	vld [tilespmem:s17+$0x130]  }
0x149: {  	v11 =	vadd.f32 v12, v11;
	v12 =	vmul.f32 v13, v9  }
0x14a: {  	v13 =	vld [tilespmem:s17+$0x1B0]  }
0x14b: {  	v11 =	vadd.f32 v12, v11;
	v12 =	vmul.f32 v14, v10  }
0x14c: {  	v14 =	vld [tilespmem:s17+$0x230]  }
0x14d: {  	v11 =	vadd.f32 v12, v11;
	v12 =	vmul.f32 v15, v0;
	_ =	sdelay $0x1  }
0x14e: {  	v11 =	vadd.f32 v12, v11;
	v12 =	vmul.f32 v13, v1;
	_ =	sdelay $0x1  }
0x14f: {  	v11 =	vadd.f32 v12, v11;
	v12 =	vmul.f32 v14, v2;
	_ =	sdelay $0x1  }
0x150: {  	v11 =	vadd.f32 v12, v11;
	_ =	sdelay $0x1  }
0x151: {  	v11 =	vmul.f32 v11, v3;
	_ =	sdelay $0x1  }
0x152: {  	[tilespmem:s8+$0xFFFFFFF0] =	vst v11  }
0x153: {  	v11 =	vld [tilespmem:s17+$0xFFFFFDC0]  }
0x154: {  	v12 =	vld [tilespmem:s17+$0xFFFFFE40];
	_ =	sdelay $0x1  }
0x155: {  	v13 =	vld [tilespmem:s17+$0xFFFFFEC0];
	_ =	sdelay $0x1  }
0x156: {  	v11 =	vmul.f32 v11, v7;
	v14 =	vld [tilespmem:s17+$0xFFFFFF40]  }
0x157: {  	v12 =	vmul.f32 v12, v6  }
0x158: {  	v15 =	vld [tilespmem:s17+$0xFFFFFFC0]  }
0x159: {  	v11 =	vadd.f32 v12, v11;
	v12 =	vmul.f32 v13, v8  }
0x15a: {  	v13 =	vld [tilespmem:s17+$0x40]  }
0x15b: {  	v11 =	vadd.f32 v12, v11;
	v12 =	vmul.f32 v14, v4  }
0x15c: {  	v14 =	vld [tilespmem:s17+$0xC0]  }
0x15d: {  	v11 =	vadd.f32 v12, v11;
	v12 =	vmul.f32 v15, v5  }
0x15e: {  	v15 =	vld [tilespmem:s17+$0x140]  }
0x15f: {  	v11 =	vadd.f32 v12, v11;
	v12 =	vmul.f32 v13, v9  }
0x160: {  	v13 =	vld [tilespmem:s17+$0x1C0]  }
0x161: {  	v11 =	vadd.f32 v12, v11;
	v12 =	vmul.f32 v14, v10  }
0x162: {  	v14 =	vld [tilespmem:s17+$0x240]  }
0x163: {  	v11 =	vadd.f32 v12, v11;
	v12 =	vmul.f32 v15, v0;
	_ =	sdelay $0x1  }
0x164: {  	v11 =	vadd.f32 v12, v11;
	v12 =	vmul.f32 v13, v1;
	_ =	sdelay $0x1  }
0x165: {  	v11 =	vadd.f32 v12, v11;
	v12 =	vmul.f32 v14, v2;
	_ =	sdelay $0x1  }
0x166: {  	v11 =	vadd.f32 v12, v11;
	_ =	sdelay $0x1  }
0x167: {  	v11 =	vmul.f32 v11, v3;
	_ =	sdelay $0x1  }
0x168: {  	[tilespmem:s8+$0x0] =	vst v11  }
0x169: {  	v11 =	vld [tilespmem:s17+$0xFFFFFDD0]  }
0x16a: {  	v12 =	vld [tilespmem:s17+$0xFFFFFE50]  }
0x16b: {  	v13 =	vld [tilespmem:s17+$0xFFFFFED0]  }
0x16c: {  	v14 =	vld [tilespmem:s17+$0xFFFFFF50]  }
0x16d: {  	v15 =	vld [tilespmem:s17+$0xFFFFFFD0]  }
0x16e: {  	v11 =	vmul.f32 v11, v7;
	v16 =	vld [tilespmem:s17+$0x50]  }
0x16f: {  	v12 =	vmul.f32 v12, v6;
	v17 =	vld [tilespmem:s17+$0xD0]  }
0x170: {  	v13 =	vmul.f32 v13, v8;
	v18 =	vld [tilespmem:s17+$0x150]  }
0x171: {  	v11 =	vadd.f32 v12, v11;
	v12 =	vmul.f32 v14, v4;
	v14 =	vld [tilespmem:s17+$0x1D0]  }
0x172: {  	v15 =	vmul.f32 v15, v5;
	v19 =	vld [tilespmem:s17+$0x250]  }
0x173: {  	v11 =	vadd.f32 v13, v11;
	v13 =	vmul.f32 v16, v9  }
0x174: {  	v16 =	vmul.f32 v17, v10  }
0x175: {  	v11 =	vadd.f32 v12, v11;
	_ =	sdelay $0x1  }
0x176: {  	v11 =	vadd.f32 v15, v11;
	_ =	sdelay $0x1  }
0x177: {  	v11 =	vadd.f32 v13, v11;
	_ =	sdelay $0x1  }
0x178: {  	v12 =	vmul.f32 v18, v0;
	v11 =	vadd.f32 v16, v11;
	_ =	sdelay $0x1  }
0x179: {  	v11 =	vadd.f32 v12, v11;
	v12 =	vmul.f32 v14, v1;
	_ =	sdelay $0x1  }
0x17a: {  	v11 =	vadd.f32 v12, v11;
	v12 =	vmul.f32 v19, v2;
	_ =	sdelay $0x1  }
0x17b: {  	v11 =	vadd.f32 v12, v11;
	_ =	sdelay $0x1  }
0x17c: {  	v11 =	vmul.f32 v11, v3;
	_ =	sdelay $0x1  }
0x17d: {  	[tilespmem:s8+$0x10] =	vst v11  }
0x17e: {  	v11 =	vld [tilespmem:s17+$0xFFFFFDE0]  }
0x17f: {  	v12 =	vld [tilespmem:s17+$0xFFFFFE60]  }
0x180: {  	v13 =	vld [tilespmem:s17+$0xFFFFFEE0]  }
0x181: {  	v14 =	vld [tilespmem:s17+$0xFFFFFF60]  }
0x182: {  	v15 =	vld [tilespmem:s17+$0xFFFFFFE0]  }
0x183: {  	v11 =	vmul.f32 v11, v7;
	v16 =	vld [tilespmem:s17+$0x60]  }
0x184: {  	v12 =	vmul.f32 v12, v6;
	v17 =	vld [tilespmem:s17+$0xE0]  }
0x185: {  	v13 =	vmul.f32 v13, v8;
	v18 =	vld [tilespmem:s17+$0x160]  }
0x186: {  	v11 =	vadd.f32 v12, v11;
	v12 =	vmul.f32 v14, v4;
	v14 =	vld [tilespmem:s17+$0x1E0]  }
0x187: {  	v15 =	vmul.f32 v15, v5;
	v19 =	vld [tilespmem:s17+$0x260]  }
0x188: {  	v11 =	vadd.f32 v13, v11;
	v13 =	vmul.f32 v16, v9  }
0x189: {  	v16 =	vmul.f32 v17, v10  }
0x18a: {  	v11 =	vadd.f32 v12, v11;
	_ =	sdelay $0x1  }
0x18b: {  	v11 =	vadd.f32 v15, v11;
	_ =	sdelay $0x1  }
0x18c: {  	v11 =	vadd.f32 v13, v11;
	_ =	sdelay $0x1  }
0x18d: {  	v12 =	vmul.f32 v18, v0;
	v11 =	vadd.f32 v16, v11;
	_ =	sdelay $0x1  }
0x18e: {  	v11 =	vadd.f32 v12, v11;
	v12 =	vmul.f32 v14, v1;
	_ =	sdelay $0x1  }
0x18f: {  	v11 =	vadd.f32 v12, v11;
	v12 =	vmul.f32 v19, v2;
	_ =	sdelay $0x1  }
0x190: {  	v11 =	vadd.f32 v12, v11;
	_ =	sdelay $0x1  }
0x191: {  	v11 =	vmul.f32 v11, v3;
	_ =	sdelay $0x1  }
0x192: {  	[tilespmem:s8+$0x20] =	vst v11  }
0x193: {  	v11 =	vld [tilespmem:s17+$0xFFFFFDF0]  }
0x194: {  	v12 =	vld [tilespmem:s17+$0xFFFFFE70]  }
0x195: {  	v13 =	vld [tilespmem:s17+$0xFFFFFEF0]  }
0x196: {  	v14 =	vld [tilespmem:s17+$0xFFFFFF70]  }
0x197: {  	v15 =	vld [tilespmem:s17+$0xFFFFFFF0]  }
0x198: {  	v11 =	vmul.f32 v11, v7;
	v16 =	vld [tilespmem:s17+$0x70]  }
0x199: {  	v6 =	vmul.f32 v12, v6;
	v12 =	vld [tilespmem:s17+$0xF0]  }
0x19a: {  	v8 =	vmul.f32 v13, v8;
	v7 =	vld [tilespmem:s17+$0x170]  }
0x19b: {  	v11 =	vadd.f32 v6, v11;
	v13 =	vmul.f32 v14, v4;
	v6 =	vld [tilespmem:s17+$0x1F0]  }
0x19c: {  	v14 =	vmul.f32 v15, v5;
	v4 =	vld [tilespmem:s17+$0x270]  }
.Ltmp0:
0x19d: {  	v11 =	vadd.f32 v8, v11;
	v8 =	vmul.f32 v16, v9;
	(pc) =	sbr.rel @p1 .LBB2_3-.Ltmp0, $3  }
0x19e: {  	v5 =	vmul.f32 v12, v10  }
0x19f: {  	v9 =	vadd.f32 v13, v11;
	_ =	sdelay $0x1  }
0x1a0: {  	v9 =	vadd.f32 v14, v9  }
0x1a1: {  	_ = 	snop  }
0x1a2: {  	v8 =	vadd.f32 v8, v9;
	_ =	sdelay $0x1  }
0x1a3: {  	v0 =	vmul.f32 v7, v0;
	v5 =	vadd.f32 v5, v8;
	_ =	sdelay $0x1  }
0x1a4: {  	v1 =	vmul.f32 v6, v1;
	v0 =	vadd.f32 v0, v5;
	_ =	sdelay $0x1  }
0x1a5: {  	v2 =	vmul.f32 v4, v2;
	v0 =	vadd.f32 v1, v0;
	_ =	sdelay $0x1  }
0x1a6: {  	v0 =	vadd.f32 v2, v0;
	_ =	sdelay $0x1  }
0x1a7: {  	v0 =	vmul.f32 v0, v3;
	_ =	sdelay $0x1  }
0x1a8: {  	s0 =	sshll.u32 s22, $0xB;
	[tilespmem:s9+$0x30] =	vst v0  }
0x1a9: {  	s0 =	sadd.s32 s12, s0;
	_ =	swait.ge [sflag:s25], $0x400  }
0x1aa: {  	s0 =	sshrl.u32 s0, $0x3;
	[sflag:s25] =	ssyncset.done $0x0  }
0x1ab: {  	s8 =	simm.s32 $0xEA00;
	s1 =	sadd.s32 s5, s0;
	[sflag:s25] =	ssyncadd.s32 $0xFFFFFC00  }
0x1ac: {  	[hbm4b:s1+s3] =	stream.linear.scatter [tilespmem:s8], [sflag:$0x5], $0x400, $0x38;
	[tilespmem:$0xF200] =	vst v63  }
0x1ad: {  	s1 =	sadd.s32 $0x2, s15  }
0x1ae: {  	p1 =	sge.u32 s1, s7  }
0x1af: {  	s0 =	sadd.s32 s6, s0;
	s1 =	smul.u32 @!p1 $0x140, s1  }
0x1b0: {  	[hbm4b:s0+s3] =	stream.linear.scatter [tilespmem:s20], [sflag:$0x7], $0x400, $0x38;
	[tilespmem:$0xF200] =	vst v63  }
0x1b1: {  	s8 =	simm.s32 @!p1 $0x9200;
	s0 =	sshra.s32 @!p1 s1, $0x2;
	s1 =	simm.s32 @!p1 $0x50  }
0x1b2: {  	[tilespmem:s8], [sflag:$0x1] =	stream.indirect.gather @!p1 [hbm4b:s2+s1], $0x80, s0, s1, $0xb8;
	[tilespmem:$0xF200] =	vst v63  }
0x1b3: {  	s0 =	simm.s32 @!p0 $0x6  }
0x1b4: {  	s1 =	sadd.s32 $0x0, s21;
	_ =	swait.ge @!p0 [sflag:s0], $0x400  }
0x1b5: {  	s26 =	sadd.s32 $0x50, s1;
	[sflag:s0] =	ssyncset.done @!p0 $0x0  }
0x1b6: {  	s17 =	sor.u32 $0x1, s15;
	v0 =	vmov s26;
	[sflag:s0] =	ssyncadd.s32 @!p0 $0xFFFFFC00;
	s0 =	simm.s32 @!p0 $0x8  }
0x1b7: {  	s10 =	simm.s32 @!p0 $0xE600;
	s8 =	sshll.u32 @!p0 s17, $0x5;
	v0 =	vand.u32 $0xFFFFFFFE, v0;
	_ =	swait.ge @!p0 [sflag:s0], $0x400  }
0x1b8: {  	s8 =	sshra.s32 @!p0 s8, $0x2;
	s30 =	sadd.s32 $0x52, s1;
	v0 =	vbroadcast v0, $0x0;
	[sflag:s0] =	ssyncset.done @!p0 $0x0  }
0x1b9: {  	s13 =	sadd.s32 $0x51, s1;
	s8 =	sadd.s32 @!p0 $0x4580, s8;
	v1 =	vmov s30;
	[sflag:s0] =	ssyncadd.s32 @!p0 $0xFFFFFC00  }
0x1ba: {  	v2 =	vmov s13;
	v1 =	vand.u32 $0xFFFFFFFE, v1;
	[tilespmem:s10], [sflag:$0x4] =	stream.indirect.gather @!p0 [hbm4b:s2+s0], $0x80, s8, s0, $0xb8;
	[tilespmem:$0xF200] =	vst v63  }
0x1bb: {  	v1 =	vbroadcast v1, $0x0;
	_ =	swait.ge [sflag:s28], $0x2800  }
0x1bc: {  	s10 =	sadd.s32 $0x54, s1;
	[sflag:s28] =	ssyncset.done $0x0  }
0x1bd: {  	s13 =	sadd.s32 $0x53, s1;
	v3 =	vmov s10;
	[sflag:s28] =	ssyncadd.s32 $0xFFFFD800  }
0x1be: {  	v4 =	vmov s13;
	v3 =	vand.u32 $0xFFFFFFFE, v3;
	v0 =	vld.idx.msk [tilespmem:v0+s16+$0x0], $0xffff  }
0x1bf: {  	v5 =	vbroadcast v3, $0x0;
	v2 =	vld.idx.msk [tilespmem:v2+s16+$0x0], $0xffff  }
0x1c0: {  	s14 =	sadd.s32 $0x56, s1  }
0x1c1: {  	s18 =	sadd.s32 $0x55, s1;
	v6 =	vmov s14;
	v3 =	vld.idx.msk [tilespmem:v1+s16+$0x0], $0xffff  }
0x1c2: {  	v1 =	vand.u32 $0xFFFFFFFE, v6;
	v6 =	vmov s18  }
0x1c3: {  	s8 =	simm.s32 $0xBC80;
	v4 =	vld.idx.msk [tilespmem:v4+s16+$0x0], $0xffff;
	v7 =	vbroadcast v1, $0x0  }
0x1c4: {  	s19 =	sadd.s32 $0x58, s1;
	v8 =	vld [tilespmem:s8+$0xFFFFFE00];
	v9 =	vadd.f32 v2, v0  }
0x1c5: {  	s26 =	sadd.s32 $0x57, s1;
	v10 =	vmov s19;
	v1 =	vld.idx.msk [tilespmem:v5+s16+$0x0], $0xffff  }
0x1c6: {  	v11 =	vmov s26;
	v5 =	vand.u32 $0xFFFFFFFE, v10;
	v10 =	vld [tilespmem:s8+$0xFFFFFD80];
	v9 =	vadd.f32 v3, v9  }
0x1c7: {  	v6 =	vld.idx.msk [tilespmem:v6+s16+$0x0], $0xffff;
	v12 =	vbroadcast v5, $0x0  }
0x1c8: {  	v13 =	vld [tilespmem:s8+$0xFFFFFE80];
	v9 =	vadd.f32 v4, v9  }
0x1c9: {  	s30 =	sadd.s32 $0x59, s1;
	v5 =	vld.idx.msk [tilespmem:v7+s16+$0x0], $0xffff  }
0x1ca: {  	v15 =	vmov s30;
	v14 =	vld [tilespmem:s8+$0xFFFFFF00];
	v9 =	vadd.f32 v1, v9  }
0x1cb: {  	v7 =	vld.idx.msk [tilespmem:v11+s16+$0x0], $0xffff;
	v11 =	vmul.f32 v8, v2;
	v10 =	vmul.f32 v10, v0  }
0x1cc: {  	v16 =	vld [tilespmem:s8+$0xFFFFFF80];
	v9 =	vadd.f32 v6, v9  }
0x1cd: {  	v8 =	vld.idx.msk [tilespmem:v12+s16+$0x0], $0xffff;
	v10 =	vadd.f32 v11, v10;
	v11 =	vmul.f32 v13, v3  }
0x1ce: {  	v18 =	vld [tilespmem:s8+$0x0];
	v19 =	vadd.f32 v5, v9  }
0x1cf: {  	v10 =	vadd.f32 v11, v10;
	v11 =	vmul.f32 v14, v4;
	v9 =	vld.idx.msk [tilespmem:v15+s16+$0x0], $0xffff  }
0x1d0: {  	v20 =	vld [tilespmem:s8+$0x80];
	v13 =	vadd.f32 v7, v19  }
0x1d1: {  	v10 =	vadd.f32 v11, v10;
	v11 =	vmul.f32 v16, v1  }
0x1d2: {  	v21 =	vld [tilespmem:s8+$0x100];
	v13 =	vadd.f32 v8, v13  }
0x1d3: {  	v10 =	vadd.f32 v11, v10;
	v11 =	vmul.f32 v18, v6  }
0x1d4: {  	v23 =	vld [tilespmem:s8+$0x180];
	v22 =	vadd.f32 v9, v13  }
0x1d5: {  	v10 =	vadd.f32 v11, v10;
	v11 =	vmul.f32 v20, v5  }
0x1d6: {  	(erf) = vrcp.f32 v22  }
0x1d7: {  	v24 =	vld [tilespmem:s8+$0x200];
	v10 =	vadd.f32 v11, v10;
	v11 =	vmul.f32 v21, v7;
	_ =	sdelay $0x1  }
0x1d8: {  	v10 =	vadd.f32 v11, v10;
	v11 =	vmul.f32 v23, v8;
	_ =	sdelay $0x1  }
0x1d9: {  	v10 =	vadd.f32 v11, v10  }
0x1da: {  	v11 =	vmul.f32 v24, v9;
	_ =	sdelay $0x1  }
0x1db: {  	v11 =	vadd.f32 v11, v10  }
0x1dc: {  	v10 =	vpop (erf)  }
0x1dd: {  	v11 =	vmul.f32 v11, v10  }
0x1de: {  	s9 =	simm.s32 $0xEE40  }
0x1df: {  	[tilespmem:s9+$0xFFFFFFC0] =	vst v11  }
0x1e0: {  	v11 =	vld [tilespmem:s8+$0xFFFFFD90]  }
0x1e1: {  	v25 =	vld [tilespmem:s8+$0xFFFFFE10];
	_ =	sdelay $0x1  }
0x1e2: {  	v26 =	vld [tilespmem:s8+$0xFFFFFE90];
	_ =	sdelay $0x1  }
0x1e3: {  	v27 =	vld [tilespmem:s8+$0xFFFFFF10]  }
0x1e4: {  	v11 =	vmul.f32 v11, v0;
	v12 =	vmul.f32 v25, v2  }
0x1e5: {  	v28 =	vld [tilespmem:s8+$0xFFFFFF90]  }
0x1e6: {  	v29 =	vmul.f32 v26, v3;
	v11 =	vadd.f32 v12, v11  }
0x1e7: {  	v30 =	vld [tilespmem:s8+$0x10]  }
0x1e8: {  	v31 =	vmul.f32 v27, v4;
	v11 =	vadd.f32 v29, v11  }
0x1e9: {  	v32 =	vld [tilespmem:s8+$0x90]  }
0x1ea: {  	v33 =	vmul.f32 v28, v1;
	v11 =	vadd.f32 v31, v11  }
0x1eb: {  	v34 =	vld [tilespmem:s8+$0x110]  }
0x1ec: {  	v35 =	vmul.f32 v30, v6;
	v11 =	vadd.f32 v33, v11  }
0x1ed: {  	v36 =	vld [tilespmem:s8+$0x190]  }
0x1ee: {  	v37 =	vmul.f32 v32, v5;
	v11 =	vadd.f32 v35, v11  }
0x1ef: {  	v38 =	vld [tilespmem:s8+$0x210]  }
0x1f0: {  	v39 =	vmul.f32 v34, v7;
	v11 =	vadd.f32 v37, v11;
	_ =	sdelay $0x1  }
0x1f1: {  	v40 =	vmul.f32 v36, v8;
	v11 =	vadd.f32 v39, v11;
	_ =	sdelay $0x1  }
0x1f2: {  	v41 =	vmul.f32 v38, v9;
	v11 =	vadd.f32 v40, v11;
	_ =	sdelay $0x1  }
0x1f3: {  	v11 =	vadd.f32 v41, v11;
	_ =	sdelay $0x1  }
0x1f4: {  	v11 =	vmul.f32 v11, v10;
	_ =	sdelay $0x1  }
0x1f5: {  	[tilespmem:s9+$0xFFFFFFD0] =	vst v11  }
0x1f6: {  	v11 =	vld [tilespmem:s8+$0xFFFFFDA0]  }
0x1f7: {  	v42 =	vld [tilespmem:s8+$0xFFFFFE20];
	_ =	sdelay $0x1  }
0x1f8: {  	v43 =	vld [tilespmem:s8+$0xFFFFFEA0];
	_ =	sdelay $0x1  }
0x1f9: {  	v44 =	vld [tilespmem:s8+$0xFFFFFF20]  }
0x1fa: {  	v11 =	vmul.f32 v11, v0;
	v12 =	vmul.f32 v42, v2  }
0x1fb: {  	v45 =	vld [tilespmem:s8+$0xFFFFFFA0]  }
0x1fc: {  	v46 =	vmul.f32 v43, v3;
	v11 =	vadd.f32 v12, v11  }
0x1fd: {  	v47 =	vld [tilespmem:s8+$0x20]  }
0x1fe: {  	v48 =	vmul.f32 v44, v4;
	v11 =	vadd.f32 v46, v11  }
0x1ff: {  	v49 =	vld [tilespmem:s8+$0xA0]  }
0x200: {  	v50 =	vmul.f32 v45, v1;
	v11 =	vadd.f32 v48, v11  }
0x201: {  	v51 =	vld [tilespmem:s8+$0x120]  }
0x202: {  	v52 =	vmul.f32 v47, v6;
	v11 =	vadd.f32 v50, v11  }
0x203: {  	v53 =	vld [tilespmem:s8+$0x1A0]  }
0x204: {  	v54 =	vmul.f32 v49, v5;
	v11 =	vadd.f32 v52, v11  }
0x205: {  	v55 =	vld [tilespmem:s8+$0x220]  }
0x206: {  	v56 =	vmul.f32 v51, v7;
	v11 =	vadd.f32 v54, v11;
	_ =	sdelay $0x1  }
0x207: {  	v57 =	vmul.f32 v53, v8;
	v11 =	vadd.f32 v56, v11;
	_ =	sdelay $0x1  }
0x208: {  	v58 =	vmul.f32 v55, v9;
	v11 =	vadd.f32 v57, v11;
	_ =	sdelay $0x1  }
0x209: {  	v11 =	vadd.f32 v58, v11;
	_ =	sdelay $0x1  }
0x20a: {  	v11 =	vmul.f32 v11, v10;
	_ =	sdelay $0x1  }
0x20b: {  	[tilespmem:s9+$0xFFFFFFE0] =	vst v11  }
0x20c: {  	v11 =	vld [tilespmem:s8+$0xFFFFFDB0]  }
0x20d: {  	v59 =	vld [tilespmem:s8+$0xFFFFFE30];
	_ =	sdelay $0x1  }
0x20e: {  	v60 =	vld [tilespmem:s8+$0xFFFFFEB0];
	_ =	sdelay $0x1  }
0x20f: {  	v61 =	vld [tilespmem:s8+$0xFFFFFF30]  }
0x210: {  	v11 =	vmul.f32 v11, v0;
	v12 =	vmul.f32 v59, v2  }
0x211: {  	v62 =	vld [tilespmem:s8+$0xFFFFFFB0]  }
0x212: {  	v13 =	vmul.f32 v60, v3;
	v11 =	vadd.f32 v12, v11  }
0x213: {  	v63 =	vld [tilespmem:s8+$0x30]  }
0x214: {  	v17 =	vmul.f32 v61, v4;
	v11 =	vadd.f32 v13, v11  }
0x215: {  	v18 =	vld [tilespmem:s8+$0xB0]  }
0x216: {  	v19 =	vmul.f32 v62, v1;
	v11 =	vadd.f32 v17, v11  }
0x217: {  	v20 =	vld [tilespmem:s8+$0x130]  }
0x218: {  	v12 =	vmul.f32 v63, v6;
	v11 =	vadd.f32 v19, v11  }
0x219: {  	v21 =	vld [tilespmem:s8+$0x1B0]  }
0x21a: {  	v22 =	vmul.f32 v18, v5;
	v11 =	vadd.f32 v12, v11  }
0x21b: {  	v23 =	vld [tilespmem:s8+$0x230]  }
0x21c: {  	v24 =	vmul.f32 v20, v7;
	v11 =	vadd.f32 v22, v11;
	_ =	sdelay $0x1  }
0x21d: {  	v25 =	vmul.f32 v21, v8;
	v11 =	vadd.f32 v24, v11;
	_ =	sdelay $0x1  }
0x21e: {  	v26 =	vmul.f32 v23, v9;
	v11 =	vadd.f32 v25, v11;
	_ =	sdelay $0x1  }
0x21f: {  	v11 =	vadd.f32 v26, v11;
	_ =	sdelay $0x1  }
0x220: {  	v11 =	vmul.f32 v11, v10;
	_ =	sdelay $0x1  }
0x221: {  	[tilespmem:s9+$0xFFFFFFF0] =	vst v11  }
0x222: {  	v11 =	vld [tilespmem:s8+$0xFFFFFDC0]  }
0x223: {  	v27 =	vld [tilespmem:s8+$0xFFFFFE40];
	_ =	sdelay $0x1  }
0x224: {  	v28 =	vld [tilespmem:s8+$0xFFFFFEC0];
	_ =	sdelay $0x1  }
0x225: {  	v29 =	vld [tilespmem:s8+$0xFFFFFF40]  }
0x226: {  	v11 =	vmul.f32 v11, v0;
	v12 =	vmul.f32 v27, v2  }
0x227: {  	v30 =	vld [tilespmem:s8+$0xFFFFFFC0]  }
0x228: {  	v13 =	vmul.f32 v28, v3;
	v11 =	vadd.f32 v12, v11  }
0x229: {  	v31 =	vld [tilespmem:s8+$0x40]  }
0x22a: {  	v32 =	vmul.f32 v29, v4;
	v11 =	vadd.f32 v13, v11  }
0x22b: {  	v33 =	vld [tilespmem:s8+$0xC0]  }
0x22c: {  	v34 =	vmul.f32 v30, v1;
	v11 =	vadd.f32 v32, v11  }
0x22d: {  	v35 =	vld [tilespmem:s8+$0x140]  }
0x22e: {  	v12 =	vmul.f32 v31, v6;
	v11 =	vadd.f32 v34, v11  }
0x22f: {  	v36 =	vld [tilespmem:s8+$0x1C0]  }
0x230: {  	v37 =	vmul.f32 v33, v5;
	v11 =	vadd.f32 v12, v11  }
0x231: {  	v38 =	vld [tilespmem:s8+$0x240]  }
0x232: {  	v39 =	vmul.f32 v35, v7;
	v11 =	vadd.f32 v37, v11;
	_ =	sdelay $0x1  }
0x233: {  	v40 =	vmul.f32 v36, v8;
	v11 =	vadd.f32 v39, v11;
	_ =	sdelay $0x1  }
0x234: {  	v41 =	vmul.f32 v38, v9;
	v11 =	vadd.f32 v40, v11;
	_ =	sdelay $0x1  }
0x235: {  	v11 =	vadd.f32 v41, v11;
	_ =	sdelay $0x1  }
0x236: {  	v11 =	vmul.f32 v11, v10;
	_ =	sdelay $0x1  }
0x237: {  	[tilespmem:s9+$0x0] =	vst v11  }
0x238: {  	v11 =	vld [tilespmem:s8+$0xFFFFFDD0]  }
0x239: {  	v42 =	vld [tilespmem:s8+$0xFFFFFE50];
	_ =	sdelay $0x1  }
0x23a: {  	v43 =	vld [tilespmem:s8+$0xFFFFFED0];
	_ =	sdelay $0x1  }
0x23b: {  	v44 =	vld [tilespmem:s8+$0xFFFFFF50]  }
0x23c: {  	v11 =	vmul.f32 v11, v0;
	v12 =	vmul.f32 v42, v2  }
0x23d: {  	v45 =	vld [tilespmem:s8+$0xFFFFFFD0]  }
0x23e: {  	v13 =	vmul.f32 v43, v3;
	v11 =	vadd.f32 v12, v11  }
0x23f: {  	v46 =	vld [tilespmem:s8+$0x50]  }
0x240: {  	v14 =	vmul.f32 v44, v4;
	v11 =	vadd.f32 v13, v11  }
0x241: {  	v47 =	vld [tilespmem:s8+$0xD0]  }
0x242: {  	v48 =	vmul.f32 v45, v1;
	v11 =	vadd.f32 v14, v11  }
0x243: {  	v49 =	vld [tilespmem:s8+$0x150]  }
0x244: {  	v12 =	vmul.f32 v46, v6;
	v11 =	vadd.f32 v48, v11  }
0x245: {  	v50 =	vld [tilespmem:s8+$0x1D0]  }
0x246: {  	v13 =	vmul.f32 v47, v5;
	v11 =	vadd.f32 v12, v11  }
0x247: {  	v51 =	vld [tilespmem:s8+$0x250]  }
0x248: {  	v15 =	vmul.f32 v49, v7;
	v11 =	vadd.f32 v13, v11;
	_ =	sdelay $0x1  }
0x249: {  	v52 =	vmul.f32 v50, v8;
	v11 =	vadd.f32 v15, v11;
	_ =	sdelay $0x1  }
0x24a: {  	v12 =	vmul.f32 v51, v9;
	v11 =	vadd.f32 v52, v11;
	_ =	sdelay $0x1  }
0x24b: {  	v11 =	vadd.f32 v12, v11;
	_ =	sdelay $0x1  }
0x24c: {  	v11 =	vmul.f32 v11, v10;
	_ =	sdelay $0x1  }
0x24d: {  	[tilespmem:s9+$0x10] =	vst v11  }
0x24e: {  	v11 =	vld [tilespmem:s8+$0xFFFFFDE0]  }
0x24f: {  	v53 =	vld [tilespmem:s8+$0xFFFFFE60];
	_ =	sdelay $0x1  }
0x250: {  	v54 =	vld [tilespmem:s8+$0xFFFFFEE0];
	_ =	sdelay $0x1  }
0x251: {  	v55 =	vld [tilespmem:s8+$0xFFFFFF60]  }
0x252: {  	v11 =	vmul.f32 v11, v0;
	v12 =	vmul.f32 v53, v2  }
0x253: {  	v56 =	vld [tilespmem:s8+$0xFFFFFFE0]  }
0x254: {  	v13 =	vmul.f32 v54, v3;
	v11 =	vadd.f32 v12, v11  }
0x255: {  	v57 =	vld [tilespmem:s8+$0x60]  }
0x256: {  	v14 =	vmul.f32 v55, v4;
	v11 =	vadd.f32 v13, v11  }
0x257: {  	v58 =	vld [tilespmem:s8+$0xE0]  }
0x258: {  	v59 =	vmul.f32 v56, v1;
	v11 =	vadd.f32 v14, v11  }
0x259: {  	v60 =	vld [tilespmem:s8+$0x160]  }
0x25a: {  	v12 =	vmul.f32 v57, v6;
	v11 =	vadd.f32 v59, v11  }
0x25b: {  	v61 =	vld [tilespmem:s8+$0x1E0]  }
0x25c: {  	v13 =	vmul.f32 v58, v5;
	v11 =	vadd.f32 v12, v11  }
0x25d: {  	v62 =	vld [tilespmem:s8+$0x260]  }
0x25e: {  	v15 =	vmul.f32 v60, v7;
	v11 =	vadd.f32 v13, v11;
	_ =	sdelay $0x1  }
0x25f: {  	v63 =	vmul.f32 v61, v8;
	v11 =	vadd.f32 v15, v11;
	_ =	sdelay $0x1  }
0x260: {  	v12 =	vmul.f32 v62, v9;
	v11 =	vadd.f32 v63, v11;
	_ =	sdelay $0x1  }
0x261: {  	v11 =	vadd.f32 v12, v11;
	_ =	sdelay $0x1  }
0x262: {  	s31 =	simm.s32 $0xA;
	s13 =	simm.s32 $0xBC80;
	s10 =	simm.s32 $0xEE40;
	v11 =	vmul.f32 v11, v10  }
.LBB2_5:
0x263: {  	p0 =	sne.s32 s31, $0x46;
	s9 =	sadd.s32 $0x80, s9;
	s8 =	sadd.s32 $0x500, s8  }
0x264: {  	s1 =	sadd.s32 s31, s21;
	s31 =	sadd.s32 $0xA, s31;
	[tilespmem:s10+$0x20] =	vst v11  }
0x265: {  	s0 =	sadd.s32 $0x50, s1;
	s14 =	sadd.s32 $0x51, s1;
	s18 =	sadd.s32 $0x52, s1;
	v11 =	vld [tilespmem:s13+$0xFFFFFDF0]  }
0x266: {  	s26 =	sadd.s32 $0x54, s1;
	v12 =	vmov s0;
	v13 =	vmov s18;
	s18 =	sadd.s32 $0x53, s1;
	s0 =	sadd.s32 $0x56, s1;
	v14 =	vld [tilespmem:s13+$0xFFFFFE70]  }
0x267: {  	s19 =	sadd.s32 $0x55, s1;
	s30 =	sadd.s32 $0x58, s1;
	v12 =	vand.u32 $0xFFFFFFFE, v12;
	v13 =	vand.u32 $0xFFFFFFFE, v13;
	v15 =	vmov s0;
	s0 =	sadd.s32 $0x57, s1;
	v16 =	vld [tilespmem:s13+$0xFFFFFEF0]  }
0x268: {  	s1 =	sadd.s32 $0x59, s1;
	v12 =	vbroadcast v12, $0x0;
	v13 =	vbroadcast v13, $0x0;
	v15 =	vand.u32 $0xFFFFFFFE, v15;
	v17 =	vld [tilespmem:s13+$0xFFFFFF70]  }
0x269: {  	v18 =	vmov s26;
	v19 =	vmov s30;
	v20 =	vld [tilespmem:s13+$0xFFFFFFF0]  }
0x26a: {  	v18 =	vand.u32 $0xFFFFFFFE, v18;
	v19 =	vand.u32 $0xFFFFFFFE, v19;
	v0 =	vmul.f32 v11, v0;
	v11 =	vld [tilespmem:s13+$0x70]  }
0x26b: {  	v2 =	vmul.f32 v14, v2;
	v14 =	vld [tilespmem:s13+$0xF0]  }
0x26c: {  	v3 =	vmul.f32 v16, v3;
	v16 =	vld [tilespmem:s13+$0x170]  }
0x26d: {  	v21 =	vmov s14;
	v0 =	vadd.f32 v2, v0;
	v2 =	vmul.f32 v17, v4;
	v4 =	vld [tilespmem:s13+$0x1F0]  }
0x26e: {  	v17 =	vmov s18;
	v22 =	vld [tilespmem:s13+$0x270];
	s13 =	smov.u32 s8  }
0x26f: {  	v0 =	vadd.f32 v3, v0;
	v3 =	vmul.f32 v11, v6;
	_ =	sdelay $0x1  }
0x270: {  	v1 =	vmul.f32 v20, v1;
	v6 =	vbroadcast v18, $0x0;
	v0 =	vadd.f32 v2, v0  }
0x271: {  	v2 =	vmul.f32 v16, v7;
	v4 =	vmul.f32 v4, v8  }
0x272: {  	v0 =	vadd.f32 v1, v0;
	v1 =	vmul.f32 v22, v9;
	_ =	sdelay $0x1  }
0x273: {  	v0 =	vadd.f32 v3, v0;
	v3 =	vmul.f32 v14, v5;
	_ =	sdelay $0x1  }
0x274: {  	v0 =	vadd.f32 v3, v0;
	_ =	sdelay $0x1  }
0x275: {  	v0 =	vadd.f32 v2, v0;
	_ =	sdelay $0x1  }
0x276: {  	v0 =	vadd.f32 v4, v0;
	_ =	sdelay $0x1  }
0x277: {  	v0 =	vadd.f32 v1, v0;
	_ =	sdelay $0x1  }
0x278: {  	v0 =	vmul.f32 v0, v10;
	_ =	sdelay $0x1  }
0x279: {  	[tilespmem:s10+$0x30] =	vst v0;
	s10 =	smov.u32 s9;
	_ =	sdelay $0x1  }
0x27a: {  	v0 =	vld.idx.msk [tilespmem:v12+s16+$0x0], $0xffff  }
0x27b: {  	v5 =	vld [tilespmem:s8+$0xFFFFFE00]  }
0x27c: {  	v2 =	vld.idx.msk [tilespmem:v21+s16+$0x0], $0xffff  }
0x27d: {  	v7 =	vld [tilespmem:s8+$0xFFFFFD80]  }
0x27e: {  	v3 =	vld.idx.msk [tilespmem:v13+s16+$0x0], $0xffff  }
0x27f: {  	v8 =	vmov s19;
	v9 =	vld [tilespmem:s8+$0xFFFFFE80]  }
0x280: {  	v10 =	vbroadcast v15, $0x0;
	v4 =	vld.idx.msk [tilespmem:v17+s16+$0x0], $0xffff  }
0x281: {  	v11 =	vld [tilespmem:s8+$0xFFFFFF00]  }
0x282: {  	v12 =	vadd.f32 v2, v0;
	v5 =	vmul.f32 v5, v2;
	v1 =	vld.idx.msk [tilespmem:v6+s16+$0x0], $0xffff;
	v7 =	vmul.f32 v7, v0  }
0x283: {  	v14 =	vbroadcast v19, $0x0;
	v13 =	vmov s0;
	v15 =	vld [tilespmem:s8+$0xFFFFFF80]  }
0x284: {  	v6 =	vld.idx.msk [tilespmem:v8+s16+$0x0], $0xffff;
	v8 =	vadd.f32 v3, v12;
	v7 =	vadd.f32 v5, v7;
	v9 =	vmul.f32 v9, v3  }
0x285: {  	v12 =	vld [tilespmem:s8+$0x0]  }
0x286: {  	v5 =	vld.idx.msk [tilespmem:v10+s16+$0x0], $0xffff;
	v8 =	vadd.f32 v4, v8;
	v9 =	vadd.f32 v9, v7;
	v10 =	vmul.f32 v11, v4  }
0x287: {  	v11 =	vmov s1;
	v16 =	vld [tilespmem:s8+$0x80]  }
0x288: {  	v7 =	vld.idx.msk [tilespmem:v13+s16+$0x0], $0xffff;
	v13 =	vadd.f32 v1, v8;
	v9 =	vadd.f32 v10, v9;
	v10 =	vmul.f32 v15, v1  }
0x289: {  	v15 =	vld [tilespmem:s8+$0x100]  }
0x28a: {  	v8 =	vld.idx.msk [tilespmem:v14+s16+$0x0], $0xffff;
	v13 =	vadd.f32 v6, v13;
	v10 =	vadd.f32 v10, v9;
	v12 =	vmul.f32 v12, v6  }
0x28b: {  	v14 =	vld [tilespmem:s8+$0x180]  }
0x28c: {  	v9 =	vld.idx.msk [tilespmem:v11+s16+$0x0], $0xffff;
	v11 =	vadd.f32 v5, v13;
	v10 =	vadd.f32 v12, v10;
	v12 =	vmul.f32 v16, v5;
	_ =	sdelay $0x1  }
0x28d: {  	v11 =	vadd.f32 v7, v11;
	v10 =	vadd.f32 v12, v10;
	v12 =	vmul.f32 v15, v7;
	_ =	sdelay $0x1  }
0x28e: {  	v11 =	vadd.f32 v8, v11;
	v10 =	vadd.f32 v12, v10;
	v12 =	vmul.f32 v14, v8;
	_ =	sdelay $0x1  }
0x28f: {  	v11 =	vadd.f32 v9, v11;
	v10 =	vadd.f32 v12, v10;
	_ =	sdelay $0x1  }
0x290: {  	(erf) = vrcp.f32 v11  }
0x291: {  	v11 =	vld [tilespmem:s8+$0x200];
	_ =	sdelay $0x4  }
0x292: {  	v11 =	vmul.f32 v11, v9;
	_ =	sdelay $0x1  }
0x293: {  	v11 =	vadd.f32 v11, v10  }
0x294: {  	v10 =	vpop (erf)  }
0x295: {  	v11 =	vmul.f32 v11, v10;
	_ =	sdelay $0x1  }
0x296: {  	[tilespmem:s9+$0xFFFFFFC0] =	vst v11  }
0x297: {  	v11 =	vld [tilespmem:s8+$0xFFFFFD90]  }
0x298: {  	v12 =	vld [tilespmem:s8+$0xFFFFFE10];
	_ =	sdelay $0x1  }
0x299: {  	v13 =	vld [tilespmem:s8+$0xFFFFFE90];
	_ =	sdelay $0x1  }
0x29a: {  	v11 =	vmul.f32 v11, v0;
	v14 =	vld [tilespmem:s8+$0xFFFFFF10]  }
0x29b: {  	v12 =	vmul.f32 v12, v2  }
0x29c: {  	v15 =	vld [tilespmem:s8+$0xFFFFFF90]  }
0x29d: {  	v11 =	vadd.f32 v12, v11;
	v12 =	vmul.f32 v13, v3  }
0x29e: {  	v13 =	vld [tilespmem:s8+$0x10]  }
0x29f: {  	v11 =	vadd.f32 v12, v11;
	v12 =	vmul.f32 v14, v4  }
0x2a0: {  	v14 =	vld [tilespmem:s8+$0x90]  }
0x2a1: {  	v11 =	vadd.f32 v12, v11;
	v12 =	vmul.f32 v15, v1  }
0x2a2: {  	v15 =	vld [tilespmem:s8+$0x110]  }
0x2a3: {  	v11 =	vadd.f32 v12, v11;
	v12 =	vmul.f32 v13, v6  }
0x2a4: {  	v13 =	vld [tilespmem:s8+$0x190]  }
0x2a5: {  	v11 =	vadd.f32 v12, v11;
	v12 =	vmul.f32 v14, v5  }
0x2a6: {  	v14 =	vld [tilespmem:s8+$0x210]  }
0x2a7: {  	v11 =	vadd.f32 v12, v11;
	v12 =	vmul.f32 v15, v7;
	_ =	sdelay $0x1  }
0x2a8: {  	v11 =	vadd.f32 v12, v11;
	v12 =	vmul.f32 v13, v8;
	_ =	sdelay $0x1  }
0x2a9: {  	v11 =	vadd.f32 v12, v11;
	v12 =	vmul.f32 v14, v9;
	_ =	sdelay $0x1  }
0x2aa: {  	v11 =	vadd.f32 v12, v11;
	_ =	sdelay $0x1  }
0x2ab: {  	v11 =	vmul.f32 v11, v10;
	_ =	sdelay $0x1  }
0x2ac: {  	[tilespmem:s9+$0xFFFFFFD0] =	vst v11  }
0x2ad: {  	v11 =	vld [tilespmem:s8+$0xFFFFFDA0]  }
0x2ae: {  	v12 =	vld [tilespmem:s8+$0xFFFFFE20];
	_ =	sdelay $0x1  }
0x2af: {  	v13 =	vld [tilespmem:s8+$0xFFFFFEA0];
	_ =	sdelay $0x1  }
0x2b0: {  	v11 =	vmul.f32 v11, v0;
	v14 =	vld [tilespmem:s8+$0xFFFFFF20]  }
0x2b1: {  	v12 =	vmul.f32 v12, v2  }
0x2b2: {  	v15 =	vld [tilespmem:s8+$0xFFFFFFA0]  }
0x2b3: {  	v11 =	vadd.f32 v12, v11;
	v12 =	vmul.f32 v13, v3  }
0x2b4: {  	v13 =	vld [tilespmem:s8+$0x20]  }
0x2b5: {  	v11 =	vadd.f32 v12, v11;
	v12 =	vmul.f32 v14, v4  }
0x2b6: {  	v14 =	vld [tilespmem:s8+$0xA0]  }
0x2b7: {  	v11 =	vadd.f32 v12, v11;
	v12 =	vmul.f32 v15, v1  }
0x2b8: {  	v15 =	vld [tilespmem:s8+$0x120]  }
0x2b9: {  	v11 =	vadd.f32 v12, v11;
	v12 =	vmul.f32 v13, v6  }
0x2ba: {  	v13 =	vld [tilespmem:s8+$0x1A0]  }
0x2bb: {  	v11 =	vadd.f32 v12, v11;
	v12 =	vmul.f32 v14, v5  }
0x2bc: {  	v14 =	vld [tilespmem:s8+$0x220]  }
0x2bd: {  	v11 =	vadd.f32 v12, v11;
	v12 =	vmul.f32 v15, v7;
	_ =	sdelay $0x1  }
0x2be: {  	v11 =	vadd.f32 v12, v11;
	v12 =	vmul.f32 v13, v8;
	_ =	sdelay $0x1  }
0x2bf: {  	v11 =	vadd.f32 v12, v11;
	v12 =	vmul.f32 v14, v9;
	_ =	sdelay $0x1  }
0x2c0: {  	v11 =	vadd.f32 v12, v11;
	_ =	sdelay $0x1  }
0x2c1: {  	v11 =	vmul.f32 v11, v10;
	_ =	sdelay $0x1  }
0x2c2: {  	[tilespmem:s9+$0xFFFFFFE0] =	vst v11  }
0x2c3: {  	v11 =	vld [tilespmem:s8+$0xFFFFFDB0]  }
0x2c4: {  	v12 =	vld [tilespmem:s8+$0xFFFFFE30]  }
0x2c5: {  	v13 =	vld [tilespmem:s8+$0xFFFFFEB0];
	_ =	sdelay $0x2  }
0x2c6: {  	v11 =	vmul.f32 v11, v0;
	v14 =	vld [tilespmem:s8+$0xFFFFFF30]  }
0x2c7: {  	v12 =	vmul.f32 v12, v2  }
0x2c8: {  	v13 =	vmul.f32 v13, v3;
	v15 =	vld [tilespmem:s8+$0xFFFFFFB0]  }
0x2c9: {  	v11 =	vadd.f32 v12, v11  }
0x2ca: {  	v12 =	vld [tilespmem:s8+$0x30]  }
0x2cb: {  	v11 =	vadd.f32 v13, v11;
	v13 =	vmul.f32 v14, v4  }
0x2cc: {  	v14 =	vld [tilespmem:s8+$0xB0]  }
0x2cd: {  	v11 =	vadd.f32 v13, v11;
	v13 =	vmul.f32 v15, v1  }
0x2ce: {  	v15 =	vld [tilespmem:s8+$0x130]  }
0x2cf: {  	v11 =	vadd.f32 v13, v11;
	v12 =	vmul.f32 v12, v6  }
0x2d0: {  	v13 =	vld [tilespmem:s8+$0x1B0]  }
0x2d1: {  	v11 =	vadd.f32 v12, v11;
	v12 =	vmul.f32 v14, v5  }
0x2d2: {  	v14 =	vld [tilespmem:s8+$0x230]  }
0x2d3: {  	v11 =	vadd.f32 v12, v11;
	v12 =	vmul.f32 v15, v7;
	_ =	sdelay $0x1  }
0x2d4: {  	v11 =	vadd.f32 v12, v11;
	v12 =	vmul.f32 v13, v8;
	_ =	sdelay $0x1  }
0x2d5: {  	v11 =	vadd.f32 v12, v11;
	v12 =	vmul.f32 v14, v9;
	_ =	sdelay $0x1  }
0x2d6: {  	v11 =	vadd.f32 v12, v11;
	_ =	sdelay $0x1  }
0x2d7: {  	v11 =	vmul.f32 v11, v10;
	_ =	sdelay $0x1  }
0x2d8: {  	[tilespmem:s9+$0xFFFFFFF0] =	vst v11  }
0x2d9: {  	v11 =	vld [tilespmem:s8+$0xFFFFFDC0]  }
0x2da: {  	v12 =	vld [tilespmem:s8+$0xFFFFFE40]  }
0x2db: {  	v13 =	vld [tilespmem:s8+$0xFFFFFEC0];
	_ =	sdelay $0x2  }
0x2dc: {  	v11 =	vmul.f32 v11, v0;
	v14 =	vld [tilespmem:s8+$0xFFFFFF40]  }
0x2dd: {  	v12 =	vmul.f32 v12, v2  }
0x2de: {  	v13 =	vmul.f32 v13, v3;
	v15 =	vld [tilespmem:s8+$0xFFFFFFC0]  }
0x2df: {  	v11 =	vadd.f32 v12, v11  }
0x2e0: {  	v12 =	vld [tilespmem:s8+$0x40]  }
0x2e1: {  	v11 =	vadd.f32 v13, v11;
	v13 =	vmul.f32 v14, v4  }
0x2e2: {  	v14 =	vld [tilespmem:s8+$0xC0]  }
0x2e3: {  	v11 =	vadd.f32 v13, v11;
	v13 =	vmul.f32 v15, v1  }
0x2e4: {  	v15 =	vld [tilespmem:s8+$0x140]  }
0x2e5: {  	v11 =	vadd.f32 v13, v11;
	v12 =	vmul.f32 v12, v6  }
0x2e6: {  	v13 =	vld [tilespmem:s8+$0x1C0]  }
0x2e7: {  	v11 =	vadd.f32 v12, v11;
	v12 =	vmul.f32 v14, v5  }
0x2e8: {  	v14 =	vld [tilespmem:s8+$0x240]  }
0x2e9: {  	v11 =	vadd.f32 v12, v11;
	v12 =	vmul.f32 v15, v7;
	_ =	sdelay $0x1  }
0x2ea: {  	v11 =	vadd.f32 v12, v11;
	v12 =	vmul.f32 v13, v8;
	_ =	sdelay $0x1  }
0x2eb: {  	v11 =	vadd.f32 v12, v11;
	v12 =	vmul.f32 v14, v9;
	_ =	sdelay $0x1  }
0x2ec: {  	v11 =	vadd.f32 v12, v11;
	_ =	sdelay $0x1  }
0x2ed: {  	v11 =	vmul.f32 v11, v10;
	_ =	sdelay $0x1  }
0x2ee: {  	[tilespmem:s9+$0x0] =	vst v11  }
0x2ef: {  	v11 =	vld [tilespmem:s8+$0xFFFFFDD0]  }
0x2f0: {  	v12 =	vld [tilespmem:s8+$0xFFFFFE50]  }
0x2f1: {  	v13 =	vld [tilespmem:s8+$0xFFFFFED0]  }
0x2f2: {  	v14 =	vld [tilespmem:s8+$0xFFFFFFD0]  }
0x2f3: {  	v15 =	vld [tilespmem:s8+$0xFFFFFF50]  }
0x2f4: {  	v11 =	vmul.f32 v11, v0;
	v16 =	vld [tilespmem:s8+$0x50]  }
0x2f5: {  	v12 =	vmul.f32 v12, v2;
	v17 =	vld [tilespmem:s8+$0xD0]  }
0x2f6: {  	v13 =	vmul.f32 v13, v3;
	v18 =	vld [tilespmem:s8+$0x150]  }
0x2f7: {  	v11 =	vadd.f32 v12, v11;
	v12 =	vld [tilespmem:s8+$0x1D0]  }
0x2f8: {  	v15 =	vmul.f32 v15, v4;
	v19 =	vld [tilespmem:s8+$0x250]  }
0x2f9: {  	v11 =	vadd.f32 v13, v11;
	v13 =	vmul.f32 v16, v6  }
0x2fa: {  	v16 =	vmul.f32 v17, v5  }
0x2fb: {  	v14 =	vmul.f32 v14, v1;
	v11 =	vadd.f32 v15, v11;
	v15 =	vmul.f32 v18, v7  }
0x2fc: {  	v12 =	vmul.f32 v12, v8  }
0x2fd: {  	v11 =	vadd.f32 v14, v11;
	v14 =	vmul.f32 v19, v9;
	_ =	sdelay $0x1  }
0x2fe: {  	v11 =	vadd.f32 v13, v11;
	_ =	sdelay $0x1  }
0x2ff: {  	v11 =	vadd.f32 v16, v11;
	_ =	sdelay $0x1  }
0x300: {  	v11 =	vadd.f32 v15, v11;
	_ =	sdelay $0x1  }
0x301: {  	v11 =	vadd.f32 v12, v11;
	_ =	sdelay $0x1  }
0x302: {  	v11 =	vadd.f32 v14, v11;
	_ =	sdelay $0x1  }
0x303: {  	v11 =	vmul.f32 v11, v10;
	_ =	sdelay $0x1  }
0x304: {  	[tilespmem:s9+$0x10] =	vst v11  }
0x305: {  	v11 =	vld [tilespmem:s8+$0xFFFFFDE0]  }
0x306: {  	v12 =	vld [tilespmem:s8+$0xFFFFFE60]  }
0x307: {  	v13 =	vld [tilespmem:s8+$0xFFFFFEE0]  }
0x308: {  	v14 =	vld [tilespmem:s8+$0xFFFFFF60]  }
0x309: {  	v15 =	vld [tilespmem:s8+$0xFFFFFFE0]  }
0x30a: {  	v16 =	vld [tilespmem:s8+$0x60]  }
0x30b: {  	v11 =	vmul.f32 v11, v0;
	v12 =	vmul.f32 v12, v2;
	v17 =	vld [tilespmem:s8+$0xE0]  }
0x30c: {  	v13 =	vmul.f32 v13, v3;
	v18 =	vld [tilespmem:s8+$0x160]  }
0x30d: {  	v11 =	vadd.f32 v12, v11;
	v12 =	vmul.f32 v14, v4;
	v14 =	vld [tilespmem:s8+$0x1E0]  }
0x30e: {  	v19 =	vld [tilespmem:s8+$0x260]  }
0x30f: {  	v11 =	vadd.f32 v13, v11;
	v13 =	vmul.f32 v16, v6  }
0x310: {  	v16 =	vmul.f32 v17, v5  }
0x311: {  	v11 =	vadd.f32 v12, v11;
	v12 =	vmul.f32 v15, v1;
	v15 =	vmul.f32 v18, v7  }
0x312: {  	v14 =	vmul.f32 v14, v8  }
0x313: {  	v11 =	vadd.f32 v12, v11;
	v12 =	vmul.f32 v19, v9;
	_ =	sdelay $0x1  }
0x314: {  	v11 =	vadd.f32 v13, v11;
	_ =	sdelay $0x1  }
0x315: {  	v11 =	vadd.f32 v16, v11;
	_ =	sdelay $0x1  }
0x316: {  	v11 =	vadd.f32 v15, v11;
	_ =	sdelay $0x1  }
.Ltmp1:
0x317: {  	v11 =	vadd.f32 v14, v11;
	(pc) =	sbr.rel @p0 .LBB2_5-.Ltmp1, $3  }
0x318: {  	_ = 	snop  }
0x319: {  	v11 =	vadd.f32 v12, v11;
	_ =	sdelay $0x1  }
0x31a: {  	v11 =	vmul.f32 v11, v10  }
0x31b: {  	_ = 	snop  }
0x31c: {  	[tilespmem:s10+$0x20] =	vst v11  }
0x31d: {  	v11 =	vld [tilespmem:s13+$0xFFFFFDF0]  }
0x31e: {  	v12 =	vld [tilespmem:s13+$0xFFFFFE70];
	_ =	sdelay $0x1  }
0x31f: {  	v13 =	vld [tilespmem:s13+$0xFFFFFEF0];
	_ =	sdelay $0x1  }
0x320: {  	v14 =	vld [tilespmem:s13+$0xFFFFFF70]  }
0x321: {  	v0 =	vmul.f32 v11, v0;
	v2 =	vmul.f32 v12, v2  }
0x322: {  	v56 =	vld [tilespmem:s13+$0xFFFFFFF0]  }
0x323: {  	v3 =	vmul.f32 v13, v3;
	v0 =	vadd.f32 v2, v0  }
0x324: {  	v57 =	vld [tilespmem:s13+$0x70]  }
0x325: {  	v4 =	vmul.f32 v14, v4;
	v0 =	vadd.f32 v3, v0  }
0x326: {  	v58 =	vld [tilespmem:s13+$0xF0]  }
0x327: {  	v1 =	vmul.f32 v56, v1;
	v0 =	vadd.f32 v4, v0  }
0x328: {  	v59 =	vld [tilespmem:s13+$0x170]  }
0x329: {  	v2 =	vmul.f32 v57, v6;
	v0 =	vadd.f32 v1, v0  }
0x32a: {  	v60 =	vld [tilespmem:s13+$0x1F0]  }
0x32b: {  	v61 =	vmul.f32 v58, v5;
	v0 =	vadd.f32 v2, v0  }
0x32c: {  	v62 =	vld [tilespmem:s13+$0x270]  }
0x32d: {  	v4 =	vmul.f32 v59, v7;
	v0 =	vadd.f32 v61, v0;
	_ =	sdelay $0x1  }
0x32e: {  	v1 =	vmul.f32 v60, v8;
	v0 =	vadd.f32 v4, v0;
	_ =	sdelay $0x1  }
0x32f: {  	v63 =	vmul.f32 v62, v9;
	v0 =	vadd.f32 v1, v0;
	_ =	sdelay $0x1  }
0x330: {  	v0 =	vadd.f32 v63, v0;
	_ =	sdelay $0x1  }
0x331: {  	v0 =	vmul.f32 v0, v10;
	_ =	sdelay $0x1  }
0x332: {  	s0 =	sadd.s32 s4, s17;
	[tilespmem:s10+$0x30] =	vst v0  }
0x333: {  	s0 =	sshll.u32 s0, $0x7;
	_ =	swait.ge [sflag:s29], $0x400  }
0x334: {  	s0 =	sand.u32 $0x1FFFFF80, s0;
	[sflag:s29] =	ssyncset.done $0x0  }
0x335: {  	s8 =	simm.s32 $0xEE00;
	s1 =	sadd.s32 s5, s0;
	[sflag:s29] =	ssyncadd.s32 $0xFFFFFC00  }
0x336: {  	[hbm4b:s1+s3] =	stream.linear.scatter [tilespmem:s8], [sflag:$0x6], $0x400, $0x38;
	[tilespmem:$0xF200] =	vst v63  }
0x337: {  	s1 =	sadd.s32 $0x3, s15  }
0x338: {  	p0 =	sge.u32 s1, s7  }
0x339: {  	s22 =	sadd.s32 $0x1, s22;
	s0 =	sadd.s32 s6, s0;
	s1 =	smul.u32 @!p0 $0x140, s1  }
0x33a: {  	[hbm4b:s0+s3] =	stream.linear.scatter [tilespmem:s23], [sflag:$0x8], $0x400, $0x38;
	[tilespmem:$0xF200] =	vst v63  }
0x33b: {  	s8 =	simm.s32 @!p0 $0xBA00;
	s0 =	sshra.s32 @!p0 s1, $0x2;
	s1 =	simm.s32 @!p0 $0x50  }
0x33c: {  	[tilespmem:s8], [sflag:$0x2] =	stream.indirect.gather @!p0 [hbm4b:s2+s1], $0x80, s0, s1, $0xb8;
	[tilespmem:$0xF200] =	vst v63  }
0x33d: {  	p0 =	sne.s32 s22, s11  }
.Ltmp2:
0x33e: {  	_ = 	snop;
	(pc) =	sbr.rel @p0 .LBB2_2-.Ltmp2, $2  }
0x33f: {  	_ =	sdelay $0x2  }
0x340: {  	s21 =	sadd.s32 $0xA0, s21  }
0x341: {  	s0 =	simm.s32 $0x5  }
0x342: {  	_ =	swait.ge [sflag:s0], $0x400  }
0x343: {  	[sflag:s0] =	ssyncset.done $0x0  }
0x344: {  	s26 =	simm.s32 $0x7;
	[sflag:s0] =	ssyncadd.s32 $0xFFFFFC00  }
0x345: {  	_ =	swait.ge [sflag:s26], $0x400  }
0x346: {  	[sflag:s26] =	ssyncset.done $0x0  }
0x347: {  	s30 =	simm.s32 $0x6;
	[sflag:s26] =	ssyncadd.s32 $0xFFFFFC00  }
0x348: {  	_ =	swait.ge [sflag:s30], $0x400  }
0x349: {  	[sflag:s30] =	ssyncset.done $0x0  }
0x34a: {  	s9 =	simm.s32 $0x8;
	[sflag:s30] =	ssyncadd.s32 $0xFFFFFC00  }
0x34b: {  	_ =	swait.ge [sflag:s9], $0x400  }
0x34c: {  	s1 =	rddreg [dreg:$0x8]  }
0x34d: {  	s31 =	rddreg [dreg:$0x7];
	s1 =	sadd.s32 $0x1, s1  }
0x34e: {  	p0 =	sne.s32 s1, s31  }
.Ltmp3:
0x34f: {  	_ = 	snop;
	(pc) =	sbr.rel @p0 .LBB2_1-.Ltmp3, $3  }
0x350: {  	_ =	sdelay $0x1  }
0x351: {  	[sflag:s9] =	ssyncset.done $0x0  }
0x352: {  	[sflag:s9] =	ssyncadd.s32 $0xFFFFFC00  }
0x353: {  	_ =	sfence.sel $0x180000  }
0x354: {  	[bflag:$0x0] =	sbarrier.arrive $0xFFFF  }
0x355: {  	_ =	strace $0x90000047  }
0x356: {  	s0 =	stileid.u32;
	[bflag:$0x2] =	sbarrier.arrive $0xFFFF  }
0x357: {  	p0 =	sne.s32 s0, $0x0;
	s0 =	rddreg [dreg:$0x3]  }
0x358: {  	s0 =	sadd.s32 @!p0 $0x100000, s0  }
0x359: {  	[sflag:s0] =	ssyncadd.tile.s32 @!p0 $0x1;
	_ =	shalt  }
.Lfunc_end2:
_tile_overlayer_lowered:
.L_overlay_start_2:
0x35a: {  	(tag) =	ssettag $0x2  }
0x35b: {  	s0 =	rddreg [dreg:$0x0];
	s2 =	stileid.u32  }
0x35c: {  	s1 =	rddreg [dreg:$0x1];
	p0 =	sne.s32 s2, $0x0  }
0x35d: {  	s3 =	rddreg [dreg:$0x2];
	[bflag:$0x3] =	sbarrier.arrive $0xFFFF;
	s2 =	simm.s32 @!p0 $0x1C09  }
0x35e: {  	[timem:s3], [sflag:s2] =	dma.local @!p0 [hbm:s0], s1  }
0x35f: {  	s0 =	simm.s32 @!p0 $0x9  }
0x360: {  	_ =	swait.ge @!p0 [sflag:s0], s1  }
0x361: {  	s1 =	ssub.s32 @!p0 $0x0, s1;
	[sflag:s0] =	ssyncset.done @!p0 $0x0  }
0x362: {  	[sflag:s0] =	ssyncadd.s32 @!p0 s1  }
0x363: {  	[bflag:$0x3] =	sbarrier.arrive $0xFFFF  }
0x364: {  	_ =	shalt  }

</sc_bundles>
